<compile_context>
chip_gen: v7x
topology: tpu7x:2x2x1
jax: 0.10.2.dev20260603
libtpu: 0.0.44.dev20260713+nightly
codegen_flags: <defaults>
</compile_context>

<pallas_src>
import functools

import numpy as np
import jax
import jax.numpy as jnp
from jax import lax
from jax.experimental import pallas as pl
from jax.experimental.pallas import tpu as pltpu
from jax.experimental.pallas import tpu_sc as plsc

NUM_TABLES = 26
N_ROWS = 100001
EMB_DIM = 64
BATCH = 4096
CHUNK = 128
R_BLK = 51200
S_STEPS = 2
V_PAD = S_STEPS * R_BLK
LANES = 16


def _sc_counts(idx_flat, n_tables):
    info = plsc.get_sparse_core_info()
    nc, ns = info.num_cores, info.num_subcores
    tpc = n_tables // nc
    assert n_tables % nc == 0 and V_PAD % ns == 0
    vslc = V_PAD // ns
    nchunk = BATCH // CHUNK
    cps = nchunk // ns
    mesh = plsc.VectorSubcoreMesh(core_axis_name="c", subcore_axis_name="s")

    @functools.partial(
        pl.kernel,
        mesh=mesh,
        compiler_params=pltpu.CompilerParams(use_tc_tiling_on_sc=False),
        out_type=jax.ShapeDtypeStruct((n_tables * V_PAD,), jnp.float32),
        scratch_types=[
            pltpu.VMEM((tpc * cps, CHUNK), jnp.int32),
            pltpu.VMEM((CHUNK,), jnp.float32),
            pltpu.VMEM((vslc,), jnp.float32),
            pltpu.VMEM_SHARED((tpc, V_PAD), jnp.float32),
        ],
    )
    def sc_kernel(idx_hbm, out_hbm, idx_v, ones_v, zero_v, cnt_sh):
        cid = lax.axis_index("c")
        sid = lax.axis_index("s")

        def zbody(i, _):
            for u in range(8):
                zero_v[pl.ds(i * 8 * LANES + u * LANES, LANES)] = (
                    jnp.zeros((LANES,), jnp.float32))
            return 0
        lax.fori_loop(0, vslc // (8 * LANES), zbody, 0)

        def obody(i, _):
            ones_v[pl.ds(i * LANES, LANES)] = jnp.ones((LANES,), jnp.float32)
            return 0
        lax.fori_loop(0, CHUNK // LANES, obody, 0)

        for t in range(tpc):
            pltpu.sync_copy(zero_v, cnt_sh.at[t].at[pl.ds(sid * vslc, vslc)])

        for t in range(tpc):
            tbase = (cid * tpc + t) * BATCH
            for k in range(cps):
                pltpu.sync_copy(
                    idx_hbm.at[pl.ds(tbase + (sid + k * ns) * CHUNK, CHUNK)],
                    idx_v.at[t * cps + k])

        plsc.subcore_barrier()
        for t in range(tpc):
            for k in range(cps):
                pltpu.sync_copy(ones_v, cnt_sh.at[t].at[idx_v.at[t * cps + k]],
                                add=True)
        plsc.subcore_barrier()

        for t in range(tpc):
            pltpu.sync_copy(
                cnt_sh.at[t].at[pl.ds(sid * vslc, vslc)],
                out_hbm.at[pl.ds((cid * tpc + t) * V_PAD + sid * vslc, vslc)])

    return sc_kernel(idx_flat)


def _sums_body(cnt_ref, tab_ref, out_ref):
    s = pl.program_id(1)

    def acc_into(tb):
        c = cnt_ref[...].reshape(1, R_BLK)
        acc = lax.dot_general(c, tb, (((1,), (1,)), ((), ())),
                              preferred_element_type=jnp.float32)
        acc = acc.reshape(1, 1, EMB_DIM)

        @pl.when(s == 0)
        def _():
            out_ref[...] = acc

        @pl.when(s > 0)
        def _():
            out_ref[...] += acc

    @pl.when(s < S_STEPS - 1)
    def _():
        acc_into(tab_ref[0])

    @pl.when(s == S_STEPS - 1)
    def _():
        valid = N_ROWS - (S_STEPS - 1) * R_BLK
        cols = lax.broadcasted_iota(jnp.int32, (EMB_DIM, R_BLK), 1)
        acc_into(jnp.where(cols < valid, tab_ref[0], 0.0))


def _table_sums(counts_flat, emb_tables_t, n_tables, t0):
    out = pl.pallas_call(
        _sums_body,
        grid=(n_tables, S_STEPS),
        in_specs=[
            pl.BlockSpec((R_BLK,), lambda t, s: (t * S_STEPS + s,)),
            pl.BlockSpec((1, EMB_DIM, R_BLK), lambda t, s: (t0 + t, 0, s)),
        ],
        out_specs=pl.BlockSpec((1, 1, EMB_DIM), lambda t, s: (t, 0, 0)),
        out_shape=jax.ShapeDtypeStruct((n_tables, 1, EMB_DIM), jnp.float32),
    )(counts_flat, emb_tables_t)
    return out.reshape(n_tables, EMB_DIM)


_NI = NUM_TABLES + 1
_NPAIR = _NI * (_NI - 1) // 2
_NPAIR_PAD = 352


def _interaction_selectors():
    li = [i for i in range(_NI) for j in range(i)]
    lj = [j for i in range(_NI) for j in range(i)]
    e1 = np.zeros((_NPAIR_PAD, _NI), np.float32)
    e2 = np.zeros((_NPAIR_PAD, _NI), np.float32)
    e1[np.arange(_NPAIR), li] = 1.0
    e2[np.arange(_NPAIR), lj] = 1.0
    return jnp.asarray(e1), jnp.asarray(e2)


def _bot_body(dx, b0w, b0b, b1w, b1b, b2w, b2b, out_ref):
    f32 = jnp.float32
    x = jnp.maximum(jnp.dot(dx[...], b0w[...], preferred_element_type=f32)
                    + b0b[...], 0.0)
    x = jnp.maximum(jnp.dot(x, b1w[...], preferred_element_type=f32)
                    + b1b[...], 0.0)
    x = jnp.maximum(jnp.dot(x, b2w[...], preferred_element_type=f32)
                    + b2b[...], 0.0)
    out_ref[...] = x


def _tc_body(x_in, w0a, w0bp, t0b, t1w, t1b, t2w, t2b,
             e1, e2, sums_a, sums_b, out_ref):
    f32 = jnp.float32
    x = x_in[...]

    sums = jnp.concatenate([sums_a[...], sums_b[...]], axis=0)
    m = sums * (1.0 / BATCH)

    xl = x[BATCH - 1:BATCH, :]
    t = jnp.concatenate([xl, m], axis=0)
    z = lax.dot_general(t, t, (((1,), (1,)), ((), ())),
                        preferred_element_type=f32)
    g = jnp.dot(e1[...], z, preferred_element_type=f32)
    zflat = jnp.sum(g * e2[...], axis=1, keepdims=True)
    corr = jnp.sum(zflat * w0bp[...], axis=0, keepdims=True)

    rows = lax.broadcasted_iota(jnp.int32, (BATCH, 1), 0)
    lastmask = jnp.where(rows == BATCH - 1, 1.0, 0.0)

    h = jnp.dot(x, w0a[...], preferred_element_type=f32) + lastmask * corr
    h = jnp.maximum(h + t0b[...], 0.0)
    h = jnp.maximum(jnp.dot(h, t1w[...], preferred_element_type=f32)
                    + t1b[...], 0.0)
    h = jnp.maximum(jnp.dot(h, t2w[...], preferred_element_type=f32)
                    + t2b[...], 0.0)
    out_ref[...] = h


def kernel(dense_x, lS_o, lS_i, emb_tables,
           bot_W0, bot_b0, bot_W1, bot_b1, bot_W2, bot_b2,
           top_W0, top_b0, top_W1, top_b1, top_W2, top_b2):
    del lS_o

    nt_a = 14
    nt_b = NUM_TABLES - nt_a
    counts_a = _sc_counts(lS_i[:nt_a].reshape(-1), nt_a)
    counts_b = _sc_counts(lS_i[nt_a:].reshape(-1), nt_b)

    tabs_t = jnp.transpose(emb_tables, (0, 2, 1))
    sums_a = _table_sums(counts_a, tabs_t, nt_a, 0)
    sums_b = _table_sums(counts_b, tabs_t, nt_b, nt_a)

    e1, e2 = _interaction_selectors()
    w0bp = jnp.concatenate(
        [top_W0[:, EMB_DIM:].T,
         jnp.zeros((_NPAIR_PAD - _NPAIR, top_W0.shape[0]), jnp.float32)],
        axis=0)

    x = pl.pallas_call(
        _bot_body,
        out_shape=jax.ShapeDtypeStruct((BATCH, EMB_DIM), jnp.float32),
    )(dense_x,
      bot_W0.T, bot_b0[None, :],
      bot_W1.T, bot_b1[None, :],
      bot_W2.T, bot_b2[None, :])

    out = pl.pallas_call(
        _tc_body,
        out_shape=jax.ShapeDtypeStruct((BATCH, 1), jnp.float32),
    )(x,
      top_W0[:, :EMB_DIM].T, w0bp, top_b0[None, :],
      top_W1.T, top_b1[None, :],
      top_W2.T, top_b2[None, :],
      e1, e2, sums_a, sums_b)
    return out.reshape(-1)

# --- scband reference (transcript-rebuilt; emitter-appended) ---
"""Pipeline reference for scband-dlrm-net-84155589198706 (READ-ONLY COPY).

The authoritative reference and input builder live on the scoring server;
editing this copy changes nothing except your own understanding.
"""

import jax, jax.numpy as jnp
import numpy as np

NUM_TABLES = 26
N_ROWS = 100001
EMB_DIM = 64
BATCH = 4096
DENSE_DIM = 13


def _emb_bag_mean(table, idx, offsets):
    # Faithful nn.EmbeddingBag(mode='mean') with 1D indices + offsets.
    # Bag of position j is the largest i with offsets[i] <= j; empty bags -> zeros.
    n = idx.shape[0]
    B = offsets.shape[0]
    pos = jnp.arange(n)
    bag = jnp.searchsorted(offsets, pos, side='right') - 1
    vals = jnp.take(table, idx, axis=0)
    sums = jax.ops.segment_sum(vals, bag, num_segments=B)
    counts = jax.ops.segment_sum(jnp.ones((n,), vals.dtype), bag, num_segments=B)
    return jnp.where(counts[:, None] > 0, sums / jnp.maximum(counts, 1.0)[:, None], 0.0)


def _mlp(x, layers):
    # create_mlp with sigmoid_layer=-1 appends ReLU after EVERY Linear (incl. last)
    for (W, b) in layers:
        x = jax.nn.relu(x @ W.T + b)
    return x


def _forward(dense_x, lS_o, lS_i, emb_tables, bot, top):
    x = _mlp(dense_x, bot)
    ly = [_emb_bag_mean(emb_tables[k], lS_i[k], lS_o[k]) for k in range(NUM_TABLES)]
    B, d = x.shape
    T = jnp.concatenate([x] + ly, axis=1).reshape(B, -1, d)
    Z = jnp.einsum('bid,bjd->bij', T, T)
    ni = T.shape[1]
    li = np.array([i for i in range(ni) for j in range(i)], dtype=np.int32)
    lj = np.array([j for i in range(ni) for j in range(i)], dtype=np.int32)
    Zflat = Z[:, li, lj]
    R = jnp.concatenate([x, Zflat], axis=1)
    p = _mlp(R, top)
    return p.reshape(-1)


def setup_inputs(seed: int = 0):
    key = jax.random.key(seed)
    ks = jax.random.split(key, 20)
    inp = {}
    inp['dense_x'] = jax.random.normal(ks[0], (BATCH, DENSE_DIM), dtype=jnp.float32)
    inp['lS_o'] = jnp.zeros((NUM_TABLES, BATCH), dtype=jnp.int32)
    inp['lS_i'] = jax.random.randint(ks[1], (NUM_TABLES, BATCH), 0, 100000, dtype=jnp.int32)
    r = (2.0 / (100000 + EMB_DIM)) ** 0.5
    inp['emb_tables'] = jax.random.uniform(ks[2], (NUM_TABLES, N_ROWS, EMB_DIM), dtype=jnp.float32, minval=-r, maxval=r)
    bot_dims = [(DENSE_DIM, 512), (512, 256), (256, EMB_DIM)]
    top_dims = [(415, 512), (512, 256), (256, 1)]
    i = 3
    for l, (n, m) in enumerate(bot_dims):
        bound = (6.0 / n) ** 0.5
        inp['bot_W%d' % l] = jax.random.uniform(ks[i], (m, n), dtype=jnp.float32, minval=-bound, maxval=bound)
        i += 1
        inp['bot_b%d' % l] = jnp.zeros((m,), dtype=jnp.float32)
    for l, (n, m) in enumerate(top_dims):
        bound = (6.0 / n) ** 0.5
        inp['top_W%d' % l] = jax.random.uniform(ks[i], (m, n), dtype=jnp.float32, minval=-bound, maxval=bound)
        i += 1
        inp['top_b%d' % l] = jnp.zeros((m,), dtype=jnp.float32)
    return inp


def reference(dense_x, lS_o, lS_i, emb_tables, bot_W0, bot_b0, bot_W1, bot_b1, bot_W2, bot_b2, top_W0, top_b0, top_W1, top_b1, top_W2, top_b2):
    bot = [(bot_W0, bot_b0), (bot_W1, bot_b1), (bot_W2, bot_b2)]
    top = [(top_W0, top_b0), (top_W1, top_b1), (top_W2, top_b2)]
    return _forward(dense_x, lS_o, lS_i, emb_tables, bot, top)

if __name__ == "__main__":
    import jax
    _d = setup_inputs()
    print(jax.jit(kernel)(*tuple(_d.values())))

</pallas_src>

<mosaic_0001>
#map = affine_map<(d0, d1) -> (0)>
module attributes {stable_mosaic.version = 14 : i64} {
  func.func @sc_kernel(%arg0: i32, %arg1: i32, %arg2: memref<49152xi32, #tpu.memory_space<hbm>>, %arg3: memref<1228800xf32, #tpu.memory_space<hbm>>, %arg4: memref<12x128xi32, #tpu.memory_space<vmem>>, %arg5: memref<128xf32, #tpu.memory_space<vmem>>, %arg6: memref<6400xf32, #tpu.memory_space<vmem>>, %arg7: memref<6x102400xf32, #tpu.memory_space<vmem_shared>>) attributes {dimension_semantics = [#tpu.dimension_semantics<core_parallel>, #tpu.dimension_semantics<subcore_parallel>], iteration_bounds = array<i64: 2, 16>, scalar_prefetch = 0 : i64, scratch_operands = 4 : i64, tpu.core_type = #tpu.core_type<sc_vector_subcore>, window_params = [{transform_indices = #map}, {transform_indices = #map}]} {
    %scan3A = arith.constant 0 : i32
    %scan3A_0 = arith.constant 0 : i32
    %scan3A_1 = arith.constant 50 : i32
    %scan3A_2 = arith.addi %scan3A_0, %scan3A_1 : i32
    %scan3A_3 = arith.constant 1 : i32
    %scan3A_4 = scf.for %scan3A_233 = %scan3A_0 to %scan3A_2 step %scan3A_3 iter_args(%scan3A_234 = %scan3A) -> (i32)  : i32 {
      %broadcast_in_dim3A = arith.constant 0.000000e+00 : f32
      %broadcast_in_dim3A_235 = vector.broadcast %broadcast_in_dim3A : f32 to vector<16xf32>
      %mul3A_236 = arith.constant 8 : i32
      %mul3A_237 = arith.muli %scan3A_233, %mul3A_236 : i32
      %mul3A_238 = arith.constant 16 : i32
      %mul3A_239 = arith.muli %mul3A_237, %mul3A_238 : i32
      %add3A_240 = arith.constant 0 : i32
      %add3A_241 = arith.addi %mul3A_239, %add3A_240 : i32
      %swap3A = arith.index_cast %add3A_241 : i32 to index
      %swap3A_242 = tpu.vector_load %arg6[%swap3A] {strides = array<i32>} : memref<6400xf32, #tpu.memory_space<vmem>>, vector<16xf32>,
      %swap3A_243 = vector.shape_cast %swap3A_242 : vector<16xf32> to vector<16xf32>
      %swap3A_244 = vector.shape_cast %broadcast_in_dim3A_235 : vector<16xf32> to vector<16xf32>
      tpu.vector_store %arg6[%swap3A], %swap3A_244 {strides = array<i32>} : memref<6400xf32, #tpu.memory_space<vmem>>, vector<16xf32>,
      %broadcast_in_dim3A_245 = arith.constant 0.000000e+00 : f32
      %broadcast_in_dim3A_246 = vector.broadcast %broadcast_in_dim3A_245 : f32 to vector<16xf32>
      %mul3A_247 = arith.constant 8 : i32
      %mul3A_248 = arith.muli %scan3A_233, %mul3A_247 : i32
      %mul3A_249 = arith.constant 16 : i32
      %mul3A_250 = arith.muli %mul3A_248, %mul3A_249 : i32
      %add3A_251 = arith.constant 16 : i32
      %add3A_252 = arith.addi %mul3A_250, %add3A_251 : i32
      %swap3A_253 = arith.index_cast %add3A_252 : i32 to index
      %swap3A_254 = tpu.vector_load %arg6[%swap3A_253] {strides = array<i32>} : memref<6400xf32, #tpu.memory_space<vmem>>, vector<16xf32>,
      %swap3A_255 = vector.shape_cast %swap3A_254 : vector<16xf32> to vector<16xf32>
      %swap3A_256 = vector.shape_cast %broadcast_in_dim3A_246 : vector<16xf32> to vector<16xf32>
      tpu.vector_store %arg6[%swap3A_253], %swap3A_256 {strides = array<i32>} : memref<6400xf32, #tpu.memory_space<vmem>>, vector<16xf32>,
      %broadcast_in_dim3A_257 = arith.constant 0.000000e+00 : f32
      %broadcast_in_dim3A_258 = vector.broadcast %broadcast_in_dim3A_257 : f32 to vector<16xf32>
      %mul3A_259 = arith.constant 8 : i32
      %mul3A_260 = arith.muli %scan3A_233, %mul3A_259 : i32
      %mul3A_261 = arith.constant 16 : i32
      %mul3A_262 = arith.muli %mul3A_260, %mul3A_261 : i32
      %add3A_263 = arith.constant 32 : i32
      %add3A_264 = arith.addi %mul3A_262, %add3A_263 : i32
      %swap3A_265 = arith.index_cast %add3A_264 : i32 to index
      %swap3A_266 = tpu.vector_load %arg6[%swap3A_265] {strides = array<i32>} : memref<6400xf32, #tpu.memory_space<vmem>>, vector<16xf32>,
      %swap3A_267 = vector.shape_cast %swap3A_266 : vector<16xf32> to vector<16xf32>
      %swap3A_268 = vector.shape_cast %broadcast_in_dim3A_258 : vector<16xf32> to vector<16xf32>
      tpu.vector_store %arg6[%swap3A_265], %swap3A_268 {strides = array<i32>} : memref<6400xf32, #tpu.memory_space<vmem>>, vector<16xf32>,
      %broadcast_in_dim3A_269 = arith.constant 0.000000e+00 : f32
      %broadcast_in_dim3A_270 = vector.broadcast %broadcast_in_dim3A_269 : f32 to vector<16xf32>
      %mul3A_271 = arith.constant 8 : i32
      %mul3A_272 = arith.muli %scan3A_233, %mul3A_271 : i32
      %mul3A_273 = arith.constant 16 : i32
      %mul3A_274 = arith.muli %mul3A_272, %mul3A_273 : i32
      %add3A_275 = arith.constant 48 : i32
      %add3A_276 = arith.addi %mul3A_274, %add3A_275 : i32
      %swap3A_277 = arith.index_cast %add3A_276 : i32 to index
      %swap3A_278 = tpu.vector_load %arg6[%swap3A_277] {strides = array<i32>} : memref<6400xf32, #tpu.memory_space<vmem>>, vector<16xf32>,
      %swap3A_279 = vector.shape_cast %swap3A_278 : vector<16xf32> to vector<16xf32>
      %swap3A_280 = vector.shape_cast %broadcast_in_dim3A_270 : vector<16xf32> to vector<16xf32>
      tpu.vector_store %arg6[%swap3A_277], %swap3A_280 {strides = array<i32>} : memref<6400xf32, #tpu.memory_space<vmem>>, vector<16xf32>,
      %broadcast_in_dim3A_281 = arith.constant 0.000000e+00 : f32
      %broadcast_in_dim3A_282 = vector.broadcast %broadcast_in_dim3A_281 : f32 to vector<16xf32>
      %mul3A_283 = arith.constant 8 : i32
      %mul3A_284 = arith.muli %scan3A_233, %mul3A_283 : i32
      %mul3A_285 = arith.constant 16 : i32
      %mul3A_286 = arith.muli %mul3A_284, %mul3A_285 : i32
      %add3A_287 = arith.constant 64 : i32
      %add3A_288 = arith.addi %mul3A_286, %add3A_287 : i32
      %swap3A_289 = arith.index_cast %add3A_288 : i32 to index
      %swap3A_290 = tpu.vector_load %arg6[%swap3A_289] {strides = array<i32>} : memref<6400xf32, #tpu.memory_space<vmem>>, vector<16xf32>,
      %swap3A_291 = vector.shape_cast %swap3A_290 : vector<16xf32> to vector<16xf32>
      %swap3A_292 = vector.shape_cast %broadcast_in_dim3A_282 : vector<16xf32> to vector<16xf32>
      tpu.vector_store %arg6[%swap3A_289], %swap3A_292 {strides = array<i32>} : memref<6400xf32, #tpu.memory_space<vmem>>, vector<16xf32>,
      %broadcast_in_dim3A_293 = arith.constant 0.000000e+00 : f32
      %broadcast_in_dim3A_294 = vector.broadcast %broadcast_in_dim3A_293 : f32 to vector<16xf32>
      %mul3A_295 = arith.constant 8 : i32
      %mul3A_296 = arith.muli %scan3A_233, %mul3A_295 : i32
      %mul3A_297 = arith.constant 16 : i32
      %mul3A_298 = arith.muli %mul3A_296, %mul3A_297 : i32
      %add3A_299 = arith.constant 80 : i32
      %add3A_300 = arith.addi %mul3A_298, %add3A_299 : i32
      %swap3A_301 = arith.index_cast %add3A_300 : i32 to index
      %swap3A_302 = tpu.vector_load %arg6[%swap3A_301] {strides = array<i32>} : memref<6400xf32, #tpu.memory_space<vmem>>, vector<16xf32>,
      %swap3A_303 = vector.shape_cast %swap3A_302 : vector<16xf32> to vector<16xf32>
      %swap3A_304 = vector.shape_cast %broadcast_in_dim3A_294 : vector<16xf32> to vector<16xf32>
      tpu.vector_store %arg6[%swap3A_301], %swap3A_304 {strides = array<i32>} : memref<6400xf32, #tpu.memory_space<vmem>>, vector<16xf32>,
      %broadcast_in_dim3A_305 = arith.constant 0.000000e+00 : f32
      %broadcast_in_dim3A_306 = vector.broadcast %broadcast_in_dim3A_305 : f32 to vector<16xf32>
      %mul3A_307 = arith.constant 8 : i32
      %mul3A_308 = arith.muli %scan3A_233, %mul3A_307 : i32
      %mul3A_309 = arith.constant 16 : i32
      %mul3A_310 = arith.muli %mul3A_308, %mul3A_309 : i32
      %add3A_311 = arith.constant 96 : i32
      %add3A_312 = arith.addi %mul3A_310, %add3A_311 : i32
      %swap3A_313 = arith.index_cast %add3A_312 : i32 to index
      %swap3A_314 = tpu.vector_load %arg6[%swap3A_313] {strides = array<i32>} : memref<6400xf32, #tpu.memory_space<vmem>>, vector<16xf32>,
      %swap3A_315 = vector.shape_cast %swap3A_314 : vector<16xf32> to vector<16xf32>
      %swap3A_316 = vector.shape_cast %broadcast_in_dim3A_306 : vector<16xf32> to vector<16xf32>
      tpu.vector_store %arg6[%swap3A_313], %swap3A_316 {strides = array<i32>} : memref<6400xf32, #tpu.memory_space<vmem>>, vector<16xf32>,
      %broadcast_in_dim3A_317 = arith.constant 0.000000e+00 : f32
      %broadcast_in_dim3A_318 = vector.broadcast %broadcast_in_dim3A_317 : f32 to vector<16xf32>
      %mul3A_319 = arith.constant 8 : i32
      %mul3A_320 = arith.muli %scan3A_233, %mul3A_319 : i32
      %mul3A_321 = arith.constant 16 : i32
      %mul3A_322 = arith.muli %mul3A_320, %mul3A_321 : i32
      %add3A_323 = arith.constant 112 : i32
      %add3A_324 = arith.addi %mul3A_322, %add3A_323 : i32
      %swap3A_325 = arith.index_cast %add3A_324 : i32 to index
      %swap3A_326 = tpu.vector_load %arg6[%swap3A_325] {strides = array<i32>} : memref<6400xf32, #tpu.memory_space<vmem>>, vector<16xf32>,
      %swap3A_327 = vector.shape_cast %swap3A_326 : vector<16xf32> to vector<16xf32>
      %swap3A_328 = vector.shape_cast %broadcast_in_dim3A_318 : vector<16xf32> to vector<16xf32>
      tpu.vector_store %arg6[%swap3A_325], %swap3A_328 {strides = array<i32>} : memref<6400xf32, #tpu.memory_space<vmem>>, vector<16xf32>,
      %scan3A_329 = arith.constant 0 : i32
      scf.yield %scan3A_329 : i32
    }
    %scan3A_5 = arith.constant 50 : i32
    %scan3A_6 = arith.constant 0 : i32
    %scan3A_7 = arith.constant 0 : i32
    %scan3A_8 = arith.constant 8 : i32
    %scan3A_9 = arith.addi %scan3A_7, %scan3A_8 : i32
    %scan3A_10 = arith.constant 1 : i32
    %scan3A_11 = scf.for %scan3A_233 = %scan3A_7 to %scan3A_9 step %scan3A_10 iter_args(%scan3A_234 = %scan3A_6) -> (i32)  : i32 {
      %broadcast_in_dim3A = arith.constant 1.000000e+00 : f32
      %broadcast_in_dim3A_235 = vector.broadcast %broadcast_in_dim3A : f32 to vector<16xf32>
      %mul3A_236 = arith.constant 16 : i32
      %mul3A_237 = arith.muli %scan3A_233, %mul3A_236 : i32
      %swap3A = arith.index_cast %mul3A_237 : i32 to index
      %swap3A_238 = tpu.vector_load %arg5[%swap3A] {strides = array<i32>} : memref<128xf32, #tpu.memory_space<vmem>>, vector<16xf32>,
      %swap3A_239 = vector.shape_cast %swap3A_238 : vector<16xf32> to vector<16xf32>
      %swap3A_240 = vector.shape_cast %broadcast_in_dim3A_235 : vector<16xf32> to vector<16xf32>
      tpu.vector_store %arg5[%swap3A], %swap3A_240 {strides = array<i32>} : memref<128xf32, #tpu.memory_space<vmem>>, vector<16xf32>,
      %scan3A_241 = arith.constant 0 : i32
      scf.yield %scan3A_241 : i32
    }
    %scan3A_12 = arith.constant 8 : i32
    %mul3A = arith.constant 6400 : i32
    %mul3A_13 = arith.muli %arg1, %mul3A : i32
    %run_scoped3A = arith.constant 0 : i32
    "tpu.region"() ({
      %run_scoped3A_233 = tpu.sem_alloc : memref<!tpu.dma_semaphore, #tpu.memory_space<semaphore_mem>>
      %dma_start3A = arith.constant 0 : i32
      %dma_start3A_234 = tpu.memref_slice %arg7[%run_scoped3A, %dma_start3A] : memref<6x102400xf32, #tpu.memory_space<vmem_shared>> -> memref<1x102400xf32, #tpu.memory_space<vmem_shared>>
      %dma_start3A_235 = tpu.memref_squeeze %dma_start3A_234 : memref<1x102400xf32, #tpu.memory_space<vmem_shared>> -> memref<102400xf32, #tpu.memory_space<vmem_shared>>
      %dma_start3A_236 = tpu.memref_slice %dma_start3A_235[%mul3A_13] : memref<102400xf32, #tpu.memory_space<vmem_shared>> -> memref<6400xf32, #tpu.memory_space<vmem_shared>>
      %dma_start3A_237 = arith.constant 0 : i32
      %dma_start3A_238 = tpu.memref_slice %arg7[%run_scoped3A, %dma_start3A_237] : memref<6x102400xf32, #tpu.memory_space<vmem_shared>> -> memref<1x102400xf32, #tpu.memory_space<vmem_shared>>
      %dma_start3A_239 = tpu.memref_squeeze %dma_start3A_238 : memref<1x102400xf32, #tpu.memory_space<vmem_shared>> -> memref<102400xf32, #tpu.memory_space<vmem_shared>>
      %dma_start3A_240 = tpu.memref_slice %dma_start3A_239[%mul3A_13] : memref<102400xf32, #tpu.memory_space<vmem_shared>> -> memref<6400xf32, #tpu.memory_space<vmem_shared>>
      tpu.enqueue_dma source(%arg6 : memref<6400xf32, #tpu.memory_space<vmem>>) target(%dma_start3A_240 : memref<6400xf32, #tpu.memory_space<vmem_shared>>) target_semaphore(%run_scoped3A_233 : memref<!tpu.dma_semaphore, #tpu.memory_space<semaphore_mem>>)
      %dma_wait3A = arith.constant 0 : i32
      %dma_wait3A_241 = tpu.memref_slice %arg7[%run_scoped3A, %dma_wait3A] : memref<6x102400xf32, #tpu.memory_space<vmem_shared>> -> memref<1x102400xf32, #tpu.memory_space<vmem_shared>>
      %dma_wait3A_242 = tpu.memref_squeeze %dma_wait3A_241 : memref<1x102400xf32, #tpu.memory_space<vmem_shared>> -> memref<102400xf32, #tpu.memory_space<vmem_shared>>
      %dma_wait3A_243 = tpu.memref_slice %dma_wait3A_242[%mul3A_13] : memref<102400xf32, #tpu.memory_space<vmem_shared>> -> memref<6400xf32, #tpu.memory_space<vmem_shared>>
      %dma_wait3A_244 = arith.constant 0 : i32
      %dma_wait3A_245 = tpu.memref_slice %arg7[%run_scoped3A, %dma_wait3A_244] : memref<6x102400xf32, #tpu.memory_space<vmem_shared>> -> memref<1x102400xf32, #tpu.memory_space<vmem_shared>>
      %dma_wait3A_246 = tpu.memref_squeeze %dma_wait3A_245 : memref<1x102400xf32, #tpu.memory_space<vmem_shared>> -> memref<102400xf32, #tpu.memory_space<vmem_shared>>
      %dma_wait3A_247 = tpu.memref_slice %dma_wait3A_246[%mul3A_13] : memref<102400xf32, #tpu.memory_space<vmem_shared>> -> memref<6400xf32, #tpu.memory_space<vmem_shared>>
      tpu.wait_dma2 semaphore(%run_scoped3A_233 : memref<!tpu.dma_semaphore, #tpu.memory_space<semaphore_mem>>) src(%arg6 : memref<6400xf32, #tpu.memory_space<vmem>>) dst(%dma_wait3A_247 : memref<6400xf32, #tpu.memory_space<vmem_shared>>)
      tpu.yield
    }) : () -> ()
    %mul3A_14 = arith.constant 6400 : i32
    %mul3A_15 = arith.muli %arg1, %mul3A_14 : i32
    %run_scoped3A_16 = arith.constant 1 : i32
    "tpu.region"() ({
      %run_scoped3A_233 = tpu.sem_alloc : memref<!tpu.dma_semaphore, #tpu.memory_space<semaphore_mem>>
      %dma_start3A = arith.constant 0 : i32
      %dma_start3A_234 = tpu.memref_slice %arg7[%run_scoped3A_16, %dma_start3A] : memref<6x102400xf32, #tpu.memory_space<vmem_shared>> -> memref<1x102400xf32, #tpu.memory_space<vmem_shared>>
      %dma_start3A_235 = tpu.memref_squeeze %dma_start3A_234 : memref<1x102400xf32, #tpu.memory_space<vmem_shared>> -> memref<102400xf32, #tpu.memory_space<vmem_shared>>
      %dma_start3A_236 = tpu.memref_slice %dma_start3A_235[%mul3A_15] : memref<102400xf32, #tpu.memory_space<vmem_shared>> -> memref<6400xf32, #tpu.memory_space<vmem_shared>>
      %dma_start3A_237 = arith.constant 0 : i32
      %dma_start3A_238 = tpu.memref_slice %arg7[%run_scoped3A_16, %dma_start3A_237] : memref<6x102400xf32, #tpu.memory_space<vmem_shared>> -> memref<1x102400xf32, #tpu.memory_space<vmem_shared>>
      %dma_start3A_239 = tpu.memref_squeeze %dma_start3A_238 : memref<1x102400xf32, #tpu.memory_space<vmem_shared>> -> memref<102400xf32, #tpu.memory_space<vmem_shared>>
      %dma_start3A_240 = tpu.memref_slice %dma_start3A_239[%mul3A_15] : memref<102400xf32, #tpu.memory_space<vmem_shared>> -> memref<6400xf32, #tpu.memory_space<vmem_shared>>
      tpu.enqueue_dma source(%arg6 : memref<6400xf32, #tpu.memory_space<vmem>>) target(%dma_start3A_240 : memref<6400xf32, #tpu.memory_space<vmem_shared>>) target_semaphore(%run_scoped3A_233 : memref<!tpu.dma_semaphore, #tpu.memory_space<semaphore_mem>>)
      %dma_wait3A = arith.constant 0 : i32
      %dma_wait3A_241 = tpu.memref_slice %arg7[%run_scoped3A_16, %dma_wait3A] : memref<6x102400xf32, #tpu.memory_space<vmem_shared>> -> memref<1x102400xf32, #tpu.memory_space<vmem_shared>>
      %dma_wait3A_242 = tpu.memref_squeeze %dma_wait3A_241 : memref<1x102400xf32, #tpu.memory_space<vmem_shared>> -> memref<102400xf32, #tpu.memory_space<vmem_shared>>
      %dma_wait3A_243 = tpu.memref_slice %dma_wait3A_242[%mul3A_15] : memref<102400xf32, #tpu.memory_space<vmem_shared>> -> memref<6400xf32, #tpu.memory_space<vmem_shared>>
      %dma_wait3A_244 = arith.constant 0 : i32
      %dma_wait3A_245 = tpu.memref_slice %arg7[%run_scoped3A_16, %dma_wait3A_244] : memref<6x102400xf32, #tpu.memory_space<vmem_shared>> -> memref<1x102400xf32, #tpu.memory_space<vmem_shared>>
      %dma_wait3A_246 = tpu.memref_squeeze %dma_wait3A_245 : memref<1x102400xf32, #tpu.memory_space<vmem_shared>> -> memref<102400xf32, #tpu.memory_space<vmem_shared>>
      %dma_wait3A_247 = tpu.memref_slice %dma_wait3A_246[%mul3A_15] : memref<102400xf32, #tpu.memory_space<vmem_shared>> -> memref<6400xf32, #tpu.memory_space<vmem_shared>>
      tpu.wait_dma2 semaphore(%run_scoped3A_233 : memref<!tpu.dma_semaphore, #tpu.memory_space<semaphore_mem>>) src(%arg6 : memref<6400xf32, #tpu.memory_space<vmem>>) dst(%dma_wait3A_247 : memref<6400xf32, #tpu.memory_space<vmem_shared>>)
      tpu.yield
    }) : () -> ()
    %mul3A_17 = arith.constant 6400 : i32
    %mul3A_18 = arith.muli %arg1, %mul3A_17 : i32
    %run_scoped3A_19 = arith.constant 2 : i32
    "tpu.region"() ({
      %run_scoped3A_233 = tpu.sem_alloc : memref<!tpu.dma_semaphore, #tpu.memory_space<semaphore_mem>>
      %dma_start3A = arith.constant 0 : i32
      %dma_start3A_234 = tpu.memref_slice %arg7[%run_scoped3A_19, %dma_start3A] : memref<6x102400xf32, #tpu.memory_space<vmem_shared>> -> memref<1x102400xf32, #tpu.memory_space<vmem_shared>>
      %dma_start3A_235 = tpu.memref_squeeze %dma_start3A_234 : memref<1x102400xf32, #tpu.memory_space<vmem_shared>> -> memref<102400xf32, #tpu.memory_space<vmem_shared>>
      %dma_start3A_236 = tpu.memref_slice %dma_start3A_235[%mul3A_18] : memref<102400xf32, #tpu.memory_space<vmem_shared>> -> memref<6400xf32, #tpu.memory_space<vmem_shared>>
      %dma_start3A_237 = arith.constant 0 : i32
      %dma_start3A_238 = tpu.memref_slice %arg7[%run_scoped3A_19, %dma_start3A_237] : memref<6x102400xf32, #tpu.memory_space<vmem_shared>> -> memref<1x102400xf32, #tpu.memory_space<vmem_shared>>
      %dma_start3A_239 = tpu.memref_squeeze %dma_start3A_238 : memref<1x102400xf32, #tpu.memory_space<vmem_shared>> -> memref<102400xf32, #tpu.memory_space<vmem_shared>>
      %dma_start3A_240 = tpu.memref_slice %dma_start3A_239[%mul3A_18] : memref<102400xf32, #tpu.memory_space<vmem_shared>> -> memref<6400xf32, #tpu.memory_space<vmem_shared>>
      tpu.enqueue_dma source(%arg6 : memref<6400xf32, #tpu.memory_space<vmem>>) target(%dma_start3A_240 : memref<6400xf32, #tpu.memory_space<vmem_shared>>) target_semaphore(%run_scoped3A_233 : memref<!tpu.dma_semaphore, #tpu.memory_space<semaphore_mem>>)
      %dma_wait3A = arith.constant 0 : i32
      %dma_wait3A_241 = tpu.memref_slice %arg7[%run_scoped3A_19, %dma_wait3A] : memref<6x102400xf32, #tpu.memory_space<vmem_shared>> -> memref<1x102400xf32, #tpu.memory_space<vmem_shared>>
      %dma_wait3A_242 = tpu.memref_squeeze %dma_wait3A_241 : memref<1x102400xf32, #tpu.memory_space<vmem_shared>> -> memref<102400xf32, #tpu.memory_space<vmem_shared>>
      %dma_wait3A_243 = tpu.memref_slice %dma_wait3A_242[%mul3A_18] : memref<102400xf32, #tpu.memory_space<vmem_shared>> -> memref<6400xf32, #tpu.memory_space<vmem_shared>>
      %dma_wait3A_244 = arith.constant 0 : i32
      %dma_wait3A_245 = tpu.memref_slice %arg7[%run_scoped3A_19, %dma_wait3A_244] : memref<6x102400xf32, #tpu.memory_space<vmem_shared>> -> memref<1x102400xf32, #tpu.memory_space<vmem_shared>>
      %dma_wait3A_246 = tpu.memref_squeeze %dma_wait3A_245 : memref<1x102400xf32, #tpu.memory_space<vmem_shared>> -> memref<102400xf32, #tpu.memory_space<vmem_shared>>
      %dma_wait3A_247 = tpu.memref_slice %dma_wait3A_246[%mul3A_18] : memref<102400xf32, #tpu.memory_space<vmem_shared>> -> memref<6400xf32, #tpu.memory_space<vmem_shared>>
      tpu.wait_dma2 semaphore(%run_scoped3A_233 : memref<!tpu.dma_semaphore, #tpu.memory_space<semaphore_mem>>) src(%arg6 : memref<6400xf32, #tpu.memory_space<vmem>>) dst(%dma_wait3A_247 : memref<6400xf32, #tpu.memory_space<vmem_shared>>)
      tpu.yield
    }) : () -> ()
    %mul3A_20 = arith.constant 6400 : i32
    %mul3A_21 = arith.muli %arg1, %mul3A_20 : i32
    %run_scoped3A_22 = arith.constant 3 : i32
    "tpu.region"() ({
      %run_scoped3A_233 = tpu.sem_alloc : memref<!tpu.dma_semaphore, #tpu.memory_space<semaphore_mem>>
      %dma_start3A = arith.constant 0 : i32
      %dma_start3A_234 = tpu.memref_slice %arg7[%run_scoped3A_22, %dma_start3A] : memref<6x102400xf32, #tpu.memory_space<vmem_shared>> -> memref<1x102400xf32, #tpu.memory_space<vmem_shared>>
      %dma_start3A_235 = tpu.memref_squeeze %dma_start3A_234 : memref<1x102400xf32, #tpu.memory_space<vmem_shared>> -> memref<102400xf32, #tpu.memory_space<vmem_shared>>
      %dma_start3A_236 = tpu.memref_slice %dma_start3A_235[%mul3A_21] : memref<102400xf32, #tpu.memory_space<vmem_shared>> -> memref<6400xf32, #tpu.memory_space<vmem_shared>>
      %dma_start3A_237 = arith.constant 0 : i32
      %dma_start3A_238 = tpu.memref_slice %arg7[%run_scoped3A_22, %dma_start3A_237] : memref<6x102400xf32, #tpu.memory_space<vmem_shared>> -> memref<1x102400xf32, #tpu.memory_space<vmem_shared>>
      %dma_start3A_239 = tpu.memref_squeeze %dma_start3A_238 : memref<1x102400xf32, #tpu.memory_space<vmem_shared>> -> memref<102400xf32, #tpu.memory_space<vmem_shared>>
      %dma_start3A_240 = tpu.memref_slice %dma_start3A_239[%mul3A_21] : memref<102400xf32, #tpu.memory_space<vmem_shared>> -> memref<6400xf32, #tpu.memory_space<vmem_shared>>
      tpu.enqueue_dma source(%arg6 : memref<6400xf32, #tpu.memory_space<vmem>>) target(%dma_start3A_240 : memref<6400xf32, #tpu.memory_space<vmem_shared>>) target_semaphore(%run_scoped3A_233 : memref<!tpu.dma_semaphore, #tpu.memory_space<semaphore_mem>>)
      %dma_wait3A = arith.constant 0 : i32
      %dma_wait3A_241 = tpu.memref_slice %arg7[%run_scoped3A_22, %dma_wait3A] : memref<6x102400xf32, #tpu.memory_space<vmem_shared>> -> memref<1x102400xf32, #tpu.memory_space<vmem_shared>>
      %dma_wait3A_242 = tpu.memref_squeeze %dma_wait3A_241 : memref<1x102400xf32, #tpu.memory_space<vmem_shared>> -> memref<102400xf32, #tpu.memory_space<vmem_shared>>
      %dma_wait3A_243 = tpu.memref_slice %dma_wait3A_242[%mul3A_21] : memref<102400xf32, #tpu.memory_space<vmem_shared>> -> memref<6400xf32, #tpu.memory_space<vmem_shared>>
      %dma_wait3A_244 = arith.constant 0 : i32
      %dma_wait3A_245 = tpu.memref_slice %arg7[%run_scoped3A_22, %dma_wait3A_244] : memref<6x102400xf32, #tpu.memory_space<vmem_shared>> -> memref<1x102400xf32, #tpu.memory_space<vmem_shared>>
      %dma_wait3A_246 = tpu.memref_squeeze %dma_wait3A_245 : memref<1x102400xf32, #tpu.memory_space<vmem_shared>> -> memref<102400xf32, #tpu.memory_space<vmem_shared>>
      %dma_wait3A_247 = tpu.memref_slice %dma_wait3A_246[%mul3A_21] : memref<102400xf32, #tpu.memory_space<vmem_shared>> -> memref<6400xf32, #tpu.memory_space<vmem_shared>>
      tpu.wait_dma2 semaphore(%run_scoped3A_233 : memref<!tpu.dma_semaphore, #tpu.memory_space<semaphore_mem>>) src(%arg6 : memref<6400xf32, #tpu.memory_space<vmem>>) dst(%dma_wait3A_247 : memref<6400xf32, #tpu.memory_space<vmem_shared>>)
      tpu.yield
    }) : () -> ()
    %mul3A_23 = arith.constant 6400 : i32
    %mul3A_24 = arith.muli %arg1, %mul3A_23 : i32
    %run_scoped3A_25 = arith.constant 4 : i32
    "tpu.region"() ({
      %run_scoped3A_233 = tpu.sem_alloc : memref<!tpu.dma_semaphore, #tpu.memory_space<semaphore_mem>>
      %dma_start3A = arith.constant 0 : i32
      %dma_start3A_234 = tpu.memref_slice %arg7[%run_scoped3A_25, %dma_start3A] : memref<6x102400xf32, #tpu.memory_space<vmem_shared>> -> memref<1x102400xf32, #tpu.memory_space<vmem_shared>>
      %dma_start3A_235 = tpu.memref_squeeze %dma_start3A_234 : memref<1x102400xf32, #tpu.memory_space<vmem_shared>> -> memref<102400xf32, #tpu.memory_space<vmem_shared>>
      %dma_start3A_236 = tpu.memref_slice %dma_start3A_235[%mul3A_24] : memref<102400xf32, #tpu.memory_space<vmem_shared>> -> memref<6400xf32, #tpu.memory_space<vmem_shared>>
      %dma_start3A_237 = arith.constant 0 : i32
      %dma_start3A_238 = tpu.memref_slice %arg7[%run_scoped3A_25, %dma_start3A_237] : memref<6x102400xf32, #tpu.memory_space<vmem_shared>> -> memref<1x102400xf32, #tpu.memory_space<vmem_shared>>
      %dma_start3A_239 = tpu.memref_squeeze %dma_start3A_238 : memref<1x102400xf32, #tpu.memory_space<vmem_shared>> -> memref<102400xf32, #tpu.memory_space<vmem_shared>>
      %dma_start3A_240 = tpu.memref_slice %dma_start3A_239[%mul3A_24] : memref<102400xf32, #tpu.memory_space<vmem_shared>> -> memref<6400xf32, #tpu.memory_space<vmem_shared>>
      tpu.enqueue_dma source(%arg6 : memref<6400xf32, #tpu.memory_space<vmem>>) target(%dma_start3A_240 : memref<6400xf32, #tpu.memory_space<vmem_shared>>) target_semaphore(%run_scoped3A_233 : memref<!tpu.dma_semaphore, #tpu.memory_space<semaphore_mem>>)
      %dma_wait3A = arith.constant 0 : i32
      %dma_wait3A_241 = tpu.memref_slice %arg7[%run_scoped3A_25, %dma_wait3A] : memref<6x102400xf32, #tpu.memory_space<vmem_shared>> -> memref<1x102400xf32, #tpu.memory_space<vmem_shared>>
      %dma_wait3A_242 = tpu.memref_squeeze %dma_wait3A_241 : memref<1x102400xf32, #tpu.memory_space<vmem_shared>> -> memref<102400xf32, #tpu.memory_space<vmem_shared>>
      %dma_wait3A_243 = tpu.memref_slice %dma_wait3A_242[%mul3A_24] : memref<102400xf32, #tpu.memory_space<vmem_shared>> -> memref<6400xf32, #tpu.memory_space<vmem_shared>>
      %dma_wait3A_244 = arith.constant 0 : i32
      %dma_wait3A_245 = tpu.memref_slice %arg7[%run_scoped3A_25, %dma_wait3A_244] : memref<6x102400xf32, #tpu.memory_space<vmem_shared>> -> memref<1x102400xf32, #tpu.memory_space<vmem_shared>>
      %dma_wait3A_246 = tpu.memref_squeeze %dma_wait3A_245 : memref<1x102400xf32, #tpu.memory_space<vmem_shared>> -> memref<102400xf32, #tpu.memory_space<vmem_shared>>
      %dma_wait3A_247 = tpu.memref_slice %dma_wait3A_246[%mul3A_24] : memref<102400xf32, #tpu.memory_space<vmem_shared>> -> memref<6400xf32, #tpu.memory_space<vmem_shared>>
      tpu.wait_dma2 semaphore(%run_scoped3A_233 : memref<!tpu.dma_semaphore, #tpu.memory_space<semaphore_mem>>) src(%arg6 : memref<6400xf32, #tpu.memory_space<vmem>>) dst(%dma_wait3A_247 : memref<6400xf32, #tpu.memory_space<vmem_shared>>)
      tpu.yield
    }) : () -> ()
    %mul3A_26 = arith.constant 6400 : i32
    %mul3A_27 = arith.muli %arg1, %mul3A_26 : i32
    %run_scoped3A_28 = arith.constant 5 : i32
    "tpu.region"() ({
      %run_scoped3A_233 = tpu.sem_alloc : memref<!tpu.dma_semaphore, #tpu.memory_space<semaphore_mem>>
      %dma_start3A = arith.constant 0 : i32
      %dma_start3A_234 = tpu.memref_slice %arg7[%run_scoped3A_28, %dma_start3A] : memref<6x102400xf32, #tpu.memory_space<vmem_shared>> -> memref<1x102400xf32, #tpu.memory_space<vmem_shared>>
      %dma_start3A_235 = tpu.memref_squeeze %dma_start3A_234 : memref<1x102400xf32, #tpu.memory_space<vmem_shared>> -> memref<102400xf32, #tpu.memory_space<vmem_shared>>
      %dma_start3A_236 = tpu.memref_slice %dma_start3A_235[%mul3A_27] : memref<102400xf32, #tpu.memory_space<vmem_shared>> -> memref<6400xf32, #tpu.memory_space<vmem_shared>>
      %dma_start3A_237 = arith.constant 0 : i32
      %dma_start3A_238 = tpu.memref_slice %arg7[%run_scoped3A_28, %dma_start3A_237] : memref<6x102400xf32, #tpu.memory_space<vmem_shared>> -> memref<1x102400xf32, #tpu.memory_space<vmem_shared>>
      %dma_start3A_239 = tpu.memref_squeeze %dma_start3A_238 : memref<1x102400xf32, #tpu.memory_space<vmem_shared>> -> memref<102400xf32, #tpu.memory_space<vmem_shared>>
      %dma_start3A_240 = tpu.memref_slice %dma_start3A_239[%mul3A_27] : memref<102400xf32, #tpu.memory_space<vmem_shared>> -> memref<6400xf32, #tpu.memory_space<vmem_shared>>
      tpu.enqueue_dma source(%arg6 : memref<6400xf32, #tpu.memory_space<vmem>>) target(%dma_start3A_240 : memref<6400xf32, #tpu.memory_space<vmem_shared>>) target_semaphore(%run_scoped3A_233 : memref<!tpu.dma_semaphore, #tpu.memory_space<semaphore_mem>>)
      %dma_wait3A = arith.constant 0 : i32
      %dma_wait3A_241 = tpu.memref_slice %arg7[%run_scoped3A_28, %dma_wait3A] : memref<6x102400xf32, #tpu.memory_space<vmem_shared>> -> memref<1x102400xf32, #tpu.memory_space<vmem_shared>>
      %dma_wait3A_242 = tpu.memref_squeeze %dma_wait3A_241 : memref<1x102400xf32, #tpu.memory_space<vmem_shared>> -> memref<102400xf32, #tpu.memory_space<vmem_shared>>
      %dma_wait3A_243 = tpu.memref_slice %dma_wait3A_242[%mul3A_27] : memref<102400xf32, #tpu.memory_space<vmem_shared>> -> memref<6400xf32, #tpu.memory_space<vmem_shared>>
      %dma_wait3A_244 = arith.constant 0 : i32
      %dma_wait3A_245 = tpu.memref_slice %arg7[%run_scoped3A_28, %dma_wait3A_244] : memref<6x102400xf32, #tpu.memory_space<vmem_shared>> -> memref<1x102400xf32, #tpu.memory_space<vmem_shared>>
      %dma_wait3A_246 = tpu.memref_squeeze %dma_wait3A_245 : memref<1x102400xf32, #tpu.memory_space<vmem_shared>> -> memref<102400xf32, #tpu.memory_space<vmem_shared>>
      %dma_wait3A_247 = tpu.memref_slice %dma_wait3A_246[%mul3A_27] : memref<102400xf32, #tpu.memory_space<vmem_shared>> -> memref<6400xf32, #tpu.memory_space<vmem_shared>>
      tpu.wait_dma2 semaphore(%run_scoped3A_233 : memref<!tpu.dma_semaphore, #tpu.memory_space<semaphore_mem>>) src(%arg6 : memref<6400xf32, #tpu.memory_space<vmem>>) dst(%dma_wait3A_247 : memref<6400xf32, #tpu.memory_space<vmem_shared>>)
      tpu.yield
    }) : () -> ()
    %mul3A_29 = arith.constant 6 : i32
    %mul3A_30 = arith.muli %arg0, %mul3A_29 : i32
    %add3A = arith.constant 0 : i32
    %add3A_31 = arith.addi %mul3A_30, %add3A : i32
    %mul3A_32 = arith.constant 4096 : i32
    %mul3A_33 = arith.muli %add3A_31, %mul3A_32 : i32
    %add3A_34 = arith.constant 0 : i32
    %add3A_35 = arith.addi %arg1, %add3A_34 : i32
    %mul3A_36 = arith.constant 128 : i32
    %mul3A_37 = arith.muli %add3A_35, %mul3A_36 : i32
    %add3A_38 = arith.addi %mul3A_33, %mul3A_37 : i32
    %run_scoped3A_39 = arith.constant 0 : i32
    "tpu.region"() ({
      %run_scoped3A_233 = tpu.sem_alloc : memref<!tpu.dma_semaphore, #tpu.memory_space<semaphore_mem>>
      %dma_start3A = arith.constant 0 : i32
      %dma_start3A_234 = tpu.memref_slice %arg4[%run_scoped3A_39, %dma_start3A] : memref<12x128xi32, #tpu.memory_space<vmem>> -> memref<1x128xi32, #tpu.memory_space<vmem>>
      %dma_start3A_235 = tpu.memref_squeeze %dma_start3A_234 : memref<1x128xi32, #tpu.memory_space<vmem>> -> memref<128xi32, #tpu.memory_space<vmem>>
      %dma_start3A_236 = tpu.memref_slice %arg2[%add3A_38] : memref<49152xi32, #tpu.memory_space<hbm>> -> memref<128xi32, #tpu.memory_space<hbm>>
      %dma_start3A_237 = arith.constant 0 : i32
      %dma_start3A_238 = tpu.memref_slice %arg4[%run_scoped3A_39, %dma_start3A_237] : memref<12x128xi32, #tpu.memory_space<vmem>> -> memref<1x128xi32, #tpu.memory_space<vmem>>
      %dma_start3A_239 = tpu.memref_squeeze %dma_start3A_238 : memref<1x128xi32, #tpu.memory_space<vmem>> -> memref<128xi32, #tpu.memory_space<vmem>>
      %dma_start3A_240 = tpu.memref_slice %arg2[%add3A_38] : memref<49152xi32, #tpu.memory_space<hbm>> -> memref<128xi32, #tpu.memory_space<hbm>>
      tpu.enqueue_dma source(%dma_start3A_240 : memref<128xi32, #tpu.memory_space<hbm>>) target(%dma_start3A_239 : memref<128xi32, #tpu.memory_space<vmem>>) target_semaphore(%run_scoped3A_233 : memref<!tpu.dma_semaphore, #tpu.memory_space<semaphore_mem>>)
      %dma_wait3A = arith.constant 0 : i32
      %dma_wait3A_241 = tpu.memref_slice %arg4[%run_scoped3A_39, %dma_wait3A] : memref<12x128xi32, #tpu.memory_space<vmem>> -> memref<1x128xi32, #tpu.memory_space<vmem>>
      %dma_wait3A_242 = tpu.memref_squeeze %dma_wait3A_241 : memref<1x128xi32, #tpu.memory_space<vmem>> -> memref<128xi32, #tpu.memory_space<vmem>>
      %dma_wait3A_243 = tpu.memref_slice %arg2[%add3A_38] : memref<49152xi32, #tpu.memory_space<hbm>> -> memref<128xi32, #tpu.memory_space<hbm>>
      %dma_wait3A_244 = arith.constant 0 : i32
      %dma_wait3A_245 = tpu.memref_slice %arg4[%run_scoped3A_39, %dma_wait3A_244] : memref<12x128xi32, #tpu.memory_space<vmem>> -> memref<1x128xi32, #tpu.memory_space<vmem>>
      %dma_wait3A_246 = tpu.memref_squeeze %dma_wait3A_245 : memref<1x128xi32, #tpu.memory_space<vmem>> -> memref<128xi32, #tpu.memory_space<vmem>>
      %dma_wait3A_247 = tpu.memref_slice %arg2[%add3A_38] : memref<49152xi32, #tpu.memory_space<hbm>> -> memref<128xi32, #tpu.memory_space<hbm>>
      tpu.wait_dma2 semaphore(%run_scoped3A_233 : memref<!tpu.dma_semaphore, #tpu.memory_space<semaphore_mem>>) src(%dma_wait3A_247 : memref<128xi32, #tpu.memory_space<hbm>>) dst(%dma_wait3A_246 : memref<128xi32, #tpu.memory_space<vmem>>)
      tpu.yield
    }) : () -> ()
    %add3A_40 = arith.constant 16 : i32
    %add3A_41 = arith.addi %arg1, %add3A_40 : i32
    %mul3A_42 = arith.constant 128 : i32
    %mul3A_43 = arith.muli %add3A_41, %mul3A_42 : i32
    %add3A_44 = arith.addi %mul3A_33, %mul3A_43 : i32
    %run_scoped3A_45 = arith.constant 1 : i32
    "tpu.region"() ({
      %run_scoped3A_233 = tpu.sem_alloc : memref<!tpu.dma_semaphore, #tpu.memory_space<semaphore_mem>>
      %dma_start3A = arith.constant 0 : i32
      %dma_start3A_234 = tpu.memref_slice %arg4[%run_scoped3A_45, %dma_start3A] : memref<12x128xi32, #tpu.memory_space<vmem>> -> memref<1x128xi32, #tpu.memory_space<vmem>>
      %dma_start3A_235 = tpu.memref_squeeze %dma_start3A_234 : memref<1x128xi32, #tpu.memory_space<vmem>> -> memref<128xi32, #tpu.memory_space<vmem>>
      %dma_start3A_236 = tpu.memref_slice %arg2[%add3A_44] : memref<49152xi32, #tpu.memory_space<hbm>> -> memref<128xi32, #tpu.memory_space<hbm>>
      %dma_start3A_237 = arith.constant 0 : i32
      %dma_start3A_238 = tpu.memref_slice %arg4[%run_scoped3A_45, %dma_start3A_237] : memref<12x128xi32, #tpu.memory_space<vmem>> -> memref<1x128xi32, #tpu.memory_space<vmem>>
      %dma_start3A_239 = tpu.memref_squeeze %dma_start3A_238 : memref<1x128xi32, #tpu.memory_space<vmem>> -> memref<128xi32, #tpu.memory_space<vmem>>
      %dma_start3A_240 = tpu.memref_slice %arg2[%add3A_44] : memref<49152xi32, #tpu.memory_space<hbm>> -> memref<128xi32, #tpu.memory_space<hbm>>
      tpu.enqueue_dma source(%dma_start3A_240 : memref<128xi32, #tpu.memory_space<hbm>>) target(%dma_start3A_239 : memref<128xi32, #tpu.memory_space<vmem>>) target_semaphore(%run_scoped3A_233 : memref<!tpu.dma_semaphore, #tpu.memory_space<semaphore_mem>>)
      %dma_wait3A = arith.constant 0 : i32
      %dma_wait3A_241 = tpu.memref_slice %arg4[%run_scoped3A_45, %dma_wait3A] : memref<12x128xi32, #tpu.memory_space<vmem>> -> memref<1x128xi32, #tpu.memory_space<vmem>>
      %dma_wait3A_242 = tpu.memref_squeeze %dma_wait3A_241 : memref<1x128xi32, #tpu.memory_space<vmem>> -> memref<128xi32, #tpu.memory_space<vmem>>
      %dma_wait3A_243 = tpu.memref_slice %arg2[%add3A_44] : memref<49152xi32, #tpu.memory_space<hbm>> -> memref<128xi32, #tpu.memory_space<hbm>>
      %dma_wait3A_244 = arith.constant 0 : i32
      %dma_wait3A_245 = tpu.memref_slice %arg4[%run_scoped3A_45, %dma_wait3A_244] : memref<12x128xi32, #tpu.memory_space<vmem>> -> memref<1x128xi32, #tpu.memory_space<vmem>>
      %dma_wait3A_246 = tpu.memref_squeeze %dma_wait3A_245 : memref<1x128xi32, #tpu.memory_space<vmem>> -> memref<128xi32, #tpu.memory_space<vmem>>
      %dma_wait3A_247 = tpu.memref_slice %arg2[%add3A_44] : memref<49152xi32, #tpu.memory_space<hbm>> -> memref<128xi32, #tpu.memory_space<hbm>>
      tpu.wait_dma2 semaphore(%run_scoped3A_233 : memref<!tpu.dma_semaphore, #tpu.memory_space<semaphore_mem>>) src(%dma_wait3A_247 : memref<128xi32, #tpu.memory_space<hbm>>) dst(%dma_wait3A_246 : memref<128xi32, #tpu.memory_space<vmem>>)
      tpu.yield
    }) : () -> ()
    %mul3A_46 = arith.constant 6 : i32
    %mul3A_47 = arith.muli %arg0, %mul3A_46 : i32
    %add3A_48 = arith.constant 1 : i32
    %add3A_49 = arith.addi %mul3A_47, %add3A_48 : i32
    %mul3A_50 = arith.constant 4096 : i32
    %mul3A_51 = arith.muli %add3A_49, %mul3A_50 : i32
    %add3A_52 = arith.constant 0 : i32
    %add3A_53 = arith.addi %arg1, %add3A_52 : i32
    %mul3A_54 = arith.constant 128 : i32
    %mul3A_55 = arith.muli %add3A_53, %mul3A_54 : i32
    %add3A_56 = arith.addi %mul3A_51, %mul3A_55 : i32
    %run_scoped3A_57 = arith.constant 2 : i32
    "tpu.region"() ({
      %run_scoped3A_233 = tpu.sem_alloc : memref<!tpu.dma_semaphore, #tpu.memory_space<semaphore_mem>>
      %dma_start3A = arith.constant 0 : i32
      %dma_start3A_234 = tpu.memref_slice %arg4[%run_scoped3A_57, %dma_start3A] : memref<12x128xi32, #tpu.memory_space<vmem>> -> memref<1x128xi32, #tpu.memory_space<vmem>>
      %dma_start3A_235 = tpu.memref_squeeze %dma_start3A_234 : memref<1x128xi32, #tpu.memory_space<vmem>> -> memref<128xi32, #tpu.memory_space<vmem>>
      %dma_start3A_236 = tpu.memref_slice %arg2[%add3A_56] : memref<49152xi32, #tpu.memory_space<hbm>> -> memref<128xi32, #tpu.memory_space<hbm>>
      %dma_start3A_237 = arith.constant 0 : i32
      %dma_start3A_238 = tpu.memref_slice %arg4[%run_scoped3A_57, %dma_start3A_237] : memref<12x128xi32, #tpu.memory_space<vmem>> -> memref<1x128xi32, #tpu.memory_space<vmem>>
      %dma_start3A_239 = tpu.memref_squeeze %dma_start3A_238 : memref<1x128xi32, #tpu.memory_space<vmem>> -> memref<128xi32, #tpu.memory_space<vmem>>
      %dma_start3A_240 = tpu.memref_slice %arg2[%add3A_56] : memref<49152xi32, #tpu.memory_space<hbm>> -> memref<128xi32, #tpu.memory_space<hbm>>
      tpu.enqueue_dma source(%dma_start3A_240 : memref<128xi32, #tpu.memory_space<hbm>>) target(%dma_start3A_239 : memref<128xi32, #tpu.memory_space<vmem>>) target_semaphore(%run_scoped3A_233 : memref<!tpu.dma_semaphore, #tpu.memory_space<semaphore_mem>>)
      %dma_wait3A = arith.constant 0 : i32
      %dma_wait3A_241 = tpu.memref_slice %arg4[%run_scoped3A_57, %dma_wait3A] : memref<12x128xi32, #tpu.memory_space<vmem>> -> memref<1x128xi32, #tpu.memory_space<vmem>>
      %dma_wait3A_242 = tpu.memref_squeeze %dma_wait3A_241 : memref<1x128xi32, #tpu.memory_space<vmem>> -> memref<128xi32, #tpu.memory_space<vmem>>
      %dma_wait3A_243 = tpu.memref_slice %arg2[%add3A_56] : memref<49152xi32, #tpu.memory_space<hbm>> -> memref<128xi32, #tpu.memory_space<hbm>>
      %dma_wait3A_244 = arith.constant 0 : i32
      %dma_wait3A_245 = tpu.memref_slice %arg4[%run_scoped3A_57, %dma_wait3A_244] : memref<12x128xi32, #tpu.memory_space<vmem>> -> memref<1x128xi32, #tpu.memory_space<vmem>>
      %dma_wait3A_246 = tpu.memref_squeeze %dma_wait3A_245 : memref<1x128xi32, #tpu.memory_space<vmem>> -> memref<128xi32, #tpu.memory_space<vmem>>
      %dma_wait3A_247 = tpu.memref_slice %arg2[%add3A_56] : memref<49152xi32, #tpu.memory_space<hbm>> -> memref<128xi32, #tpu.memory_space<hbm>>
      tpu.wait_dma2 semaphore(%run_scoped3A_233 : memref<!tpu.dma_semaphore, #tpu.memory_space<semaphore_mem>>) src(%dma_wait3A_247 : memref<128xi32, #tpu.memory_space<hbm>>) dst(%dma_wait3A_246 : memref<128xi32, #tpu.memory_space<vmem>>)
      tpu.yield
    }) : () -> ()
    %add3A_58 = arith.constant 16 : i32
    %add3A_59 = arith.addi %arg1, %add3A_58 : i32
    %mul3A_60 = arith.constant 128 : i32
    %mul3A_61 = arith.muli %add3A_59, %mul3A_60 : i32
    %add3A_62 = arith.addi %mul3A_51, %mul3A_61 : i32
    %run_scoped3A_63 = arith.constant 3 : i32
    "tpu.region"() ({
      %run_scoped3A_233 = tpu.sem_alloc : memref<!tpu.dma_semaphore, #tpu.memory_space<semaphore_mem>>
      %dma_start3A = arith.constant 0 : i32
      %dma_start3A_234 = tpu.memref_slice %arg4[%run_scoped3A_63, %dma_start3A] : memref<12x128xi32, #tpu.memory_space<vmem>> -> memref<1x128xi32, #tpu.memory_space<vmem>>
      %dma_start3A_235 = tpu.memref_squeeze %dma_start3A_234 : memref<1x128xi32, #tpu.memory_space<vmem>> -> memref<128xi32, #tpu.memory_space<vmem>>
      %dma_start3A_236 = tpu.memref_slice %arg2[%add3A_62] : memref<49152xi32, #tpu.memory_space<hbm>> -> memref<128xi32, #tpu.memory_space<hbm>>
      %dma_start3A_237 = arith.constant 0 : i32
      %dma_start3A_238 = tpu.memref_slice %arg4[%run_scoped3A_63, %dma_start3A_237] : memref<12x128xi32, #tpu.memory_space<vmem>> -> memref<1x128xi32, #tpu.memory_space<vmem>>
      %dma_start3A_239 = tpu.memref_squeeze %dma_start3A_238 : memref<1x128xi32, #tpu.memory_space<vmem>> -> memref<128xi32, #tpu.memory_space<vmem>>
      %dma_start3A_240 = tpu.memref_slice %arg2[%add3A_62] : memref<49152xi32, #tpu.memory_space<hbm>> -> memref<128xi32, #tpu.memory_space<hbm>>
      tpu.enqueue_dma source(%dma_start3A_240 : memref<128xi32, #tpu.memory_space<hbm>>) target(%dma_start3A_239 : memref<128xi32, #tpu.memory_space<vmem>>) target_semaphore(%run_scoped3A_233 : memref<!tpu.dma_semaphore, #tpu.memory_space<semaphore_mem>>)
      %dma_wait3A = arith.constant 0 : i32
      %dma_wait3A_241 = tpu.memref_slice %arg4[%run_scoped3A_63, %dma_wait3A] : memref<12x128xi32, #tpu.memory_space<vmem>> -> memref<1x128xi32, #tpu.memory_space<vmem>>
      %dma_wait3A_242 = tpu.memref_squeeze %dma_wait3A_241 : memref<1x128xi32, #tpu.memory_space<vmem>> -> memref<128xi32, #tpu.memory_space<vmem>>
      %dma_wait3A_243 = tpu.memref_slice %arg2[%add3A_62] : memref<49152xi32, #tpu.memory_space<hbm>> -> memref<128xi32, #tpu.memory_space<hbm>>
      %dma_wait3A_244 = arith.constant 0 : i32
      %dma_wait3A_245 = tpu.memref_slice %arg4[%run_scoped3A_63, %dma_wait3A_244] : memref<12x128xi32, #tpu.memory_space<vmem>> -> memref<1x128xi32, #tpu.memory_space<vmem>>
      %dma_wait3A_246 = tpu.memref_squeeze %dma_wait3A_245 : memref<1x128xi32, #tpu.memory_space<vmem>> -> memref<128xi32, #tpu.memory_space<vmem>>
      %dma_wait3A_247 = tpu.memref_slice %arg2[%add3A_62] : memref<49152xi32, #tpu.memory_space<hbm>> -> memref<128xi32, #tpu.memory_space<hbm>>
      tpu.wait_dma2 semaphore(%run_scoped3A_233 : memref<!tpu.dma_semaphore, #tpu.memory_space<semaphore_mem>>) src(%dma_wait3A_247 : memref<128xi32, #tpu.memory_space<hbm>>) dst(%dma_wait3A_246 : memref<128xi32, #tpu.memory_space<vmem>>)
      tpu.yield
    }) : () -> ()
    %mul3A_64 = arith.constant 6 : i32
    %mul3A_65 = arith.muli %arg0, %mul3A_64 : i32
    %add3A_66 = arith.constant 2 : i32
    %add3A_67 = arith.addi %mul3A_65, %add3A_66 : i32
    %mul3A_68 = arith.constant 4096 : i32
    %mul3A_69 = arith.muli %add3A_67, %mul3A_68 : i32
    %add3A_70 = arith.constant 0 : i32
    %add3A_71 = arith.addi %arg1, %add3A_70 : i32
    %mul3A_72 = arith.constant 128 : i32
    %mul3A_73 = arith.muli %add3A_71, %mul3A_72 : i32
    %add3A_74 = arith.addi %mul3A_69, %mul3A_73 : i32
    %run_scoped3A_75 = arith.constant 4 : i32
    "tpu.region"() ({
      %run_scoped3A_233 = tpu.sem_alloc : memref<!tpu.dma_semaphore, #tpu.memory_space<semaphore_mem>>
      %dma_start3A = arith.constant 0 : i32
      %dma_start3A_234 = tpu.memref_slice %arg4[%run_scoped3A_75, %dma_start3A] : memref<12x128xi32, #tpu.memory_space<vmem>> -> memref<1x128xi32, #tpu.memory_space<vmem>>
      %dma_start3A_235 = tpu.memref_squeeze %dma_start3A_234 : memref<1x128xi32, #tpu.memory_space<vmem>> -> memref<128xi32, #tpu.memory_space<vmem>>
      %dma_start3A_236 = tpu.memref_slice %arg2[%add3A_74] : memref<49152xi32, #tpu.memory_space<hbm>> -> memref<128xi32, #tpu.memory_space<hbm>>
      %dma_start3A_237 = arith.constant 0 : i32
      %dma_start3A_238 = tpu.memref_slice %arg4[%run_scoped3A_75, %dma_start3A_237] : memref<12x128xi32, #tpu.memory_space<vmem>> -> memref<1x128xi32, #tpu.memory_space<vmem>>
      %dma_start3A_239 = tpu.memref_squeeze %dma_start3A_238 : memref<1x128xi32, #tpu.memory_space<vmem>> -> memref<128xi32, #tpu.memory_space<vmem>>
      %dma_start3A_240 = tpu.memref_slice %arg2[%add3A_74] : memref<49152xi32, #tpu.memory_space<hbm>> -> memref<128xi32, #tpu.memory_space<hbm>>
      tpu.enqueue_dma source(%dma_start3A_240 : memref<128xi32, #tpu.memory_space<hbm>>) target(%dma_start3A_239 : memref<128xi32, #tpu.memory_space<vmem>>) target_semaphore(%run_scoped3A_233 : memref<!tpu.dma_semaphore, #tpu.memory_space<semaphore_mem>>)
      %dma_wait3A = arith.constant 0 : i32
      %dma_wait3A_241 = tpu.memref_slice %arg4[%run_scoped3A_75, %dma_wait3A] : memref<12x128xi32, #tpu.memory_space<vmem>> -> memref<1x128xi32, #tpu.memory_space<vmem>>
      %dma_wait3A_242 = tpu.memref_squeeze %dma_wait3A_241 : memref<1x128xi32, #tpu.memory_space<vmem>> -> memref<128xi32, #tpu.memory_space<vmem>>
      %dma_wait3A_243 = tpu.memref_slice %arg2[%add3A_74] : memref<49152xi32, #tpu.memory_space<hbm>> -> memref<128xi32, #tpu.memory_space<hbm>>
      %dma_wait3A_244 = arith.constant 0 : i32
      %dma_wait3A_245 = tpu.memref_slice %arg4[%run_scoped3A_75, %dma_wait3A_244] : memref<12x128xi32, #tpu.memory_space<vmem>> -> memref<1x128xi32, #tpu.memory_space<vmem>>
      %dma_wait3A_246 = tpu.memref_squeeze %dma_wait3A_245 : memref<1x128xi32, #tpu.memory_space<vmem>> -> memref<128xi32, #tpu.memory_space<vmem>>
      %dma_wait3A_247 = tpu.memref_slice %arg2[%add3A_74] : memref<49152xi32, #tpu.memory_space<hbm>> -> memref<128xi32, #tpu.memory_space<hbm>>
      tpu.wait_dma2 semaphore(%run_scoped3A_233 : memref<!tpu.dma_semaphore, #tpu.memory_space<semaphore_mem>>) src(%dma_wait3A_247 : memref<128xi32, #tpu.memory_space<hbm>>) dst(%dma_wait3A_246 : memref<128xi32, #tpu.memory_space<vmem>>)
      tpu.yield
    }) : () -> ()
    %add3A_76 = arith.constant 16 : i32
    %add3A_77 = arith.addi %arg1, %add3A_76 : i32
    %mul3A_78 = arith.constant 128 : i32
    %mul3A_79 = arith.muli %add3A_77, %mul3A_78 : i32
    %add3A_80 = arith.addi %mul3A_69, %mul3A_79 : i32
    %run_scoped3A_81 = arith.constant 5 : i32
    "tpu.region"() ({
      %run_scoped3A_233 = tpu.sem_alloc : memref<!tpu.dma_semaphore, #tpu.memory_space<semaphore_mem>>
      %dma_start3A = arith.constant 0 : i32
      %dma_start3A_234 = tpu.memref_slice %arg4[%run_scoped3A_81, %dma_start3A] : memref<12x128xi32, #tpu.memory_space<vmem>> -> memref<1x128xi32, #tpu.memory_space<vmem>>
      %dma_start3A_235 = tpu.memref_squeeze %dma_start3A_234 : memref<1x128xi32, #tpu.memory_space<vmem>> -> memref<128xi32, #tpu.memory_space<vmem>>
      %dma_start3A_236 = tpu.memref_slice %arg2[%add3A_80] : memref<49152xi32, #tpu.memory_space<hbm>> -> memref<128xi32, #tpu.memory_space<hbm>>
      %dma_start3A_237 = arith.constant 0 : i32
      %dma_start3A_238 = tpu.memref_slice %arg4[%run_scoped3A_81, %dma_start3A_237] : memref<12x128xi32, #tpu.memory_space<vmem>> -> memref<1x128xi32, #tpu.memory_space<vmem>>
      %dma_start3A_239 = tpu.memref_squeeze %dma_start3A_238 : memref<1x128xi32, #tpu.memory_space<vmem>> -> memref<128xi32, #tpu.memory_space<vmem>>
      %dma_start3A_240 = tpu.memref_slice %arg2[%add3A_80] : memref<49152xi32, #tpu.memory_space<hbm>> -> memref<128xi32, #tpu.memory_space<hbm>>
      tpu.enqueue_dma source(%dma_start3A_240 : memref<128xi32, #tpu.memory_space<hbm>>) target(%dma_start3A_239 : memref<128xi32, #tpu.memory_space<vmem>>) target_semaphore(%run_scoped3A_233 : memref<!tpu.dma_semaphore, #tpu.memory_space<semaphore_mem>>)
      %dma_wait3A = arith.constant 0 : i32
      %dma_wait3A_241 = tpu.memref_slice %arg4[%run_scoped3A_81, %dma_wait3A] : memref<12x128xi32, #tpu.memory_space<vmem>> -> memref<1x128xi32, #tpu.memory_space<vmem>>
      %dma_wait3A_242 = tpu.memref_squeeze %dma_wait3A_241 : memref<1x128xi32, #tpu.memory_space<vmem>> -> memref<128xi32, #tpu.memory_space<vmem>>
      %dma_wait3A_243 = tpu.memref_slice %arg2[%add3A_80] : memref<49152xi32, #tpu.memory_space<hbm>> -> memref<128xi32, #tpu.memory_space<hbm>>
      %dma_wait3A_244 = arith.constant 0 : i32
      %dma_wait3A_245 = tpu.memref_slice %arg4[%run_scoped3A_81, %dma_wait3A_244] : memref<12x128xi32, #tpu.memory_space<vmem>> -> memref<1x128xi32, #tpu.memory_space<vmem>>
      %dma_wait3A_246 = tpu.memref_squeeze %dma_wait3A_245 : memref<1x128xi32, #tpu.memory_space<vmem>> -> memref<128xi32, #tpu.memory_space<vmem>>
      %dma_wait3A_247 = tpu.memref_slice %arg2[%add3A_80] : memref<49152xi32, #tpu.memory_space<hbm>> -> memref<128xi32, #tpu.memory_space<hbm>>
      tpu.wait_dma2 semaphore(%run_scoped3A_233 : memref<!tpu.dma_semaphore, #tpu.memory_space<semaphore_mem>>) src(%dma_wait3A_247 : memref<128xi32, #tpu.memory_space<hbm>>) dst(%dma_wait3A_246 : memref<128xi32, #tpu.memory_space<vmem>>)
      tpu.yield
    }) : () -> ()
    %mul3A_82 = arith.constant 6 : i32
    %mul3A_83 = arith.muli %arg0, %mul3A_82 : i32
    %add3A_84 = arith.constant 3 : i32
    %add3A_85 = arith.addi %mul3A_83, %add3A_84 : i32
    %mul3A_86 = arith.constant 4096 : i32
    %mul3A_87 = arith.muli %add3A_85, %mul3A_86 : i32
    %add3A_88 = arith.constant 0 : i32
    %add3A_89 = arith.addi %arg1, %add3A_88 : i32
    %mul3A_90 = arith.constant 128 : i32
    %mul3A_91 = arith.muli %add3A_89, %mul3A_90 : i32
    %add3A_92 = arith.addi %mul3A_87, %mul3A_91 : i32
    %run_scoped3A_93 = arith.constant 6 : i32
    "tpu.region"() ({
      %run_scoped3A_233 = tpu.sem_alloc : memref<!tpu.dma_semaphore, #tpu.memory_space<semaphore_mem>>
      %dma_start3A = arith.constant 0 : i32
      %dma_start3A_234 = tpu.memref_slice %arg4[%run_scoped3A_93, %dma_start3A] : memref<12x128xi32, #tpu.memory_space<vmem>> -> memref<1x128xi32, #tpu.memory_space<vmem>>
      %dma_start3A_235 = tpu.memref_squeeze %dma_start3A_234 : memref<1x128xi32, #tpu.memory_space<vmem>> -> memref<128xi32, #tpu.memory_space<vmem>>
      %dma_start3A_236 = tpu.memref_slice %arg2[%add3A_92] : memref<49152xi32, #tpu.memory_space<hbm>> -> memref<128xi32, #tpu.memory_space<hbm>>
      %dma_start3A_237 = arith.constant 0 : i32
      %dma_start3A_238 = tpu.memref_slice %arg4[%run_scoped3A_93, %dma_start3A_237] : memref<12x128xi32, #tpu.memory_space<vmem>> -> memref<1x128xi32, #tpu.memory_space<vmem>>
      %dma_start3A_239 = tpu.memref_squeeze %dma_start3A_238 : memref<1x128xi32, #tpu.memory_space<vmem>> -> memref<128xi32, #tpu.memory_space<vmem>>
      %dma_start3A_240 = tpu.memref_slice %arg2[%add3A_92] : memref<49152xi32, #tpu.memory_space<hbm>> -> memref<128xi32, #tpu.memory_space<hbm>>
      tpu.enqueue_dma source(%dma_start3A_240 : memref<128xi32, #tpu.memory_space<hbm>>) target(%dma_start3A_239 : memref<128xi32, #tpu.memory_space<vmem>>) target_semaphore(%run_scoped3A_233 : memref<!tpu.dma_semaphore, #tpu.memory_space<semaphore_mem>>)
      %dma_wait3A = arith.constant 0 : i32
      %dma_wait3A_241 = tpu.memref_slice %arg4[%run_scoped3A_93, %dma_wait3A] : memref<12x128xi32, #tpu.memory_space<vmem>> -> memref<1x128xi32, #tpu.memory_space<vmem>>
      %dma_wait3A_242 = tpu.memref_squeeze %dma_wait3A_241 : memref<1x128xi32, #tpu.memory_space<vmem>> -> memref<128xi32, #tpu.memory_space<vmem>>
      %dma_wait3A_243 = tpu.memref_slice %arg2[%add3A_92] : memref<49152xi32, #tpu.memory_space<hbm>> -> memref<128xi32, #tpu.memory_space<hbm>>
      %dma_wait3A_244 = arith.constant 0 : i32
      %dma_wait3A_245 = tpu.memref_slice %arg4[%run_scoped3A_93, %dma_wait3A_244] : memref<12x128xi32, #tpu.memory_space<vmem>> -> memref<1x128xi32, #tpu.memory_space<vmem>>
      %dma_wait3A_246 = tpu.memref_squeeze %dma_wait3A_245 : memref<1x128xi32, #tpu.memory_space<vmem>> -> memref<128xi32, #tpu.memory_space<vmem>>
      %dma_wait3A_247 = tpu.memref_slice %arg2[%add3A_92] : memref<49152xi32, #tpu.memory_space<hbm>> -> memref<128xi32, #tpu.memory_space<hbm>>
      tpu.wait_dma2 semaphore(%run_scoped3A_233 : memref<!tpu.dma_semaphore, #tpu.memory_space<semaphore_mem>>) src(%dma_wait3A_247 : memref<128xi32, #tpu.memory_space<hbm>>) dst(%dma_wait3A_246 : memref<128xi32, #tpu.memory_space<vmem>>)
      tpu.yield
    }) : () -> ()
    %add3A_94 = arith.constant 16 : i32
    %add3A_95 = arith.addi %arg1, %add3A_94 : i32
    %mul3A_96 = arith.constant 128 : i32
    %mul3A_97 = arith.muli %add3A_95, %mul3A_96 : i32
    %add3A_98 = arith.addi %mul3A_87, %mul3A_97 : i32
    %run_scoped3A_99 = arith.constant 7 : i32
    "tpu.region"() ({
      %run_scoped3A_233 = tpu.sem_alloc : memref<!tpu.dma_semaphore, #tpu.memory_space<semaphore_mem>>
      %dma_start3A = arith.constant 0 : i32
      %dma_start3A_234 = tpu.memref_slice %arg4[%run_scoped3A_99, %dma_start3A] : memref<12x128xi32, #tpu.memory_space<vmem>> -> memref<1x128xi32, #tpu.memory_space<vmem>>
      %dma_start3A_235 = tpu.memref_squeeze %dma_start3A_234 : memref<1x128xi32, #tpu.memory_space<vmem>> -> memref<128xi32, #tpu.memory_space<vmem>>
      %dma_start3A_236 = tpu.memref_slice %arg2[%add3A_98] : memref<49152xi32, #tpu.memory_space<hbm>> -> memref<128xi32, #tpu.memory_space<hbm>>
      %dma_start3A_237 = arith.constant 0 : i32
      %dma_start3A_238 = tpu.memref_slice %arg4[%run_scoped3A_99, %dma_start3A_237] : memref<12x128xi32, #tpu.memory_space<vmem>> -> memref<1x128xi32, #tpu.memory_space<vmem>>
      %dma_start3A_239 = tpu.memref_squeeze %dma_start3A_238 : memref<1x128xi32, #tpu.memory_space<vmem>> -> memref<128xi32, #tpu.memory_space<vmem>>
      %dma_start3A_240 = tpu.memref_slice %arg2[%add3A_98] : memref<49152xi32, #tpu.memory_space<hbm>> -> memref<128xi32, #tpu.memory_space<hbm>>
      tpu.enqueue_dma source(%dma_start3A_240 : memref<128xi32, #tpu.memory_space<hbm>>) target(%dma_start3A_239 : memref<128xi32, #tpu.memory_space<vmem>>) target_semaphore(%run_scoped3A_233 : memref<!tpu.dma_semaphore, #tpu.memory_space<semaphore_mem>>)
      %dma_wait3A = arith.constant 0 : i32
      %dma_wait3A_241 = tpu.memref_slice %arg4[%run_scoped3A_99, %dma_wait3A] : memref<12x128xi32, #tpu.memory_space<vmem>> -> memref<1x128xi32, #tpu.memory_space<vmem>>
      %dma_wait3A_242 = tpu.memref_squeeze %dma_wait3A_241 : memref<1x128xi32, #tpu.memory_space<vmem>> -> memref<128xi32, #tpu.memory_space<vmem>>
      %dma_wait3A_243 = tpu.memref_slice %arg2[%add3A_98] : memref<49152xi32, #tpu.memory_space<hbm>> -> memref<128xi32, #tpu.memory_space<hbm>>
      %dma_wait3A_244 = arith.constant 0 : i32
      %dma_wait3A_245 = tpu.memref_slice %arg4[%run_scoped3A_99, %dma_wait3A_244] : memref<12x128xi32, #tpu.memory_space<vmem>> -> memref<1x128xi32, #tpu.memory_space<vmem>>
      %dma_wait3A_246 = tpu.memref_squeeze %dma_wait3A_245 : memref<1x128xi32, #tpu.memory_space<vmem>> -> memref<128xi32, #tpu.memory_space<vmem>>
      %dma_wait3A_247 = tpu.memref_slice %arg2[%add3A_98] : memref<49152xi32, #tpu.memory_space<hbm>> -> memref<128xi32, #tpu.memory_space<hbm>>
      tpu.wait_dma2 semaphore(%run_scoped3A_233 : memref<!tpu.dma_semaphore, #tpu.memory_space<semaphore_mem>>) src(%dma_wait3A_247 : memref<128xi32, #tpu.memory_space<hbm>>) dst(%dma_wait3A_246 : memref<128xi32, #tpu.memory_space<vmem>>)
      tpu.yield
    }) : () -> ()
    %mul3A_100 = arith.constant 6 : i32
    %mul3A_101 = arith.muli %arg0, %mul3A_100 : i32
    %add3A_102 = arith.constant 4 : i32
    %add3A_103 = arith.addi %mul3A_101, %add3A_102 : i32
    %mul3A_104 = arith.constant 4096 : i32
    %mul3A_105 = arith.muli %add3A_103, %mul3A_104 : i32
    %add3A_106 = arith.constant 0 : i32
    %add3A_107 = arith.addi %arg1, %add3A_106 : i32
    %mul3A_108 = arith.constant 128 : i32
    %mul3A_109 = arith.muli %add3A_107, %mul3A_108 : i32
    %add3A_110 = arith.addi %mul3A_105, %mul3A_109 : i32
    %run_scoped3A_111 = arith.constant 8 : i32
    "tpu.region"() ({
      %run_scoped3A_233 = tpu.sem_alloc : memref<!tpu.dma_semaphore, #tpu.memory_space<semaphore_mem>>
      %dma_start3A = arith.constant 0 : i32
      %dma_start3A_234 = tpu.memref_slice %arg4[%run_scoped3A_111, %dma_start3A] : memref<12x128xi32, #tpu.memory_space<vmem>> -> memref<1x128xi32, #tpu.memory_space<vmem>>
      %dma_start3A_235 = tpu.memref_squeeze %dma_start3A_234 : memref<1x128xi32, #tpu.memory_space<vmem>> -> memref<128xi32, #tpu.memory_space<vmem>>
      %dma_start3A_236 = tpu.memref_slice %arg2[%add3A_110] : memref<49152xi32, #tpu.memory_space<hbm>> -> memref<128xi32, #tpu.memory_space<hbm>>
      %dma_start3A_237 = arith.constant 0 : i32
      %dma_start3A_238 = tpu.memref_slice %arg4[%run_scoped3A_111, %dma_start3A_237] : memref<12x128xi32, #tpu.memory_space<vmem>> -> memref<1x128xi32, #tpu.memory_space<vmem>>
      %dma_start3A_239 = tpu.memref_squeeze %dma_start3A_238 : memref<1x128xi32, #tpu.memory_space<vmem>> -> memref<128xi32, #tpu.memory_space<vmem>>
      %dma_start3A_240 = tpu.memref_slice %arg2[%add3A_110] : memref<49152xi32, #tpu.memory_space<hbm>> -> memref<128xi32, #tpu.memory_space<hbm>>
      tpu.enqueue_dma source(%dma_start3A_240 : memref<128xi32, #tpu.memory_space<hbm>>) target(%dma_start3A_239 : memref<128xi32, #tpu.memory_space<vmem>>) target_semaphore(%run_scoped3A_233 : memref<!tpu.dma_semaphore, #tpu.memory_space<semaphore_mem>>)
      %dma_wait3A = arith.constant 0 : i32
      %dma_wait3A_241 = tpu.memref_slice %arg4[%run_scoped3A_111, %dma_wait3A] : memref<12x128xi32, #tpu.memory_space<vmem>> -> memref<1x128xi32, #tpu.memory_space<vmem>>
      %dma_wait3A_242 = tpu.memref_squeeze %dma_wait3A_241 : memref<1x128xi32, #tpu.memory_space<vmem>> -> memref<128xi32, #tpu.memory_space<vmem>>
      %dma_wait3A_243 = tpu.memref_slice %arg2[%add3A_110] : memref<49152xi32, #tpu.memory_space<hbm>> -> memref<128xi32, #tpu.memory_space<hbm>>
      %dma_wait3A_244 = arith.constant 0 : i32
      %dma_wait3A_245 = tpu.memref_slice %arg4[%run_scoped3A_111, %dma_wait3A_244] : memref<12x128xi32, #tpu.memory_space<vmem>> -> memref<1x128xi32, #tpu.memory_space<vmem>>
      %dma_wait3A_246 = tpu.memref_squeeze %dma_wait3A_245 : memref<1x128xi32, #tpu.memory_space<vmem>> -> memref<128xi32, #tpu.memory_space<vmem>>
      %dma_wait3A_247 = tpu.memref_slice %arg2[%add3A_110] : memref<49152xi32, #tpu.memory_space<hbm>> -> memref<128xi32, #tpu.memory_space<hbm>>
      tpu.wait_dma2 semaphore(%run_scoped3A_233 : memref<!tpu.dma_semaphore, #tpu.memory_space<semaphore_mem>>) src(%dma_wait3A_247 : memref<128xi32, #tpu.memory_space<hbm>>) dst(%dma_wait3A_246 : memref<128xi32, #tpu.memory_space<vmem>>)
      tpu.yield
    }) : () -> ()
    %add3A_112 = arith.constant 16 : i32
    %add3A_113 = arith.addi %arg1, %add3A_112 : i32
    %mul3A_114 = arith.constant 128 : i32
    %mul3A_115 = arith.muli %add3A_113, %mul3A_114 : i32
    %add3A_116 = arith.addi %mul3A_105, %mul3A_115 : i32
    %run_scoped3A_117 = arith.constant 9 : i32
    "tpu.region"() ({
      %run_scoped3A_233 = tpu.sem_alloc : memref<!tpu.dma_semaphore, #tpu.memory_space<semaphore_mem>>
      %dma_start3A = arith.constant 0 : i32
      %dma_start3A_234 = tpu.memref_slice %arg4[%run_scoped3A_117, %dma_start3A] : memref<12x128xi32, #tpu.memory_space<vmem>> -> memref<1x128xi32, #tpu.memory_space<vmem>>
      %dma_start3A_235 = tpu.memref_squeeze %dma_start3A_234 : memref<1x128xi32, #tpu.memory_space<vmem>> -> memref<128xi32, #tpu.memory_space<vmem>>
      %dma_start3A_236 = tpu.memref_slice %arg2[%add3A_116] : memref<49152xi32, #tpu.memory_space<hbm>> -> memref<128xi32, #tpu.memory_space<hbm>>
      %dma_start3A_237 = arith.constant 0 : i32
      %dma_start3A_238 = tpu.memref_slice %arg4[%run_scoped3A_117, %dma_start3A_237] : memref<12x128xi32, #tpu.memory_space<vmem>> -> memref<1x128xi32, #tpu.memory_space<vmem>>
      %dma_start3A_239 = tpu.memref_squeeze %dma_start3A_238 : memref<1x128xi32, #tpu.memory_space<vmem>> -> memref<128xi32, #tpu.memory_space<vmem>>
      %dma_start3A_240 = tpu.memref_slice %arg2[%add3A_116] : memref<49152xi32, #tpu.memory_space<hbm>> -> memref<128xi32, #tpu.memory_space<hbm>>
      tpu.enqueue_dma source(%dma_start3A_240 : memref<128xi32, #tpu.memory_space<hbm>>) target(%dma_start3A_239 : memref<128xi32, #tpu.memory_space<vmem>>) target_semaphore(%run_scoped3A_233 : memref<!tpu.dma_semaphore, #tpu.memory_space<semaphore_mem>>)
      %dma_wait3A = arith.constant 0 : i32
      %dma_wait3A_241 = tpu.memref_slice %arg4[%run_scoped3A_117, %dma_wait3A] : memref<12x128xi32, #tpu.memory_space<vmem>> -> memref<1x128xi32, #tpu.memory_space<vmem>>
      %dma_wait3A_242 = tpu.memref_squeeze %dma_wait3A_241 : memref<1x128xi32, #tpu.memory_space<vmem>> -> memref<128xi32, #tpu.memory_space<vmem>>
      %dma_wait3A_243 = tpu.memref_slice %arg2[%add3A_116] : memref<49152xi32, #tpu.memory_space<hbm>> -> memref<128xi32, #tpu.memory_space<hbm>>
      %dma_wait3A_244 = arith.constant 0 : i32
      %dma_wait3A_245 = tpu.memref_slice %arg4[%run_scoped3A_117, %dma_wait3A_244] : memref<12x128xi32, #tpu.memory_space<vmem>> -> memref<1x128xi32, #tpu.memory_space<vmem>>
      %dma_wait3A_246 = tpu.memref_squeeze %dma_wait3A_245 : memref<1x128xi32, #tpu.memory_space<vmem>> -> memref<128xi32, #tpu.memory_space<vmem>>
      %dma_wait3A_247 = tpu.memref_slice %arg2[%add3A_116] : memref<49152xi32, #tpu.memory_space<hbm>> -> memref<128xi32, #tpu.memory_space<hbm>>
      tpu.wait_dma2 semaphore(%run_scoped3A_233 : memref<!tpu.dma_semaphore, #tpu.memory_space<semaphore_mem>>) src(%dma_wait3A_247 : memref<128xi32, #tpu.memory_space<hbm>>) dst(%dma_wait3A_246 : memref<128xi32, #tpu.memory_space<vmem>>)
      tpu.yield
    }) : () -> ()
    %mul3A_118 = arith.constant 6 : i32
    %mul3A_119 = arith.muli %arg0, %mul3A_118 : i32
    %add3A_120 = arith.constant 5 : i32
    %add3A_121 = arith.addi %mul3A_119, %add3A_120 : i32
    %mul3A_122 = arith.constant 4096 : i32
    %mul3A_123 = arith.muli %add3A_121, %mul3A_122 : i32
    %add3A_124 = arith.constant 0 : i32
    %add3A_125 = arith.addi %arg1, %add3A_124 : i32
    %mul3A_126 = arith.constant 128 : i32
    %mul3A_127 = arith.muli %add3A_125, %mul3A_126 : i32
    %add3A_128 = arith.addi %mul3A_123, %mul3A_127 : i32
    %run_scoped3A_129 = arith.constant 10 : i32
    "tpu.region"() ({
      %run_scoped3A_233 = tpu.sem_alloc : memref<!tpu.dma_semaphore, #tpu.memory_space<semaphore_mem>>
      %dma_start3A = arith.constant 0 : i32
      %dma_start3A_234 = tpu.memref_slice %arg4[%run_scoped3A_129, %dma_start3A] : memref<12x128xi32, #tpu.memory_space<vmem>> -> memref<1x128xi32, #tpu.memory_space<vmem>>
      %dma_start3A_235 = tpu.memref_squeeze %dma_start3A_234 : memref<1x128xi32, #tpu.memory_space<vmem>> -> memref<128xi32, #tpu.memory_space<vmem>>
      %dma_start3A_236 = tpu.memref_slice %arg2[%add3A_128] : memref<49152xi32, #tpu.memory_space<hbm>> -> memref<128xi32, #tpu.memory_space<hbm>>
      %dma_start3A_237 = arith.constant 0 : i32
      %dma_start3A_238 = tpu.memref_slice %arg4[%run_scoped3A_129, %dma_start3A_237] : memref<12x128xi32, #tpu.memory_space<vmem>> -> memref<1x128xi32, #tpu.memory_space<vmem>>
      %dma_start3A_239 = tpu.memref_squeeze %dma_start3A_238 : memref<1x128xi32, #tpu.memory_space<vmem>> -> memref<128xi32, #tpu.memory_space<vmem>>
      %dma_start3A_240 = tpu.memref_slice %arg2[%add3A_128] : memref<49152xi32, #tpu.memory_space<hbm>> -> memref<128xi32, #tpu.memory_space<hbm>>
      tpu.enqueue_dma source(%dma_start3A_240 : memref<128xi32, #tpu.memory_space<hbm>>) target(%dma_start3A_239 : memref<128xi32, #tpu.memory_space<vmem>>) target_semaphore(%run_scoped3A_233 : memref<!tpu.dma_semaphore, #tpu.memory_space<semaphore_mem>>)
      %dma_wait3A = arith.constant 0 : i32
      %dma_wait3A_241 = tpu.memref_slice %arg4[%run_scoped3A_129, %dma_wait3A] : memref<12x128xi32, #tpu.memory_space<vmem>> -> memref<1x128xi32, #tpu.memory_space<vmem>>
      %dma_wait3A_242 = tpu.memref_squeeze %dma_wait3A_241 : memref<1x128xi32, #tpu.memory_space<vmem>> -> memref<128xi32, #tpu.memory_space<vmem>>
      %dma_wait3A_243 = tpu.memref_slice %arg2[%add3A_128] : memref<49152xi32, #tpu.memory_space<hbm>> -> memref<128xi32, #tpu.memory_space<hbm>>
      %dma_wait3A_244 = arith.constant 0 : i32
      %dma_wait3A_245 = tpu.memref_slice %arg4[%run_scoped3A_129, %dma_wait3A_244] : memref<12x128xi32, #tpu.memory_space<vmem>> -> memref<1x128xi32, #tpu.memory_space<vmem>>
      %dma_wait3A_246 = tpu.memref_squeeze %dma_wait3A_245 : memref<1x128xi32, #tpu.memory_space<vmem>> -> memref<128xi32, #tpu.memory_space<vmem>>
      %dma_wait3A_247 = tpu.memref_slice %arg2[%add3A_128] : memref<49152xi32, #tpu.memory_space<hbm>> -> memref<128xi32, #tpu.memory_space<hbm>>
      tpu.wait_dma2 semaphore(%run_scoped3A_233 : memref<!tpu.dma_semaphore, #tpu.memory_space<semaphore_mem>>) src(%dma_wait3A_247 : memref<128xi32, #tpu.memory_space<hbm>>) dst(%dma_wait3A_246 : memref<128xi32, #tpu.memory_space<vmem>>)
      tpu.yield
    }) : () -> ()
    %add3A_130 = arith.constant 16 : i32
    %add3A_131 = arith.addi %arg1, %add3A_130 : i32
    %mul3A_132 = arith.constant 128 : i32
    %mul3A_133 = arith.muli %add3A_131, %mul3A_132 : i32
    %add3A_134 = arith.addi %mul3A_123, %mul3A_133 : i32
    %run_scoped3A_135 = arith.constant 11 : i32
    "tpu.region"() ({
      %run_scoped3A_233 = tpu.sem_alloc : memref<!tpu.dma_semaphore, #tpu.memory_space<semaphore_mem>>
      %dma_start3A = arith.constant 0 : i32
      %dma_start3A_234 = tpu.memref_slice %arg4[%run_scoped3A_135, %dma_start3A] : memref<12x128xi32, #tpu.memory_space<vmem>> -> memref<1x128xi32, #tpu.memory_space<vmem>>
      %dma_start3A_235 = tpu.memref_squeeze %dma_start3A_234 : memref<1x128xi32, #tpu.memory_space<vmem>> -> memref<128xi32, #tpu.memory_space<vmem>>
      %dma_start3A_236 = tpu.memref_slice %arg2[%add3A_134] : memref<49152xi32, #tpu.memory_space<hbm>> -> memref<128xi32, #tpu.memory_space<hbm>>
      %dma_start3A_237 = arith.constant 0 : i32
      %dma_start3A_238 = tpu.memref_slice %arg4[%run_scoped3A_135, %dma_start3A_237] : memref<12x128xi32, #tpu.memory_space<vmem>> -> memref<1x128xi32, #tpu.memory_space<vmem>>
      %dma_start3A_239 = tpu.memref_squeeze %dma_start3A_238 : memref<1x128xi32, #tpu.memory_space<vmem>> -> memref<128xi32, #tpu.memory_space<vmem>>
      %dma_start3A_240 = tpu.memref_slice %arg2[%add3A_134] : memref<49152xi32, #tpu.memory_space<hbm>> -> memref<128xi32, #tpu.memory_space<hbm>>
      tpu.enqueue_dma source(%dma_start3A_240 : memref<128xi32, #tpu.memory_space<hbm>>) target(%dma_start3A_239 : memref<128xi32, #tpu.memory_space<vmem>>) target_semaphore(%run_scoped3A_233 : memref<!tpu.dma_semaphore, #tpu.memory_space<semaphore_mem>>)
      %dma_wait3A = arith.constant 0 : i32
      %dma_wait3A_241 = tpu.memref_slice %arg4[%run_scoped3A_135, %dma_wait3A] : memref<12x128xi32, #tpu.memory_space<vmem>> -> memref<1x128xi32, #tpu.memory_space<vmem>>
      %dma_wait3A_242 = tpu.memref_squeeze %dma_wait3A_241 : memref<1x128xi32, #tpu.memory_space<vmem>> -> memref<128xi32, #tpu.memory_space<vmem>>
      %dma_wait3A_243 = tpu.memref_slice %arg2[%add3A_134] : memref<49152xi32, #tpu.memory_space<hbm>> -> memref<128xi32, #tpu.memory_space<hbm>>
      %dma_wait3A_244 = arith.constant 0 : i32
      %dma_wait3A_245 = tpu.memref_slice %arg4[%run_scoped3A_135, %dma_wait3A_244] : memref<12x128xi32, #tpu.memory_space<vmem>> -> memref<1x128xi32, #tpu.memory_space<vmem>>
      %dma_wait3A_246 = tpu.memref_squeeze %dma_wait3A_245 : memref<1x128xi32, #tpu.memory_space<vmem>> -> memref<128xi32, #tpu.memory_space<vmem>>
      %dma_wait3A_247 = tpu.memref_slice %arg2[%add3A_134] : memref<49152xi32, #tpu.memory_space<hbm>> -> memref<128xi32, #tpu.memory_space<hbm>>
      tpu.wait_dma2 semaphore(%run_scoped3A_233 : memref<!tpu.dma_semaphore, #tpu.memory_space<semaphore_mem>>) src(%dma_wait3A_247 : memref<128xi32, #tpu.memory_space<hbm>>) dst(%dma_wait3A_246 : memref<128xi32, #tpu.memory_space<vmem>>)
      tpu.yield
    }) : () -> ()
    %barrier3A = arith.constant 0 : index
    tpu.barrier barrier_id(%barrier3A)
    %run_scoped3A_136 = arith.constant 0 : i32
    %run_scoped3A_137 = arith.constant 0 : i32
    "tpu.region"() ({
      %run_scoped3A_233 = tpu.sem_alloc : memref<!tpu.dma_semaphore, #tpu.memory_space<semaphore_mem>>
      %dma_start3A = arith.constant 0 : i32
      %dma_start3A_234 = tpu.memref_slice %arg4[%run_scoped3A_137, %dma_start3A] : memref<12x128xi32, #tpu.memory_space<vmem>> -> memref<1x128xi32, #tpu.memory_space<vmem>>
      %dma_start3A_235 = tpu.memref_squeeze %dma_start3A_234 : memref<1x128xi32, #tpu.memory_space<vmem>> -> memref<128xi32, #tpu.memory_space<vmem>>
      %dma_start3A_236 = arith.constant 0 : i32
      %dma_start3A_237 = tpu.memref_slice %arg7[%run_scoped3A_136, %dma_start3A_236] : memref<6x102400xf32, #tpu.memory_space<vmem_shared>> -> memref<1x102400xf32, #tpu.memory_space<vmem_shared>>
      %dma_start3A_238 = tpu.memref_squeeze %dma_start3A_237 : memref<1x102400xf32, #tpu.memory_space<vmem_shared>> -> memref<102400xf32, #tpu.memory_space<vmem_shared>>
      %dma_start3A_239 = arith.constant 0 : i32
      %dma_start3A_240 = tpu.memref_slice %dma_start3A_238[%dma_start3A_239] : memref<102400xf32, #tpu.memory_space<vmem_shared>> -> memref<102400xf32, #tpu.memory_space<vmem_shared>>
      tpu.enqueue_indirect_dma source(%arg5 : memref<128xf32, #tpu.memory_space<vmem>>) target(%dma_start3A_240 : memref<102400xf32, #tpu.memory_space<vmem_shared>>) offsets(%dma_start3A_235 : memref<128xi32, #tpu.memory_space<vmem>>) semaphore(%run_scoped3A_233 : memref<!tpu.dma_semaphore, #tpu.memory_space<semaphore_mem>>) {add = true}
      %dma_wait3A = arith.constant 0 : i32
      %dma_wait3A_241 = tpu.memref_slice %arg4[%run_scoped3A_137, %dma_wait3A] : memref<12x128xi32, #tpu.memory_space<vmem>> -> memref<1x128xi32, #tpu.memory_space<vmem>>
      %dma_wait3A_242 = tpu.memref_squeeze %dma_wait3A_241 : memref<1x128xi32, #tpu.memory_space<vmem>> -> memref<128xi32, #tpu.memory_space<vmem>>
      %dma_wait3A_243 = arith.constant 0 : i32
      %dma_wait3A_244 = tpu.memref_slice %arg7[%run_scoped3A_136, %dma_wait3A_243] : memref<6x102400xf32, #tpu.memory_space<vmem_shared>> -> memref<1x102400xf32, #tpu.memory_space<vmem_shared>>
      %dma_wait3A_245 = tpu.memref_squeeze %dma_wait3A_244 : memref<1x102400xf32, #tpu.memory_space<vmem_shared>> -> memref<102400xf32, #tpu.memory_space<vmem_shared>>
      %dma_wait3A_246 = arith.constant 0 : i32
      %dma_wait3A_247 = tpu.memref_slice %dma_wait3A_245[%dma_wait3A_246] : memref<102400xf32, #tpu.memory_space<vmem_shared>> -> memref<102400xf32, #tpu.memory_space<vmem_shared>>
      tpu.wait_indirect_dma semaphore(%run_scoped3A_233 : memref<!tpu.dma_semaphore, #tpu.memory_space<semaphore_mem>>) src(%arg5 : memref<128xf32, #tpu.memory_space<vmem>>) dst(%dma_wait3A_247 : memref<102400xf32, #tpu.memory_space<vmem_shared>>)
      tpu.yield
    }) : () -> ()
    %run_scoped3A_138 = arith.constant 0 : i32
    %run_scoped3A_139 = arith.constant 1 : i32
    "tpu.region"() ({
      %run_scoped3A_233 = tpu.sem_alloc : memref<!tpu.dma_semaphore, #tpu.memory_space<semaphore_mem>>
      %dma_start3A = arith.constant 0 : i32
      %dma_start3A_234 = tpu.memref_slice %arg4[%run_scoped3A_139, %dma_start3A] : memref<12x128xi32, #tpu.memory_space<vmem>> -> memref<1x128xi32, #tpu.memory_space<vmem>>
      %dma_start3A_235 = tpu.memref_squeeze %dma_start3A_234 : memref<1x128xi32, #tpu.memory_space<vmem>> -> memref<128xi32, #tpu.memory_space<vmem>>
      %dma_start3A_236 = arith.constant 0 : i32
      %dma_start3A_237 = tpu.memref_slice %arg7[%run_scoped3A_138, %dma_start3A_236] : memref<6x102400xf32, #tpu.memory_space<vmem_shared>> -> memref<1x102400xf32, #tpu.memory_space<vmem_shared>>
      %dma_start3A_238 = tpu.memref_squeeze %dma_start3A_237 : memref<1x102400xf32, #tpu.memory_space<vmem_shared>> -> memref<102400xf32, #tpu.memory_space<vmem_shared>>
      %dma_start3A_239 = arith.constant 0 : i32
      %dma_start3A_240 = tpu.memref_slice %dma_start3A_238[%dma_start3A_239] : memref<102400xf32, #tpu.memory_space<vmem_shared>> -> memref<102400xf32, #tpu.memory_space<vmem_shared>>
      tpu.enqueue_indirect_dma source(%arg5 : memref<128xf32, #tpu.memory_space<vmem>>) target(%dma_start3A_240 : memref<102400xf32, #tpu.memory_space<vmem_shared>>) offsets(%dma_start3A_235 : memref<128xi32, #tpu.memory_space<vmem>>) semaphore(%run_scoped3A_233 : memref<!tpu.dma_semaphore, #tpu.memory_space<semaphore_mem>>) {add = true}
      %dma_wait3A = arith.constant 0 : i32
      %dma_wait3A_241 = tpu.memref_slice %arg4[%run_scoped3A_139, %dma_wait3A] : memref<12x128xi32, #tpu.memory_space<vmem>> -> memref<1x128xi32, #tpu.memory_space<vmem>>
      %dma_wait3A_242 = tpu.memref_squeeze %dma_wait3A_241 : memref<1x128xi32, #tpu.memory_space<vmem>> -> memref<128xi32, #tpu.memory_space<vmem>>
      %dma_wait3A_243 = arith.constant 0 : i32
      %dma_wait3A_244 = tpu.memref_slice %arg7[%run_scoped3A_138, %dma_wait3A_243] : memref<6x102400xf32, #tpu.memory_space<vmem_shared>> -> memref<1x102400xf32, #tpu.memory_space<vmem_shared>>
      %dma_wait3A_245 = tpu.memref_squeeze %dma_wait3A_244 : memref<1x102400xf32, #tpu.memory_space<vmem_shared>> -> memref<102400xf32, #tpu.memory_space<vmem_shared>>
      %dma_wait3A_246 = arith.constant 0 : i32
      %dma_wait3A_247 = tpu.memref_slice %dma_wait3A_245[%dma_wait3A_246] : memref<102400xf32, #tpu.memory_space<vmem_shared>> -> memref<102400xf32, #tpu.memory_space<vmem_shared>>
      tpu.wait_indirect_dma semaphore(%run_scoped3A_233 : memref<!tpu.dma_semaphore, #tpu.memory_space<semaphore_mem>>) src(%arg5 : memref<128xf32, #tpu.memory_space<vmem>>) dst(%dma_wait3A_247 : memref<102400xf32, #tpu.memory_space<vmem_shared>>)
      tpu.yield
    }) : () -> ()
    %run_scoped3A_140 = arith.constant 1 : i32
    %run_scoped3A_141 = arith.constant 2 : i32
    "tpu.region"() ({
      %run_scoped3A_233 = tpu.sem_alloc : memref<!tpu.dma_semaphore, #tpu.memory_space<semaphore_mem>>
      %dma_start3A = arith.constant 0 : i32
      %dma_start3A_234 = tpu.memref_slice %arg4[%run_scoped3A_141, %dma_start3A] : memref<12x128xi32, #tpu.memory_space<vmem>> -> memref<1x128xi32, #tpu.memory_space<vmem>>
      %dma_start3A_235 = tpu.memref_squeeze %dma_start3A_234 : memref<1x128xi32, #tpu.memory_space<vmem>> -> memref<128xi32, #tpu.memory_space<vmem>>
      %dma_start3A_236 = arith.constant 0 : i32
      %dma_start3A_237 = tpu.memref_slice %arg7[%run_scoped3A_140, %dma_start3A_236] : memref<6x102400xf32, #tpu.memory_space<vmem_shared>> -> memref<1x102400xf32, #tpu.memory_space<vmem_shared>>
      %dma_start3A_238 = tpu.memref_squeeze %dma_start3A_237 : memref<1x102400xf32, #tpu.memory_space<vmem_shared>> -> memref<102400xf32, #tpu.memory_space<vmem_shared>>
      %dma_start3A_239 = arith.constant 0 : i32
      %dma_start3A_240 = tpu.memref_slice %dma_start3A_238[%dma_start3A_239] : memref<102400xf32, #tpu.memory_space<vmem_shared>> -> memref<102400xf32, #tpu.memory_space<vmem_shared>>
      tpu.enqueue_indirect_dma source(%arg5 : memref<128xf32, #tpu.memory_space<vmem>>) target(%dma_start3A_240 : memref<102400xf32, #tpu.memory_space<vmem_shared>>) offsets(%dma_start3A_235 : memref<128xi32, #tpu.memory_space<vmem>>) semaphore(%run_scoped3A_233 : memref<!tpu.dma_semaphore, #tpu.memory_space<semaphore_mem>>) {add = true}
      %dma_wait3A = arith.constant 0 : i32
      %dma_wait3A_241 = tpu.memref_slice %arg4[%run_scoped3A_141, %dma_wait3A] : memref<12x128xi32, #tpu.memory_space<vmem>> -> memref<1x128xi32, #tpu.memory_space<vmem>>
      %dma_wait3A_242 = tpu.memref_squeeze %dma_wait3A_241 : memref<1x128xi32, #tpu.memory_space<vmem>> -> memref<128xi32, #tpu.memory_space<vmem>>
      %dma_wait3A_243 = arith.constant 0 : i32
      %dma_wait3A_244 = tpu.memref_slice %arg7[%run_scoped3A_140, %dma_wait3A_243] : memref<6x102400xf32, #tpu.memory_space<vmem_shared>> -> memref<1x102400xf32, #tpu.memory_space<vmem_shared>>
      %dma_wait3A_245 = tpu.memref_squeeze %dma_wait3A_244 : memref<1x102400xf32, #tpu.memory_space<vmem_shared>> -> memref<102400xf32, #tpu.memory_space<vmem_shared>>
      %dma_wait3A_246 = arith.constant 0 : i32
      %dma_wait3A_247 = tpu.memref_slice %dma_wait3A_245[%dma_wait3A_246] : memref<102400xf32, #tpu.memory_space<vmem_shared>> -> memref<102400xf32, #tpu.memory_space<vmem_shared>>
      tpu.wait_indirect_dma semaphore(%run_scoped3A_233 : memref<!tpu.dma_semaphore, #tpu.memory_space<semaphore_mem>>) src(%arg5 : memref<128xf32, #tpu.memory_space<vmem>>) dst(%dma_wait3A_247 : memref<102400xf32, #tpu.memory_space<vmem_shared>>)
      tpu.yield
    }) : () -> ()
    %run_scoped3A_142 = arith.constant 1 : i32
    %run_scoped3A_143 = arith.constant 3 : i32
    "tpu.region"() ({
      %run_scoped3A_233 = tpu.sem_alloc : memref<!tpu.dma_semaphore, #tpu.memory_space<semaphore_mem>>
      %dma_start3A = arith.constant 0 : i32
      %dma_start3A_234 = tpu.memref_slice %arg4[%run_scoped3A_143, %dma_start3A] : memref<12x128xi32, #tpu.memory_space<vmem>> -> memref<1x128xi32, #tpu.memory_space<vmem>>
      %dma_start3A_235 = tpu.memref_squeeze %dma_start3A_234 : memref<1x128xi32, #tpu.memory_space<vmem>> -> memref<128xi32, #tpu.memory_space<vmem>>
      %dma_start3A_236 = arith.constant 0 : i32
      %dma_start3A_237 = tpu.memref_slice %arg7[%run_scoped3A_142, %dma_start3A_236] : memref<6x102400xf32, #tpu.memory_space<vmem_shared>> -> memref<1x102400xf32, #tpu.memory_space<vmem_shared>>
      %dma_start3A_238 = tpu.memref_squeeze %dma_start3A_237 : memref<1x102400xf32, #tpu.memory_space<vmem_shared>> -> memref<102400xf32, #tpu.memory_space<vmem_shared>>
      %dma_start3A_239 = arith.constant 0 : i32
      %dma_start3A_240 = tpu.memref_slice %dma_start3A_238[%dma_start3A_239] : memref<102400xf32, #tpu.memory_space<vmem_shared>> -> memref<102400xf32, #tpu.memory_space<vmem_shared>>
      tpu.enqueue_indirect_dma source(%arg5 : memref<128xf32, #tpu.memory_space<vmem>>) target(%dma_start3A_240 : memref<102400xf32, #tpu.memory_space<vmem_shared>>) offsets(%dma_start3A_235 : memref<128xi32, #tpu.memory_space<vmem>>) semaphore(%run_scoped3A_233 : memref<!tpu.dma_semaphore, #tpu.memory_space<semaphore_mem>>) {add = true}
      %dma_wait3A = arith.constant 0 : i32
      %dma_wait3A_241 = tpu.memref_slice %arg4[%run_scoped3A_143, %dma_wait3A] : memref<12x128xi32, #tpu.memory_space<vmem>> -> memref<1x128xi32, #tpu.memory_space<vmem>>
      %dma_wait3A_242 = tpu.memref_squeeze %dma_wait3A_241 : memref<1x128xi32, #tpu.memory_space<vmem>> -> memref<128xi32, #tpu.memory_space<vmem>>
      %dma_wait3A_243 = arith.constant 0 : i32
      %dma_wait3A_244 = tpu.memref_slice %arg7[%run_scoped3A_142, %dma_wait3A_243] : memref<6x102400xf32, #tpu.memory_space<vmem_shared>> -> memref<1x102400xf32, #tpu.memory_space<vmem_shared>>
      %dma_wait3A_245 = tpu.memref_squeeze %dma_wait3A_244 : memref<1x102400xf32, #tpu.memory_space<vmem_shared>> -> memref<102400xf32, #tpu.memory_space<vmem_shared>>
      %dma_wait3A_246 = arith.constant 0 : i32
      %dma_wait3A_247 = tpu.memref_slice %dma_wait3A_245[%dma_wait3A_246] : memref<102400xf32, #tpu.memory_space<vmem_shared>> -> memref<102400xf32, #tpu.memory_space<vmem_shared>>
      tpu.wait_indirect_dma semaphore(%run_scoped3A_233 : memref<!tpu.dma_semaphore, #tpu.memory_space<semaphore_mem>>) src(%arg5 : memref<128xf32, #tpu.memory_space<vmem>>) dst(%dma_wait3A_247 : memref<102400xf32, #tpu.memory_space<vmem_shared>>)
      tpu.yield
    }) : () -> ()
    %run_scoped3A_144 = arith.constant 2 : i32
    %run_scoped3A_145 = arith.constant 4 : i32
    "tpu.region"() ({
      %run_scoped3A_233 = tpu.sem_alloc : memref<!tpu.dma_semaphore, #tpu.memory_space<semaphore_mem>>
      %dma_start3A = arith.constant 0 : i32
      %dma_start3A_234 = tpu.memref_slice %arg4[%run_scoped3A_145, %dma_start3A] : memref<12x128xi32, #tpu.memory_space<vmem>> -> memref<1x128xi32, #tpu.memory_space<vmem>>
      %dma_start3A_235 = tpu.memref_squeeze %dma_start3A_234 : memref<1x128xi32, #tpu.memory_space<vmem>> -> memref<128xi32, #tpu.memory_space<vmem>>
      %dma_start3A_236 = arith.constant 0 : i32
      %dma_start3A_237 = tpu.memref_slice %arg7[%run_scoped3A_144, %dma_start3A_236] : memref<6x102400xf32, #tpu.memory_space<vmem_shared>> -> memref<1x102400xf32, #tpu.memory_space<vmem_shared>>
      %dma_start3A_238 = tpu.memref_squeeze %dma_start3A_237 : memref<1x102400xf32, #tpu.memory_space<vmem_shared>> -> memref<102400xf32, #tpu.memory_space<vmem_shared>>
      %dma_start3A_239 = arith.constant 0 : i32
      %dma_start3A_240 = tpu.memref_slice %dma_start3A_238[%dma_start3A_239] : memref<102400xf32, #tpu.memory_space<vmem_shared>> -> memref<102400xf32, #tpu.memory_space<vmem_shared>>
      tpu.enqueue_indirect_dma source(%arg5 : memref<128xf32, #tpu.memory_space<vmem>>) target(%dma_start3A_240 : memref<102400xf32, #tpu.memory_space<vmem_shared>>) offsets(%dma_start3A_235 : memref<128xi32, #tpu.memory_space<vmem>>) semaphore(%run_scoped3A_233 : memref<!tpu.dma_semaphore, #tpu.memory_space<semaphore_mem>>) {add = true}
      %dma_wait3A = arith.constant 0 : i32
      %dma_wait3A_241 = tpu.memref_slice %arg4[%run_scoped3A_145, %dma_wait3A] : memref<12x128xi32, #tpu.memory_space<vmem>> -> memref<1x128xi32, #tpu.memory_space<vmem>>
      %dma_wait3A_242 = tpu.memref_squeeze %dma_wait3A_241 : memref<1x128xi32, #tpu.memory_space<vmem>> -> memref<128xi32, #tpu.memory_space<vmem>>
      %dma_wait3A_243 = arith.constant 0 : i32
      %dma_wait3A_244 = tpu.memref_slice %arg7[%run_scoped3A_144, %dma_wait3A_243] : memref<6x102400xf32, #tpu.memory_space<vmem_shared>> -> memref<1x102400xf32, #tpu.memory_space<vmem_shared>>
      %dma_wait3A_245 = tpu.memref_squeeze %dma_wait3A_244 : memref<1x102400xf32, #tpu.memory_space<vmem_shared>> -> memref<102400xf32, #tpu.memory_space<vmem_shared>>
      %dma_wait3A_246 = arith.constant 0 : i32
      %dma_wait3A_247 = tpu.memref_slice %dma_wait3A_245[%dma_wait3A_246] : memref<102400xf32, #tpu.memory_space<vmem_shared>> -> memref<102400xf32, #tpu.memory_space<vmem_shared>>
      tpu.wait_indirect_dma semaphore(%run_scoped3A_233 : memref<!tpu.dma_semaphore, #tpu.memory_space<semaphore_mem>>) src(%arg5 : memref<128xf32, #tpu.memory_space<vmem>>) dst(%dma_wait3A_247 : memref<102400xf32, #tpu.memory_space<vmem_shared>>)
      tpu.yield
    }) : () -> ()
    %run_scoped3A_146 = arith.constant 2 : i32
    %run_scoped3A_147 = arith.constant 5 : i32
    "tpu.region"() ({
      %run_scoped3A_233 = tpu.sem_alloc : memref<!tpu.dma_semaphore, #tpu.memory_space<semaphore_mem>>
      %dma_start3A = arith.constant 0 : i32
      %dma_start3A_234 = tpu.memref_slice %arg4[%run_scoped3A_147, %dma_start3A] : memref<12x128xi32, #tpu.memory_space<vmem>> -> memref<1x128xi32, #tpu.memory_space<vmem>>
      %dma_start3A_235 = tpu.memref_squeeze %dma_start3A_234 : memref<1x128xi32, #tpu.memory_space<vmem>> -> memref<128xi32, #tpu.memory_space<vmem>>
      %dma_start3A_236 = arith.constant 0 : i32
      %dma_start3A_237 = tpu.memref_slice %arg7[%run_scoped3A_146, %dma_start3A_236] : memref<6x102400xf32, #tpu.memory_space<vmem_shared>> -> memref<1x102400xf32, #tpu.memory_space<vmem_shared>>
      %dma_start3A_238 = tpu.memref_squeeze %dma_start3A_237 : memref<1x102400xf32, #tpu.memory_space<vmem_shared>> -> memref<102400xf32, #tpu.memory_space<vmem_shared>>
      %dma_start3A_239 = arith.constant 0 : i32
      %dma_start3A_240 = tpu.memref_slice %dma_start3A_238[%dma_start3A_239] : memref<102400xf32, #tpu.memory_space<vmem_shared>> -> memref<102400xf32, #tpu.memory_space<vmem_shared>>
      tpu.enqueue_indirect_dma source(%arg5 : memref<128xf32, #tpu.memory_space<vmem>>) target(%dma_start3A_240 : memref<102400xf32, #tpu.memory_space<vmem_shared>>) offsets(%dma_start3A_235 : memref<128xi32, #tpu.memory_space<vmem>>) semaphore(%run_scoped3A_233 : memref<!tpu.dma_semaphore, #tpu.memory_space<semaphore_mem>>) {add = true}
      %dma_wait3A = arith.constant 0 : i32
      %dma_wait3A_241 = tpu.memref_slice %arg4[%run_scoped3A_147, %dma_wait3A] : memref<12x128xi32, #tpu.memory_space<vmem>> -> memref<1x128xi32, #tpu.memory_space<vmem>>
      %dma_wait3A_242 = tpu.memref_squeeze %dma_wait3A_241 : memref<1x128xi32, #tpu.memory_space<vmem>> -> memref<128xi32, #tpu.memory_space<vmem>>
      %dma_wait3A_243 = arith.constant 0 : i32
      %dma_wait3A_244 = tpu.memref_slice %arg7[%run_scoped3A_146, %dma_wait3A_243] : memref<6x102400xf32, #tpu.memory_space<vmem_shared>> -> memref<1x102400xf32, #tpu.memory_space<vmem_shared>>
      %dma_wait3A_245 = tpu.memref_squeeze %dma_wait3A_244 : memref<1x102400xf32, #tpu.memory_space<vmem_shared>> -> memref<102400xf32, #tpu.memory_space<vmem_shared>>
      %dma_wait3A_246 = arith.constant 0 : i32
      %dma_wait3A_247 = tpu.memref_slice %dma_wait3A_245[%dma_wait3A_246] : memref<102400xf32, #tpu.memory_space<vmem_shared>> -> memref<102400xf32, #tpu.memory_space<vmem_shared>>
      tpu.wait_indirect_dma semaphore(%run_scoped3A_233 : memref<!tpu.dma_semaphore, #tpu.memory_space<semaphore_mem>>) src(%arg5 : memref<128xf32, #tpu.memory_space<vmem>>) dst(%dma_wait3A_247 : memref<102400xf32, #tpu.memory_space<vmem_shared>>)
      tpu.yield
    }) : () -> ()
    %run_scoped3A_148 = arith.constant 3 : i32
    %run_scoped3A_149 = arith.constant 6 : i32
    "tpu.region"() ({
      %run_scoped3A_233 = tpu.sem_alloc : memref<!tpu.dma_semaphore, #tpu.memory_space<semaphore_mem>>
      %dma_start3A = arith.constant 0 : i32
      %dma_start3A_234 = tpu.memref_slice %arg4[%run_scoped3A_149, %dma_start3A] : memref<12x128xi32, #tpu.memory_space<vmem>> -> memref<1x128xi32, #tpu.memory_space<vmem>>
      %dma_start3A_235 = tpu.memref_squeeze %dma_start3A_234 : memref<1x128xi32, #tpu.memory_space<vmem>> -> memref<128xi32, #tpu.memory_space<vmem>>
      %dma_start3A_236 = arith.constant 0 : i32
      %dma_start3A_237 = tpu.memref_slice %arg7[%run_scoped3A_148, %dma_start3A_236] : memref<6x102400xf32, #tpu.memory_space<vmem_shared>> -> memref<1x102400xf32, #tpu.memory_space<vmem_shared>>
      %dma_start3A_238 = tpu.memref_squeeze %dma_start3A_237 : memref<1x102400xf32, #tpu.memory_space<vmem_shared>> -> memref<102400xf32, #tpu.memory_space<vmem_shared>>
      %dma_start3A_239 = arith.constant 0 : i32
      %dma_start3A_240 = tpu.memref_slice %dma_start3A_238[%dma_start3A_239] : memref<102400xf32, #tpu.memory_space<vmem_shared>> -> memref<102400xf32, #tpu.memory_space<vmem_shared>>
      tpu.enqueue_indirect_dma source(%arg5 : memref<128xf32, #tpu.memory_space<vmem>>) target(%dma_start3A_240 : memref<102400xf32, #tpu.memory_space<vmem_shared>>) offsets(%dma_start3A_235 : memref<128xi32, #tpu.memory_space<vmem>>) semaphore(%run_scoped3A_233 : memref<!tpu.dma_semaphore, #tpu.memory_space<semaphore_mem>>) {add = true}
      %dma_wait3A = arith.constant 0 : i32
      %dma_wait3A_241 = tpu.memref_slice %arg4[%run_scoped3A_149, %dma_wait3A] : memref<12x128xi32, #tpu.memory_space<vmem>> -> memref<1x128xi32, #tpu.memory_space<vmem>>
      %dma_wait3A_242 = tpu.memref_squeeze %dma_wait3A_241 : memref<1x128xi32, #tpu.memory_space<vmem>> -> memref<128xi32, #tpu.memory_space<vmem>>
      %dma_wait3A_243 = arith.constant 0 : i32
      %dma_wait3A_244 = tpu.memref_slice %arg7[%run_scoped3A_148, %dma_wait3A_243] : memref<6x102400xf32, #tpu.memory_space<vmem_shared>> -> memref<1x102400xf32, #tpu.memory_space<vmem_shared>>
      %dma_wait3A_245 = tpu.memref_squeeze %dma_wait3A_244 : memref<1x102400xf32, #tpu.memory_space<vmem_shared>> -> memref<102400xf32, #tpu.memory_space<vmem_shared>>
      %dma_wait3A_246 = arith.constant 0 : i32
      %dma_wait3A_247 = tpu.memref_slice %dma_wait3A_245[%dma_wait3A_246] : memref<102400xf32, #tpu.memory_space<vmem_shared>> -> memref<102400xf32, #tpu.memory_space<vmem_shared>>
      tpu.wait_indirect_dma semaphore(%run_scoped3A_233 : memref<!tpu.dma_semaphore, #tpu.memory_space<semaphore_mem>>) src(%arg5 : memref<128xf32, #tpu.memory_space<vmem>>) dst(%dma_wait3A_247 : memref<102400xf32, #tpu.memory_space<vmem_shared>>)
      tpu.yield
    }) : () -> ()
    %run_scoped3A_150 = arith.constant 3 : i32
    %run_scoped3A_151 = arith.constant 7 : i32
    "tpu.region"() ({
      %run_scoped3A_233 = tpu.sem_alloc : memref<!tpu.dma_semaphore, #tpu.memory_space<semaphore_mem>>
      %dma_start3A = arith.constant 0 : i32
      %dma_start3A_234 = tpu.memref_slice %arg4[%run_scoped3A_151, %dma_start3A] : memref<12x128xi32, #tpu.memory_space<vmem>> -> memref<1x128xi32, #tpu.memory_space<vmem>>
      %dma_start3A_235 = tpu.memref_squeeze %dma_start3A_234 : memref<1x128xi32, #tpu.memory_space<vmem>> -> memref<128xi32, #tpu.memory_space<vmem>>
      %dma_start3A_236 = arith.constant 0 : i32
      %dma_start3A_237 = tpu.memref_slice %arg7[%run_scoped3A_150, %dma_start3A_236] : memref<6x102400xf32, #tpu.memory_space<vmem_shared>> -> memref<1x102400xf32, #tpu.memory_space<vmem_shared>>
      %dma_start3A_238 = tpu.memref_squeeze %dma_start3A_237 : memref<1x102400xf32, #tpu.memory_space<vmem_shared>> -> memref<102400xf32, #tpu.memory_space<vmem_shared>>
      %dma_start3A_239 = arith.constant 0 : i32
      %dma_start3A_240 = tpu.memref_slice %dma_start3A_238[%dma_start3A_239] : memref<102400xf32, #tpu.memory_space<vmem_shared>> -> memref<102400xf32, #tpu.memory_space<vmem_shared>>
      tpu.enqueue_indirect_dma source(%arg5 : memref<128xf32, #tpu.memory_space<vmem>>) target(%dma_start3A_240 : memref<102400xf32, #tpu.memory_space<vmem_shared>>) offsets(%dma_start3A_235 : memref<128xi32, #tpu.memory_space<vmem>>) semaphore(%run_scoped3A_233 : memref<!tpu.dma_semaphore, #tpu.memory_space<semaphore_mem>>) {add = true}
      %dma_wait3A = arith.constant 0 : i32
      %dma_wait3A_241 = tpu.memref_slice %arg4[%run_scoped3A_151, %dma_wait3A] : memref<12x128xi32, #tpu.memory_space<vmem>> -> memref<1x128xi32, #tpu.memory_space<vmem>>
      %dma_wait3A_242 = tpu.memref_squeeze %dma_wait3A_241 : memref<1x128xi32, #tpu.memory_space<vmem>> -> memref<128xi32, #tpu.memory_space<vmem>>
      %dma_wait3A_243 = arith.constant 0 : i32
      %dma_wait3A_244 = tpu.memref_slice %arg7[%run_scoped3A_150, %dma_wait3A_243] : memref<6x102400xf32, #tpu.memory_space<vmem_shared>> -> memref<1x102400xf32, #tpu.memory_space<vmem_shared>>
      %dma_wait3A_245 = tpu.memref_squeeze %dma_wait3A_244 : memref<1x102400xf32, #tpu.memory_space<vmem_shared>> -> memref<102400xf32, #tpu.memory_space<vmem_shared>>
      %dma_wait3A_246 = arith.constant 0 : i32
      %dma_wait3A_247 = tpu.memref_slice %dma_wait3A_245[%dma_wait3A_246] : memref<102400xf32, #tpu.memory_space<vmem_shared>> -> memref<102400xf32, #tpu.memory_space<vmem_shared>>
      tpu.wait_indirect_dma semaphore(%run_scoped3A_233 : memref<!tpu.dma_semaphore, #tpu.memory_space<semaphore_mem>>) src(%arg5 : memref<128xf32, #tpu.memory_space<vmem>>) dst(%dma_wait3A_247 : memref<102400xf32, #tpu.memory_space<vmem_shared>>)
      tpu.yield
    }) : () -> ()
    %run_scoped3A_152 = arith.constant 4 : i32
    %run_scoped3A_153 = arith.constant 8 : i32
    "tpu.region"() ({
      %run_scoped3A_233 = tpu.sem_alloc : memref<!tpu.dma_semaphore, #tpu.memory_space<semaphore_mem>>
      %dma_start3A = arith.constant 0 : i32
      %dma_start3A_234 = tpu.memref_slice %arg4[%run_scoped3A_153, %dma_start3A] : memref<12x128xi32, #tpu.memory_space<vmem>> -> memref<1x128xi32, #tpu.memory_space<vmem>>
      %dma_start3A_235 = tpu.memref_squeeze %dma_start3A_234 : memref<1x128xi32, #tpu.memory_space<vmem>> -> memref<128xi32, #tpu.memory_space<vmem>>
      %dma_start3A_236 = arith.constant 0 : i32
      %dma_start3A_237 = tpu.memref_slice %arg7[%run_scoped3A_152, %dma_start3A_236] : memref<6x102400xf32, #tpu.memory_space<vmem_shared>> -> memref<1x102400xf32, #tpu.memory_space<vmem_shared>>
      %dma_start3A_238 = tpu.memref_squeeze %dma_start3A_237 : memref<1x102400xf32, #tpu.memory_space<vmem_shared>> -> memref<102400xf32, #tpu.memory_space<vmem_shared>>
      %dma_start3A_239 = arith.constant 0 : i32
      %dma_start3A_240 = tpu.memref_slice %dma_start3A_238[%dma_start3A_239] : memref<102400xf32, #tpu.memory_space<vmem_shared>> -> memref<102400xf32, #tpu.memory_space<vmem_shared>>
      tpu.enqueue_indirect_dma source(%arg5 : memref<128xf32, #tpu.memory_space<vmem>>) target(%dma_start3A_240 : memref<102400xf32, #tpu.memory_space<vmem_shared>>) offsets(%dma_start3A_235 : memref<128xi32, #tpu.memory_space<vmem>>) semaphore(%run_scoped3A_233 : memref<!tpu.dma_semaphore, #tpu.memory_space<semaphore_mem>>) {add = true}
      %dma_wait3A = arith.constant 0 : i32
      %dma_wait3A_241 = tpu.memref_slice %arg4[%run_scoped3A_153, %dma_wait3A] : memref<12x128xi32, #tpu.memory_space<vmem>> -> memref<1x128xi32, #tpu.memory_space<vmem>>
      %dma_wait3A_242 = tpu.memref_squeeze %dma_wait3A_241 : memref<1x128xi32, #tpu.memory_space<vmem>> -> memref<128xi32, #tpu.memory_space<vmem>>
      %dma_wait3A_243 = arith.constant 0 : i32
      %dma_wait3A_244 = tpu.memref_slice %arg7[%run_scoped3A_152, %dma_wait3A_243] : memref<6x102400xf32, #tpu.memory_space<vmem_shared>> -> memref<1x102400xf32, #tpu.memory_space<vmem_shared>>
      %dma_wait3A_245 = tpu.memref_squeeze %dma_wait3A_244 : memref<1x102400xf32, #tpu.memory_space<vmem_shared>> -> memref<102400xf32, #tpu.memory_space<vmem_shared>>
      %dma_wait3A_246 = arith.constant 0 : i32
      %dma_wait3A_247 = tpu.memref_slice %dma_wait3A_245[%dma_wait3A_246] : memref<102400xf32, #tpu.memory_space<vmem_shared>> -> memref<102400xf32, #tpu.memory_space<vmem_shared>>
      tpu.wait_indirect_dma semaphore(%run_scoped3A_233 : memref<!tpu.dma_semaphore, #tpu.memory_space<semaphore_mem>>) src(%arg5 : memref<128xf32, #tpu.memory_space<vmem>>) dst(%dma_wait3A_247 : memref<102400xf32, #tpu.memory_space<vmem_shared>>)
      tpu.yield
    }) : () -> ()
    %run_scoped3A_154 = arith.constant 4 : i32
    %run_scoped3A_155 = arith.constant 9 : i32
    "tpu.region"() ({
      %run_scoped3A_233 = tpu.sem_alloc : memref<!tpu.dma_semaphore, #tpu.memory_space<semaphore_mem>>
      %dma_start3A = arith.constant 0 : i32
      %dma_start3A_234 = tpu.memref_slice %arg4[%run_scoped3A_155, %dma_start3A] : memref<12x128xi32, #tpu.memory_space<vmem>> -> memref<1x128xi32, #tpu.memory_space<vmem>>
      %dma_start3A_235 = tpu.memref_squeeze %dma_start3A_234 : memref<1x128xi32, #tpu.memory_space<vmem>> -> memref<128xi32, #tpu.memory_space<vmem>>
      %dma_start3A_236 = arith.constant 0 : i32
      %dma_start3A_237 = tpu.memref_slice %arg7[%run_scoped3A_154, %dma_start3A_236] : memref<6x102400xf32, #tpu.memory_space<vmem_shared>> -> memref<1x102400xf32, #tpu.memory_space<vmem_shared>>
      %dma_start3A_238 = tpu.memref_squeeze %dma_start3A_237 : memref<1x102400xf32, #tpu.memory_space<vmem_shared>> -> memref<102400xf32, #tpu.memory_space<vmem_shared>>
      %dma_start3A_239 = arith.constant 0 : i32
      %dma_start3A_240 = tpu.memref_slice %dma_start3A_238[%dma_start3A_239] : memref<102400xf32, #tpu.memory_space<vmem_shared>> -> memref<102400xf32, #tpu.memory_space<vmem_shared>>
      tpu.enqueue_indirect_dma source(%arg5 : memref<128xf32, #tpu.memory_space<vmem>>) target(%dma_start3A_240 : memref<102400xf32, #tpu.memory_space<vmem_shared>>) offsets(%dma_start3A_235 : memref<128xi32, #tpu.memory_space<vmem>>) semaphore(%run_scoped3A_233 : memref<!tpu.dma_semaphore, #tpu.memory_space<semaphore_mem>>) {add = true}
      %dma_wait3A = arith.constant 0 : i32
      %dma_wait3A_241 = tpu.memref_slice %arg4[%run_scoped3A_155, %dma_wait3A] : memref<12x128xi32, #tpu.memory_space<vmem>> -> memref<1x128xi32, #tpu.memory_space<vmem>>
      %dma_wait3A_242 = tpu.memref_squeeze %dma_wait3A_241 : memref<1x128xi32, #tpu.memory_space<vmem>> -> memref<128xi32, #tpu.memory_space<vmem>>
      %dma_wait3A_243 = arith.constant 0 : i32
      %dma_wait3A_244 = tpu.memref_slice %arg7[%run_scoped3A_154, %dma_wait3A_243] : memref<6x102400xf32, #tpu.memory_space<vmem_shared>> -> memref<1x102400xf32, #tpu.memory_space<vmem_shared>>
      %dma_wait3A_245 = tpu.memref_squeeze %dma_wait3A_244 : memref<1x102400xf32, #tpu.memory_space<vmem_shared>> -> memref<102400xf32, #tpu.memory_space<vmem_shared>>
      %dma_wait3A_246 = arith.constant 0 : i32
      %dma_wait3A_247 = tpu.memref_slice %dma_wait3A_245[%dma_wait3A_246] : memref<102400xf32, #tpu.memory_space<vmem_shared>> -> memref<102400xf32, #tpu.memory_space<vmem_shared>>
      tpu.wait_indirect_dma semaphore(%run_scoped3A_233 : memref<!tpu.dma_semaphore, #tpu.memory_space<semaphore_mem>>) src(%arg5 : memref<128xf32, #tpu.memory_space<vmem>>) dst(%dma_wait3A_247 : memref<102400xf32, #tpu.memory_space<vmem_shared>>)
      tpu.yield
    }) : () -> ()
    %run_scoped3A_156 = arith.constant 5 : i32
    %run_scoped3A_157 = arith.constant 10 : i32
    "tpu.region"() ({
      %run_scoped3A_233 = tpu.sem_alloc : memref<!tpu.dma_semaphore, #tpu.memory_space<semaphore_mem>>
      %dma_start3A = arith.constant 0 : i32
      %dma_start3A_234 = tpu.memref_slice %arg4[%run_scoped3A_157, %dma_start3A] : memref<12x128xi32, #tpu.memory_space<vmem>> -> memref<1x128xi32, #tpu.memory_space<vmem>>
      %dma_start3A_235 = tpu.memref_squeeze %dma_start3A_234 : memref<1x128xi32, #tpu.memory_space<vmem>> -> memref<128xi32, #tpu.memory_space<vmem>>
      %dma_start3A_236 = arith.constant 0 : i32
      %dma_start3A_237 = tpu.memref_slice %arg7[%run_scoped3A_156, %dma_start3A_236] : memref<6x102400xf32, #tpu.memory_space<vmem_shared>> -> memref<1x102400xf32, #tpu.memory_space<vmem_shared>>
      %dma_start3A_238 = tpu.memref_squeeze %dma_start3A_237 : memref<1x102400xf32, #tpu.memory_space<vmem_shared>> -> memref<102400xf32, #tpu.memory_space<vmem_shared>>
      %dma_start3A_239 = arith.constant 0 : i32
      %dma_start3A_240 = tpu.memref_slice %dma_start3A_238[%dma_start3A_239] : memref<102400xf32, #tpu.memory_space<vmem_shared>> -> memref<102400xf32, #tpu.memory_space<vmem_shared>>
      tpu.enqueue_indirect_dma source(%arg5 : memref<128xf32, #tpu.memory_space<vmem>>) target(%dma_start3A_240 : memref<102400xf32, #tpu.memory_space<vmem_shared>>) offsets(%dma_start3A_235 : memref<128xi32, #tpu.memory_space<vmem>>) semaphore(%run_scoped3A_233 : memref<!tpu.dma_semaphore, #tpu.memory_space<semaphore_mem>>) {add = true}
      %dma_wait3A = arith.constant 0 : i32
      %dma_wait3A_241 = tpu.memref_slice %arg4[%run_scoped3A_157, %dma_wait3A] : memref<12x128xi32, #tpu.memory_space<vmem>> -> memref<1x128xi32, #tpu.memory_space<vmem>>
      %dma_wait3A_242 = tpu.memref_squeeze %dma_wait3A_241 : memref<1x128xi32, #tpu.memory_space<vmem>> -> memref<128xi32, #tpu.memory_space<vmem>>
      %dma_wait3A_243 = arith.constant 0 : i32
      %dma_wait3A_244 = tpu.memref_slice %arg7[%run_scoped3A_156, %dma_wait3A_243] : memref<6x102400xf32, #tpu.memory_space<vmem_shared>> -> memref<1x102400xf32, #tpu.memory_space<vmem_shared>>
      %dma_wait3A_245 = tpu.memref_squeeze %dma_wait3A_244 : memref<1x102400xf32, #tpu.memory_space<vmem_shared>> -> memref<102400xf32, #tpu.memory_space<vmem_shared>>
      %dma_wait3A_246 = arith.constant 0 : i32
      %dma_wait3A_247 = tpu.memref_slice %dma_wait3A_245[%dma_wait3A_246] : memref<102400xf32, #tpu.memory_space<vmem_shared>> -> memref<102400xf32, #tpu.memory_space<vmem_shared>>
      tpu.wait_indirect_dma semaphore(%run_scoped3A_233 : memref<!tpu.dma_semaphore, #tpu.memory_space<semaphore_mem>>) src(%arg5 : memref<128xf32, #tpu.memory_space<vmem>>) dst(%dma_wait3A_247 : memref<102400xf32, #tpu.memory_space<vmem_shared>>)
      tpu.yield
    }) : () -> ()
    %run_scoped3A_158 = arith.constant 5 : i32
    %run_scoped3A_159 = arith.constant 11 : i32
    "tpu.region"() ({
      %run_scoped3A_233 = tpu.sem_alloc : memref<!tpu.dma_semaphore, #tpu.memory_space<semaphore_mem>>
      %dma_start3A = arith.constant 0 : i32
      %dma_start3A_234 = tpu.memref_slice %arg4[%run_scoped3A_159, %dma_start3A] : memref<12x128xi32, #tpu.memory_space<vmem>> -> memref<1x128xi32, #tpu.memory_space<vmem>>
      %dma_start3A_235 = tpu.memref_squeeze %dma_start3A_234 : memref<1x128xi32, #tpu.memory_space<vmem>> -> memref<128xi32, #tpu.memory_space<vmem>>
      %dma_start3A_236 = arith.constant 0 : i32
      %dma_start3A_237 = tpu.memref_slice %arg7[%run_scoped3A_158, %dma_start3A_236] : memref<6x102400xf32, #tpu.memory_space<vmem_shared>> -> memref<1x102400xf32, #tpu.memory_space<vmem_shared>>
      %dma_start3A_238 = tpu.memref_squeeze %dma_start3A_237 : memref<1x102400xf32, #tpu.memory_space<vmem_shared>> -> memref<102400xf32, #tpu.memory_space<vmem_shared>>
      %dma_start3A_239 = arith.constant 0 : i32
      %dma_start3A_240 = tpu.memref_slice %dma_start3A_238[%dma_start3A_239] : memref<102400xf32, #tpu.memory_space<vmem_shared>> -> memref<102400xf32, #tpu.memory_space<vmem_shared>>
      tpu.enqueue_indirect_dma source(%arg5 : memref<128xf32, #tpu.memory_space<vmem>>) target(%dma_start3A_240 : memref<102400xf32, #tpu.memory_space<vmem_shared>>) offsets(%dma_start3A_235 : memref<128xi32, #tpu.memory_space<vmem>>) semaphore(%run_scoped3A_233 : memref<!tpu.dma_semaphore, #tpu.memory_space<semaphore_mem>>) {add = true}
      %dma_wait3A = arith.constant 0 : i32
      %dma_wait3A_241 = tpu.memref_slice %arg4[%run_scoped3A_159, %dma_wait3A] : memref<12x128xi32, #tpu.memory_space<vmem>> -> memref<1x128xi32, #tpu.memory_space<vmem>>
      %dma_wait3A_242 = tpu.memref_squeeze %dma_wait3A_241 : memref<1x128xi32, #tpu.memory_space<vmem>> -> memref<128xi32, #tpu.memory_space<vmem>>
      %dma_wait3A_243 = arith.constant 0 : i32
      %dma_wait3A_244 = tpu.memref_slice %arg7[%run_scoped3A_158, %dma_wait3A_243] : memref<6x102400xf32, #tpu.memory_space<vmem_shared>> -> memref<1x102400xf32, #tpu.memory_space<vmem_shared>>
      %dma_wait3A_245 = tpu.memref_squeeze %dma_wait3A_244 : memref<1x102400xf32, #tpu.memory_space<vmem_shared>> -> memref<102400xf32, #tpu.memory_space<vmem_shared>>
      %dma_wait3A_246 = arith.constant 0 : i32
      %dma_wait3A_247 = tpu.memref_slice %dma_wait3A_245[%dma_wait3A_246] : memref<102400xf32, #tpu.memory_space<vmem_shared>> -> memref<102400xf32, #tpu.memory_space<vmem_shared>>
      tpu.wait_indirect_dma semaphore(%run_scoped3A_233 : memref<!tpu.dma_semaphore, #tpu.memory_space<semaphore_mem>>) src(%arg5 : memref<128xf32, #tpu.memory_space<vmem>>) dst(%dma_wait3A_247 : memref<102400xf32, #tpu.memory_space<vmem_shared>>)
      tpu.yield
    }) : () -> ()
    %barrier3A_160 = arith.constant 0 : index
    tpu.barrier barrier_id(%barrier3A_160)
    %mul3A_161 = arith.constant 6400 : i32
    %mul3A_162 = arith.muli %arg1, %mul3A_161 : i32
    %mul3A_163 = arith.constant 6 : i32
    %mul3A_164 = arith.muli %arg0, %mul3A_163 : i32
    %add3A_165 = arith.constant 0 : i32
    %add3A_166 = arith.addi %mul3A_164, %add3A_165 : i32
    %mul3A_167 = arith.constant 102400 : i32
    %mul3A_168 = arith.muli %add3A_166, %mul3A_167 : i32
    %mul3A_169 = arith.constant 6400 : i32
    %mul3A_170 = arith.muli %arg1, %mul3A_169 : i32
    %add3A_171 = arith.addi %mul3A_168, %mul3A_170 : i32
    %run_scoped3A_172 = arith.constant 0 : i32
    "tpu.region"() ({
      %run_scoped3A_233 = tpu.sem_alloc : memref<!tpu.dma_semaphore, #tpu.memory_space<semaphore_mem>>
      %dma_start3A = tpu.memref_slice %arg3[%add3A_171] : memref<1228800xf32, #tpu.memory_space<hbm>> -> memref<6400xf32, #tpu.memory_space<hbm>>
      %dma_start3A_234 = arith.constant 0 : i32
      %dma_start3A_235 = tpu.memref_slice %arg7[%run_scoped3A_172, %dma_start3A_234] : memref<6x102400xf32, #tpu.memory_space<vmem_shared>> -> memref<1x102400xf32, #tpu.memory_space<vmem_shared>>
      %dma_start3A_236 = tpu.memref_squeeze %dma_start3A_235 : memref<1x102400xf32, #tpu.memory_space<vmem_shared>> -> memref<102400xf32, #tpu.memory_space<vmem_shared>>
      %dma_start3A_237 = tpu.memref_slice %dma_start3A_236[%mul3A_162] : memref<102400xf32, #tpu.memory_space<vmem_shared>> -> memref<6400xf32, #tpu.memory_space<vmem_shared>>
      tpu.enqueue_dma source(%dma_start3A_237 : memref<6400xf32, #tpu.memory_space<vmem_shared>>) target(%dma_start3A : memref<6400xf32, #tpu.memory_space<hbm>>) target_semaphore(%run_scoped3A_233 : memref<!tpu.dma_semaphore, #tpu.memory_space<semaphore_mem>>)
      %dma_wait3A = tpu.memref_slice %arg3[%add3A_171] : memref<1228800xf32, #tpu.memory_space<hbm>> -> memref<6400xf32, #tpu.memory_space<hbm>>
      %dma_wait3A_238 = arith.constant 0 : i32
      %dma_wait3A_239 = tpu.memref_slice %arg7[%run_scoped3A_172, %dma_wait3A_238] : memref<6x102400xf32, #tpu.memory_space<vmem_shared>> -> memref<1x102400xf32, #tpu.memory_space<vmem_shared>>
      %dma_wait3A_240 = tpu.memref_squeeze %dma_wait3A_239 : memref<1x102400xf32, #tpu.memory_space<vmem_shared>> -> memref<102400xf32, #tpu.memory_space<vmem_shared>>
      %dma_wait3A_241 = tpu.memref_slice %dma_wait3A_240[%mul3A_162] : memref<102400xf32, #tpu.memory_space<vmem_shared>> -> memref<6400xf32, #tpu.memory_space<vmem_shared>>
      tpu.wait_dma2 semaphore(%run_scoped3A_233 : memref<!tpu.dma_semaphore, #tpu.memory_space<semaphore_mem>>) src(%dma_wait3A_241 : memref<6400xf32, #tpu.memory_space<vmem_shared>>) dst(%dma_wait3A : memref<6400xf32, #tpu.memory_space<hbm>>)
      tpu.yield
    }) : () -> ()
    %mul3A_173 = arith.constant 6400 : i32
    %mul3A_174 = arith.muli %arg1, %mul3A_173 : i32
    %mul3A_175 = arith.constant 6 : i32
    %mul3A_176 = arith.muli %arg0, %mul3A_175 : i32
    %add3A_177 = arith.constant 1 : i32
    %add3A_178 = arith.addi %mul3A_176, %add3A_177 : i32
    %mul3A_179 = arith.constant 102400 : i32
    %mul3A_180 = arith.muli %add3A_178, %mul3A_179 : i32
    %mul3A_181 = arith.constant 6400 : i32
    %mul3A_182 = arith.muli %arg1, %mul3A_181 : i32
    %add3A_183 = arith.addi %mul3A_180, %mul3A_182 : i32
    %run_scoped3A_184 = arith.constant 1 : i32
    "tpu.region"() ({
      %run_scoped3A_233 = tpu.sem_alloc : memref<!tpu.dma_semaphore, #tpu.memory_space<semaphore_mem>>
      %dma_start3A = tpu.memref_slice %arg3[%add3A_183] : memref<1228800xf32, #tpu.memory_space<hbm>> -> memref<6400xf32, #tpu.memory_space<hbm>>
      %dma_start3A_234 = arith.constant 0 : i32
      %dma_start3A_235 = tpu.memref_slice %arg7[%run_scoped3A_184, %dma_start3A_234] : memref<6x102400xf32, #tpu.memory_space<vmem_shared>> -> memref<1x102400xf32, #tpu.memory_space<vmem_shared>>
      %dma_start3A_236 = tpu.memref_squeeze %dma_start3A_235 : memref<1x102400xf32, #tpu.memory_space<vmem_shared>> -> memref<102400xf32, #tpu.memory_space<vmem_shared>>
      %dma_start3A_237 = tpu.memref_slice %dma_start3A_236[%mul3A_174] : memref<102400xf32, #tpu.memory_space<vmem_shared>> -> memref<6400xf32, #tpu.memory_space<vmem_shared>>
      tpu.enqueue_dma source(%dma_start3A_237 : memref<6400xf32, #tpu.memory_space<vmem_shared>>) target(%dma_start3A : memref<6400xf32, #tpu.memory_space<hbm>>) target_semaphore(%run_scoped3A_233 : memref<!tpu.dma_semaphore, #tpu.memory_space<semaphore_mem>>)
      %dma_wait3A = tpu.memref_slice %arg3[%add3A_183] : memref<1228800xf32, #tpu.memory_space<hbm>> -> memref<6400xf32, #tpu.memory_space<hbm>>
      %dma_wait3A_238 = arith.constant 0 : i32
      %dma_wait3A_239 = tpu.memref_slice %arg7[%run_scoped3A_184, %dma_wait3A_238] : memref<6x102400xf32, #tpu.memory_space<vmem_shared>> -> memref<1x102400xf32, #tpu.memory_space<vmem_shared>>
      %dma_wait3A_240 = tpu.memref_squeeze %dma_wait3A_239 : memref<1x102400xf32, #tpu.memory_space<vmem_shared>> -> memref<102400xf32, #tpu.memory_space<vmem_shared>>
      %dma_wait3A_241 = tpu.memref_slice %dma_wait3A_240[%mul3A_174] : memref<102400xf32, #tpu.memory_space<vmem_shared>> -> memref<6400xf32, #tpu.memory_space<vmem_shared>>
      tpu.wait_dma2 semaphore(%run_scoped3A_233 : memref<!tpu.dma_semaphore, #tpu.memory_space<semaphore_mem>>) src(%dma_wait3A_241 : memref<6400xf32, #tpu.memory_space<vmem_shared>>) dst(%dma_wait3A : memref<6400xf32, #tpu.memory_space<hbm>>)
      tpu.yield
    }) : () -> ()
    %mul3A_185 = arith.constant 6400 : i32
    %mul3A_186 = arith.muli %arg1, %mul3A_185 : i32
    %mul3A_187 = arith.constant 6 : i32
    %mul3A_188 = arith.muli %arg0, %mul3A_187 : i32
    %add3A_189 = arith.constant 2 : i32
    %add3A_190 = arith.addi %mul3A_188, %add3A_189 : i32
    %mul3A_191 = arith.constant 102400 : i32
    %mul3A_192 = arith.muli %add3A_190, %mul3A_191 : i32
    %mul3A_193 = arith.constant 6400 : i32
    %mul3A_194 = arith.muli %arg1, %mul3A_193 : i32
    %add3A_195 = arith.addi %mul3A_192, %mul3A_194 : i32
    %run_scoped3A_196 = arith.constant 2 : i32
    "tpu.region"() ({
      %run_scoped3A_233 = tpu.sem_alloc : memref<!tpu.dma_semaphore, #tpu.memory_space<semaphore_mem>>
      %dma_start3A = tpu.memref_slice %arg3[%add3A_195] : memref<1228800xf32, #tpu.memory_space<hbm>> -> memref<6400xf32, #tpu.memory_space<hbm>>
      %dma_start3A_234 = arith.constant 0 : i32
      %dma_start3A_235 = tpu.memref_slice %arg7[%run_scoped3A_196, %dma_start3A_234] : memref<6x102400xf32, #tpu.memory_space<vmem_shared>> -> memref<1x102400xf32, #tpu.memory_space<vmem_shared>>
      %dma_start3A_236 = tpu.memref_squeeze %dma_start3A_235 : memref<1x102400xf32, #tpu.memory_space<vmem_shared>> -> memref<102400xf32, #tpu.memory_space<vmem_shared>>
      %dma_start3A_237 = tpu.memref_slice %dma_start3A_236[%mul3A_186] : memref<102400xf32, #tpu.memory_space<vmem_shared>> -> memref<6400xf32, #tpu.memory_space<vmem_shared>>
      tpu.enqueue_dma source(%dma_start3A_237 : memref<6400xf32, #tpu.memory_space<vmem_shared>>) target(%dma_start3A : memref<6400xf32, #tpu.memory_space<hbm>>) target_semaphore(%run_scoped3A_233 : memref<!tpu.dma_semaphore, #tpu.memory_space<semaphore_mem>>)
      %dma_wait3A = tpu.memref_slice %arg3[%add3A_195] : memref<1228800xf32, #tpu.memory_space<hbm>> -> memref<6400xf32, #tpu.memory_space<hbm>>
      %dma_wait3A_238 = arith.constant 0 : i32
      %dma_wait3A_239 = tpu.memref_slice %arg7[%run_scoped3A_196, %dma_wait3A_238] : memref<6x102400xf32, #tpu.memory_space<vmem_shared>> -> memref<1x102400xf32, #tpu.memory_space<vmem_shared>>
      %dma_wait3A_240 = tpu.memref_squeeze %dma_wait3A_239 : memref<1x102400xf32, #tpu.memory_space<vmem_shared>> -> memref<102400xf32, #tpu.memory_space<vmem_shared>>
      %dma_wait3A_241 = tpu.memref_slice %dma_wait3A_240[%mul3A_186] : memref<102400xf32, #tpu.memory_space<vmem_shared>> -> memref<6400xf32, #tpu.memory_space<vmem_shared>>
      tpu.wait_dma2 semaphore(%run_scoped3A_233 : memref<!tpu.dma_semaphore, #tpu.memory_space<semaphore_mem>>) src(%dma_wait3A_241 : memref<6400xf32, #tpu.memory_space<vmem_shared>>) dst(%dma_wait3A : memref<6400xf32, #tpu.memory_space<hbm>>)
      tpu.yield
    }) : () -> ()
    %mul3A_197 = arith.constant 6400 : i32
    %mul3A_198 = arith.muli %arg1, %mul3A_197 : i32
    %mul3A_199 = arith.constant 6 : i32
    %mul3A_200 = arith.muli %arg0, %mul3A_199 : i32
    %add3A_201 = arith.constant 3 : i32
    %add3A_202 = arith.addi %mul3A_200, %add3A_201 : i32
    %mul3A_203 = arith.constant 102400 : i32
    %mul3A_204 = arith.muli %add3A_202, %mul3A_203 : i32
    %mul3A_205 = arith.constant 6400 : i32
    %mul3A_206 = arith.muli %arg1, %mul3A_205 : i32
    %add3A_207 = arith.addi %mul3A_204, %mul3A_206 : i32
    %run_scoped3A_208 = arith.constant 3 : i32
    "tpu.region"() ({
      %run_scoped3A_233 = tpu.sem_alloc : memref<!tpu.dma_semaphore, #tpu.memory_space<semaphore_mem>>
      %dma_start3A = tpu.memref_slice %arg3[%add3A_207] : memref<1228800xf32, #tpu.memory_space<hbm>> -> memref<6400xf32, #tpu.memory_space<hbm>>
      %dma_start3A_234 = arith.constant 0 : i32
      %dma_start3A_235 = tpu.memref_slice %arg7[%run_scoped3A_208, %dma_start3A_234] : memref<6x102400xf32, #tpu.memory_space<vmem_shared>> -> memref<1x102400xf32, #tpu.memory_space<vmem_shared>>
      %dma_start3A_236 = tpu.memref_squeeze %dma_start3A_235 : memref<1x102400xf32, #tpu.memory_space<vmem_shared>> -> memref<102400xf32, #tpu.memory_space<vmem_shared>>
      %dma_start3A_237 = tpu.memref_slice %dma_start3A_236[%mul3A_198] : memref<102400xf32, #tpu.memory_space<vmem_shared>> -> memref<6400xf32, #tpu.memory_space<vmem_shared>>
      tpu.enqueue_dma source(%dma_start3A_237 : memref<6400xf32, #tpu.memory_space<vmem_shared>>) target(%dma_start3A : memref<6400xf32, #tpu.memory_space<hbm>>) target_semaphore(%run_scoped3A_233 : memref<!tpu.dma_semaphore, #tpu.memory_space<semaphore_mem>>)
      %dma_wait3A = tpu.memref_slice %arg3[%add3A_207] : memref<1228800xf32, #tpu.memory_space<hbm>> -> memref<6400xf32, #tpu.memory_space<hbm>>
      %dma_wait3A_238 = arith.constant 0 : i32
      %dma_wait3A_239 = tpu.memref_slice %arg7[%run_scoped3A_208, %dma_wait3A_238] : memref<6x102400xf32, #tpu.memory_space<vmem_shared>> -> memref<1x102400xf32, #tpu.memory_space<vmem_shared>>
      %dma_wait3A_240 = tpu.memref_squeeze %dma_wait3A_239 : memref<1x102400xf32, #tpu.memory_space<vmem_shared>> -> memref<102400xf32, #tpu.memory_space<vmem_shared>>
      %dma_wait3A_241 = tpu.memref_slice %dma_wait3A_240[%mul3A_198] : memref<102400xf32, #tpu.memory_space<vmem_shared>> -> memref<6400xf32, #tpu.memory_space<vmem_shared>>
      tpu.wait_dma2 semaphore(%run_scoped3A_233 : memref<!tpu.dma_semaphore, #tpu.memory_space<semaphore_mem>>) src(%dma_wait3A_241 : memref<6400xf32, #tpu.memory_space<vmem_shared>>) dst(%dma_wait3A : memref<6400xf32, #tpu.memory_space<hbm>>)
      tpu.yield
    }) : () -> ()
    %mul3A_209 = arith.constant 6400 : i32
    %mul3A_210 = arith.muli %arg1, %mul3A_209 : i32
    %mul3A_211 = arith.constant 6 : i32
    %mul3A_212 = arith.muli %arg0, %mul3A_211 : i32
    %add3A_213 = arith.constant 4 : i32
    %add3A_214 = arith.addi %mul3A_212, %add3A_213 : i32
    %mul3A_215 = arith.constant 102400 : i32
    %mul3A_216 = arith.muli %add3A_214, %mul3A_215 : i32
    %mul3A_217 = arith.constant 6400 : i32
    %mul3A_218 = arith.muli %arg1, %mul3A_217 : i32
    %add3A_219 = arith.addi %mul3A_216, %mul3A_218 : i32
    %run_scoped3A_220 = arith.constant 4 : i32
    "tpu.region"() ({
      %run_scoped3A_233 = tpu.sem_alloc : memref<!tpu.dma_semaphore, #tpu.memory_space<semaphore_mem>>
      %dma_start3A = tpu.memref_slice %arg3[%add3A_219] : memref<1228800xf32, #tpu.memory_space<hbm>> -> memref<6400xf32, #tpu.memory_space<hbm>>
      %dma_start3A_234 = arith.constant 0 : i32
      %dma_start3A_235 = tpu.memref_slice %arg7[%run_scoped3A_220, %dma_start3A_234] : memref<6x102400xf32, #tpu.memory_space<vmem_shared>> -> memref<1x102400xf32, #tpu.memory_space<vmem_shared>>
      %dma_start3A_236 = tpu.memref_squeeze %dma_start3A_235 : memref<1x102400xf32, #tpu.memory_space<vmem_shared>> -> memref<102400xf32, #tpu.memory_space<vmem_shared>>
      %dma_start3A_237 = tpu.memref_slice %dma_start3A_236[%mul3A_210] : memref<102400xf32, #tpu.memory_space<vmem_shared>> -> memref<6400xf32, #tpu.memory_space<vmem_shared>>
      tpu.enqueue_dma source(%dma_start3A_237 : memref<6400xf32, #tpu.memory_space<vmem_shared>>) target(%dma_start3A : memref<6400xf32, #tpu.memory_space<hbm>>) target_semaphore(%run_scoped3A_233 : memref<!tpu.dma_semaphore, #tpu.memory_space<semaphore_mem>>)
      %dma_wait3A = tpu.memref_slice %arg3[%add3A_219] : memref<1228800xf32, #tpu.memory_space<hbm>> -> memref<6400xf32, #tpu.memory_space<hbm>>
      %dma_wait3A_238 = arith.constant 0 : i32
      %dma_wait3A_239 = tpu.memref_slice %arg7[%run_scoped3A_220, %dma_wait3A_238] : memref<6x102400xf32, #tpu.memory_space<vmem_shared>> -> memref<1x102400xf32, #tpu.memory_space<vmem_shared>>
      %dma_wait3A_240 = tpu.memref_squeeze %dma_wait3A_239 : memref<1x102400xf32, #tpu.memory_space<vmem_shared>> -> memref<102400xf32, #tpu.memory_space<vmem_shared>>
      %dma_wait3A_241 = tpu.memref_slice %dma_wait3A_240[%mul3A_210] : memref<102400xf32, #tpu.memory_space<vmem_shared>> -> memref<6400xf32, #tpu.memory_space<vmem_shared>>
      tpu.wait_dma2 semaphore(%run_scoped3A_233 : memref<!tpu.dma_semaphore, #tpu.memory_space<semaphore_mem>>) src(%dma_wait3A_241 : memref<6400xf32, #tpu.memory_space<vmem_shared>>) dst(%dma_wait3A : memref<6400xf32, #tpu.memory_space<hbm>>)
      tpu.yield
    }) : () -> ()
    %mul3A_221 = arith.constant 6400 : i32
    %mul3A_222 = arith.muli %arg1, %mul3A_221 : i32
    %mul3A_223 = arith.constant 6 : i32
    %mul3A_224 = arith.muli %arg0, %mul3A_223 : i32
    %add3A_225 = arith.constant 5 : i32
    %add3A_226 = arith.addi %mul3A_224, %add3A_225 : i32
    %mul3A_227 = arith.constant 102400 : i32
    %mul3A_228 = arith.muli %add3A_226, %mul3A_227 : i32
    %mul3A_229 = arith.constant 6400 : i32
    %mul3A_230 = arith.muli %arg1, %mul3A_229 : i32
    %add3A_231 = arith.addi %mul3A_228, %mul3A_230 : i32
    %run_scoped3A_232 = arith.constant 5 : i32
    "tpu.region"() ({
      %run_scoped3A_233 = tpu.sem_alloc : memref<!tpu.dma_semaphore, #tpu.memory_space<semaphore_mem>>
      %dma_start3A = tpu.memref_slice %arg3[%add3A_231] : memref<1228800xf32, #tpu.memory_space<hbm>> -> memref<6400xf32, #tpu.memory_space<hbm>>
      %dma_start3A_234 = arith.constant 0 : i32
      %dma_start3A_235 = tpu.memref_slice %arg7[%run_scoped3A_232, %dma_start3A_234] : memref<6x102400xf32, #tpu.memory_space<vmem_shared>> -> memref<1x102400xf32, #tpu.memory_space<vmem_shared>>
      %dma_start3A_236 = tpu.memref_squeeze %dma_start3A_235 : memref<1x102400xf32, #tpu.memory_space<vmem_shared>> -> memref<102400xf32, #tpu.memory_space<vmem_shared>>
      %dma_start3A_237 = tpu.memref_slice %dma_start3A_236[%mul3A_222] : memref<102400xf32, #tpu.memory_space<vmem_shared>> -> memref<6400xf32, #tpu.memory_space<vmem_shared>>
      tpu.enqueue_dma source(%dma_start3A_237 : memref<6400xf32, #tpu.memory_space<vmem_shared>>) target(%dma_start3A : memref<6400xf32, #tpu.memory_space<hbm>>) target_semaphore(%run_scoped3A_233 : memref<!tpu.dma_semaphore, #tpu.memory_space<semaphore_mem>>)
      %dma_wait3A = tpu.memref_slice %arg3[%add3A_231] : memref<1228800xf32, #tpu.memory_space<hbm>> -> memref<6400xf32, #tpu.memory_space<hbm>>
      %dma_wait3A_238 = arith.constant 0 : i32
      %dma_wait3A_239 = tpu.memref_slice %arg7[%run_scoped3A_232, %dma_wait3A_238] : memref<6x102400xf32, #tpu.memory_space<vmem_shared>> -> memref<1x102400xf32, #tpu.memory_space<vmem_shared>>
      %dma_wait3A_240 = tpu.memref_squeeze %dma_wait3A_239 : memref<1x102400xf32, #tpu.memory_space<vmem_shared>> -> memref<102400xf32, #tpu.memory_space<vmem_shared>>
      %dma_wait3A_241 = tpu.memref_slice %dma_wait3A_240[%mul3A_222] : memref<102400xf32, #tpu.memory_space<vmem_shared>> -> memref<6400xf32, #tpu.memory_space<vmem_shared>>
      tpu.wait_dma2 semaphore(%run_scoped3A_233 : memref<!tpu.dma_semaphore, #tpu.memory_space<semaphore_mem>>) src(%dma_wait3A_241 : memref<6400xf32, #tpu.memory_space<vmem_shared>>) dst(%dma_wait3A : memref<6400xf32, #tpu.memory_space<hbm>>)
      tpu.yield
    }) : () -> ()
    return
  }
}

#map = affine_map<(d0, d1) -> (0)>
module attributes {stable_mosaic.version = 14 : i64} {
  func.func @sc_kernel(%arg0: i32, %arg1: i32, %arg2: memref<57344xi32, #tpu.memory_space<hbm>>, %arg3: memref<1433600xf32, #tpu.memory_space<hbm>>, %arg4: memref<14x128xi32, #tpu.memory_space<vmem>>, %arg5: memref<128xf32, #tpu.memory_space<vmem>>, %arg6: memref<6400xf32, #tpu.memory_space<vmem>>, %arg7: memref<7x102400xf32, #tpu.memory_space<vmem_shared>>) attributes {dimension_semantics = [#tpu.dimension_semantics<core_parallel>, #tpu.dimension_semantics<subcore_parallel>], iteration_bounds = array<i64: 2, 16>, scalar_prefetch = 0 : i64, scratch_operands = 4 : i64, tpu.core_type = #tpu.core_type<sc_vector_subcore>, window_params = [{transform_indices = #map}, {transform_indices = #map}]} {
    %scan3A = arith.constant 0 : i32
    %scan3A_0 = arith.constant 0 : i32
    %scan3A_1 = arith.constant 50 : i32
    %scan3A_2 = arith.addi %scan3A_0, %scan3A_1 : i32
    %scan3A_3 = arith.constant 1 : i32
    %scan3A_4 = scf.for %scan3A_270 = %scan3A_0 to %scan3A_2 step %scan3A_3 iter_args(%scan3A_271 = %scan3A) -> (i32)  : i32 {
      %broadcast_in_dim3A = arith.constant 0.000000e+00 : f32
      %broadcast_in_dim3A_272 = vector.broadcast %broadcast_in_dim3A : f32 to vector<16xf32>
      %mul3A_273 = arith.constant 8 : i32
      %mul3A_274 = arith.muli %scan3A_270, %mul3A_273 : i32
      %mul3A_275 = arith.constant 16 : i32
      %mul3A_276 = arith.muli %mul3A_274, %mul3A_275 : i32
      %add3A_277 = arith.constant 0 : i32
      %add3A_278 = arith.addi %mul3A_276, %add3A_277 : i32
      %swap3A = arith.index_cast %add3A_278 : i32 to index
      %swap3A_279 = tpu.vector_load %arg6[%swap3A] {strides = array<i32>} : memref<6400xf32, #tpu.memory_space<vmem>>, vector<16xf32>,
      %swap3A_280 = vector.shape_cast %swap3A_279 : vector<16xf32> to vector<16xf32>
      %swap3A_281 = vector.shape_cast %broadcast_in_dim3A_272 : vector<16xf32> to vector<16xf32>
      tpu.vector_store %arg6[%swap3A], %swap3A_281 {strides = array<i32>} : memref<6400xf32, #tpu.memory_space<vmem>>, vector<16xf32>,
      %broadcast_in_dim3A_282 = arith.constant 0.000000e+00 : f32
      %broadcast_in_dim3A_283 = vector.broadcast %broadcast_in_dim3A_282 : f32 to vector<16xf32>
      %mul3A_284 = arith.constant 8 : i32
      %mul3A_285 = arith.muli %scan3A_270, %mul3A_284 : i32
      %mul3A_286 = arith.constant 16 : i32
      %mul3A_287 = arith.muli %mul3A_285, %mul3A_286 : i32
      %add3A_288 = arith.constant 16 : i32
      %add3A_289 = arith.addi %mul3A_287, %add3A_288 : i32
      %swap3A_290 = arith.index_cast %add3A_289 : i32 to index
      %swap3A_291 = tpu.vector_load %arg6[%swap3A_290] {strides = array<i32>} : memref<6400xf32, #tpu.memory_space<vmem>>, vector<16xf32>,
      %swap3A_292 = vector.shape_cast %swap3A_291 : vector<16xf32> to vector<16xf32>
      %swap3A_293 = vector.shape_cast %broadcast_in_dim3A_283 : vector<16xf32> to vector<16xf32>
      tpu.vector_store %arg6[%swap3A_290], %swap3A_293 {strides = array<i32>} : memref<6400xf32, #tpu.memory_space<vmem>>, vector<16xf32>,
      %broadcast_in_dim3A_294 = arith.constant 0.000000e+00 : f32
      %broadcast_in_dim3A_295 = vector.broadcast %broadcast_in_dim3A_294 : f32 to vector<16xf32>
      %mul3A_296 = arith.constant 8 : i32
      %mul3A_297 = arith.muli %scan3A_270, %mul3A_296 : i32
      %mul3A_298 = arith.constant 16 : i32
      %mul3A_299 = arith.muli %mul3A_297, %mul3A_298 : i32
      %add3A_300 = arith.constant 32 : i32
      %add3A_301 = arith.addi %mul3A_299, %add3A_300 : i32
      %swap3A_302 = arith.index_cast %add3A_301 : i32 to index
      %swap3A_303 = tpu.vector_load %arg6[%swap3A_302] {strides = array<i32>} : memref<6400xf32, #tpu.memory_space<vmem>>, vector<16xf32>,
      %swap3A_304 = vector.shape_cast %swap3A_303 : vector<16xf32> to vector<16xf32>
      %swap3A_305 = vector.shape_cast %broadcast_in_dim3A_295 : vector<16xf32> to vector<16xf32>
      tpu.vector_store %arg6[%swap3A_302], %swap3A_305 {strides = array<i32>} : memref<6400xf32, #tpu.memory_space<vmem>>, vector<16xf32>,
      %broadcast_in_dim3A_306 = arith.constant 0.000000e+00 : f32
      %broadcast_in_dim3A_307 = vector.broadcast %broadcast_in_dim3A_306 : f32 to vector<16xf32>
      %mul3A_308 = arith.constant 8 : i32
      %mul3A_309 = arith.muli %scan3A_270, %mul3A_308 : i32
      %mul3A_310 = arith.constant 16 : i32
      %mul3A_311 = arith.muli %mul3A_309, %mul3A_310 : i32
      %add3A_312 = arith.constant 48 : i32
      %add3A_313 = arith.addi %mul3A_311, %add3A_312 : i32
      %swap3A_314 = arith.index_cast %add3A_313 : i32 to index
      %swap3A_315 = tpu.vector_load %arg6[%swap3A_314] {strides = array<i32>} : memref<6400xf32, #tpu.memory_space<vmem>>, vector<16xf32>,
      %swap3A_316 = vector.shape_cast %swap3A_315 : vector<16xf32> to vector<16xf32>
      %swap3A_317 = vector.shape_cast %broadcast_in_dim3A_307 : vector<16xf32> to vector<16xf32>
      tpu.vector_store %arg6[%swap3A_314], %swap3A_317 {strides = array<i32>} : memref<6400xf32, #tpu.memory_space<vmem>>, vector<16xf32>,
      %broadcast_in_dim3A_318 = arith.constant 0.000000e+00 : f32
      %broadcast_in_dim3A_319 = vector.broadcast %broadcast_in_dim3A_318 : f32 to vector<16xf32>
      %mul3A_320 = arith.constant 8 : i32
      %mul3A_321 = arith.muli %scan3A_270, %mul3A_320 : i32
      %mul3A_322 = arith.constant 16 : i32
      %mul3A_323 = arith.muli %mul3A_321, %mul3A_322 : i32
      %add3A_324 = arith.constant 64 : i32
      %add3A_325 = arith.addi %mul3A_323, %add3A_324 : i32
      %swap3A_326 = arith.index_cast %add3A_325 : i32 to index
      %swap3A_327 = tpu.vector_load %arg6[%swap3A_326] {strides = array<i32>} : memref<6400xf32, #tpu.memory_space<vmem>>, vector<16xf32>,
      %swap3A_328 = vector.shape_cast %swap3A_327 : vector<16xf32> to vector<16xf32>
      %swap3A_329 = vector.shape_cast %broadcast_in_dim3A_319 : vector<16xf32> to vector<16xf32>
      tpu.vector_store %arg6[%swap3A_326], %swap3A_329 {strides = array<i32>} : memref<6400xf32, #tpu.memory_space<vmem>>, vector<16xf32>,
      %broadcast_in_dim3A_330 = arith.constant 0.000000e+00 : f32
      %broadcast_in_dim3A_331 = vector.broadcast %broadcast_in_dim3A_330 : f32 to vector<16xf32>
      %mul3A_332 = arith.constant 8 : i32
      %mul3A_333 = arith.muli %scan3A_270, %mul3A_332 : i32
      %mul3A_334 = arith.constant 16 : i32
      %mul3A_335 = arith.muli %mul3A_333, %mul3A_334 : i32
      %add3A_336 = arith.constant 80 : i32
      %add3A_337 = arith.addi %mul3A_335, %add3A_336 : i32
      %swap3A_338 = arith.index_cast %add3A_337 : i32 to index
      %swap3A_339 = tpu.vector_load %arg6[%swap3A_338] {strides = array<i32>} : memref<6400xf32, #tpu.memory_space<vmem>>, vector<16xf32>,
      %swap3A_340 = vector.shape_cast %swap3A_339 : vector<16xf32> to vector<16xf32>
      %swap3A_341 = vector.shape_cast %broadcast_in_dim3A_331 : vector<16xf32> to vector<16xf32>
      tpu.vector_store %arg6[%swap3A_338], %swap3A_341 {strides = array<i32>} : memref<6400xf32, #tpu.memory_space<vmem>>, vector<16xf32>,
      %broadcast_in_dim3A_342 = arith.constant 0.000000e+00 : f32
      %broadcast_in_dim3A_343 = vector.broadcast %broadcast_in_dim3A_342 : f32 to vector<16xf32>
      %mul3A_344 = arith.constant 8 : i32
      %mul3A_345 = arith.muli %scan3A_270, %mul3A_344 : i32
      %mul3A_346 = arith.constant 16 : i32
      %mul3A_347 = arith.muli %mul3A_345, %mul3A_346 : i32
      %add3A_348 = arith.constant 96 : i32
      %add3A_349 = arith.addi %mul3A_347, %add3A_348 : i32
      %swap3A_350 = arith.index_cast %add3A_349 : i32 to index
      %swap3A_351 = tpu.vector_load %arg6[%swap3A_350] {strides = array<i32>} : memref<6400xf32, #tpu.memory_space<vmem>>, vector<16xf32>,
      %swap3A_352 = vector.shape_cast %swap3A_351 : vector<16xf32> to vector<16xf32>
      %swap3A_353 = vector.shape_cast %broadcast_in_dim3A_343 : vector<16xf32> to vector<16xf32>
      tpu.vector_store %arg6[%swap3A_350], %swap3A_353 {strides = array<i32>} : memref<6400xf32, #tpu.memory_space<vmem>>, vector<16xf32>,
      %broadcast_in_dim3A_354 = arith.constant 0.000000e+00 : f32
      %broadcast_in_dim3A_355 = vector.broadcast %broadcast_in_dim3A_354 : f32 to vector<16xf32>
      %mul3A_356 = arith.constant 8 : i32
      %mul3A_357 = arith.muli %scan3A_270, %mul3A_356 : i32
      %mul3A_358 = arith.constant 16 : i32
      %mul3A_359 = arith.muli %mul3A_357, %mul3A_358 : i32
      %add3A_360 = arith.constant 112 : i32
      %add3A_361 = arith.addi %mul3A_359, %add3A_360 : i32
      %swap3A_362 = arith.index_cast %add3A_361 : i32 to index
      %swap3A_363 = tpu.vector_load %arg6[%swap3A_362] {strides = array<i32>} : memref<6400xf32, #tpu.memory_space<vmem>>, vector<16xf32>,
      %swap3A_364 = vector.shape_cast %swap3A_363 : vector<16xf32> to vector<16xf32>
      %swap3A_365 = vector.shape_cast %broadcast_in_dim3A_355 : vector<16xf32> to vector<16xf32>
      tpu.vector_store %arg6[%swap3A_362], %swap3A_365 {strides = array<i32>} : memref<6400xf32, #tpu.memory_space<vmem>>, vector<16xf32>,
      %scan3A_366 = arith.constant 0 : i32
      scf.yield %scan3A_366 : i32
    }
    %scan3A_5 = arith.constant 50 : i32
    %scan3A_6 = arith.constant 0 : i32
    %scan3A_7 = arith.constant 0 : i32
    %scan3A_8 = arith.constant 8 : i32
    %scan3A_9 = arith.addi %scan3A_7, %scan3A_8 : i32
    %scan3A_10 = arith.constant 1 : i32
    %scan3A_11 = scf.for %scan3A_270 = %scan3A_7 to %scan3A_9 step %scan3A_10 iter_args(%scan3A_271 = %scan3A_6) -> (i32)  : i32 {
      %broadcast_in_dim3A = arith.constant 1.000000e+00 : f32
      %broadcast_in_dim3A_272 = vector.broadcast %broadcast_in_dim3A : f32 to vector<16xf32>
      %mul3A_273 = arith.constant 16 : i32
      %mul3A_274 = arith.muli %scan3A_270, %mul3A_273 : i32
      %swap3A = arith.index_cast %mul3A_274 : i32 to index
      %swap3A_275 = tpu.vector_load %arg5[%swap3A] {strides = array<i32>} : memref<128xf32, #tpu.memory_space<vmem>>, vector<16xf32>,
      %swap3A_276 = vector.shape_cast %swap3A_275 : vector<16xf32> to vector<16xf32>
      %swap3A_277 = vector.shape_cast %broadcast_in_dim3A_272 : vector<16xf32> to vector<16xf32>
      tpu.vector_store %arg5[%swap3A], %swap3A_277 {strides = array<i32>} : memref<128xf32, #tpu.memory_space<vmem>>, vector<16xf32>,
      %scan3A_278 = arith.constant 0 : i32
      scf.yield %scan3A_278 : i32
    }
    %scan3A_12 = arith.constant 8 : i32
    %mul3A = arith.constant 6400 : i32
    %mul3A_13 = arith.muli %arg1, %mul3A : i32
    %run_scoped3A = arith.constant 0 : i32
    "tpu.region"() ({
      %run_scoped3A_270 = tpu.sem_alloc : memref<!tpu.dma_semaphore, #tpu.memory_space<semaphore_mem>>
      %dma_start3A = arith.constant 0 : i32
      %dma_start3A_271 = tpu.memref_slice %arg7[%run_scoped3A, %dma_start3A] : memref<7x102400xf32, #tpu.memory_space<vmem_shared>> -> memref<1x102400xf32, #tpu.memory_space<vmem_shared>>
      %dma_start3A_272 = tpu.memref_squeeze %dma_start3A_271 : memref<1x102400xf32, #tpu.memory_space<vmem_shared>> -> memref<102400xf32, #tpu.memory_space<vmem_shared>>
      %dma_start3A_273 = tpu.memref_slice %dma_start3A_272[%mul3A_13] : memref<102400xf32, #tpu.memory_space<vmem_shared>> -> memref<6400xf32, #tpu.memory_space<vmem_shared>>
      %dma_start3A_274 = arith.constant 0 : i32
      %dma_start3A_275 = tpu.memref_slice %arg7[%run_scoped3A, %dma_start3A_274] : memref<7x102400xf32, #tpu.memory_space<vmem_shared>> -> memref<1x102400xf32, #tpu.memory_space<vmem_shared>>
      %dma_start3A_276 = tpu.memref_squeeze %dma_start3A_275 : memref<1x102400xf32, #tpu.memory_space<vmem_shared>> -> memref<102400xf32, #tpu.memory_space<vmem_shared>>
      %dma_start3A_277 = tpu.memref_slice %dma_start3A_276[%mul3A_13] : memref<102400xf32, #tpu.memory_space<vmem_shared>> -> memref<6400xf32, #tpu.memory_space<vmem_shared>>
      tpu.enqueue_dma source(%arg6 : memref<6400xf32, #tpu.memory_space<vmem>>) target(%dma_start3A_277 : memref<6400xf32, #tpu.memory_space<vmem_shared>>) target_semaphore(%run_scoped3A_270 : memref<!tpu.dma_semaphore, #tpu.memory_space<semaphore_mem>>)
      %dma_wait3A = arith.constant 0 : i32
      %dma_wait3A_278 = tpu.memref_slice %arg7[%run_scoped3A, %dma_wait3A] : memref<7x102400xf32, #tpu.memory_space<vmem_shared>> -> memref<1x102400xf32, #tpu.memory_space<vmem_shared>>
      %dma_wait3A_279 = tpu.memref_squeeze %dma_wait3A_278 : memref<1x102400xf32, #tpu.memory_space<vmem_shared>> -> memref<102400xf32, #tpu.memory_space<vmem_shared>>
      %dma_wait3A_280 = tpu.memref_slice %dma_wait3A_279[%mul3A_13] : memref<102400xf32, #tpu.memory_space<vmem_shared>> -> memref<6400xf32, #tpu.memory_space<vmem_shared>>
      %dma_wait3A_281 = arith.constant 0 : i32
      %dma_wait3A_282 = tpu.memref_slice %arg7[%run_scoped3A, %dma_wait3A_281] : memref<7x102400xf32, #tpu.memory_space<vmem_shared>> -> memref<1x102400xf32, #tpu.memory_space<vmem_shared>>
      %dma_wait3A_283 = tpu.memref_squeeze %dma_wait3A_282 : memref<1x102400xf32, #tpu.memory_space<vmem_shared>> -> memref<102400xf32, #tpu.memory_space<vmem_shared>>
      %dma_wait3A_284 = tpu.memref_slice %dma_wait3A_283[%mul3A_13] : memref<102400xf32, #tpu.memory_space<vmem_shared>> -> memref<6400xf32, #tpu.memory_space<vmem_shared>>
      tpu.wait_dma2 semaphore(%run_scoped3A_270 : memref<!tpu.dma_semaphore, #tpu.memory_space<semaphore_mem>>) src(%arg6 : memref<6400xf32, #tpu.memory_space<vmem>>) dst(%dma_wait3A_284 : memref<6400xf32, #tpu.memory_space<vmem_shared>>)
      tpu.yield
    }) : () -> ()
    %mul3A_14 = arith.constant 6400 : i32
    %mul3A_15 = arith.muli %arg1, %mul3A_14 : i32
    %run_scoped3A_16 = arith.constant 1 : i32
    "tpu.region"() ({
      %run_scoped3A_270 = tpu.sem_alloc : memref<!tpu.dma_semaphore, #tpu.memory_space<semaphore_mem>>
      %dma_start3A = arith.constant 0 : i32
      %dma_start3A_271 = tpu.memref_slice %arg7[%run_scoped3A_16, %dma_start3A] : memref<7x102400xf32, #tpu.memory_space<vmem_shared>> -> memref<1x102400xf32, #tpu.memory_space<vmem_shared>>
      %dma_start3A_272 = tpu.memref_squeeze %dma_start3A_271 : memref<1x102400xf32, #tpu.memory_space<vmem_shared>> -> memref<102400xf32, #tpu.memory_space<vmem_shared>>
      %dma_start3A_273 = tpu.memref_slice %dma_start3A_272[%mul3A_15] : memref<102400xf32, #tpu.memory_space<vmem_shared>> -> memref<6400xf32, #tpu.memory_space<vmem_shared>>
      %dma_start3A_274 = arith.constant 0 : i32
      %dma_start3A_275 = tpu.memref_slice %arg7[%run_scoped3A_16, %dma_start3A_274] : memref<7x102400xf32, #tpu.memory_space<vmem_shared>> -> memref<1x102400xf32, #tpu.memory_space<vmem_shared>>
      %dma_start3A_276 = tpu.memref_squeeze %dma_start3A_275 : memref<1x102400xf32, #tpu.memory_space<vmem_shared>> -> memref<102400xf32, #tpu.memory_space<vmem_shared>>
      %dma_start3A_277 = tpu.memref_slice %dma_start3A_276[%mul3A_15] : memref<102400xf32, #tpu.memory_space<vmem_shared>> -> memref<6400xf32, #tpu.memory_space<vmem_shared>>
      tpu.enqueue_dma source(%arg6 : memref<6400xf32, #tpu.memory_space<vmem>>) target(%dma_start3A_277 : memref<6400xf32, #tpu.memory_space<vmem_shared>>) target_semaphore(%run_scoped3A_270 : memref<!tpu.dma_semaphore, #tpu.memory_space<semaphore_mem>>)
      %dma_wait3A = arith.constant 0 : i32
      %dma_wait3A_278 = tpu.memref_slice %arg7[%run_scoped3A_16, %dma_wait3A] : memref<7x102400xf32, #tpu.memory_space<vmem_shared>> -> memref<1x102400xf32, #tpu.memory_space<vmem_shared>>
      %dma_wait3A_279 = tpu.memref_squeeze %dma_wait3A_278 : memref<1x102400xf32, #tpu.memory_space<vmem_shared>> -> memref<102400xf32, #tpu.memory_space<vmem_shared>>
      %dma_wait3A_280 = tpu.memref_slice %dma_wait3A_279[%mul3A_15] : memref<102400xf32, #tpu.memory_space<vmem_shared>> -> memref<6400xf32, #tpu.memory_space<vmem_shared>>
      %dma_wait3A_281 = arith.constant 0 : i32
      %dma_wait3A_282 = tpu.memref_slice %arg7[%run_scoped3A_16, %dma_wait3A_281] : memref<7x102400xf32, #tpu.memory_space<vmem_shared>> -> memref<1x102400xf32, #tpu.memory_space<vmem_shared>>
      %dma_wait3A_283 = tpu.memref_squeeze %dma_wait3A_282 : memref<1x102400xf32, #tpu.memory_space<vmem_shared>> -> memref<102400xf32, #tpu.memory_space<vmem_shared>>
      %dma_wait3A_284 = tpu.memref_slice %dma_wait3A_283[%mul3A_15] : memref<102400xf32, #tpu.memory_space<vmem_shared>> -> memref<6400xf32, #tpu.memory_space<vmem_shared>>
      tpu.wait_dma2 semaphore(%run_scoped3A_270 : memref<!tpu.dma_semaphore, #tpu.memory_space<semaphore_mem>>) src(%arg6 : memref<6400xf32, #tpu.memory_space<vmem>>) dst(%dma_wait3A_284 : memref<6400xf32, #tpu.memory_space<vmem_shared>>)
      tpu.yield
    }) : () -> ()
    %mul3A_17 = arith.constant 6400 : i32
    %mul3A_18 = arith.muli %arg1, %mul3A_17 : i32
    %run_scoped3A_19 = arith.constant 2 : i32
    "tpu.region"() ({
      %run_scoped3A_270 = tpu.sem_alloc : memref<!tpu.dma_semaphore, #tpu.memory_space<semaphore_mem>>
      %dma_start3A = arith.constant 0 : i32
      %dma_start3A_271 = tpu.memref_slice %arg7[%run_scoped3A_19, %dma_start3A] : memref<7x102400xf32, #tpu.memory_space<vmem_shared>> -> memref<1x102400xf32, #tpu.memory_space<vmem_shared>>
      %dma_start3A_272 = tpu.memref_squeeze %dma_start3A_271 : memref<1x102400xf32, #tpu.memory_space<vmem_shared>> -> memref<102400xf32, #tpu.memory_space<vmem_shared>>
      %dma_start3A_273 = tpu.memref_slice %dma_start3A_272[%mul3A_18] : memref<102400xf32, #tpu.memory_space<vmem_shared>> -> memref<6400xf32, #tpu.memory_space<vmem_shared>>
      %dma_start3A_274 = arith.constant 0 : i32
      %dma_start3A_275 = tpu.memref_slice %arg7[%run_scoped3A_19, %dma_start3A_274] : memref<7x102400xf32, #tpu.memory_space<vmem_shared>> -> memref<1x102400xf32, #tpu.memory_space<vmem_shared>>
      %dma_start3A_276 = tpu.memref_squeeze %dma_start3A_275 : memref<1x102400xf32, #tpu.memory_space<vmem_shared>> -> memref<102400xf32, #tpu.memory_space<vmem_shared>>
      %dma_start3A_277 = tpu.memref_slice %dma_start3A_276[%mul3A_18] : memref<102400xf32, #tpu.memory_space<vmem_shared>> -> memref<6400xf32, #tpu.memory_space<vmem_shared>>
      tpu.enqueue_dma source(%arg6 : memref<6400xf32, #tpu.memory_space<vmem>>) target(%dma_start3A_277 : memref<6400xf32, #tpu.memory_space<vmem_shared>>) target_semaphore(%run_scoped3A_270 : memref<!tpu.dma_semaphore, #tpu.memory_space<semaphore_mem>>)
      %dma_wait3A = arith.constant 0 : i32
      %dma_wait3A_278 = tpu.memref_slice %arg7[%run_scoped3A_19, %dma_wait3A] : memref<7x102400xf32, #tpu.memory_space<vmem_shared>> -> memref<1x102400xf32, #tpu.memory_space<vmem_shared>>
      %dma_wait3A_279 = tpu.memref_squeeze %dma_wait3A_278 : memref<1x102400xf32, #tpu.memory_space<vmem_shared>> -> memref<102400xf32, #tpu.memory_space<vmem_shared>>
      %dma_wait3A_280 = tpu.memref_slice %dma_wait3A_279[%mul3A_18] : memref<102400xf32, #tpu.memory_space<vmem_shared>> -> memref<6400xf32, #tpu.memory_space<vmem_shared>>
      %dma_wait3A_281 = arith.constant 0 : i32
      %dma_wait3A_282 = tpu.memref_slice %arg7[%run_scoped3A_19, %dma_wait3A_281] : memref<7x102400xf32, #tpu.memory_space<vmem_shared>> -> memref<1x102400xf32, #tpu.memory_space<vmem_shared>>
      %dma_wait3A_283 = tpu.memref_squeeze %dma_wait3A_282 : memref<1x102400xf32, #tpu.memory_space<vmem_shared>> -> memref<102400xf32, #tpu.memory_space<vmem_shared>>
      %dma_wait3A_284 = tpu.memref_slice %dma_wait3A_283[%mul3A_18] : memref<102400xf32, #tpu.memory_space<vmem_shared>> -> memref<6400xf32, #tpu.memory_space<vmem_shared>>
      tpu.wait_dma2 semaphore(%run_scoped3A_270 : memref<!tpu.dma_semaphore, #tpu.memory_space<semaphore_mem>>) src(%arg6 : memref<6400xf32, #tpu.memory_space<vmem>>) dst(%dma_wait3A_284 : memref<6400xf32, #tpu.memory_space<vmem_shared>>)
      tpu.yield
    }) : () -> ()
    %mul3A_20 = arith.constant 6400 : i32
    %mul3A_21 = arith.muli %arg1, %mul3A_20 : i32
    %run_scoped3A_22 = arith.constant 3 : i32
    "tpu.region"() ({
      %run_scoped3A_270 = tpu.sem_alloc : memref<!tpu.dma_semaphore, #tpu.memory_space<semaphore_mem>>
      %dma_start3A = arith.constant 0 : i32
      %dma_start3A_271 = tpu.memref_slice %arg7[%run_scoped3A_22, %dma_start3A] : memref<7x102400xf32, #tpu.memory_space<vmem_shared>> -> memref<1x102400xf32, #tpu.memory_space<vmem_shared>>
      %dma_start3A_272 = tpu.memref_squeeze %dma_start3A_271 : memref<1x102400xf32, #tpu.memory_space<vmem_shared>> -> memref<102400xf32, #tpu.memory_space<vmem_shared>>
      %dma_start3A_273 = tpu.memref_slice %dma_start3A_272[%mul3A_21] : memref<102400xf32, #tpu.memory_space<vmem_shared>> -> memref<6400xf32, #tpu.memory_space<vmem_shared>>
      %dma_start3A_274 = arith.constant 0 : i32
      %dma_start3A_275 = tpu.memref_slice %arg7[%run_scoped3A_22, %dma_start3A_274] : memref<7x102400xf32, #tpu.memory_space<vmem_shared>> -> memref<1x102400xf32, #tpu.memory_space<vmem_shared>>
      %dma_start3A_276 = tpu.memref_squeeze %dma_start3A_275 : memref<1x102400xf32, #tpu.memory_space<vmem_shared>> -> memref<102400xf32, #tpu.memory_space<vmem_shared>>
      %dma_start3A_277 = tpu.memref_slice %dma_start3A_276[%mul3A_21] : memref<102400xf32, #tpu.memory_space<vmem_shared>> -> memref<6400xf32, #tpu.memory_space<vmem_shared>>
      tpu.enqueue_dma source(%arg6 : memref<6400xf32, #tpu.memory_space<vmem>>) target(%dma_start3A_277 : memref<6400xf32, #tpu.memory_space<vmem_shared>>) target_semaphore(%run_scoped3A_270 : memref<!tpu.dma_semaphore, #tpu.memory_space<semaphore_mem>>)
      %dma_wait3A = arith.constant 0 : i32
      %dma_wait3A_278 = tpu.memref_slice %arg7[%run_scoped3A_22, %dma_wait3A] : memref<7x102400xf32, #tpu.memory_space<vmem_shared>> -> memref<1x102400xf32, #tpu.memory_space<vmem_shared>>
      %dma_wait3A_279 = tpu.memref_squeeze %dma_wait3A_278 : memref<1x102400xf32, #tpu.memory_space<vmem_shared>> -> memref<102400xf32, #tpu.memory_space<vmem_shared>>
      %dma_wait3A_280 = tpu.memref_slice %dma_wait3A_279[%mul3A_21] : memref<102400xf32, #tpu.memory_space<vmem_shared>> -> memref<6400xf32, #tpu.memory_space<vmem_shared>>
      %dma_wait3A_281 = arith.constant 0 : i32
      %dma_wait3A_282 = tpu.memref_slice %arg7[%run_scoped3A_22, %dma_wait3A_281] : memref<7x102400xf32, #tpu.memory_space<vmem_shared>> -> memref<1x102400xf32, #tpu.memory_space<vmem_shared>>
      %dma_wait3A_283 = tpu.memref_squeeze %dma_wait3A_282 : memref<1x102400xf32, #tpu.memory_space<vmem_shared>> -> memref<102400xf32, #tpu.memory_space<vmem_shared>>
      %dma_wait3A_284 = tpu.memref_slice %dma_wait3A_283[%mul3A_21] : memref<102400xf32, #tpu.memory_space<vmem_shared>> -> memref<6400xf32, #tpu.memory_space<vmem_shared>>
      tpu.wait_dma2 semaphore(%run_scoped3A_270 : memref<!tpu.dma_semaphore, #tpu.memory_space<semaphore_mem>>) src(%arg6 : memref<6400xf32, #tpu.memory_space<vmem>>) dst(%dma_wait3A_284 : memref<6400xf32, #tpu.memory_space<vmem_shared>>)
      tpu.yield
    }) : () -> ()
    %mul3A_23 = arith.constant 6400 : i32
    %mul3A_24 = arith.muli %arg1, %mul3A_23 : i32
    %run_scoped3A_25 = arith.constant 4 : i32
    "tpu.region"() ({
      %run_scoped3A_270 = tpu.sem_alloc : memref<!tpu.dma_semaphore, #tpu.memory_space<semaphore_mem>>
      %dma_start3A = arith.constant 0 : i32
      %dma_start3A_271 = tpu.memref_slice %arg7[%run_scoped3A_25, %dma_start3A] : memref<7x102400xf32, #tpu.memory_space<vmem_shared>> -> memref<1x102400xf32, #tpu.memory_space<vmem_shared>>
      %dma_start3A_272 = tpu.memref_squeeze %dma_start3A_271 : memref<1x102400xf32, #tpu.memory_space<vmem_shared>> -> memref<102400xf32, #tpu.memory_space<vmem_shared>>
      %dma_start3A_273 = tpu.memref_slice %dma_start3A_272[%mul3A_24] : memref<102400xf32, #tpu.memory_space<vmem_shared>> -> memref<6400xf32, #tpu.memory_space<vmem_shared>>
      %dma_start3A_274 = arith.constant 0 : i32
      %dma_start3A_275 = tpu.memref_slice %arg7[%run_scoped3A_25, %dma_start3A_274] : memref<7x102400xf32, #tpu.memory_space<vmem_shared>> -> memref<1x102400xf32, #tpu.memory_space<vmem_shared>>
      %dma_start3A_276 = tpu.memref_squeeze %dma_start3A_275 : memref<1x102400xf32, #tpu.memory_space<vmem_shared>> -> memref<102400xf32, #tpu.memory_space<vmem_shared>>
      %dma_start3A_277 = tpu.memref_slice %dma_start3A_276[%mul3A_24] : memref<102400xf32, #tpu.memory_space<vmem_shared>> -> memref<6400xf32, #tpu.memory_space<vmem_shared>>
      tpu.enqueue_dma source(%arg6 : memref<6400xf32, #tpu.memory_space<vmem>>) target(%dma_start3A_277 : memref<6400xf32, #tpu.memory_space<vmem_shared>>) target_semaphore(%run_scoped3A_270 : memref<!tpu.dma_semaphore, #tpu.memory_space<semaphore_mem>>)
      %dma_wait3A = arith.constant 0 : i32
      %dma_wait3A_278 = tpu.memref_slice %arg7[%run_scoped3A_25, %dma_wait3A] : memref<7x102400xf32, #tpu.memory_space<vmem_shared>> -> memref<1x102400xf32, #tpu.memory_space<vmem_shared>>
      %dma_wait3A_279 = tpu.memref_squeeze %dma_wait3A_278 : memref<1x102400xf32, #tpu.memory_space<vmem_shared>> -> memref<102400xf32, #tpu.memory_space<vmem_shared>>
      %dma_wait3A_280 = tpu.memref_slice %dma_wait3A_279[%mul3A_24] : memref<102400xf32, #tpu.memory_space<vmem_shared>> -> memref<6400xf32, #tpu.memory_space<vmem_shared>>
      %dma_wait3A_281 = arith.constant 0 : i32
      %dma_wait3A_282 = tpu.memref_slice %arg7[%run_scoped3A_25, %dma_wait3A_281] : memref<7x102400xf32, #tpu.memory_space<vmem_shared>> -> memref<1x102400xf32, #tpu.memory_space<vmem_shared>>
      %dma_wait3A_283 = tpu.memref_squeeze %dma_wait3A_282 : memref<1x102400xf32, #tpu.memory_space<vmem_shared>> -> memref<102400xf32, #tpu.memory_space<vmem_shared>>
      %dma_wait3A_284 = tpu.memref_slice %dma_wait3A_283[%mul3A_24] : memref<102400xf32, #tpu.memory_space<vmem_shared>> -> memref<6400xf32, #tpu.memory_space<vmem_shared>>
      tpu.wait_dma2 semaphore(%run_scoped3A_270 : memref<!tpu.dma_semaphore, #tpu.memory_space<semaphore_mem>>) src(%arg6 : memref<6400xf32, #tpu.memory_space<vmem>>) dst(%dma_wait3A_284 : memref<6400xf32, #tpu.memory_space<vmem_shared>>)
      tpu.yield
    }) : () -> ()
    %mul3A_26 = arith.constant 6400 : i32
    %mul3A_27 = arith.muli %arg1, %mul3A_26 : i32
    %run_scoped3A_28 = arith.constant 5 : i32
    "tpu.region"() ({
      %run_scoped3A_270 = tpu.sem_alloc : memref<!tpu.dma_semaphore, #tpu.memory_space<semaphore_mem>>
      %dma_start3A = arith.constant 0 : i32
      %dma_start3A_271 = tpu.memref_slice %arg7[%run_scoped3A_28, %dma_start3A] : memref<7x102400xf32, #tpu.memory_space<vmem_shared>> -> memref<1x102400xf32, #tpu.memory_space<vmem_shared>>
      %dma_start3A_272 = tpu.memref_squeeze %dma_start3A_271 : memref<1x102400xf32, #tpu.memory_space<vmem_shared>> -> memref<102400xf32, #tpu.memory_space<vmem_shared>>
      %dma_start3A_273 = tpu.memref_slice %dma_start3A_272[%mul3A_27] : memref<102400xf32, #tpu.memory_space<vmem_shared>> -> memref<6400xf32, #tpu.memory_space<vmem_shared>>
      %dma_start3A_274 = arith.constant 0 : i32
      %dma_start3A_275 = tpu.memref_slice %arg7[%run_scoped3A_28, %dma_start3A_274] : memref<7x102400xf32, #tpu.memory_space<vmem_shared>> -> memref<1x102400xf32, #tpu.memory_space<vmem_shared>>
      %dma_start3A_276 = tpu.memref_squeeze %dma_start3A_275 : memref<1x102400xf32, #tpu.memory_space<vmem_shared>> -> memref<102400xf32, #tpu.memory_space<vmem_shared>>
      %dma_start3A_277 = tpu.memref_slice %dma_start3A_276[%mul3A_27] : memref<102400xf32, #tpu.memory_space<vmem_shared>> -> memref<6400xf32, #tpu.memory_space<vmem_shared>>
      tpu.enqueue_dma source(%arg6 : memref<6400xf32, #tpu.memory_space<vmem>>) target(%dma_start3A_277 : memref<6400xf32, #tpu.memory_space<vmem_shared>>) target_semaphore(%run_scoped3A_270 : memref<!tpu.dma_semaphore, #tpu.memory_space<semaphore_mem>>)
      %dma_wait3A = arith.constant 0 : i32
      %dma_wait3A_278 = tpu.memref_slice %arg7[%run_scoped3A_28, %dma_wait3A] : memref<7x102400xf32, #tpu.memory_space<vmem_shared>> -> memref<1x102400xf32, #tpu.memory_space<vmem_shared>>
      %dma_wait3A_279 = tpu.memref_squeeze %dma_wait3A_278 : memref<1x102400xf32, #tpu.memory_space<vmem_shared>> -> memref<102400xf32, #tpu.memory_space<vmem_shared>>
      %dma_wait3A_280 = tpu.memref_slice %dma_wait3A_279[%mul3A_27] : memref<102400xf32, #tpu.memory_space<vmem_shared>> -> memref<6400xf32, #tpu.memory_space<vmem_shared>>
      %dma_wait3A_281 = arith.constant 0 : i32
      %dma_wait3A_282 = tpu.memref_slice %arg7[%run_scoped3A_28, %dma_wait3A_281] : memref<7x102400xf32, #tpu.memory_space<vmem_shared>> -> memref<1x102400xf32, #tpu.memory_space<vmem_shared>>
      %dma_wait3A_283 = tpu.memref_squeeze %dma_wait3A_282 : memref<1x102400xf32, #tpu.memory_space<vmem_shared>> -> memref<102400xf32, #tpu.memory_space<vmem_shared>>
      %dma_wait3A_284 = tpu.memref_slice %dma_wait3A_283[%mul3A_27] : memref<102400xf32, #tpu.memory_space<vmem_shared>> -> memref<6400xf32, #tpu.memory_space<vmem_shared>>
      tpu.wait_dma2 semaphore(%run_scoped3A_270 : memref<!tpu.dma_semaphore, #tpu.memory_space<semaphore_mem>>) src(%arg6 : memref<6400xf32, #tpu.memory_space<vmem>>) dst(%dma_wait3A_284 : memref<6400xf32, #tpu.memory_space<vmem_shared>>)
      tpu.yield
    }) : () -> ()
    %mul3A_29 = arith.constant 6400 : i32
    %mul3A_30 = arith.muli %arg1, %mul3A_29 : i32
    %run_scoped3A_31 = arith.constant 6 : i32
    "tpu.region"() ({
      %run_scoped3A_270 = tpu.sem_alloc : memref<!tpu.dma_semaphore, #tpu.memory_space<semaphore_mem>>
      %dma_start3A = arith.constant 0 : i32
      %dma_start3A_271 = tpu.memref_slice %arg7[%run_scoped3A_31, %dma_start3A] : memref<7x102400xf32, #tpu.memory_space<vmem_shared>> -> memref<1x102400xf32, #tpu.memory_space<vmem_shared>>
      %dma_start3A_272 = tpu.memref_squeeze %dma_start3A_271 : memref<1x102400xf32, #tpu.memory_space<vmem_shared>> -> memref<102400xf32, #tpu.memory_space<vmem_shared>>
      %dma_start3A_273 = tpu.memref_slice %dma_start3A_272[%mul3A_30] : memref<102400xf32, #tpu.memory_space<vmem_shared>> -> memref<6400xf32, #tpu.memory_space<vmem_shared>>
      %dma_start3A_274 = arith.constant 0 : i32
      %dma_start3A_275 = tpu.memref_slice %arg7[%run_scoped3A_31, %dma_start3A_274] : memref<7x102400xf32, #tpu.memory_space<vmem_shared>> -> memref<1x102400xf32, #tpu.memory_space<vmem_shared>>
      %dma_start3A_276 = tpu.memref_squeeze %dma_start3A_275 : memref<1x102400xf32, #tpu.memory_space<vmem_shared>> -> memref<102400xf32, #tpu.memory_space<vmem_shared>>
      %dma_start3A_277 = tpu.memref_slice %dma_start3A_276[%mul3A_30] : memref<102400xf32, #tpu.memory_space<vmem_shared>> -> memref<6400xf32, #tpu.memory_space<vmem_shared>>
      tpu.enqueue_dma source(%arg6 : memref<6400xf32, #tpu.memory_space<vmem>>) target(%dma_start3A_277 : memref<6400xf32, #tpu.memory_space<vmem_shared>>) target_semaphore(%run_scoped3A_270 : memref<!tpu.dma_semaphore, #tpu.memory_space<semaphore_mem>>)
      %dma_wait3A = arith.constant 0 : i32
      %dma_wait3A_278 = tpu.memref_slice %arg7[%run_scoped3A_31, %dma_wait3A] : memref<7x102400xf32, #tpu.memory_space<vmem_shared>> -> memref<1x102400xf32, #tpu.memory_space<vmem_shared>>
      %dma_wait3A_279 = tpu.memref_squeeze %dma_wait3A_278 : memref<1x102400xf32, #tpu.memory_space<vmem_shared>> -> memref<102400xf32, #tpu.memory_space<vmem_shared>>
      %dma_wait3A_280 = tpu.memref_slice %dma_wait3A_279[%mul3A_30] : memref<102400xf32, #tpu.memory_space<vmem_shared>> -> memref<6400xf32, #tpu.memory_space<vmem_shared>>
      %dma_wait3A_281 = arith.constant 0 : i32
      %dma_wait3A_282 = tpu.memref_slice %arg7[%run_scoped3A_31, %dma_wait3A_281] : memref<7x102400xf32, #tpu.memory_space<vmem_shared>> -> memref<1x102400xf32, #tpu.memory_space<vmem_shared>>
      %dma_wait3A_283 = tpu.memref_squeeze %dma_wait3A_282 : memref<1x102400xf32, #tpu.memory_space<vmem_shared>> -> memref<102400xf32, #tpu.memory_space<vmem_shared>>
      %dma_wait3A_284 = tpu.memref_slice %dma_wait3A_283[%mul3A_30] : memref<102400xf32, #tpu.memory_space<vmem_shared>> -> memref<6400xf32, #tpu.memory_space<vmem_shared>>
      tpu.wait_dma2 semaphore(%run_scoped3A_270 : memref<!tpu.dma_semaphore, #tpu.memory_space<semaphore_mem>>) src(%arg6 : memref<6400xf32, #tpu.memory_space<vmem>>) dst(%dma_wait3A_284 : memref<6400xf32, #tpu.memory_space<vmem_shared>>)
      tpu.yield
    }) : () -> ()
    %mul3A_32 = arith.constant 7 : i32
    %mul3A_33 = arith.muli %arg0, %mul3A_32 : i32
    %add3A = arith.constant 0 : i32
    %add3A_34 = arith.addi %mul3A_33, %add3A : i32
    %mul3A_35 = arith.constant 4096 : i32
    %mul3A_36 = arith.muli %add3A_34, %mul3A_35 : i32
    %add3A_37 = arith.constant 0 : i32
    %add3A_38 = arith.addi %arg1, %add3A_37 : i32
    %mul3A_39 = arith.constant 128 : i32
    %mul3A_40 = arith.muli %add3A_38, %mul3A_39 : i32
    %add3A_41 = arith.addi %mul3A_36, %mul3A_40 : i32
    %run_scoped3A_42 = arith.constant 0 : i32
    "tpu.region"() ({
      %run_scoped3A_270 = tpu.sem_alloc : memref<!tpu.dma_semaphore, #tpu.memory_space<semaphore_mem>>
      %dma_start3A = arith.constant 0 : i32
      %dma_start3A_271 = tpu.memref_slice %arg4[%run_scoped3A_42, %dma_start3A] : memref<14x128xi32, #tpu.memory_space<vmem>> -> memref<1x128xi32, #tpu.memory_space<vmem>>
      %dma_start3A_272 = tpu.memref_squeeze %dma_start3A_271 : memref<1x128xi32, #tpu.memory_space<vmem>> -> memref<128xi32, #tpu.memory_space<vmem>>
      %dma_start3A_273 = tpu.memref_slice %arg2[%add3A_41] : memref<57344xi32, #tpu.memory_space<hbm>> -> memref<128xi32, #tpu.memory_space<hbm>>
      %dma_start3A_274 = arith.constant 0 : i32
      %dma_start3A_275 = tpu.memref_slice %arg4[%run_scoped3A_42, %dma_start3A_274] : memref<14x128xi32, #tpu.memory_space<vmem>> -> memref<1x128xi32, #tpu.memory_space<vmem>>
      %dma_start3A_276 = tpu.memref_squeeze %dma_start3A_275 : memref<1x128xi32, #tpu.memory_space<vmem>> -> memref<128xi32, #tpu.memory_space<vmem>>
      %dma_start3A_277 = tpu.memref_slice %arg2[%add3A_41] : memref<57344xi32, #tpu.memory_space<hbm>> -> memref<128xi32, #tpu.memory_space<hbm>>
      tpu.enqueue_dma source(%dma_start3A_277 : memref<128xi32, #tpu.memory_space<hbm>>) target(%dma_start3A_276 : memref<128xi32, #tpu.memory_space<vmem>>) target_semaphore(%run_scoped3A_270 : memref<!tpu.dma_semaphore, #tpu.memory_space<semaphore_mem>>)
      %dma_wait3A = arith.constant 0 : i32
      %dma_wait3A_278 = tpu.memref_slice %arg4[%run_scoped3A_42, %dma_wait3A] : memref<14x128xi32, #tpu.memory_space<vmem>> -> memref<1x128xi32, #tpu.memory_space<vmem>>
      %dma_wait3A_279 = tpu.memref_squeeze %dma_wait3A_278 : memref<1x128xi32, #tpu.memory_space<vmem>> -> memref<128xi32, #tpu.memory_space<vmem>>
      %dma_wait3A_280 = tpu.memref_slice %arg2[%add3A_41] : memref<57344xi32, #tpu.memory_space<hbm>> -> memref<128xi32, #tpu.memory_space<hbm>>
      %dma_wait3A_281 = arith.constant 0 : i32
      %dma_wait3A_282 = tpu.memref_slice %arg4[%run_scoped3A_42, %dma_wait3A_281] : memref<14x128xi32, #tpu.memory_space<vmem>> -> memref<1x128xi32, #tpu.memory_space<vmem>>
      %dma_wait3A_283 = tpu.memref_squeeze %dma_wait3A_282 : memref<1x128xi32, #tpu.memory_space<vmem>> -> memref<128xi32, #tpu.memory_space<vmem>>
      %dma_wait3A_284 = tpu.memref_slice %arg2[%add3A_41] : memref<57344xi32, #tpu.memory_space<hbm>> -> memref<128xi32, #tpu.memory_space<hbm>>
      tpu.wait_dma2 semaphore(%run_scoped3A_270 : memref<!tpu.dma_semaphore, #tpu.memory_space<semaphore_mem>>) src(%dma_wait3A_284 : memref<128xi32, #tpu.memory_space<hbm>>) dst(%dma_wait3A_283 : memref<128xi32, #tpu.memory_space<vmem>>)
      tpu.yield
    }) : () -> ()
    %add3A_43 = arith.constant 16 : i32
    %add3A_44 = arith.addi %arg1, %add3A_43 : i32
    %mul3A_45 = arith.constant 128 : i32
    %mul3A_46 = arith.muli %add3A_44, %mul3A_45 : i32
    %add3A_47 = arith.addi %mul3A_36, %mul3A_46 : i32
    %run_scoped3A_48 = arith.constant 1 : i32
    "tpu.region"() ({
      %run_scoped3A_270 = tpu.sem_alloc : memref<!tpu.dma_semaphore, #tpu.memory_space<semaphore_mem>>
      %dma_start3A = arith.constant 0 : i32
      %dma_start3A_271 = tpu.memref_slice %arg4[%run_scoped3A_48, %dma_start3A] : memref<14x128xi32, #tpu.memory_space<vmem>> -> memref<1x128xi32, #tpu.memory_space<vmem>>
      %dma_start3A_272 = tpu.memref_squeeze %dma_start3A_271 : memref<1x128xi32, #tpu.memory_space<vmem>> -> memref<128xi32, #tpu.memory_space<vmem>>
      %dma_start3A_273 = tpu.memref_slice %arg2[%add3A_47] : memref<57344xi32, #tpu.memory_space<hbm>> -> memref<128xi32, #tpu.memory_space<hbm>>
      %dma_start3A_274 = arith.constant 0 : i32
      %dma_start3A_275 = tpu.memref_slice %arg4[%run_scoped3A_48, %dma_start3A_274] : memref<14x128xi32, #tpu.memory_space<vmem>> -> memref<1x128xi32, #tpu.memory_space<vmem>>
      %dma_start3A_276 = tpu.memref_squeeze %dma_start3A_275 : memref<1x128xi32, #tpu.memory_space<vmem>> -> memref<128xi32, #tpu.memory_space<vmem>>
      %dma_start3A_277 = tpu.memref_slice %arg2[%add3A_47] : memref<57344xi32, #tpu.memory_space<hbm>> -> memref<128xi32, #tpu.memory_space<hbm>>
      tpu.enqueue_dma source(%dma_start3A_277 : memref<128xi32, #tpu.memory_space<hbm>>) target(%dma_start3A_276 : memref<128xi32, #tpu.memory_space<vmem>>) target_semaphore(%run_scoped3A_270 : memref<!tpu.dma_semaphore, #tpu.memory_space<semaphore_mem>>)
      %dma_wait3A = arith.constant 0 : i32
      %dma_wait3A_278 = tpu.memref_slice %arg4[%run_scoped3A_48, %dma_wait3A] : memref<14x128xi32, #tpu.memory_space<vmem>> -> memref<1x128xi32, #tpu.memory_space<vmem>>
      %dma_wait3A_279 = tpu.memref_squeeze %dma_wait3A_278 : memref<1x128xi32, #tpu.memory_space<vmem>> -> memref<128xi32, #tpu.memory_space<vmem>>
      %dma_wait3A_280 = tpu.memref_slice %arg2[%add3A_47] : memref<57344xi32, #tpu.memory_space<hbm>> -> memref<128xi32, #tpu.memory_space<hbm>>
      %dma_wait3A_281 = arith.constant 0 : i32
      %dma_wait3A_282 = tpu.memref_slice %arg4[%run_scoped3A_48, %dma_wait3A_281] : memref<14x128xi32, #tpu.memory_space<vmem>> -> memref<1x128xi32, #tpu.memory_space<vmem>>
      %dma_wait3A_283 = tpu.memref_squeeze %dma_wait3A_282 : memref<1x128xi32, #tpu.memory_space<vmem>> -> memref<128xi32, #tpu.memory_space<vmem>>
      %dma_wait3A_284 = tpu.memref_slice %arg2[%add3A_47] : memref<57344xi32, #tpu.memory_space<hbm>> -> memref<128xi32, #tpu.memory_space<hbm>>
      tpu.wait_dma2 semaphore(%run_scoped3A_270 : memref<!tpu.dma_semaphore, #tpu.memory_space<semaphore_mem>>) src(%dma_wait3A_284 : memref<128xi32, #tpu.memory_space<hbm>>) dst(%dma_wait3A_283 : memref<128xi32, #tpu.memory_space<vmem>>)
      tpu.yield
    }) : () -> ()
    %mul3A_49 = arith.constant 7 : i32
    %mul3A_50 = arith.muli %arg0, %mul3A_49 : i32
    %add3A_51 = arith.constant 1 : i32
    %add3A_52 = arith.addi %mul3A_50, %add3A_51 : i32
    %mul3A_53 = arith.constant 4096 : i32
    %mul3A_54 = arith.muli %add3A_52, %mul3A_53 : i32
    %add3A_55 = arith.constant 0 : i32
    %add3A_56 = arith.addi %arg1, %add3A_55 : i32
    %mul3A_57 = arith.constant 128 : i32
    %mul3A_58 = arith.muli %add3A_56, %mul3A_57 : i32
    %add3A_59 = arith.addi %mul3A_54, %mul3A_58 : i32
    %run_scoped3A_60 = arith.constant 2 : i32
    "tpu.region"() ({
      %run_scoped3A_270 = tpu.sem_alloc : memref<!tpu.dma_semaphore, #tpu.memory_space<semaphore_mem>>
      %dma_start3A = arith.constant 0 : i32
      %dma_start3A_271 = tpu.memref_slice %arg4[%run_scoped3A_60, %dma_start3A] : memref<14x128xi32, #tpu.memory_space<vmem>> -> memref<1x128xi32, #tpu.memory_space<vmem>>
      %dma_start3A_272 = tpu.memref_squeeze %dma_start3A_271 : memref<1x128xi32, #tpu.memory_space<vmem>> -> memref<128xi32, #tpu.memory_space<vmem>>
      %dma_start3A_273 = tpu.memref_slice %arg2[%add3A_59] : memref<57344xi32, #tpu.memory_space<hbm>> -> memref<128xi32, #tpu.memory_space<hbm>>
      %dma_start3A_274 = arith.constant 0 : i32
      %dma_start3A_275 = tpu.memref_slice %arg4[%run_scoped3A_60, %dma_start3A_274] : memref<14x128xi32, #tpu.memory_space<vmem>> -> memref<1x128xi32, #tpu.memory_space<vmem>>
      %dma_start3A_276 = tpu.memref_squeeze %dma_start3A_275 : memref<1x128xi32, #tpu.memory_space<vmem>> -> memref<128xi32, #tpu.memory_space<vmem>>
      %dma_start3A_277 = tpu.memref_slice %arg2[%add3A_59] : memref<57344xi32, #tpu.memory_space<hbm>> -> memref<128xi32, #tpu.memory_space<hbm>>
      tpu.enqueue_dma source(%dma_start3A_277 : memref<128xi32, #tpu.memory_space<hbm>>) target(%dma_start3A_276 : memref<128xi32, #tpu.memory_space<vmem>>) target_semaphore(%run_scoped3A_270 : memref<!tpu.dma_semaphore, #tpu.memory_space<semaphore_mem>>)
      %dma_wait3A = arith.constant 0 : i32
      %dma_wait3A_278 = tpu.memref_slice %arg4[%run_scoped3A_60, %dma_wait3A] : memref<14x128xi32, #tpu.memory_space<vmem>> -> memref<1x128xi32, #tpu.memory_space<vmem>>
      %dma_wait3A_279 = tpu.memref_squeeze %dma_wait3A_278 : memref<1x128xi32, #tpu.memory_space<vmem>> -> memref<128xi32, #tpu.memory_space<vmem>>
      %dma_wait3A_280 = tpu.memref_slice %arg2[%add3A_59] : memref<57344xi32, #tpu.memory_space<hbm>> -> memref<128xi32, #tpu.memory_space<hbm>>
      %dma_wait3A_281 = arith.constant 0 : i32
      %dma_wait3A_282 = tpu.memref_slice %arg4[%run_scoped3A_60, %dma_wait3A_281] : memref<14x128xi32, #tpu.memory_space<vmem>> -> memref<1x128xi32, #tpu.memory_space<vmem>>
      %dma_wait3A_283 = tpu.memref_squeeze %dma_wait3A_282 : memref<1x128xi32, #tpu.memory_space<vmem>> -> memref<128xi32, #tpu.memory_space<vmem>>
      %dma_wait3A_284 = tpu.memref_slice %arg2[%add3A_59] : memref<57344xi32, #tpu.memory_space<hbm>> -> memref<128xi32, #tpu.memory_space<hbm>>
      tpu.wait_dma2 semaphore(%run_scoped3A_270 : memref<!tpu.dma_semaphore, #tpu.memory_space<semaphore_mem>>) src(%dma_wait3A_284 : memref<128xi32, #tpu.memory_space<hbm>>) dst(%dma_wait3A_283 : memref<128xi32, #tpu.memory_space<vmem>>)
      tpu.yield
    }) : () -> ()
    %add3A_61 = arith.constant 16 : i32
    %add3A_62 = arith.addi %arg1, %add3A_61 : i32
    %mul3A_63 = arith.constant 128 : i32
    %mul3A_64 = arith.muli %add3A_62, %mul3A_63 : i32
    %add3A_65 = arith.addi %mul3A_54, %mul3A_64 : i32
    %run_scoped3A_66 = arith.constant 3 : i32
    "tpu.region"() ({
      %run_scoped3A_270 = tpu.sem_alloc : memref<!tpu.dma_semaphore, #tpu.memory_space<semaphore_mem>>
      %dma_start3A = arith.constant 0 : i32
      %dma_start3A_271 = tpu.memref_slice %arg4[%run_scoped3A_66, %dma_start3A] : memref<14x128xi32, #tpu.memory_space<vmem>> -> memref<1x128xi32, #tpu.memory_space<vmem>>
      %dma_start3A_272 = tpu.memref_squeeze %dma_start3A_271 : memref<1x128xi32, #tpu.memory_space<vmem>> -> memref<128xi32, #tpu.memory_space<vmem>>
      %dma_start3A_273 = tpu.memref_slice %arg2[%add3A_65] : memref<57344xi32, #tpu.memory_space<hbm>> -> memref<128xi32, #tpu.memory_space<hbm>>
      %dma_start3A_274 = arith.constant 0 : i32
      %dma_start3A_275 = tpu.memref_slice %arg4[%run_scoped3A_66, %dma_start3A_274] : memref<14x128xi32, #tpu.memory_space<vmem>> -> memref<1x128xi32, #tpu.memory_space<vmem>>
      %dma_start3A_276 = tpu.memref_squeeze %dma_start3A_275 : memref<1x128xi32, #tpu.memory_space<vmem>> -> memref<128xi32, #tpu.memory_space<vmem>>
      %dma_start3A_277 = tpu.memref_slice %arg2[%add3A_65] : memref<57344xi32, #tpu.memory_space<hbm>> -> memref<128xi32, #tpu.memory_space<hbm>>
      tpu.enqueue_dma source(%dma_start3A_277 : memref<128xi32, #tpu.memory_space<hbm>>) target(%dma_start3A_276 : memref<128xi32, #tpu.memory_space<vmem>>) target_semaphore(%run_scoped3A_270 : memref<!tpu.dma_semaphore, #tpu.memory_space<semaphore_mem>>)
      %dma_wait3A = arith.constant 0 : i32
      %dma_wait3A_278 = tpu.memref_slice %arg4[%run_scoped3A_66, %dma_wait3A] : memref<14x128xi32, #tpu.memory_space<vmem>> -> memref<1x128xi32, #tpu.memory_space<vmem>>
      %dma_wait3A_279 = tpu.memref_squeeze %dma_wait3A_278 : memref<1x128xi32, #tpu.memory_space<vmem>> -> memref<128xi32, #tpu.memory_space<vmem>>
      %dma_wait3A_280 = tpu.memref_slice %arg2[%add3A_65] : memref<57344xi32, #tpu.memory_space<hbm>> -> memref<128xi32, #tpu.memory_space<hbm>>
      %dma_wait3A_281 = arith.constant 0 : i32
      %dma_wait3A_282 = tpu.memref_slice %arg4[%run_scoped3A_66, %dma_wait3A_281] : memref<14x128xi32, #tpu.memory_space<vmem>> -> memref<1x128xi32, #tpu.memory_space<vmem>>
      %dma_wait3A_283 = tpu.memref_squeeze %dma_wait3A_282 : memref<1x128xi32, #tpu.memory_space<vmem>> -> memref<128xi32, #tpu.memory_space<vmem>>
      %dma_wait3A_284 = tpu.memref_slice %arg2[%add3A_65] : memref<57344xi32, #tpu.memory_space<hbm>> -> memref<128xi32, #tpu.memory_space<hbm>>
      tpu.wait_dma2 semaphore(%run_scoped3A_270 : memref<!tpu.dma_semaphore, #tpu.memory_space<semaphore_mem>>) src(%dma_wait3A_284 : memref<128xi32, #tpu.memory_space<hbm>>) dst(%dma_wait3A_283 : memref<128xi32, #tpu.memory_space<vmem>>)
      tpu.yield
    }) : () -> ()
    %mul3A_67 = arith.constant 7 : i32
    %mul3A_68 = arith.muli %arg0, %mul3A_67 : i32
    %add3A_69 = arith.constant 2 : i32
    %add3A_70 = arith.addi %mul3A_68, %add3A_69 : i32
    %mul3A_71 = arith.constant 4096 : i32
    %mul3A_72 = arith.muli %add3A_70, %mul3A_71 : i32
    %add3A_73 = arith.constant 0 : i32
    %add3A_74 = arith.addi %arg1, %add3A_73 : i32
    %mul3A_75 = arith.constant 128 : i32
    %mul3A_76 = arith.muli %add3A_74, %mul3A_75 : i32
    %add3A_77 = arith.addi %mul3A_72, %mul3A_76 : i32
    %run_scoped3A_78 = arith.constant 4 : i32
    "tpu.region"() ({
      %run_scoped3A_270 = tpu.sem_alloc : memref<!tpu.dma_semaphore, #tpu.memory_space<semaphore_mem>>
      %dma_start3A = arith.constant 0 : i32
      %dma_start3A_271 = tpu.memref_slice %arg4[%run_scoped3A_78, %dma_start3A] : memref<14x128xi32, #tpu.memory_space<vmem>> -> memref<1x128xi32, #tpu.memory_space<vmem>>
      %dma_start3A_272 = tpu.memref_squeeze %dma_start3A_271 : memref<1x128xi32, #tpu.memory_space<vmem>> -> memref<128xi32, #tpu.memory_space<vmem>>
      %dma_start3A_273 = tpu.memref_slice %arg2[%add3A_77] : memref<57344xi32, #tpu.memory_space<hbm>> -> memref<128xi32, #tpu.memory_space<hbm>>
      %dma_start3A_274 = arith.constant 0 : i32
      %dma_start3A_275 = tpu.memref_slice %arg4[%run_scoped3A_78, %dma_start3A_274] : memref<14x128xi32, #tpu.memory_space<vmem>> -> memref<1x128xi32, #tpu.memory_space<vmem>>
      %dma_start3A_276 = tpu.memref_squeeze %dma_start3A_275 : memref<1x128xi32, #tpu.memory_space<vmem>> -> memref<128xi32, #tpu.memory_space<vmem>>
      %dma_start3A_277 = tpu.memref_slice %arg2[%add3A_77] : memref<57344xi32, #tpu.memory_space<hbm>> -> memref<128xi32, #tpu.memory_space<hbm>>
      tpu.enqueue_dma source(%dma_start3A_277 : memref<128xi32, #tpu.memory_space<hbm>>) target(%dma_start3A_276 : memref<128xi32, #tpu.memory_space<vmem>>) target_semaphore(%run_scoped3A_270 : memref<!tpu.dma_semaphore, #tpu.memory_space<semaphore_mem>>)
      %dma_wait3A = arith.constant 0 : i32
      %dma_wait3A_278 = tpu.memref_slice %arg4[%run_scoped3A_78, %dma_wait3A] : memref<14x128xi32, #tpu.memory_space<vmem>> -> memref<1x128xi32, #tpu.memory_space<vmem>>
      %dma_wait3A_279 = tpu.memref_squeeze %dma_wait3A_278 : memref<1x128xi32, #tpu.memory_space<vmem>> -> memref<128xi32, #tpu.memory_space<vmem>>
      %dma_wait3A_280 = tpu.memref_slice %arg2[%add3A_77] : memref<57344xi32, #tpu.memory_space<hbm>> -> memref<128xi32, #tpu.memory_space<hbm>>
      %dma_wait3A_281 = arith.constant 0 : i32
      %dma_wait3A_282 = tpu.memref_slice %arg4[%run_scoped3A_78, %dma_wait3A_281] : memref<14x128xi32, #tpu.memory_space<vmem>> -> memref<1x128xi32, #tpu.memory_space<vmem>>
      %dma_wait3A_283 = tpu.memref_squeeze %dma_wait3A_282 : memref<1x128xi32, #tpu.memory_space<vmem>> -> memref<128xi32, #tpu.memory_space<vmem>>
      %dma_wait3A_284 = tpu.memref_slice %arg2[%add3A_77] : memref<57344xi32, #tpu.memory_space<hbm>> -> memref<128xi32, #tpu.memory_space<hbm>>
      tpu.wait_dma2 semaphore(%run_scoped3A_270 : memref<!tpu.dma_semaphore, #tpu.memory_space<semaphore_mem>>) src(%dma_wait3A_284 : memref<128xi32, #tpu.memory_space<hbm>>) dst(%dma_wait3A_283 : memref<128xi32, #tpu.memory_space<vmem>>)
      tpu.yield
    }) : () -> ()
    %add3A_79 = arith.constant 16 : i32
    %add3A_80 = arith.addi %arg1, %add3A_79 : i32
    %mul3A_81 = arith.constant 128 : i32
    %mul3A_82 = arith.muli %add3A_80, %mul3A_81 : i32
    %add3A_83 = arith.addi %mul3A_72, %mul3A_82 : i32
    %run_scoped3A_84 = arith.constant 5 : i32
    "tpu.region"() ({
      %run_scoped3A_270 = tpu.sem_alloc : memref<!tpu.dma_semaphore, #tpu.memory_space<semaphore_mem>>
      %dma_start3A = arith.constant 0 : i32
      %dma_start3A_271 = tpu.memref_slice %arg4[%run_scoped3A_84, %dma_start3A] : memref<14x128xi32, #tpu.memory_space<vmem>> -> memref<1x128xi32, #tpu.memory_space<vmem>>
      %dma_start3A_272 = tpu.memref_squeeze %dma_start3A_271 : memref<1x128xi32, #tpu.memory_space<vmem>> -> memref<128xi32, #tpu.memory_space<vmem>>
      %dma_start3A_273 = tpu.memref_slice %arg2[%add3A_83] : memref<57344xi32, #tpu.memory_space<hbm>> -> memref<128xi32, #tpu.memory_space<hbm>>
      %dma_start3A_274 = arith.constant 0 : i32
      %dma_start3A_275 = tpu.memref_slice %arg4[%run_scoped3A_84, %dma_start3A_274] : memref<14x128xi32, #tpu.memory_space<vmem>> -> memref<1x128xi32, #tpu.memory_space<vmem>>
      %dma_start3A_276 = tpu.memref_squeeze %dma_start3A_275 : memref<1x128xi32, #tpu.memory_space<vmem>> -> memref<128xi32, #tpu.memory_space<vmem>>
      %dma_start3A_277 = tpu.memref_slice %arg2[%add3A_83] : memref<57344xi32, #tpu.memory_space<hbm>> -> memref<128xi32, #tpu.memory_space<hbm>>
      tpu.enqueue_dma source(%dma_start3A_277 : memref<128xi32, #tpu.memory_space<hbm>>) target(%dma_start3A_276 : memref<128xi32, #tpu.memory_space<vmem>>) target_semaphore(%run_scoped3A_270 : memref<!tpu.dma_semaphore, #tpu.memory_space<semaphore_mem>>)
      %dma_wait3A = arith.constant 0 : i32
      %dma_wait3A_278 = tpu.memref_slice %arg4[%run_scoped3A_84, %dma_wait3A] : memref<14x128xi32, #tpu.memory_space<vmem>> -> memref<1x128xi32, #tpu.memory_space<vmem>>
      %dma_wait3A_279 = tpu.memref_squeeze %dma_wait3A_278 : memref<1x128xi32, #tpu.memory_space<vmem>> -> memref<128xi32, #tpu.memory_space<vmem>>
      %dma_wait3A_280 = tpu.memref_slice %arg2[%add3A_83] : memref<57344xi32, #tpu.memory_space<hbm>> -> memref<128xi32, #tpu.memory_space<hbm>>
      %dma_wait3A_281 = arith.constant 0 : i32
      %dma_wait3A_282 = tpu.memref_slice %arg4[%run_scoped3A_84, %dma_wait3A_281] : memref<14x128xi32, #tpu.memory_space<vmem>> -> memref<1x128xi32, #tpu.memory_space<vmem>>
      %dma_wait3A_283 = tpu.memref_squeeze %dma_wait3A_282 : memref<1x128xi32, #tpu.memory_space<vmem>> -> memref<128xi32, #tpu.memory_space<vmem>>
      %dma_wait3A_284 = tpu.memref_slice %arg2[%add3A_83] : memref<57344xi32, #tpu.memory_space<hbm>> -> memref<128xi32, #tpu.memory_space<hbm>>
      tpu.wait_dma2 semaphore(%run_scoped3A_270 : memref<!tpu.dma_semaphore, #tpu.memory_space<semaphore_mem>>) src(%dma_wait3A_284 : memref<128xi32, #tpu.memory_space<hbm>>) dst(%dma_wait3A_283 : memref<128xi32, #tpu.memory_space<vmem>>)
      tpu.yield
    }) : () -> ()
    %mul3A_85 = arith.constant 7 : i32
    %mul3A_86 = arith.muli %arg0, %mul3A_85 : i32
    %add3A_87 = arith.constant 3 : i32
    %add3A_88 = arith.addi %mul3A_86, %add3A_87 : i32
    %mul3A_89 = arith.constant 4096 : i32
    %mul3A_90 = arith.muli %add3A_88, %mul3A_89 : i32
    %add3A_91 = arith.constant 0 : i32
    %add3A_92 = arith.addi %arg1, %add3A_91 : i32
    %mul3A_93 = arith.constant 128 : i32
    %mul3A_94 = arith.muli %add3A_92, %mul3A_93 : i32
    %add3A_95 = arith.addi %mul3A_90, %mul3A_94 : i32
    %run_scoped3A_96 = arith.constant 6 : i32
    "tpu.region"() ({
      %run_scoped3A_270 = tpu.sem_alloc : memref<!tpu.dma_semaphore, #tpu.memory_space<semaphore_mem>>
      %dma_start3A = arith.constant 0 : i32
      %dma_start3A_271 = tpu.memref_slice %arg4[%run_scoped3A_96, %dma_start3A] : memref<14x128xi32, #tpu.memory_space<vmem>> -> memref<1x128xi32, #tpu.memory_space<vmem>>
      %dma_start3A_272 = tpu.memref_squeeze %dma_start3A_271 : memref<1x128xi32, #tpu.memory_space<vmem>> -> memref<128xi32, #tpu.memory_space<vmem>>
      %dma_start3A_273 = tpu.memref_slice %arg2[%add3A_95] : memref<57344xi32, #tpu.memory_space<hbm>> -> memref<128xi32, #tpu.memory_space<hbm>>
      %dma_start3A_274 = arith.constant 0 : i32
      %dma_start3A_275 = tpu.memref_slice %arg4[%run_scoped3A_96, %dma_start3A_274] : memref<14x128xi32, #tpu.memory_space<vmem>> -> memref<1x128xi32, #tpu.memory_space<vmem>>
      %dma_start3A_276 = tpu.memref_squeeze %dma_start3A_275 : memref<1x128xi32, #tpu.memory_space<vmem>> -> memref<128xi32, #tpu.memory_space<vmem>>
      %dma_start3A_277 = tpu.memref_slice %arg2[%add3A_95] : memref<57344xi32, #tpu.memory_space<hbm>> -> memref<128xi32, #tpu.memory_space<hbm>>
      tpu.enqueue_dma source(%dma_start3A_277 : memref<128xi32, #tpu.memory_space<hbm>>) target(%dma_start3A_276 : memref<128xi32, #tpu.memory_space<vmem>>) target_semaphore(%run_scoped3A_270 : memref<!tpu.dma_semaphore, #tpu.memory_space<semaphore_mem>>)
      %dma_wait3A = arith.constant 0 : i32
      %dma_wait3A_278 = tpu.memref_slice %arg4[%run_scoped3A_96, %dma_wait3A] : memref<14x128xi32, #tpu.memory_space<vmem>> -> memref<1x128xi32, #tpu.memory_space<vmem>>
      %dma_wait3A_279 = tpu.memref_squeeze %dma_wait3A_278 : memref<1x128xi32, #tpu.memory_space<vmem>> -> memref<128xi32, #tpu.memory_space<vmem>>
      %dma_wait3A_280 = tpu.memref_slice %arg2[%add3A_95] : memref<57344xi32, #tpu.memory_space<hbm>> -> memref<128xi32, #tpu.memory_space<hbm>>
      %dma_wait3A_281 = arith.constant 0 : i32
      %dma_wait3A_282 = tpu.memref_slice %arg4[%run_scoped3A_96, %dma_wait3A_281] : memref<14x128xi32, #tpu.memory_space<vmem>> -> memref<1x128xi32, #tpu.memory_space<vmem>>
      %dma_wait3A_283 = tpu.memref_squeeze %dma_wait3A_282 : memref<1x128xi32, #tpu.memory_space<vmem>> -> memref<128xi32, #tpu.memory_space<vmem>>
      %dma_wait3A_284 = tpu.memref_slice %arg2[%add3A_95] : memref<57344xi32, #tpu.memory_space<hbm>> -> memref<128xi32, #tpu.memory_space<hbm>>
      tpu.wait_dma2 semaphore(%run_scoped3A_270 : memref<!tpu.dma_semaphore, #tpu.memory_space<semaphore_mem>>) src(%dma_wait3A_284 : memref<128xi32, #tpu.memory_space<hbm>>) dst(%dma_wait3A_283 : memref<128xi32, #tpu.memory_space<vmem>>)
      tpu.yield
    }) : () -> ()
    %add3A_97 = arith.constant 16 : i32
    %add3A_98 = arith.addi %arg1, %add3A_97 : i32
    %mul3A_99 = arith.constant 128 : i32
    %mul3A_100 = arith.muli %add3A_98, %mul3A_99 : i32
    %add3A_101 = arith.addi %mul3A_90, %mul3A_100 : i32
    %run_scoped3A_102 = arith.constant 7 : i32
    "tpu.region"() ({
      %run_scoped3A_270 = tpu.sem_alloc : memref<!tpu.dma_semaphore, #tpu.memory_space<semaphore_mem>>
      %dma_start3A = arith.constant 0 : i32
      %dma_start3A_271 = tpu.memref_slice %arg4[%run_scoped3A_102, %dma_start3A] : memref<14x128xi32, #tpu.memory_space<vmem>> -> memref<1x128xi32, #tpu.memory_space<vmem>>
      %dma_start3A_272 = tpu.memref_squeeze %dma_start3A_271 : memref<1x128xi32, #tpu.memory_space<vmem>> -> memref<128xi32, #tpu.memory_space<vmem>>
      %dma_start3A_273 = tpu.memref_slice %arg2[%add3A_101] : memref<57344xi32, #tpu.memory_space<hbm>> -> memref<128xi32, #tpu.memory_space<hbm>>
      %dma_start3A_274 = arith.constant 0 : i32
      %dma_start3A_275 = tpu.memref_slice %arg4[%run_scoped3A_102, %dma_start3A_274] : memref<14x128xi32, #tpu.memory_space<vmem>> -> memref<1x128xi32, #tpu.memory_space<vmem>>
      %dma_start3A_276 = tpu.memref_squeeze %dma_start3A_275 : memref<1x128xi32, #tpu.memory_space<vmem>> -> memref<128xi32, #tpu.memory_space<vmem>>
      %dma_start3A_277 = tpu.memref_slice %arg2[%add3A_101] : memref<57344xi32, #tpu.memory_space<hbm>> -> memref<128xi32, #tpu.memory_space<hbm>>
      tpu.enqueue_dma source(%dma_start3A_277 : memref<128xi32, #tpu.memory_space<hbm>>) target(%dma_start3A_276 : memref<128xi32, #tpu.memory_space<vmem>>) target_semaphore(%run_scoped3A_270 : memref<!tpu.dma_semaphore, #tpu.memory_space<semaphore_mem>>)
      %dma_wait3A = arith.constant 0 : i32
      %dma_wait3A_278 = tpu.memref_slice %arg4[%run_scoped3A_102, %dma_wait3A] : memref<14x128xi32, #tpu.memory_space<vmem>> -> memref<1x128xi32, #tpu.memory_space<vmem>>
      %dma_wait3A_279 = tpu.memref_squeeze %dma_wait3A_278 : memref<1x128xi32, #tpu.memory_space<vmem>> -> memref<128xi32, #tpu.memory_space<vmem>>
      %dma_wait3A_280 = tpu.memref_slice %arg2[%add3A_101] : memref<57344xi32, #tpu.memory_space<hbm>> -> memref<128xi32, #tpu.memory_space<hbm>>
      %dma_wait3A_281 = arith.constant 0 : i32
      %dma_wait3A_282 = tpu.memref_slice %arg4[%run_scoped3A_102, %dma_wait3A_281] : memref<14x128xi32, #tpu.memory_space<vmem>> -> memref<1x128xi32, #tpu.memory_space<vmem>>
      %dma_wait3A_283 = tpu.memref_squeeze %dma_wait3A_282 : memref<1x128xi32, #tpu.memory_space<vmem>> -> memref<128xi32, #tpu.memory_space<vmem>>
      %dma_wait3A_284 = tpu.memref_slice %arg2[%add3A_101] : memref<57344xi32, #tpu.memory_space<hbm>> -> memref<128xi32, #tpu.memory_space<hbm>>
      tpu.wait_dma2 semaphore(%run_scoped3A_270 : memref<!tpu.dma_semaphore, #tpu.memory_space<semaphore_mem>>) src(%dma_wait3A_284 : memref<128xi32, #tpu.memory_space<hbm>>) dst(%dma_wait3A_283 : memref<128xi32, #tpu.memory_space<vmem>>)
      tpu.yield
    }) : () -> ()
    %mul3A_103 = arith.constant 7 : i32
    %mul3A_104 = arith.muli %arg0, %mul3A_103 : i32
    %add3A_105 = arith.constant 4 : i32
    %add3A_106 = arith.addi %mul3A_104, %add3A_105 : i32
    %mul3A_107 = arith.constant 4096 : i32
    %mul3A_108 = arith.muli %add3A_106, %mul3A_107 : i32
    %add3A_109 = arith.constant 0 : i32
    %add3A_110 = arith.addi %arg1, %add3A_109 : i32
    %mul3A_111 = arith.constant 128 : i32
    %mul3A_112 = arith.muli %add3A_110, %mul3A_111 : i32
    %add3A_113 = arith.addi %mul3A_108, %mul3A_112 : i32
    %run_scoped3A_114 = arith.constant 8 : i32
    "tpu.region"() ({
      %run_scoped3A_270 = tpu.sem_alloc : memref<!tpu.dma_semaphore, #tpu.memory_space<semaphore_mem>>
      %dma_start3A = arith.constant 0 : i32
      %dma_start3A_271 = tpu.memref_slice %arg4[%run_scoped3A_114, %dma_start3A] : memref<14x128xi32, #tpu.memory_space<vmem>> -> memref<1x128xi32, #tpu.memory_space<vmem>>
      %dma_start3A_272 = tpu.memref_squeeze %dma_start3A_271 : memref<1x128xi32, #tpu.memory_space<vmem>> -> memref<128xi32, #tpu.memory_space<vmem>>
      %dma_start3A_273 = tpu.memref_slice %arg2[%add3A_113] : memref<57344xi32, #tpu.memory_space<hbm>> -> memref<128xi32, #tpu.memory_space<hbm>>
      %dma_start3A_274 = arith.constant 0 : i32
      %dma_start3A_275 = tpu.memref_slice %arg4[%run_scoped3A_114, %dma_start3A_274] : memref<14x128xi32, #tpu.memory_space<vmem>> -> memref<1x128xi32, #tpu.memory_space<vmem>>
      %dma_start3A_276 = tpu.memref_squeeze %dma_start3A_275 : memref<1x128xi32, #tpu.memory_space<vmem>> -> memref<128xi32, #tpu.memory_space<vmem>>
      %dma_start3A_277 = tpu.memref_slice %arg2[%add3A_113] : memref<57344xi32, #tpu.memory_space<hbm>> -> memref<128xi32, #tpu.memory_space<hbm>>
      tpu.enqueue_dma source(%dma_start3A_277 : memref<128xi32, #tpu.memory_space<hbm>>) target(%dma_start3A_276 : memref<128xi32, #tpu.memory_space<vmem>>) target_semaphore(%run_scoped3A_270 : memref<!tpu.dma_semaphore, #tpu.memory_space<semaphore_mem>>)
      %dma_wait3A = arith.constant 0 : i32
      %dma_wait3A_278 = tpu.memref_slice %arg4[%run_scoped3A_114, %dma_wait3A] : memref<14x128xi32, #tpu.memory_space<vmem>> -> memref<1x128xi32, #tpu.memory_space<vmem>>
      %dma_wait3A_279 = tpu.memref_squeeze %dma_wait3A_278 : memref<1x128xi32, #tpu.memory_space<vmem>> -> memref<128xi32, #tpu.memory_space<vmem>>
      %dma_wait3A_280 = tpu.memref_slice %arg2[%add3A_113] : memref<57344xi32, #tpu.memory_space<hbm>> -> memref<128xi32, #tpu.memory_space<hbm>>
      %dma_wait3A_281 = arith.constant 0 : i32
      %dma_wait3A_282 = tpu.memref_slice %arg4[%run_scoped3A_114, %dma_wait3A_281] : memref<14x128xi32, #tpu.memory_space<vmem>> -> memref<1x128xi32, #tpu.memory_space<vmem>>
      %dma_wait3A_283 = tpu.memref_squeeze %dma_wait3A_282 : memref<1x128xi32, #tpu.memory_space<vmem>> -> memref<128xi32, #tpu.memory_space<vmem>>
      %dma_wait3A_284 = tpu.memref_slice %arg2[%add3A_113] : memref<57344xi32, #tpu.memory_space<hbm>> -> memref<128xi32, #tpu.memory_space<hbm>>
      tpu.wait_dma2 semaphore(%run_scoped3A_270 : memref<!tpu.dma_semaphore, #tpu.memory_space<semaphore_mem>>) src(%dma_wait3A_284 : memref<128xi32, #tpu.memory_space<hbm>>) dst(%dma_wait3A_283 : memref<128xi32, #tpu.memory_space<vmem>>)
      tpu.yield
    }) : () -> ()
    %add3A_115 = arith.constant 16 : i32
    %add3A_116 = arith.addi %arg1, %add3A_115 : i32
    %mul3A_117 = arith.constant 128 : i32
    %mul3A_118 = arith.muli %add3A_116, %mul3A_117 : i32
    %add3A_119 = arith.addi %mul3A_108, %mul3A_118 : i32
    %run_scoped3A_120 = arith.constant 9 : i32
    "tpu.region"() ({
      %run_scoped3A_270 = tpu.sem_alloc : memref<!tpu.dma_semaphore, #tpu.memory_space<semaphore_mem>>
      %dma_start3A = arith.constant 0 : i32
      %dma_start3A_271 = tpu.memref_slice %arg4[%run_scoped3A_120, %dma_start3A] : memref<14x128xi32, #tpu.memory_space<vmem>> -> memref<1x128xi32, #tpu.memory_space<vmem>>
      %dma_start3A_272 = tpu.memref_squeeze %dma_start3A_271 : memref<1x128xi32, #tpu.memory_space<vmem>> -> memref<128xi32, #tpu.memory_space<vmem>>
      %dma_start3A_273 = tpu.memref_slice %arg2[%add3A_119] : memref<57344xi32, #tpu.memory_space<hbm>> -> memref<128xi32, #tpu.memory_space<hbm>>
      %dma_start3A_274 = arith.constant 0 : i32
      %dma_start3A_275 = tpu.memref_slice %arg4[%run_scoped3A_120, %dma_start3A_274] : memref<14x128xi32, #tpu.memory_space<vmem>> -> memref<1x128xi32, #tpu.memory_space<vmem>>
      %dma_start3A_276 = tpu.memref_squeeze %dma_start3A_275 : memref<1x128xi32, #tpu.memory_space<vmem>> -> memref<128xi32, #tpu.memory_space<vmem>>
      %dma_start3A_277 = tpu.memref_slice %arg2[%add3A_119] : memref<57344xi32, #tpu.memory_space<hbm>> -> memref<128xi32, #tpu.memory_space<hbm>>
      tpu.enqueue_dma source(%dma_start3A_277 : memref<128xi32, #tpu.memory_space<hbm>>) target(%dma_start3A_276 : memref<128xi32, #tpu.memory_space<vmem>>) target_semaphore(%run_scoped3A_270 : memref<!tpu.dma_semaphore, #tpu.memory_space<semaphore_mem>>)
      %dma_wait3A = arith.constant 0 : i32
      %dma_wait3A_278 = tpu.memref_slice %arg4[%run_scoped3A_120, %dma_wait3A] : memref<14x128xi32, #tpu.memory_space<vmem>> -> memref<1x128xi32, #tpu.memory_space<vmem>>
      %dma_wait3A_279 = tpu.memref_squeeze %dma_wait3A_278 : memref<1x128xi32, #tpu.memory_space<vmem>> -> memref<128xi32, #tpu.memory_space<vmem>>
      %dma_wait3A_280 = tpu.memref_slice %arg2[%add3A_119] : memref<57344xi32, #tpu.memory_space<hbm>> -> memref<128xi32, #tpu.memory_space<hbm>>
      %dma_wait3A_281 = arith.constant 0 : i32
      %dma_wait3A_282 = tpu.memref_slice %arg4[%run_scoped3A_120, %dma_wait3A_281] : memref<14x128xi32, #tpu.memory_space<vmem>> -> memref<1x128xi32, #tpu.memory_space<vmem>>
      %dma_wait3A_283 = tpu.memref_squeeze %dma_wait3A_282 : memref<1x128xi32, #tpu.memory_space<vmem>> -> memref<128xi32, #tpu.memory_space<vmem>>
      %dma_wait3A_284 = tpu.memref_slice %arg2[%add3A_119] : memref<57344xi32, #tpu.memory_space<hbm>> -> memref<128xi32, #tpu.memory_space<hbm>>
      tpu.wait_dma2 semaphore(%run_scoped3A_270 : memref<!tpu.dma_semaphore, #tpu.memory_space<semaphore_mem>>) src(%dma_wait3A_284 : memref<128xi32, #tpu.memory_space<hbm>>) dst(%dma_wait3A_283 : memref<128xi32, #tpu.memory_space<vmem>>)
      tpu.yield
    }) : () -> ()
    %mul3A_121 = arith.constant 7 : i32
    %mul3A_122 = arith.muli %arg0, %mul3A_121 : i32
    %add3A_123 = arith.constant 5 : i32
    %add3A_124 = arith.addi %mul3A_122, %add3A_123 : i32
    %mul3A_125 = arith.constant 4096 : i32
    %mul3A_126 = arith.muli %add3A_124, %mul3A_125 : i32
    %add3A_127 = arith.constant 0 : i32
    %add3A_128 = arith.addi %arg1, %add3A_127 : i32
    %mul3A_129 = arith.constant 128 : i32
    %mul3A_130 = arith.muli %add3A_128, %mul3A_129 : i32
    %add3A_131 = arith.addi %mul3A_126, %mul3A_130 : i32
    %run_scoped3A_132 = arith.constant 10 : i32
    "tpu.region"() ({
      %run_scoped3A_270 = tpu.sem_alloc : memref<!tpu.dma_semaphore, #tpu.memory_space<semaphore_mem>>
      %dma_start3A = arith.constant 0 : i32
      %dma_start3A_271 = tpu.memref_slice %arg4[%run_scoped3A_132, %dma_start3A] : memref<14x128xi32, #tpu.memory_space<vmem>> -> memref<1x128xi32, #tpu.memory_space<vmem>>
      %dma_start3A_272 = tpu.memref_squeeze %dma_start3A_271 : memref<1x128xi32, #tpu.memory_space<vmem>> -> memref<128xi32, #tpu.memory_space<vmem>>
      %dma_start3A_273 = tpu.memref_slice %arg2[%add3A_131] : memref<57344xi32, #tpu.memory_space<hbm>> -> memref<128xi32, #tpu.memory_space<hbm>>
      %dma_start3A_274 = arith.constant 0 : i32
      %dma_start3A_275 = tpu.memref_slice %arg4[%run_scoped3A_132, %dma_start3A_274] : memref<14x128xi32, #tpu.memory_space<vmem>> -> memref<1x128xi32, #tpu.memory_space<vmem>>
      %dma_start3A_276 = tpu.memref_squeeze %dma_start3A_275 : memref<1x128xi32, #tpu.memory_space<vmem>> -> memref<128xi32, #tpu.memory_space<vmem>>
      %dma_start3A_277 = tpu.memref_slice %arg2[%add3A_131] : memref<57344xi32, #tpu.memory_space<hbm>> -> memref<128xi32, #tpu.memory_space<hbm>>
      tpu.enqueue_dma source(%dma_start3A_277 : memref<128xi32, #tpu.memory_space<hbm>>) target(%dma_start3A_276 : memref<128xi32, #tpu.memory_space<vmem>>) target_semaphore(%run_scoped3A_270 : memref<!tpu.dma_semaphore, #tpu.memory_space<semaphore_mem>>)
      %dma_wait3A = arith.constant 0 : i32
      %dma_wait3A_278 = tpu.memref_slice %arg4[%run_scoped3A_132, %dma_wait3A] : memref<14x128xi32, #tpu.memory_space<vmem>> -> memref<1x128xi32, #tpu.memory_space<vmem>>
      %dma_wait3A_279 = tpu.memref_squeeze %dma_wait3A_278 : memref<1x128xi32, #tpu.memory_space<vmem>> -> memref<128xi32, #tpu.memory_space<vmem>>
      %dma_wait3A_280 = tpu.memref_slice %arg2[%add3A_131] : memref<57344xi32, #tpu.memory_space<hbm>> -> memref<128xi32, #tpu.memory_space<hbm>>
      %dma_wait3A_281 = arith.constant 0 : i32
      %dma_wait3A_282 = tpu.memref_slice %arg4[%run_scoped3A_132, %dma_wait3A_281] : memref<14x128xi32, #tpu.memory_space<vmem>> -> memref<1x128xi32, #tpu.memory_space<vmem>>
      %dma_wait3A_283 = tpu.memref_squeeze %dma_wait3A_282 : memref<1x128xi32, #tpu.memory_space<vmem>> -> memref<128xi32, #tpu.memory_space<vmem>>
      %dma_wait3A_284 = tpu.memref_slice %arg2[%add3A_131] : memref<57344xi32, #tpu.memory_space<hbm>> -> memref<128xi32, #tpu.memory_space<hbm>>
      tpu.wait_dma2 semaphore(%run_scoped3A_270 : memref<!tpu.dma_semaphore, #tpu.memory_space<semaphore_mem>>) src(%dma_wait3A_284 : memref<128xi32, #tpu.memory_space<hbm>>) dst(%dma_wait3A_283 : memref<128xi32, #tpu.memory_space<vmem>>)
      tpu.yield
    }) : () -> ()
    %add3A_133 = arith.constant 16 : i32
    %add3A_134 = arith.addi %arg1, %add3A_133 : i32
    %mul3A_135 = arith.constant 128 : i32
    %mul3A_136 = arith.muli %add3A_134, %mul3A_135 : i32
    %add3A_137 = arith.addi %mul3A_126, %mul3A_136 : i32
    %run_scoped3A_138 = arith.constant 11 : i32
    "tpu.region"() ({
      %run_scoped3A_270 = tpu.sem_alloc : memref<!tpu.dma_semaphore, #tpu.memory_space<semaphore_mem>>
      %dma_start3A = arith.constant 0 : i32
      %dma_start3A_271 = tpu.memref_slice %arg4[%run_scoped3A_138, %dma_start3A] : memref<14x128xi32, #tpu.memory_space<vmem>> -> memref<1x128xi32, #tpu.memory_space<vmem>>
      %dma_start3A_272 = tpu.memref_squeeze %dma_start3A_271 : memref<1x128xi32, #tpu.memory_space<vmem>> -> memref<128xi32, #tpu.memory_space<vmem>>
      %dma_start3A_273 = tpu.memref_slice %arg2[%add3A_137] : memref<57344xi32, #tpu.memory_space<hbm>> -> memref<128xi32, #tpu.memory_space<hbm>>
      %dma_start3A_274 = arith.constant 0 : i32
      %dma_start3A_275 = tpu.memref_slice %arg4[%run_scoped3A_138, %dma_start3A_274] : memref<14x128xi32, #tpu.memory_space<vmem>> -> memref<1x128xi32, #tpu.memory_space<vmem>>
      %dma_start3A_276 = tpu.memref_squeeze %dma_start3A_275 : memref<1x128xi32, #tpu.memory_space<vmem>> -> memref<128xi32, #tpu.memory_space<vmem>>
      %dma_start3A_277 = tpu.memref_slice %arg2[%add3A_137] : memref<57344xi32, #tpu.memory_space<hbm>> -> memref<128xi32, #tpu.memory_space<hbm>>
      tpu.enqueue_dma source(%dma_start3A_277 : memref<128xi32, #tpu.memory_space<hbm>>) target(%dma_start3A_276 : memref<128xi32, #tpu.memory_space<vmem>>) target_semaphore(%run_scoped3A_270 : memref<!tpu.dma_semaphore, #tpu.memory_space<semaphore_mem>>)
      %dma_wait3A = arith.constant 0 : i32
      %dma_wait3A_278 = tpu.memref_slice %arg4[%run_scoped3A_138, %dma_wait3A] : memref<14x128xi32, #tpu.memory_space<vmem>> -> memref<1x128xi32, #tpu.memory_space<vmem>>
      %dma_wait3A_279 = tpu.memref_squeeze %dma_wait3A_278 : memref<1x128xi32, #tpu.memory_space<vmem>> -> memref<128xi32, #tpu.memory_space<vmem>>
      %dma_wait3A_280 = tpu.memref_slice %arg2[%add3A_137] : memref<57344xi32, #tpu.memory_space<hbm>> -> memref<128xi32, #tpu.memory_space<hbm>>
      %dma_wait3A_281 = arith.constant 0 : i32
      %dma_wait3A_282 = tpu.memref_slice %arg4[%run_scoped3A_138, %dma_wait3A_281] : memref<14x128xi32, #tpu.memory_space<vmem>> -> memref<1x128xi32, #tpu.memory_space<vmem>>
      %dma_wait3A_283 = tpu.memref_squeeze %dma_wait3A_282 : memref<1x128xi32, #tpu.memory_space<vmem>> -> memref<128xi32, #tpu.memory_space<vmem>>
      %dma_wait3A_284 = tpu.memref_slice %arg2[%add3A_137] : memref<57344xi32, #tpu.memory_space<hbm>> -> memref<128xi32, #tpu.memory_space<hbm>>
      tpu.wait_dma2 semaphore(%run_scoped3A_270 : memref<!tpu.dma_semaphore, #tpu.memory_space<semaphore_mem>>) src(%dma_wait3A_284 : memref<128xi32, #tpu.memory_space<hbm>>) dst(%dma_wait3A_283 : memref<128xi32, #tpu.memory_space<vmem>>)
      tpu.yield
    }) : () -> ()
    %mul3A_139 = arith.constant 7 : i32
    %mul3A_140 = arith.muli %arg0, %mul3A_139 : i32
    %add3A_141 = arith.constant 6 : i32
    %add3A_142 = arith.addi %mul3A_140, %add3A_141 : i32
    %mul3A_143 = arith.constant 4096 : i32
    %mul3A_144 = arith.muli %add3A_142, %mul3A_143 : i32
    %add3A_145 = arith.constant 0 : i32
    %add3A_146 = arith.addi %arg1, %add3A_145 : i32
    %mul3A_147 = arith.constant 128 : i32
    %mul3A_148 = arith.muli %add3A_146, %mul3A_147 : i32
    %add3A_149 = arith.addi %mul3A_144, %mul3A_148 : i32
    %run_scoped3A_150 = arith.constant 12 : i32
    "tpu.region"() ({
      %run_scoped3A_270 = tpu.sem_alloc : memref<!tpu.dma_semaphore, #tpu.memory_space<semaphore_mem>>
      %dma_start3A = arith.constant 0 : i32
      %dma_start3A_271 = tpu.memref_slice %arg4[%run_scoped3A_150, %dma_start3A] : memref<14x128xi32, #tpu.memory_space<vmem>> -> memref<1x128xi32, #tpu.memory_space<vmem>>
      %dma_start3A_272 = tpu.memref_squeeze %dma_start3A_271 : memref<1x128xi32, #tpu.memory_space<vmem>> -> memref<128xi32, #tpu.memory_space<vmem>>
      %dma_start3A_273 = tpu.memref_slice %arg2[%add3A_149] : memref<57344xi32, #tpu.memory_space<hbm>> -> memref<128xi32, #tpu.memory_space<hbm>>
      %dma_start3A_274 = arith.constant 0 : i32
      %dma_start3A_275 = tpu.memref_slice %arg4[%run_scoped3A_150, %dma_start3A_274] : memref<14x128xi32, #tpu.memory_space<vmem>> -> memref<1x128xi32, #tpu.memory_space<vmem>>
      %dma_start3A_276 = tpu.memref_squeeze %dma_start3A_275 : memref<1x128xi32, #tpu.memory_space<vmem>> -> memref<128xi32, #tpu.memory_space<vmem>>
      %dma_start3A_277 = tpu.memref_slice %arg2[%add3A_149] : memref<57344xi32, #tpu.memory_space<hbm>> -> memref<128xi32, #tpu.memory_space<hbm>>
      tpu.enqueue_dma source(%dma_start3A_277 : memref<128xi32, #tpu.memory_space<hbm>>) target(%dma_start3A_276 : memref<128xi32, #tpu.memory_space<vmem>>) target_semaphore(%run_scoped3A_270 : memref<!tpu.dma_semaphore, #tpu.memory_space<semaphore_mem>>)
      %dma_wait3A = arith.constant 0 : i32
      %dma_wait3A_278 = tpu.memref_slice %arg4[%run_scoped3A_150, %dma_wait3A] : memref<14x128xi32, #tpu.memory_space<vmem>> -> memref<1x128xi32, #tpu.memory_space<vmem>>
      %dma_wait3A_279 = tpu.memref_squeeze %dma_wait3A_278 : memref<1x128xi32, #tpu.memory_space<vmem>> -> memref<128xi32, #tpu.memory_space<vmem>>
      %dma_wait3A_280 = tpu.memref_slice %arg2[%add3A_149] : memref<57344xi32, #tpu.memory_space<hbm>> -> memref<128xi32, #tpu.memory_space<hbm>>
      %dma_wait3A_281 = arith.constant 0 : i32
      %dma_wait3A_282 = tpu.memref_slice %arg4[%run_scoped3A_150, %dma_wait3A_281] : memref<14x128xi32, #tpu.memory_space<vmem>> -> memref<1x128xi32, #tpu.memory_space<vmem>>
      %dma_wait3A_283 = tpu.memref_squeeze %dma_wait3A_282 : memref<1x128xi32, #tpu.memory_space<vmem>> -> memref<128xi32, #tpu.memory_space<vmem>>
      %dma_wait3A_284 = tpu.memref_slice %arg2[%add3A_149] : memref<57344xi32, #tpu.memory_space<hbm>> -> memref<128xi32, #tpu.memory_space<hbm>>
      tpu.wait_dma2 semaphore(%run_scoped3A_270 : memref<!tpu.dma_semaphore, #tpu.memory_space<semaphore_mem>>) src(%dma_wait3A_284 : memref<128xi32, #tpu.memory_space<hbm>>) dst(%dma_wait3A_283 : memref<128xi32, #tpu.memory_space<vmem>>)
      tpu.yield
    }) : () -> ()
    %add3A_151 = arith.constant 16 : i32
    %add3A_152 = arith.addi %arg1, %add3A_151 : i32
    %mul3A_153 = arith.constant 128 : i32
    %mul3A_154 = arith.muli %add3A_152, %mul3A_153 : i32
    %add3A_155 = arith.addi %mul3A_144, %mul3A_154 : i32
    %run_scoped3A_156 = arith.constant 13 : i32
    "tpu.region"() ({
      %run_scoped3A_270 = tpu.sem_alloc : memref<!tpu.dma_semaphore, #tpu.memory_space<semaphore_mem>>
      %dma_start3A = arith.constant 0 : i32
      %dma_start3A_271 = tpu.memref_slice %arg4[%run_scoped3A_156, %dma_start3A] : memref<14x128xi32, #tpu.memory_space<vmem>> -> memref<1x128xi32, #tpu.memory_space<vmem>>
      %dma_start3A_272 = tpu.memref_squeeze %dma_start3A_271 : memref<1x128xi32, #tpu.memory_space<vmem>> -> memref<128xi32, #tpu.memory_space<vmem>>
      %dma_start3A_273 = tpu.memref_slice %arg2[%add3A_155] : memref<57344xi32, #tpu.memory_space<hbm>> -> memref<128xi32, #tpu.memory_space<hbm>>
      %dma_start3A_274 = arith.constant 0 : i32
      %dma_start3A_275 = tpu.memref_slice %arg4[%run_scoped3A_156, %dma_start3A_274] : memref<14x128xi32, #tpu.memory_space<vmem>> -> memref<1x128xi32, #tpu.memory_space<vmem>>
      %dma_start3A_276 = tpu.memref_squeeze %dma_start3A_275 : memref<1x128xi32, #tpu.memory_space<vmem>> -> memref<128xi32, #tpu.memory_space<vmem>>
      %dma_start3A_277 = tpu.memref_slice %arg2[%add3A_155] : memref<57344xi32, #tpu.memory_space<hbm>> -> memref<128xi32, #tpu.memory_space<hbm>>
      tpu.enqueue_dma source(%dma_start3A_277 : memref<128xi32, #tpu.memory_space<hbm>>) target(%dma_start3A_276 : memref<128xi32, #tpu.memory_space<vmem>>) target_semaphore(%run_scoped3A_270 : memref<!tpu.dma_semaphore, #tpu.memory_space<semaphore_mem>>)
      %dma_wait3A = arith.constant 0 : i32
      %dma_wait3A_278 = tpu.memref_slice %arg4[%run_scoped3A_156, %dma_wait3A] : memref<14x128xi32, #tpu.memory_space<vmem>> -> memref<1x128xi32, #tpu.memory_space<vmem>>
      %dma_wait3A_279 = tpu.memref_squeeze %dma_wait3A_278 : memref<1x128xi32, #tpu.memory_space<vmem>> -> memref<128xi32, #tpu.memory_space<vmem>>
      %dma_wait3A_280 = tpu.memref_slice %arg2[%add3A_155] : memref<57344xi32, #tpu.memory_space<hbm>> -> memref<128xi32, #tpu.memory_space<hbm>>
      %dma_wait3A_281 = arith.constant 0 : i32
      %dma_wait3A_282 = tpu.memref_slice %arg4[%run_scoped3A_156, %dma_wait3A_281] : memref<14x128xi32, #tpu.memory_space<vmem>> -> memref<1x128xi32, #tpu.memory_space<vmem>>
      %dma_wait3A_283 = tpu.memref_squeeze %dma_wait3A_282 : memref<1x128xi32, #tpu.memory_space<vmem>> -> memref<128xi32, #tpu.memory_space<vmem>>
      %dma_wait3A_284 = tpu.memref_slice %arg2[%add3A_155] : memref<57344xi32, #tpu.memory_space<hbm>> -> memref<128xi32, #tpu.memory_space<hbm>>
      tpu.wait_dma2 semaphore(%run_scoped3A_270 : memref<!tpu.dma_semaphore, #tpu.memory_space<semaphore_mem>>) src(%dma_wait3A_284 : memref<128xi32, #tpu.memory_space<hbm>>) dst(%dma_wait3A_283 : memref<128xi32, #tpu.memory_space<vmem>>)
      tpu.yield
    }) : () -> ()
    %barrier3A = arith.constant 0 : index
    tpu.barrier barrier_id(%barrier3A)
    %run_scoped3A_157 = arith.constant 0 : i32
    %run_scoped3A_158 = arith.constant 0 : i32
    "tpu.region"() ({
      %run_scoped3A_270 = tpu.sem_alloc : memref<!tpu.dma_semaphore, #tpu.memory_space<semaphore_mem>>
      %dma_start3A = arith.constant 0 : i32
      %dma_start3A_271 = tpu.memref_slice %arg4[%run_scoped3A_158, %dma_start3A] : memref<14x128xi32, #tpu.memory_space<vmem>> -> memref<1x128xi32, #tpu.memory_space<vmem>>
      %dma_start3A_272 = tpu.memref_squeeze %dma_start3A_271 : memref<1x128xi32, #tpu.memory_space<vmem>> -> memref<128xi32, #tpu.memory_space<vmem>>
      %dma_start3A_273 = arith.constant 0 : i32
      %dma_start3A_274 = tpu.memref_slice %arg7[%run_scoped3A_157, %dma_start3A_273] : memref<7x102400xf32, #tpu.memory_space<vmem_shared>> -> memref<1x102400xf32, #tpu.memory_space<vmem_shared>>
      %dma_start3A_275 = tpu.memref_squeeze %dma_start3A_274 : memref<1x102400xf32, #tpu.memory_space<vmem_shared>> -> memref<102400xf32, #tpu.memory_space<vmem_shared>>
      %dma_start3A_276 = arith.constant 0 : i32
      %dma_start3A_277 = tpu.memref_slice %dma_start3A_275[%dma_start3A_276] : memref<102400xf32, #tpu.memory_space<vmem_shared>> -> memref<102400xf32, #tpu.memory_space<vmem_shared>>
      tpu.enqueue_indirect_dma source(%arg5 : memref<128xf32, #tpu.memory_space<vmem>>) target(%dma_start3A_277 : memref<102400xf32, #tpu.memory_space<vmem_shared>>) offsets(%dma_start3A_272 : memref<128xi32, #tpu.memory_space<vmem>>) semaphore(%run_scoped3A_270 : memref<!tpu.dma_semaphore, #tpu.memory_space<semaphore_mem>>) {add = true}
      %dma_wait3A = arith.constant 0 : i32
      %dma_wait3A_278 = tpu.memref_slice %arg4[%run_scoped3A_158, %dma_wait3A] : memref<14x128xi32, #tpu.memory_space<vmem>> -> memref<1x128xi32, #tpu.memory_space<vmem>>
      %dma_wait3A_279 = tpu.memref_squeeze %dma_wait3A_278 : memref<1x128xi32, #tpu.memory_space<vmem>> -> memref<128xi32, #tpu.memory_space<vmem>>
      %dma_wait3A_280 = arith.constant 0 : i32
      %dma_wait3A_281 = tpu.memref_slice %arg7[%run_scoped3A_157, %dma_wait3A_280] : memref<7x102400xf32, #tpu.memory_space<vmem_shared>> -> memref<1x102400xf32, #tpu.memory_space<vmem_shared>>
      %dma_wait3A_282 = tpu.memref_squeeze %dma_wait3A_281 : memref<1x102400xf32, #tpu.memory_space<vmem_shared>> -> memref<102400xf32, #tpu.memory_space<vmem_shared>>
      %dma_wait3A_283 = arith.constant 0 : i32
      %dma_wait3A_284 = tpu.memref_slice %dma_wait3A_282[%dma_wait3A_283] : memref<102400xf32, #tpu.memory_space<vmem_shared>> -> memref<102400xf32, #tpu.memory_space<vmem_shared>>
      tpu.wait_indirect_dma semaphore(%run_scoped3A_270 : memref<!tpu.dma_semaphore, #tpu.memory_space<semaphore_mem>>) src(%arg5 : memref<128xf32, #tpu.memory_space<vmem>>) dst(%dma_wait3A_284 : memref<102400xf32, #tpu.memory_space<vmem_shared>>)
      tpu.yield
    }) : () -> ()
    %run_scoped3A_159 = arith.constant 0 : i32
    %run_scoped3A_160 = arith.constant 1 : i32
    "tpu.region"() ({
      %run_scoped3A_270 = tpu.sem_alloc : memref<!tpu.dma_semaphore, #tpu.memory_space<semaphore_mem>>
      %dma_start3A = arith.constant 0 : i32
      %dma_start3A_271 = tpu.memref_slice %arg4[%run_scoped3A_160, %dma_start3A] : memref<14x128xi32, #tpu.memory_space<vmem>> -> memref<1x128xi32, #tpu.memory_space<vmem>>
      %dma_start3A_272 = tpu.memref_squeeze %dma_start3A_271 : memref<1x128xi32, #tpu.memory_space<vmem>> -> memref<128xi32, #tpu.memory_space<vmem>>
      %dma_start3A_273 = arith.constant 0 : i32
      %dma_start3A_274 = tpu.memref_slice %arg7[%run_scoped3A_159, %dma_start3A_273] : memref<7x102400xf32, #tpu.memory_space<vmem_shared>> -> memref<1x102400xf32, #tpu.memory_space<vmem_shared>>
      %dma_start3A_275 = tpu.memref_squeeze %dma_start3A_274 : memref<1x102400xf32, #tpu.memory_space<vmem_shared>> -> memref<102400xf32, #tpu.memory_space<vmem_shared>>
      %dma_start3A_276 = arith.constant 0 : i32
      %dma_start3A_277 = tpu.memref_slice %dma_start3A_275[%dma_start3A_276] : memref<102400xf32, #tpu.memory_space<vmem_shared>> -> memref<102400xf32, #tpu.memory_space<vmem_shared>>
      tpu.enqueue_indirect_dma source(%arg5 : memref<128xf32, #tpu.memory_space<vmem>>) target(%dma_start3A_277 : memref<102400xf32, #tpu.memory_space<vmem_shared>>) offsets(%dma_start3A_272 : memref<128xi32, #tpu.memory_space<vmem>>) semaphore(%run_scoped3A_270 : memref<!tpu.dma_semaphore, #tpu.memory_space<semaphore_mem>>) {add = true}
      %dma_wait3A = arith.constant 0 : i32
      %dma_wait3A_278 = tpu.memref_slice %arg4[%run_scoped3A_160, %dma_wait3A] : memref<14x128xi32, #tpu.memory_space<vmem>> -> memref<1x128xi32, #tpu.memory_space<vmem>>
      %dma_wait3A_279 = tpu.memref_squeeze %dma_wait3A_278 : memref<1x128xi32, #tpu.memory_space<vmem>> -> memref<128xi32, #tpu.memory_space<vmem>>
      %dma_wait3A_280 = arith.constant 0 : i32
      %dma_wait3A_281 = tpu.memref_slice %arg7[%run_scoped3A_159, %dma_wait3A_280] : memref<7x102400xf32, #tpu.memory_space<vmem_shared>> -> memref<1x102400xf32, #tpu.memory_space<vmem_shared>>
      %dma_wait3A_282 = tpu.memref_squeeze %dma_wait3A_281 : memref<1x102400xf32, #tpu.memory_space<vmem_shared>> -> memref<102400xf32, #tpu.memory_space<vmem_shared>>
      %dma_wait3A_283 = arith.constant 0 : i32
      %dma_wait3A_284 = tpu.memref_slice %dma_wait3A_282[%dma_wait3A_283] : memref<102400xf32, #tpu.memory_space<vmem_shared>> -> memref<102400xf32, #tpu.memory_space<vmem_shared>>
      tpu.wait_indirect_dma semaphore(%run_scoped3A_270 : memref<!tpu.dma_semaphore, #tpu.memory_space<semaphore_mem>>) src(%arg5 : memref<128xf32, #tpu.memory_space<vmem>>) dst(%dma_wait3A_284 : memref<102400xf32, #tpu.memory_space<vmem_shared>>)
      tpu.yield
    }) : () -> ()
    %run_scoped3A_161 = arith.constant 1 : i32
    %run_scoped3A_162 = arith.constant 2 : i32
    "tpu.region"() ({
      %run_scoped3A_270 = tpu.sem_alloc : memref<!tpu.dma_semaphore, #tpu.memory_space<semaphore_mem>>
      %dma_start3A = arith.constant 0 : i32
      %dma_start3A_271 = tpu.memref_slice %arg4[%run_scoped3A_162, %dma_start3A] : memref<14x128xi32, #tpu.memory_space<vmem>> -> memref<1x128xi32, #tpu.memory_space<vmem>>
      %dma_start3A_272 = tpu.memref_squeeze %dma_start3A_271 : memref<1x128xi32, #tpu.memory_space<vmem>> -> memref<128xi32, #tpu.memory_space<vmem>>
      %dma_start3A_273 = arith.constant 0 : i32
      %dma_start3A_274 = tpu.memref_slice %arg7[%run_scoped3A_161, %dma_start3A_273] : memref<7x102400xf32, #tpu.memory_space<vmem_shared>> -> memref<1x102400xf32, #tpu.memory_space<vmem_shared>>
      %dma_start3A_275 = tpu.memref_squeeze %dma_start3A_274 : memref<1x102400xf32, #tpu.memory_space<vmem_shared>> -> memref<102400xf32, #tpu.memory_space<vmem_shared>>
      %dma_start3A_276 = arith.constant 0 : i32
      %dma_start3A_277 = tpu.memref_slice %dma_start3A_275[%dma_start3A_276] : memref<102400xf32, #tpu.memory_space<vmem_shared>> -> memref<102400xf32, #tpu.memory_space<vmem_shared>>
      tpu.enqueue_indirect_dma source(%arg5 : memref<128xf32, #tpu.memory_space<vmem>>) target(%dma_start3A_277 : memref<102400xf32, #tpu.memory_space<vmem_shared>>) offsets(%dma_start3A_272 : memref<128xi32, #tpu.memory_space<vmem>>) semaphore(%run_scoped3A_270 : memref<!tpu.dma_semaphore, #tpu.memory_space<semaphore_mem>>) {add = true}
      %dma_wait3A = arith.constant 0 : i32
      %dma_wait3A_278 = tpu.memref_slice %arg4[%run_scoped3A_162, %dma_wait3A] : memref<14x128xi32, #tpu.memory_space<vmem>> -> memref<1x128xi32, #tpu.memory_space<vmem>>
      %dma_wait3A_279 = tpu.memref_squeeze %dma_wait3A_278 : memref<1x128xi32, #tpu.memory_space<vmem>> -> memref<128xi32, #tpu.memory_space<vmem>>
      %dma_wait3A_280 = arith.constant 0 : i32
      %dma_wait3A_281 = tpu.memref_slice %arg7[%run_scoped3A_161, %dma_wait3A_280] : memref<7x102400xf32, #tpu.memory_space<vmem_shared>> -> memref<1x102400xf32, #tpu.memory_space<vmem_shared>>
      %dma_wait3A_282 = tpu.memref_squeeze %dma_wait3A_281 : memref<1x102400xf32, #tpu.memory_space<vmem_shared>> -> memref<102400xf32, #tpu.memory_space<vmem_shared>>
      %dma_wait3A_283 = arith.constant 0 : i32
      %dma_wait3A_284 = tpu.memref_slice %dma_wait3A_282[%dma_wait3A_283] : memref<102400xf32, #tpu.memory_space<vmem_shared>> -> memref<102400xf32, #tpu.memory_space<vmem_shared>>
      tpu.wait_indirect_dma semaphore(%run_scoped3A_270 : memref<!tpu.dma_semaphore, #tpu.memory_space<semaphore_mem>>) src(%arg5 : memref<128xf32, #tpu.memory_space<vmem>>) dst(%dma_wait3A_284 : memref<102400xf32, #tpu.memory_space<vmem_shared>>)
      tpu.yield
    }) : () -> ()
    %run_scoped3A_163 = arith.constant 1 : i32
    %run_scoped3A_164 = arith.constant 3 : i32
    "tpu.region"() ({
      %run_scoped3A_270 = tpu.sem_alloc : memref<!tpu.dma_semaphore, #tpu.memory_space<semaphore_mem>>
      %dma_start3A = arith.constant 0 : i32
      %dma_start3A_271 = tpu.memref_slice %arg4[%run_scoped3A_164, %dma_start3A] : memref<14x128xi32, #tpu.memory_space<vmem>> -> memref<1x128xi32, #tpu.memory_space<vmem>>
      %dma_start3A_272 = tpu.memref_squeeze %dma_start3A_271 : memref<1x128xi32, #tpu.memory_space<vmem>> -> memref<128xi32, #tpu.memory_space<vmem>>
      %dma_start3A_273 = arith.constant 0 : i32
      %dma_start3A_274 = tpu.memref_slice %arg7[%run_scoped3A_163, %dma_start3A_273] : memref<7x102400xf32, #tpu.memory_space<vmem_shared>> -> memref<1x102400xf32, #tpu.memory_space<vmem_shared>>
      %dma_start3A_275 = tpu.memref_squeeze %dma_start3A_274 : memref<1x102400xf32, #tpu.memory_space<vmem_shared>> -> memref<102400xf32, #tpu.memory_space<vmem_shared>>
      %dma_start3A_276 = arith.constant 0 : i32
      %dma_start3A_277 = tpu.memref_slice %dma_start3A_275[%dma_start3A_276] : memref<102400xf32, #tpu.memory_space<vmem_shared>> -> memref<102400xf32, #tpu.memory_space<vmem_shared>>
      tpu.enqueue_indirect_dma source(%arg5 : memref<128xf32, #tpu.memory_space<vmem>>) target(%dma_start3A_277 : memref<102400xf32, #tpu.memory_space<vmem_shared>>) offsets(%dma_start3A_272 : memref<128xi32, #tpu.memory_space<vmem>>) semaphore(%run_scoped3A_270 : memref<!tpu.dma_semaphore, #tpu.memory_space<semaphore_mem>>) {add = true}
      %dma_wait3A = arith.constant 0 : i32
      %dma_wait3A_278 = tpu.memref_slice %arg4[%run_scoped3A_164, %dma_wait3A] : memref<14x128xi32, #tpu.memory_space<vmem>> -> memref<1x128xi32, #tpu.memory_space<vmem>>
      %dma_wait3A_279 = tpu.memref_squeeze %dma_wait3A_278 : memref<1x128xi32, #tpu.memory_space<vmem>> -> memref<128xi32, #tpu.memory_space<vmem>>
      %dma_wait3A_280 = arith.constant 0 : i32
      %dma_wait3A_281 = tpu.memref_slice %arg7[%run_scoped3A_163, %dma_wait3A_280] : memref<7x102400xf32, #tpu.memory_space<vmem_shared>> -> memref<1x102400xf32, #tpu.memory_space<vmem_shared>>
      %dma_wait3A_282 = tpu.memref_squeeze %dma_wait3A_281 : memref<1x102400xf32, #tpu.memory_space<vmem_shared>> -> memref<102400xf32, #tpu.memory_space<vmem_shared>>
      %dma_wait3A_283 = arith.constant 0 : i32
      %dma_wait3A_284 = tpu.memref_slice %dma_wait3A_282[%dma_wait3A_283] : memref<102400xf32, #tpu.memory_space<vmem_shared>> -> memref<102400xf32, #tpu.memory_space<vmem_shared>>
      tpu.wait_indirect_dma semaphore(%run_scoped3A_270 : memref<!tpu.dma_semaphore, #tpu.memory_space<semaphore_mem>>) src(%arg5 : memref<128xf32, #tpu.memory_space<vmem>>) dst(%dma_wait3A_284 : memref<102400xf32, #tpu.memory_space<vmem_shared>>)
      tpu.yield
    }) : () -> ()
    %run_scoped3A_165 = arith.constant 2 : i32
    %run_scoped3A_166 = arith.constant 4 : i32
    "tpu.region"() ({
      %run_scoped3A_270 = tpu.sem_alloc : memref<!tpu.dma_semaphore, #tpu.memory_space<semaphore_mem>>
      %dma_start3A = arith.constant 0 : i32
      %dma_start3A_271 = tpu.memref_slice %arg4[%run_scoped3A_166, %dma_start3A] : memref<14x128xi32, #tpu.memory_space<vmem>> -> memref<1x128xi32, #tpu.memory_space<vmem>>
      %dma_start3A_272 = tpu.memref_squeeze %dma_start3A_271 : memref<1x128xi32, #tpu.memory_space<vmem>> -> memref<128xi32, #tpu.memory_space<vmem>>
      %dma_start3A_273 = arith.constant 0 : i32
      %dma_start3A_274 = tpu.memref_slice %arg7[%run_scoped3A_165, %dma_start3A_273] : memref<7x102400xf32, #tpu.memory_space<vmem_shared>> -> memref<1x102400xf32, #tpu.memory_space<vmem_shared>>
      %dma_start3A_275 = tpu.memref_squeeze %dma_start3A_274 : memref<1x102400xf32, #tpu.memory_space<vmem_shared>> -> memref<102400xf32, #tpu.memory_space<vmem_shared>>
      %dma_start3A_276 = arith.constant 0 : i32
      %dma_start3A_277 = tpu.memref_slice %dma_start3A_275[%dma_start3A_276] : memref<102400xf32, #tpu.memory_space<vmem_shared>> -> memref<102400xf32, #tpu.memory_space<vmem_shared>>
      tpu.enqueue_indirect_dma source(%arg5 : memref<128xf32, #tpu.memory_space<vmem>>) target(%dma_start3A_277 : memref<102400xf32, #tpu.memory_space<vmem_shared>>) offsets(%dma_start3A_272 : memref<128xi32, #tpu.memory_space<vmem>>) semaphore(%run_scoped3A_270 : memref<!tpu.dma_semaphore, #tpu.memory_space<semaphore_mem>>) {add = true}
      %dma_wait3A = arith.constant 0 : i32
      %dma_wait3A_278 = tpu.memref_slice %arg4[%run_scoped3A_166, %dma_wait3A] : memref<14x128xi32, #tpu.memory_space<vmem>> -> memref<1x128xi32, #tpu.memory_space<vmem>>
      %dma_wait3A_279 = tpu.memref_squeeze %dma_wait3A_278 : memref<1x128xi32, #tpu.memory_space<vmem>> -> memref<128xi32, #tpu.memory_space<vmem>>
      %dma_wait3A_280 = arith.constant 0 : i32
      %dma_wait3A_281 = tpu.memref_slice %arg7[%run_scoped3A_165, %dma_wait3A_280] : memref<7x102400xf32, #tpu.memory_space<vmem_shared>> -> memref<1x102400xf32, #tpu.memory_space<vmem_shared>>
      %dma_wait3A_282 = tpu.memref_squeeze %dma_wait3A_281 : memref<1x102400xf32, #tpu.memory_space<vmem_shared>> -> memref<102400xf32, #tpu.memory_space<vmem_shared>>
      %dma_wait3A_283 = arith.constant 0 : i32
      %dma_wait3A_284 = tpu.memref_slice %dma_wait3A_282[%dma_wait3A_283] : memref<102400xf32, #tpu.memory_space<vmem_shared>> -> memref<102400xf32, #tpu.memory_space<vmem_shared>>
      tpu.wait_indirect_dma semaphore(%run_scoped3A_270 : memref<!tpu.dma_semaphore, #tpu.memory_space<semaphore_mem>>) src(%arg5 : memref<128xf32, #tpu.memory_space<vmem>>) dst(%dma_wait3A_284 : memref<102400xf32, #tpu.memory_space<vmem_shared>>)
      tpu.yield
    }) : () -> ()
    %run_scoped3A_167 = arith.constant 2 : i32
    %run_scoped3A_168 = arith.constant 5 : i32
    "tpu.region"() ({
      %run_scoped3A_270 = tpu.sem_alloc : memref<!tpu.dma_semaphore, #tpu.memory_space<semaphore_mem>>
      %dma_start3A = arith.constant 0 : i32
      %dma_start3A_271 = tpu.memref_slice %arg4[%run_scoped3A_168, %dma_start3A] : memref<14x128xi32, #tpu.memory_space<vmem>> -> memref<1x128xi32, #tpu.memory_space<vmem>>
      %dma_start3A_272 = tpu.memref_squeeze %dma_start3A_271 : memref<1x128xi32, #tpu.memory_space<vmem>> -> memref<128xi32, #tpu.memory_space<vmem>>
      %dma_start3A_273 = arith.constant 0 : i32
      %dma_start3A_274 = tpu.memref_slice %arg7[%run_scoped3A_167, %dma_start3A_273] : memref<7x102400xf32, #tpu.memory_space<vmem_shared>> -> memref<1x102400xf32, #tpu.memory_space<vmem_shared>>
      %dma_start3A_275 = tpu.memref_squeeze %dma_start3A_274 : memref<1x102400xf32, #tpu.memory_space<vmem_shared>> -> memref<102400xf32, #tpu.memory_space<vmem_shared>>
      %dma_start3A_276 = arith.constant 0 : i32
      %dma_start3A_277 = tpu.memref_slice %dma_start3A_275[%dma_start3A_276] : memref<102400xf32, #tpu.memory_space<vmem_shared>> -> memref<102400xf32, #tpu.memory_space<vmem_shared>>
      tpu.enqueue_indirect_dma source(%arg5 : memref<128xf32, #tpu.memory_space<vmem>>) target(%dma_start3A_277 : memref<102400xf32, #tpu.memory_space<vmem_shared>>) offsets(%dma_start3A_272 : memref<128xi32, #tpu.memory_space<vmem>>) semaphore(%run_scoped3A_270 : memref<!tpu.dma_semaphore, #tpu.memory_space<semaphore_mem>>) {add = true}
      %dma_wait3A = arith.constant 0 : i32
      %dma_wait3A_278 = tpu.memref_slice %arg4[%run_scoped3A_168, %dma_wait3A] : memref<14x128xi32, #tpu.memory_space<vmem>> -> memref<1x128xi32, #tpu.memory_space<vmem>>
      %dma_wait3A_279 = tpu.memref_squeeze %dma_wait3A_278 : memref<1x128xi32, #tpu.memory_space<vmem>> -> memref<128xi32, #tpu.memory_space<vmem>>
      %dma_wait3A_280 = arith.constant 0 : i32
      %dma_wait3A_281 = tpu.memref_slice %arg7[%run_scoped3A_167, %dma_wait3A_280] : memref<7x102400xf32, #tpu.memory_space<vmem_shared>> -> memref<1x102400xf32, #tpu.memory_space<vmem_shared>>
      %dma_wait3A_282 = tpu.memref_squeeze %dma_wait3A_281 : memref<1x102400xf32, #tpu.memory_space<vmem_shared>> -> memref<102400xf32, #tpu.memory_space<vmem_shared>>
      %dma_wait3A_283 = arith.constant 0 : i32
      %dma_wait3A_284 = tpu.memref_slice %dma_wait3A_282[%dma_wait3A_283] : memref<102400xf32, #tpu.memory_space<vmem_shared>> -> memref<102400xf32, #tpu.memory_space<vmem_shared>>
      tpu.wait_indirect_dma semaphore(%run_scoped3A_270 : memref<!tpu.dma_semaphore, #tpu.memory_space<semaphore_mem>>) src(%arg5 : memref<128xf32, #tpu.memory_space<vmem>>) dst(%dma_wait3A_284 : memref<102400xf32, #tpu.memory_space<vmem_shared>>)
      tpu.yield
    }) : () -> ()
    %run_scoped3A_169 = arith.constant 3 : i32
    %run_scoped3A_170 = arith.constant 6 : i32
    "tpu.region"() ({
      %run_scoped3A_270 = tpu.sem_alloc : memref<!tpu.dma_semaphore, #tpu.memory_space<semaphore_mem>>
      %dma_start3A = arith.constant 0 : i32
      %dma_start3A_271 = tpu.memref_slice %arg4[%run_scoped3A_170, %dma_start3A] : memref<14x128xi32, #tpu.memory_space<vmem>> -> memref<1x128xi32, #tpu.memory_space<vmem>>
      %dma_start3A_272 = tpu.memref_squeeze %dma_start3A_271 : memref<1x128xi32, #tpu.memory_space<vmem>> -> memref<128xi32, #tpu.memory_space<vmem>>
      %dma_start3A_273 = arith.constant 0 : i32
      %dma_start3A_274 = tpu.memref_slice %arg7[%run_scoped3A_169, %dma_start3A_273] : memref<7x102400xf32, #tpu.memory_space<vmem_shared>> -> memref<1x102400xf32, #tpu.memory_space<vmem_shared>>
      %dma_start3A_275 = tpu.memref_squeeze %dma_start3A_274 : memref<1x102400xf32, #tpu.memory_space<vmem_shared>> -> memref<102400xf32, #tpu.memory_space<vmem_shared>>
      %dma_start3A_276 = arith.constant 0 : i32
      %dma_start3A_277 = tpu.memref_slice %dma_start3A_275[%dma_start3A_276] : memref<102400xf32, #tpu.memory_space<vmem_shared>> -> memref<102400xf32, #tpu.memory_space<vmem_shared>>
      tpu.enqueue_indirect_dma source(%arg5 : memref<128xf32, #tpu.memory_space<vmem>>) target(%dma_start3A_277 : memref<102400xf32, #tpu.memory_space<vmem_shared>>) offsets(%dma_start3A_272 : memref<128xi32, #tpu.memory_space<vmem>>) semaphore(%run_scoped3A_270 : memref<!tpu.dma_semaphore, #tpu.memory_space<semaphore_mem>>) {add = true}
      %dma_wait3A = arith.constant 0 : i32
      %dma_wait3A_278 = tpu.memref_slice %arg4[%run_scoped3A_170, %dma_wait3A] : memref<14x128xi32, #tpu.memory_space<vmem>> -> memref<1x128xi32, #tpu.memory_space<vmem>>
      %dma_wait3A_279 = tpu.memref_squeeze %dma_wait3A_278 : memref<1x128xi32, #tpu.memory_space<vmem>> -> memref<128xi32, #tpu.memory_space<vmem>>
      %dma_wait3A_280 = arith.constant 0 : i32
      %dma_wait3A_281 = tpu.memref_slice %arg7[%run_scoped3A_169, %dma_wait3A_280] : memref<7x102400xf32, #tpu.memory_space<vmem_shared>> -> memref<1x102400xf32, #tpu.memory_space<vmem_shared>>
      %dma_wait3A_282 = tpu.memref_squeeze %dma_wait3A_281 : memref<1x102400xf32, #tpu.memory_space<vmem_shared>> -> memref<102400xf32, #tpu.memory_space<vmem_shared>>
      %dma_wait3A_283 = arith.constant 0 : i32
      %dma_wait3A_284 = tpu.memref_slice %dma_wait3A_282[%dma_wait3A_283] : memref<102400xf32, #tpu.memory_space<vmem_shared>> -> memref<102400xf32, #tpu.memory_space<vmem_shared>>
      tpu.wait_indirect_dma semaphore(%run_scoped3A_270 : memref<!tpu.dma_semaphore, #tpu.memory_space<semaphore_mem>>) src(%arg5 : memref<128xf32, #tpu.memory_space<vmem>>) dst(%dma_wait3A_284 : memref<102400xf32, #tpu.memory_space<vmem_shared>>)
      tpu.yield
    }) : () -> ()
    %run_scoped3A_171 = arith.constant 3 : i32
    %run_scoped3A_172 = arith.constant 7 : i32
    "tpu.region"() ({
      %run_scoped3A_270 = tpu.sem_alloc : memref<!tpu.dma_semaphore, #tpu.memory_space<semaphore_mem>>
      %dma_start3A = arith.constant 0 : i32
      %dma_start3A_271 = tpu.memref_slice %arg4[%run_scoped3A_172, %dma_start3A] : memref<14x128xi32, #tpu.memory_space<vmem>> -> memref<1x128xi32, #tpu.memory_space<vmem>>
      %dma_start3A_272 = tpu.memref_squeeze %dma_start3A_271 : memref<1x128xi32, #tpu.memory_space<vmem>> -> memref<128xi32, #tpu.memory_space<vmem>>
      %dma_start3A_273 = arith.constant 0 : i32
      %dma_start3A_274 = tpu.memref_slice %arg7[%run_scoped3A_171, %dma_start3A_273] : memref<7x102400xf32, #tpu.memory_space<vmem_shared>> -> memref<1x102400xf32, #tpu.memory_space<vmem_shared>>
      %dma_start3A_275 = tpu.memref_squeeze %dma_start3A_274 : memref<1x102400xf32, #tpu.memory_space<vmem_shared>> -> memref<102400xf32, #tpu.memory_space<vmem_shared>>
      %dma_start3A_276 = arith.constant 0 : i32
      %dma_start3A_277 = tpu.memref_slice %dma_start3A_275[%dma_start3A_276] : memref<102400xf32, #tpu.memory_space<vmem_shared>> -> memref<102400xf32, #tpu.memory_space<vmem_shared>>
      tpu.enqueue_indirect_dma source(%arg5 : memref<128xf32, #tpu.memory_space<vmem>>) target(%dma_start3A_277 : memref<102400xf32, #tpu.memory_space<vmem_shared>>) offsets(%dma_start3A_272 : memref<128xi32, #tpu.memory_space<vmem>>) semaphore(%run_scoped3A_270 : memref<!tpu.dma_semaphore, #tpu.memory_space<semaphore_mem>>) {add = true}
      %dma_wait3A = arith.constant 0 : i32
      %dma_wait3A_278 = tpu.memref_slice %arg4[%run_scoped3A_172, %dma_wait3A] : memref<14x128xi32, #tpu.memory_space<vmem>> -> memref<1x128xi32, #tpu.memory_space<vmem>>
      %dma_wait3A_279 = tpu.memref_squeeze %dma_wait3A_278 : memref<1x128xi32, #tpu.memory_space<vmem>> -> memref<128xi32, #tpu.memory_space<vmem>>
      %dma_wait3A_280 = arith.constant 0 : i32
      %dma_wait3A_281 = tpu.memref_slice %arg7[%run_scoped3A_171, %dma_wait3A_280] : memref<7x102400xf32, #tpu.memory_space<vmem_shared>> -> memref<1x102400xf32, #tpu.memory_space<vmem_shared>>
      %dma_wait3A_282 = tpu.memref_squeeze %dma_wait3A_281 : memref<1x102400xf32, #tpu.memory_space<vmem_shared>> -> memref<102400xf32, #tpu.memory_space<vmem_shared>>
      %dma_wait3A_283 = arith.constant 0 : i32
      %dma_wait3A_284 = tpu.memref_slice %dma_wait3A_282[%dma_wait3A_283] : memref<102400xf32, #tpu.memory_space<vmem_shared>> -> memref<102400xf32, #tpu.memory_space<vmem_shared>>
      tpu.wait_indirect_dma semaphore(%run_scoped3A_270 : memref<!tpu.dma_semaphore, #tpu.memory_space<semaphore_mem>>) src(%arg5 : memref<128xf32, #tpu.memory_space<vmem>>) dst(%dma_wait3A_284 : memref<102400xf32, #tpu.memory_space<vmem_shared>>)
      tpu.yield
    }) : () -> ()
    %run_scoped3A_173 = arith.constant 4 : i32
    %run_scoped3A_174 = arith.constant 8 : i32
    "tpu.region"() ({
      %run_scoped3A_270 = tpu.sem_alloc : memref<!tpu.dma_semaphore, #tpu.memory_space<semaphore_mem>>
      %dma_start3A = arith.constant 0 : i32
      %dma_start3A_271 = tpu.memref_slice %arg4[%run_scoped3A_174, %dma_start3A] : memref<14x128xi32, #tpu.memory_space<vmem>> -> memref<1x128xi32, #tpu.memory_space<vmem>>
      %dma_start3A_272 = tpu.memref_squeeze %dma_start3A_271 : memref<1x128xi32, #tpu.memory_space<vmem>> -> memref<128xi32, #tpu.memory_space<vmem>>
      %dma_start3A_273 = arith.constant 0 : i32
      %dma_start3A_274 = tpu.memref_slice %arg7[%run_scoped3A_173, %dma_start3A_273] : memref<7x102400xf32, #tpu.memory_space<vmem_shared>> -> memref<1x102400xf32, #tpu.memory_space<vmem_shared>>
      %dma_start3A_275 = tpu.memref_squeeze %dma_start3A_274 : memref<1x102400xf32, #tpu.memory_space<vmem_shared>> -> memref<102400xf32, #tpu.memory_space<vmem_shared>>
      %dma_start3A_276 = arith.constant 0 : i32
      %dma_start3A_277 = tpu.memref_slice %dma_start3A_275[%dma_start3A_276] : memref<102400xf32, #tpu.memory_space<vmem_shared>> -> memref<102400xf32, #tpu.memory_space<vmem_shared>>
      tpu.enqueue_indirect_dma source(%arg5 : memref<128xf32, #tpu.memory_space<vmem>>) target(%dma_start3A_277 : memref<102400xf32, #tpu.memory_space<vmem_shared>>) offsets(%dma_start3A_272 : memref<128xi32, #tpu.memory_space<vmem>>) semaphore(%run_scoped3A_270 : memref<!tpu.dma_semaphore, #tpu.memory_space<semaphore_mem>>) {add = true}
      %dma_wait3A = arith.constant 0 : i32
      %dma_wait3A_278 = tpu.memref_slice %arg4[%run_scoped3A_174, %dma_wait3A] : memref<14x128xi32, #tpu.memory_space<vmem>> -> memref<1x128xi32, #tpu.memory_space<vmem>>
      %dma_wait3A_279 = tpu.memref_squeeze %dma_wait3A_278 : memref<1x128xi32, #tpu.memory_space<vmem>> -> memref<128xi32, #tpu.memory_space<vmem>>
      %dma_wait3A_280 = arith.constant 0 : i32
      %dma_wait3A_281 = tpu.memref_slice %arg7[%run_scoped3A_173, %dma_wait3A_280] : memref<7x102400xf32, #tpu.memory_space<vmem_shared>> -> memref<1x102400xf32, #tpu.memory_space<vmem_shared>>
      %dma_wait3A_282 = tpu.memref_squeeze %dma_wait3A_281 : memref<1x102400xf32, #tpu.memory_space<vmem_shared>> -> memref<102400xf32, #tpu.memory_space<vmem_shared>>
      %dma_wait3A_283 = arith.constant 0 : i32
      %dma_wait3A_284 = tpu.memref_slice %dma_wait3A_282[%dma_wait3A_283] : memref<102400xf32, #tpu.memory_space<vmem_shared>> -> memref<102400xf32, #tpu.memory_space<vmem_shared>>
      tpu.wait_indirect_dma semaphore(%run_scoped3A_270 : memref<!tpu.dma_semaphore, #tpu.memory_space<semaphore_mem>>) src(%arg5 : memref<128xf32, #tpu.memory_space<vmem>>) dst(%dma_wait3A_284 : memref<102400xf32, #tpu.memory_space<vmem_shared>>)
      tpu.yield
    }) : () -> ()
    %run_scoped3A_175 = arith.constant 4 : i32
    %run_scoped3A_176 = arith.constant 9 : i32
    "tpu.region"() ({
      %run_scoped3A_270 = tpu.sem_alloc : memref<!tpu.dma_semaphore, #tpu.memory_space<semaphore_mem>>
      %dma_start3A = arith.constant 0 : i32
      %dma_start3A_271 = tpu.memref_slice %arg4[%run_scoped3A_176, %dma_start3A] : memref<14x128xi32, #tpu.memory_space<vmem>> -> memref<1x128xi32, #tpu.memory_space<vmem>>
      %dma_start3A_272 = tpu.memref_squeeze %dma_start3A_271 : memref<1x128xi32, #tpu.memory_space<vmem>> -> memref<128xi32, #tpu.memory_space<vmem>>
      %dma_start3A_273 = arith.constant 0 : i32
      %dma_start3A_274 = tpu.memref_slice %arg7[%run_scoped3A_175, %dma_start3A_273] : memref<7x102400xf32, #tpu.memory_space<vmem_shared>> -> memref<1x102400xf32, #tpu.memory_space<vmem_shared>>
      %dma_start3A_275 = tpu.memref_squeeze %dma_start3A_274 : memref<1x102400xf32, #tpu.memory_space<vmem_shared>> -> memref<102400xf32, #tpu.memory_space<vmem_shared>>
      %dma_start3A_276 = arith.constant 0 : i32
      %dma_start3A_277 = tpu.memref_slice %dma_start3A_275[%dma_start3A_276] : memref<102400xf32, #tpu.memory_space<vmem_shared>> -> memref<102400xf32, #tpu.memory_space<vmem_shared>>
      tpu.enqueue_indirect_dma source(%arg5 : memref<128xf32, #tpu.memory_space<vmem>>) target(%dma_start3A_277 : memref<102400xf32, #tpu.memory_space<vmem_shared>>) offsets(%dma_start3A_272 : memref<128xi32, #tpu.memory_space<vmem>>) semaphore(%run_scoped3A_270 : memref<!tpu.dma_semaphore, #tpu.memory_space<semaphore_mem>>) {add = true}
      %dma_wait3A = arith.constant 0 : i32
      %dma_wait3A_278 = tpu.memref_slice %arg4[%run_scoped3A_176, %dma_wait3A] : memref<14x128xi32, #tpu.memory_space<vmem>> -> memref<1x128xi32, #tpu.memory_space<vmem>>
      %dma_wait3A_279 = tpu.memref_squeeze %dma_wait3A_278 : memref<1x128xi32, #tpu.memory_space<vmem>> -> memref<128xi32, #tpu.memory_space<vmem>>
      %dma_wait3A_280 = arith.constant 0 : i32
      %dma_wait3A_281 = tpu.memref_slice %arg7[%run_scoped3A_175, %dma_wait3A_280] : memref<7x102400xf32, #tpu.memory_space<vmem_shared>> -> memref<1x102400xf32, #tpu.memory_space<vmem_shared>>
      %dma_wait3A_282 = tpu.memref_squeeze %dma_wait3A_281 : memref<1x102400xf32, #tpu.memory_space<vmem_shared>> -> memref<102400xf32, #tpu.memory_space<vmem_shared>>
      %dma_wait3A_283 = arith.constant 0 : i32
      %dma_wait3A_284 = tpu.memref_slice %dma_wait3A_282[%dma_wait3A_283] : memref<102400xf32, #tpu.memory_space<vmem_shared>> -> memref<102400xf32, #tpu.memory_space<vmem_shared>>
      tpu.wait_indirect_dma semaphore(%run_scoped3A_270 : memref<!tpu.dma_semaphore, #tpu.memory_space<semaphore_mem>>) src(%arg5 : memref<128xf32, #tpu.memory_space<vmem>>) dst(%dma_wait3A_284 : memref<102400xf32, #tpu.memory_space<vmem_shared>>)
      tpu.yield
    }) : () -> ()
    %run_scoped3A_177 = arith.constant 5 : i32
    %run_scoped3A_178 = arith.constant 10 : i32
    "tpu.region"() ({
      %run_scoped3A_270 = tpu.sem_alloc : memref<!tpu.dma_semaphore, #tpu.memory_space<semaphore_mem>>
      %dma_start3A = arith.constant 0 : i32
      %dma_start3A_271 = tpu.memref_slice %arg4[%run_scoped3A_178, %dma_start3A] : memref<14x128xi32, #tpu.memory_space<vmem>> -> memref<1x128xi32, #tpu.memory_space<vmem>>
      %dma_start3A_272 = tpu.memref_squeeze %dma_start3A_271 : memref<1x128xi32, #tpu.memory_space<vmem>> -> memref<128xi32, #tpu.memory_space<vmem>>
      %dma_start3A_273 = arith.constant 0 : i32
      %dma_start3A_274 = tpu.memref_slice %arg7[%run_scoped3A_177, %dma_start3A_273] : memref<7x102400xf32, #tpu.memory_space<vmem_shared>> -> memref<1x102400xf32, #tpu.memory_space<vmem_shared>>
      %dma_start3A_275 = tpu.memref_squeeze %dma_start3A_274 : memref<1x102400xf32, #tpu.memory_space<vmem_shared>> -> memref<102400xf32, #tpu.memory_space<vmem_shared>>
      %dma_start3A_276 = arith.constant 0 : i32
      %dma_start3A_277 = tpu.memref_slice %dma_start3A_275[%dma_start3A_276] : memref<102400xf32, #tpu.memory_space<vmem_shared>> -> memref<102400xf32, #tpu.memory_space<vmem_shared>>
      tpu.enqueue_indirect_dma source(%arg5 : memref<128xf32, #tpu.memory_space<vmem>>) target(%dma_start3A_277 : memref<102400xf32, #tpu.memory_space<vmem_shared>>) offsets(%dma_start3A_272 : memref<128xi32, #tpu.memory_space<vmem>>) semaphore(%run_scoped3A_270 : memref<!tpu.dma_semaphore, #tpu.memory_space<semaphore_mem>>) {add = true}
      %dma_wait3A = arith.constant 0 : i32
      %dma_wait3A_278 = tpu.memref_slice %arg4[%run_scoped3A_178, %dma_wait3A] : memref<14x128xi32, #tpu.memory_space<vmem>> -> memref<1x128xi32, #tpu.memory_space<vmem>>
      %dma_wait3A_279 = tpu.memref_squeeze %dma_wait3A_278 : memref<1x128xi32, #tpu.memory_space<vmem>> -> memref<128xi32, #tpu.memory_space<vmem>>
      %dma_wait3A_280 = arith.constant 0 : i32
      %dma_wait3A_281 = tpu.memref_slice %arg7[%run_scoped3A_177, %dma_wait3A_280] : memref<7x102400xf32, #tpu.memory_space<vmem_shared>> -> memref<1x102400xf32, #tpu.memory_space<vmem_shared>>
      %dma_wait3A_282 = tpu.memref_squeeze %dma_wait3A_281 : memref<1x102400xf32, #tpu.memory_space<vmem_shared>> -> memref<102400xf32, #tpu.memory_space<vmem_shared>>
      %dma_wait3A_283 = arith.constant 0 : i32
      %dma_wait3A_284 = tpu.memref_slice %dma_wait3A_282[%dma_wait3A_283] : memref<102400xf32, #tpu.memory_space<vmem_shared>> -> memref<102400xf32, #tpu.memory_space<vmem_shared>>
      tpu.wait_indirect_dma semaphore(%run_scoped3A_270 : memref<!tpu.dma_semaphore, #tpu.memory_space<semaphore_mem>>) src(%arg5 : memref<128xf32, #tpu.memory_space<vmem>>) dst(%dma_wait3A_284 : memref<102400xf32, #tpu.memory_space<vmem_shared>>)
      tpu.yield
    }) : () -> ()
    %run_scoped3A_179 = arith.constant 5 : i32
    %run_scoped3A_180 = arith.constant 11 : i32
    "tpu.region"() ({
      %run_scoped3A_270 = tpu.sem_alloc : memref<!tpu.dma_semaphore, #tpu.memory_space<semaphore_mem>>
      %dma_start3A = arith.constant 0 : i32
      %dma_start3A_271 = tpu.memref_slice %arg4[%run_scoped3A_180, %dma_start3A] : memref<14x128xi32, #tpu.memory_space<vmem>> -> memref<1x128xi32, #tpu.memory_space<vmem>>
      %dma_start3A_272 = tpu.memref_squeeze %dma_start3A_271 : memref<1x128xi32, #tpu.memory_space<vmem>> -> memref<128xi32, #tpu.memory_space<vmem>>
      %dma_start3A_273 = arith.constant 0 : i32
      %dma_start3A_274 = tpu.memref_slice %arg7[%run_scoped3A_179, %dma_start3A_273] : memref<7x102400xf32, #tpu.memory_space<vmem_shared>> -> memref<1x102400xf32, #tpu.memory_space<vmem_shared>>
      %dma_start3A_275 = tpu.memref_squeeze %dma_start3A_274 : memref<1x102400xf32, #tpu.memory_space<vmem_shared>> -> memref<102400xf32, #tpu.memory_space<vmem_shared>>
      %dma_start3A_276 = arith.constant 0 : i32
      %dma_start3A_277 = tpu.memref_slice %dma_start3A_275[%dma_start3A_276] : memref<102400xf32, #tpu.memory_space<vmem_shared>> -> memref<102400xf32, #tpu.memory_space<vmem_shared>>
      tpu.enqueue_indirect_dma source(%arg5 : memref<128xf32, #tpu.memory_space<vmem>>) target(%dma_start3A_277 : memref<102400xf32, #tpu.memory_space<vmem_shared>>) offsets(%dma_start3A_272 : memref<128xi32, #tpu.memory_space<vmem>>) semaphore(%run_scoped3A_270 : memref<!tpu.dma_semaphore, #tpu.memory_space<semaphore_mem>>) {add = true}
      %dma_wait3A = arith.constant 0 : i32
      %dma_wait3A_278 = tpu.memref_slice %arg4[%run_scoped3A_180, %dma_wait3A] : memref<14x128xi32, #tpu.memory_space<vmem>> -> memref<1x128xi32, #tpu.memory_space<vmem>>
      %dma_wait3A_279 = tpu.memref_squeeze %dma_wait3A_278 : memref<1x128xi32, #tpu.memory_space<vmem>> -> memref<128xi32, #tpu.memory_space<vmem>>
      %dma_wait3A_280 = arith.constant 0 : i32
      %dma_wait3A_281 = tpu.memref_slice %arg7[%run_scoped3A_179, %dma_wait3A_280] : memref<7x102400xf32, #tpu.memory_space<vmem_shared>> -> memref<1x102400xf32, #tpu.memory_space<vmem_shared>>
      %dma_wait3A_282 = tpu.memref_squeeze %dma_wait3A_281 : memref<1x102400xf32, #tpu.memory_space<vmem_shared>> -> memref<102400xf32, #tpu.memory_space<vmem_shared>>
      %dma_wait3A_283 = arith.constant 0 : i32
      %dma_wait3A_284 = tpu.memref_slice %dma_wait3A_282[%dma_wait3A_283] : memref<102400xf32, #tpu.memory_space<vmem_shared>> -> memref<102400xf32, #tpu.memory_space<vmem_shared>>
      tpu.wait_indirect_dma semaphore(%run_scoped3A_270 : memref<!tpu.dma_semaphore, #tpu.memory_space<semaphore_mem>>) src(%arg5 : memref<128xf32, #tpu.memory_space<vmem>>) dst(%dma_wait3A_284 : memref<102400xf32, #tpu.memory_space<vmem_shared>>)
      tpu.yield
    }) : () -> ()
    %run_scoped3A_181 = arith.constant 6 : i32
    %run_scoped3A_182 = arith.constant 12 : i32
    "tpu.region"() ({
      %run_scoped3A_270 = tpu.sem_alloc : memref<!tpu.dma_semaphore, #tpu.memory_space<semaphore_mem>>
      %dma_start3A = arith.constant 0 : i32
      %dma_start3A_271 = tpu.memref_slice %arg4[%run_scoped3A_182, %dma_start3A] : memref<14x128xi32, #tpu.memory_space<vmem>> -> memref<1x128xi32, #tpu.memory_space<vmem>>
      %dma_start3A_272 = tpu.memref_squeeze %dma_start3A_271 : memref<1x128xi32, #tpu.memory_space<vmem>> -> memref<128xi32, #tpu.memory_space<vmem>>
      %dma_start3A_273 = arith.constant 0 : i32
      %dma_start3A_274 = tpu.memref_slice %arg7[%run_scoped3A_181, %dma_start3A_273] : memref<7x102400xf32, #tpu.memory_space<vmem_shared>> -> memref<1x102400xf32, #tpu.memory_space<vmem_shared>>
      %dma_start3A_275 = tpu.memref_squeeze %dma_start3A_274 : memref<1x102400xf32, #tpu.memory_space<vmem_shared>> -> memref<102400xf32, #tpu.memory_space<vmem_shared>>
      %dma_start3A_276 = arith.constant 0 : i32
      %dma_start3A_277 = tpu.memref_slice %dma_start3A_275[%dma_start3A_276] : memref<102400xf32, #tpu.memory_space<vmem_shared>> -> memref<102400xf32, #tpu.memory_space<vmem_shared>>
      tpu.enqueue_indirect_dma source(%arg5 : memref<128xf32, #tpu.memory_space<vmem>>) target(%dma_start3A_277 : memref<102400xf32, #tpu.memory_space<vmem_shared>>) offsets(%dma_start3A_272 : memref<128xi32, #tpu.memory_space<vmem>>) semaphore(%run_scoped3A_270 : memref<!tpu.dma_semaphore, #tpu.memory_space<semaphore_mem>>) {add = true}
      %dma_wait3A = arith.constant 0 : i32
      %dma_wait3A_278 = tpu.memref_slice %arg4[%run_scoped3A_182, %dma_wait3A] : memref<14x128xi32, #tpu.memory_space<vmem>> -> memref<1x128xi32, #tpu.memory_space<vmem>>
      %dma_wait3A_279 = tpu.memref_squeeze %dma_wait3A_278 : memref<1x128xi32, #tpu.memory_space<vmem>> -> memref<128xi32, #tpu.memory_space<vmem>>
      %dma_wait3A_280 = arith.constant 0 : i32
      %dma_wait3A_281 = tpu.memref_slice %arg7[%run_scoped3A_181, %dma_wait3A_280] : memref<7x102400xf32, #tpu.memory_space<vmem_shared>> -> memref<1x102400xf32, #tpu.memory_space<vmem_shared>>
      %dma_wait3A_282 = tpu.memref_squeeze %dma_wait3A_281 : memref<1x102400xf32, #tpu.memory_space<vmem_shared>> -> memref<102400xf32, #tpu.memory_space<vmem_shared>>
      %dma_wait3A_283 = arith.constant 0 : i32
      %dma_wait3A_284 = tpu.memref_slice %dma_wait3A_282[%dma_wait3A_283] : memref<102400xf32, #tpu.memory_space<vmem_shared>> -> memref<102400xf32, #tpu.memory_space<vmem_shared>>
      tpu.wait_indirect_dma semaphore(%run_scoped3A_270 : memref<!tpu.dma_semaphore, #tpu.memory_space<semaphore_mem>>) src(%arg5 : memref<128xf32, #tpu.memory_space<vmem>>) dst(%dma_wait3A_284 : memref<102400xf32, #tpu.memory_space<vmem_shared>>)
      tpu.yield
    }) : () -> ()
    %run_scoped3A_183 = arith.constant 6 : i32
    %run_scoped3A_184 = arith.constant 13 : i32
    "tpu.region"() ({
      %run_scoped3A_270 = tpu.sem_alloc : memref<!tpu.dma_semaphore, #tpu.memory_space<semaphore_mem>>
      %dma_start3A = arith.constant 0 : i32
      %dma_start3A_271 = tpu.memref_slice %arg4[%run_scoped3A_184, %dma_start3A] : memref<14x128xi32, #tpu.memory_space<vmem>> -> memref<1x128xi32, #tpu.memory_space<vmem>>
      %dma_start3A_272 = tpu.memref_squeeze %dma_start3A_271 : memref<1x128xi32, #tpu.memory_space<vmem>> -> memref<128xi32, #tpu.memory_space<vmem>>
      %dma_start3A_273 = arith.constant 0 : i32
      %dma_start3A_274 = tpu.memref_slice %arg7[%run_scoped3A_183, %dma_start3A_273] : memref<7x102400xf32, #tpu.memory_space<vmem_shared>> -> memref<1x102400xf32, #tpu.memory_space<vmem_shared>>
      %dma_start3A_275 = tpu.memref_squeeze %dma_start3A_274 : memref<1x102400xf32, #tpu.memory_space<vmem_shared>> -> memref<102400xf32, #tpu.memory_space<vmem_shared>>
      %dma_start3A_276 = arith.constant 0 : i32
      %dma_start3A_277 = tpu.memref_slice %dma_start3A_275[%dma_start3A_276] : memref<102400xf32, #tpu.memory_space<vmem_shared>> -> memref<102400xf32, #tpu.memory_space<vmem_shared>>
      tpu.enqueue_indirect_dma source(%arg5 : memref<128xf32, #tpu.memory_space<vmem>>) target(%dma_start3A_277 : memref<102400xf32, #tpu.memory_space<vmem_shared>>) offsets(%dma_start3A_272 : memref<128xi32, #tpu.memory_space<vmem>>) semaphore(%run_scoped3A_270 : memref<!tpu.dma_semaphore, #tpu.memory_space<semaphore_mem>>) {add = true}
      %dma_wait3A = arith.constant 0 : i32
      %dma_wait3A_278 = tpu.memref_slice %arg4[%run_scoped3A_184, %dma_wait3A] : memref<14x128xi32, #tpu.memory_space<vmem>> -> memref<1x128xi32, #tpu.memory_space<vmem>>
      %dma_wait3A_279 = tpu.memref_squeeze %dma_wait3A_278 : memref<1x128xi32, #tpu.memory_space<vmem>> -> memref<128xi32, #tpu.memory_space<vmem>>
      %dma_wait3A_280 = arith.constant 0 : i32
      %dma_wait3A_281 = tpu.memref_slice %arg7[%run_scoped3A_183, %dma_wait3A_280] : memref<7x102400xf32, #tpu.memory_space<vmem_shared>> -> memref<1x102400xf32, #tpu.memory_space<vmem_shared>>
      %dma_wait3A_282 = tpu.memref_squeeze %dma_wait3A_281 : memref<1x102400xf32, #tpu.memory_space<vmem_shared>> -> memref<102400xf32, #tpu.memory_space<vmem_shared>>
      %dma_wait3A_283 = arith.constant 0 : i32
      %dma_wait3A_284 = tpu.memref_slice %dma_wait3A_282[%dma_wait3A_283] : memref<102400xf32, #tpu.memory_space<vmem_shared>> -> memref<102400xf32, #tpu.memory_space<vmem_shared>>
      tpu.wait_indirect_dma semaphore(%run_scoped3A_270 : memref<!tpu.dma_semaphore, #tpu.memory_space<semaphore_mem>>) src(%arg5 : memref<128xf32, #tpu.memory_space<vmem>>) dst(%dma_wait3A_284 : memref<102400xf32, #tpu.memory_space<vmem_shared>>)
      tpu.yield
    }) : () -> ()
    %barrier3A_185 = arith.constant 0 : index
    tpu.barrier barrier_id(%barrier3A_185)
    %mul3A_186 = arith.constant 6400 : i32
    %mul3A_187 = arith.muli %arg1, %mul3A_186 : i32
    %mul3A_188 = arith.constant 7 : i32
    %mul3A_189 = arith.muli %arg0, %mul3A_188 : i32
    %add3A_190 = arith.constant 0 : i32
    %add3A_191 = arith.addi %mul3A_189, %add3A_190 : i32
    %mul3A_192 = arith.constant 102400 : i32
    %mul3A_193 = arith.muli %add3A_191, %mul3A_192 : i32
    %mul3A_194 = arith.constant 6400 : i32
    %mul3A_195 = arith.muli %arg1, %mul3A_194 : i32
    %add3A_196 = arith.addi %mul3A_193, %mul3A_195 : i32
    %run_scoped3A_197 = arith.constant 0 : i32
    "tpu.region"() ({
      %run_scoped3A_270 = tpu.sem_alloc : memref<!tpu.dma_semaphore, #tpu.memory_space<semaphore_mem>>
      %dma_start3A = tpu.memref_slice %arg3[%add3A_196] : memref<1433600xf32, #tpu.memory_space<hbm>> -> memref<6400xf32, #tpu.memory_space<hbm>>
      %dma_start3A_271 = arith.constant 0 : i32
      %dma_start3A_272 = tpu.memref_slice %arg7[%run_scoped3A_197, %dma_start3A_271] : memref<7x102400xf32, #tpu.memory_space<vmem_shared>> -> memref<1x102400xf32, #tpu.memory_space<vmem_shared>>
      %dma_start3A_273 = tpu.memref_squeeze %dma_start3A_272 : memref<1x102400xf32, #tpu.memory_space<vmem_shared>> -> memref<102400xf32, #tpu.memory_space<vmem_shared>>
      %dma_start3A_274 = tpu.memref_slice %dma_start3A_273[%mul3A_187] : memref<102400xf32, #tpu.memory_space<vmem_shared>> -> memref<6400xf32, #tpu.memory_space<vmem_shared>>
      tpu.enqueue_dma source(%dma_start3A_274 : memref<6400xf32, #tpu.memory_space<vmem_shared>>) target(%dma_start3A : memref<6400xf32, #tpu.memory_space<hbm>>) target_semaphore(%run_scoped3A_270 : memref<!tpu.dma_semaphore, #tpu.memory_space<semaphore_mem>>)
      %dma_wait3A = tpu.memref_slice %arg3[%add3A_196] : memref<1433600xf32, #tpu.memory_space<hbm>> -> memref<6400xf32, #tpu.memory_space<hbm>>
      %dma_wait3A_275 = arith.constant 0 : i32
      %dma_wait3A_276 = tpu.memref_slice %arg7[%run_scoped3A_197, %dma_wait3A_275] : memref<7x102400xf32, #tpu.memory_space<vmem_shared>> -> memref<1x102400xf32, #tpu.memory_space<vmem_shared>>
      %dma_wait3A_277 = tpu.memref_squeeze %dma_wait3A_276 : memref<1x102400xf32, #tpu.memory_space<vmem_shared>> -> memref<102400xf32, #tpu.memory_space<vmem_shared>>
      %dma_wait3A_278 = tpu.memref_slice %dma_wait3A_277[%mul3A_187] : memref<102400xf32, #tpu.memory_space<vmem_shared>> -> memref<6400xf32, #tpu.memory_space<vmem_shared>>
      tpu.wait_dma2 semaphore(%run_scoped3A_270 : memref<!tpu.dma_semaphore, #tpu.memory_space<semaphore_mem>>) src(%dma_wait3A_278 : memref<6400xf32, #tpu.memory_space<vmem_shared>>) dst(%dma_wait3A : memref<6400xf32, #tpu.memory_space<hbm>>)
      tpu.yield
    }) : () -> ()
    %mul3A_198 = arith.constant 6400 : i32
    %mul3A_199 = arith.muli %arg1, %mul3A_198 : i32
    %mul3A_200 = arith.constant 7 : i32
    %mul3A_201 = arith.muli %arg0, %mul3A_200 : i32
    %add3A_202 = arith.constant 1 : i32
    %add3A_203 = arith.addi %mul3A_201, %add3A_202 : i32
    %mul3A_204 = arith.constant 102400 : i32
    %mul3A_205 = arith.muli %add3A_203, %mul3A_204 : i32
    %mul3A_206 = arith.constant 6400 : i32
    %mul3A_207 = arith.muli %arg1, %mul3A_206 : i32
    %add3A_208 = arith.addi %mul3A_205, %mul3A_207 : i32
    %run_scoped3A_209 = arith.constant 1 : i32
    "tpu.region"() ({
      %run_scoped3A_270 = tpu.sem_alloc : memref<!tpu.dma_semaphore, #tpu.memory_space<semaphore_mem>>
      %dma_start3A = tpu.memref_slice %arg3[%add3A_208] : memref<1433600xf32, #tpu.memory_space<hbm>> -> memref<6400xf32, #tpu.memory_space<hbm>>
      %dma_start3A_271 = arith.constant 0 : i32
      %dma_start3A_272 = tpu.memref_slice %arg7[%run_scoped3A_209, %dma_start3A_271] : memref<7x102400xf32, #tpu.memory_space<vmem_shared>> -> memref<1x102400xf32, #tpu.memory_space<vmem_shared>>
      %dma_start3A_273 = tpu.memref_squeeze %dma_start3A_272 : memref<1x102400xf32, #tpu.memory_space<vmem_shared>> -> memref<102400xf32, #tpu.memory_space<vmem_shared>>
      %dma_start3A_274 = tpu.memref_slice %dma_start3A_273[%mul3A_199] : memref<102400xf32, #tpu.memory_space<vmem_shared>> -> memref<6400xf32, #tpu.memory_space<vmem_shared>>
      tpu.enqueue_dma source(%dma_start3A_274 : memref<6400xf32, #tpu.memory_space<vmem_shared>>) target(%dma_start3A : memref<6400xf32, #tpu.memory_space<hbm>>) target_semaphore(%run_scoped3A_270 : memref<!tpu.dma_semaphore, #tpu.memory_space<semaphore_mem>>)
      %dma_wait3A = tpu.memref_slice %arg3[%add3A_208] : memref<1433600xf32, #tpu.memory_space<hbm>> -> memref<6400xf32, #tpu.memory_space<hbm>>
      %dma_wait3A_275 = arith.constant 0 : i32
      %dma_wait3A_276 = tpu.memref_slice %arg7[%run_scoped3A_209, %dma_wait3A_275] : memref<7x102400xf32, #tpu.memory_space<vmem_shared>> -> memref<1x102400xf32, #tpu.memory_space<vmem_shared>>
      %dma_wait3A_277 = tpu.memref_squeeze %dma_wait3A_276 : memref<1x102400xf32, #tpu.memory_space<vmem_shared>> -> memref<102400xf32, #tpu.memory_space<vmem_shared>>
      %dma_wait3A_278 = tpu.memref_slice %dma_wait3A_277[%mul3A_199] : memref<102400xf32, #tpu.memory_space<vmem_shared>> -> memref<6400xf32, #tpu.memory_space<vmem_shared>>
      tpu.wait_dma2 semaphore(%run_scoped3A_270 : memref<!tpu.dma_semaphore, #tpu.memory_space<semaphore_mem>>) src(%dma_wait3A_278 : memref<6400xf32, #tpu.memory_space<vmem_shared>>) dst(%dma_wait3A : memref<6400xf32, #tpu.memory_space<hbm>>)
      tpu.yield
    }) : () -> ()
    %mul3A_210 = arith.constant 6400 : i32
    %mul3A_211 = arith.muli %arg1, %mul3A_210 : i32
    %mul3A_212 = arith.constant 7 : i32
    %mul3A_213 = arith.muli %arg0, %mul3A_212 : i32
    %add3A_214 = arith.constant 2 : i32
    %add3A_215 = arith.addi %mul3A_213, %add3A_214 : i32
    %mul3A_216 = arith.constant 102400 : i32
    %mul3A_217 = arith.muli %add3A_215, %mul3A_216 : i32
    %mul3A_218 = arith.constant 6400 : i32
    %mul3A_219 = arith.muli %arg1, %mul3A_218 : i32
    %add3A_220 = arith.addi %mul3A_217, %mul3A_219 : i32
    %run_scoped3A_221 = arith.constant 2 : i32
    "tpu.region"() ({
      %run_scoped3A_270 = tpu.sem_alloc : memref<!tpu.dma_semaphore, #tpu.memory_space<semaphore_mem>>
      %dma_start3A = tpu.memref_slice %arg3[%add3A_220] : memref<1433600xf32, #tpu.memory_space<hbm>> -> memref<6400xf32, #tpu.memory_space<hbm>>
      %dma_start3A_271 = arith.constant 0 : i32
      %dma_start3A_272 = tpu.memref_slice %arg7[%run_scoped3A_221, %dma_start3A_271] : memref<7x102400xf32, #tpu.memory_space<vmem_shared>> -> memref<1x102400xf32, #tpu.memory_space<vmem_shared>>
      %dma_start3A_273 = tpu.memref_squeeze %dma_start3A_272 : memref<1x102400xf32, #tpu.memory_space<vmem_shared>> -> memref<102400xf32, #tpu.memory_space<vmem_shared>>
      %dma_start3A_274 = tpu.memref_slice %dma_start3A_273[%mul3A_211] : memref<102400xf32, #tpu.memory_space<vmem_shared>> -> memref<6400xf32, #tpu.memory_space<vmem_shared>>
      tpu.enqueue_dma source(%dma_start3A_274 : memref<6400xf32, #tpu.memory_space<vmem_shared>>) target(%dma_start3A : memref<6400xf32, #tpu.memory_space<hbm>>) target_semaphore(%run_scoped3A_270 : memref<!tpu.dma_semaphore, #tpu.memory_space<semaphore_mem>>)
      %dma_wait3A = tpu.memref_slice %arg3[%add3A_220] : memref<1433600xf32, #tpu.memory_space<hbm>> -> memref<6400xf32, #tpu.memory_space<hbm>>
      %dma_wait3A_275 = arith.constant 0 : i32
      %dma_wait3A_276 = tpu.memref_slice %arg7[%run_scoped3A_221, %dma_wait3A_275] : memref<7x102400xf32, #tpu.memory_space<vmem_shared>> -> memref<1x102400xf32, #tpu.memory_space<vmem_shared>>
      %dma_wait3A_277 = tpu.memref_squeeze %dma_wait3A_276 : memref<1x102400xf32, #tpu.memory_space<vmem_shared>> -> memref<102400xf32, #tpu.memory_space<vmem_shared>>
      %dma_wait3A_278 = tpu.memref_slice %dma_wait3A_277[%mul3A_211] : memref<102400xf32, #tpu.memory_space<vmem_shared>> -> memref<6400xf32, #tpu.memory_space<vmem_shared>>
      tpu.wait_dma2 semaphore(%run_scoped3A_270 : memref<!tpu.dma_semaphore, #tpu.memory_space<semaphore_mem>>) src(%dma_wait3A_278 : memref<6400xf32, #tpu.memory_space<vmem_shared>>) dst(%dma_wait3A : memref<6400xf32, #tpu.memory_space<hbm>>)
      tpu.yield
    }) : () -> ()
    %mul3A_222 = arith.constant 6400 : i32
    %mul3A_223 = arith.muli %arg1, %mul3A_222 : i32
    %mul3A_224 = arith.constant 7 : i32
    %mul3A_225 = arith.muli %arg0, %mul3A_224 : i32
    %add3A_226 = arith.constant 3 : i32
    %add3A_227 = arith.addi %mul3A_225, %add3A_226 : i32
    %mul3A_228 = arith.constant 102400 : i32
    %mul3A_229 = arith.muli %add3A_227, %mul3A_228 : i32
    %mul3A_230 = arith.constant 6400 : i32
    %mul3A_231 = arith.muli %arg1, %mul3A_230 : i32
    %add3A_232 = arith.addi %mul3A_229, %mul3A_231 : i32
    %run_scoped3A_233 = arith.constant 3 : i32
    "tpu.region"() ({
      %run_scoped3A_270 = tpu.sem_alloc : memref<!tpu.dma_semaphore, #tpu.memory_space<semaphore_mem>>
      %dma_start3A = tpu.memref_slice %arg3[%add3A_232] : memref<1433600xf32, #tpu.memory_space<hbm>> -> memref<6400xf32, #tpu.memory_space<hbm>>
      %dma_start3A_271 = arith.constant 0 : i32
      %dma_start3A_272 = tpu.memref_slice %arg7[%run_scoped3A_233, %dma_start3A_271] : memref<7x102400xf32, #tpu.memory_space<vmem_shared>> -> memref<1x102400xf32, #tpu.memory_space<vmem_shared>>
      %dma_start3A_273 = tpu.memref_squeeze %dma_start3A_272 : memref<1x102400xf32, #tpu.memory_space<vmem_shared>> -> memref<102400xf32, #tpu.memory_space<vmem_shared>>
      %dma_start3A_274 = tpu.memref_slice %dma_start3A_273[%mul3A_223] : memref<102400xf32, #tpu.memory_space<vmem_shared>> -> memref<6400xf32, #tpu.memory_space<vmem_shared>>
      tpu.enqueue_dma source(%dma_start3A_274 : memref<6400xf32, #tpu.memory_space<vmem_shared>>) target(%dma_start3A : memref<6400xf32, #tpu.memory_space<hbm>>) target_semaphore(%run_scoped3A_270 : memref<!tpu.dma_semaphore, #tpu.memory_space<semaphore_mem>>)
      %dma_wait3A = tpu.memref_slice %arg3[%add3A_232] : memref<1433600xf32, #tpu.memory_space<hbm>> -> memref<6400xf32, #tpu.memory_space<hbm>>
      %dma_wait3A_275 = arith.constant 0 : i32
      %dma_wait3A_276 = tpu.memref_slice %arg7[%run_scoped3A_233, %dma_wait3A_275] : memref<7x102400xf32, #tpu.memory_space<vmem_shared>> -> memref<1x102400xf32, #tpu.memory_space<vmem_shared>>
      %dma_wait3A_277 = tpu.memref_squeeze %dma_wait3A_276 : memref<1x102400xf32, #tpu.memory_space<vmem_shared>> -> memref<102400xf32, #tpu.memory_space<vmem_shared>>
      %dma_wait3A_278 = tpu.memref_slice %dma_wait3A_277[%mul3A_223] : memref<102400xf32, #tpu.memory_space<vmem_shared>> -> memref<6400xf32, #tpu.memory_space<vmem_shared>>
      tpu.wait_dma2 semaphore(%run_scoped3A_270 : memref<!tpu.dma_semaphore, #tpu.memory_space<semaphore_mem>>) src(%dma_wait3A_278 : memref<6400xf32, #tpu.memory_space<vmem_shared>>) dst(%dma_wait3A : memref<6400xf32, #tpu.memory_space<hbm>>)
      tpu.yield
    }) : () -> ()
    %mul3A_234 = arith.constant 6400 : i32
    %mul3A_235 = arith.muli %arg1, %mul3A_234 : i32
    %mul3A_236 = arith.constant 7 : i32
    %mul3A_237 = arith.muli %arg0, %mul3A_236 : i32
    %add3A_238 = arith.constant 4 : i32
    %add3A_239 = arith.addi %mul3A_237, %add3A_238 : i32
    %mul3A_240 = arith.constant 102400 : i32
    %mul3A_241 = arith.muli %add3A_239, %mul3A_240 : i32
    %mul3A_242 = arith.constant 6400 : i32
    %mul3A_243 = arith.muli %arg1, %mul3A_242 : i32
    %add3A_244 = arith.addi %mul3A_241, %mul3A_243 : i32
    %run_scoped3A_245 = arith.constant 4 : i32
    "tpu.region"() ({
      %run_scoped3A_270 = tpu.sem_alloc : memref<!tpu.dma_semaphore, #tpu.memory_space<semaphore_mem>>
      %dma_start3A = tpu.memref_slice %arg3[%add3A_244] : memref<1433600xf32, #tpu.memory_space<hbm>> -> memref<6400xf32, #tpu.memory_space<hbm>>
      %dma_start3A_271 = arith.constant 0 : i32
      %dma_start3A_272 = tpu.memref_slice %arg7[%run_scoped3A_245, %dma_start3A_271] : memref<7x102400xf32, #tpu.memory_space<vmem_shared>> -> memref<1x102400xf32, #tpu.memory_space<vmem_shared>>
      %dma_start3A_273 = tpu.memref_squeeze %dma_start3A_272 : memref<1x102400xf32, #tpu.memory_space<vmem_shared>> -> memref<102400xf32, #tpu.memory_space<vmem_shared>>
      %dma_start3A_274 = tpu.memref_slice %dma_start3A_273[%mul3A_235] : memref<102400xf32, #tpu.memory_space<vmem_shared>> -> memref<6400xf32, #tpu.memory_space<vmem_shared>>
      tpu.enqueue_dma source(%dma_start3A_274 : memref<6400xf32, #tpu.memory_space<vmem_shared>>) target(%dma_start3A : memref<6400xf32, #tpu.memory_space<hbm>>) target_semaphore(%run_scoped3A_270 : memref<!tpu.dma_semaphore, #tpu.memory_space<semaphore_mem>>)
      %dma_wait3A = tpu.memref_slice %arg3[%add3A_244] : memref<1433600xf32, #tpu.memory_space<hbm>> -> memref<6400xf32, #tpu.memory_space<hbm>>
      %dma_wait3A_275 = arith.constant 0 : i32
      %dma_wait3A_276 = tpu.memref_slice %arg7[%run_scoped3A_245, %dma_wait3A_275] : memref<7x102400xf32, #tpu.memory_space<vmem_shared>> -> memref<1x102400xf32, #tpu.memory_space<vmem_shared>>
      %dma_wait3A_277 = tpu.memref_squeeze %dma_wait3A_276 : memref<1x102400xf32, #tpu.memory_space<vmem_shared>> -> memref<102400xf32, #tpu.memory_space<vmem_shared>>
      %dma_wait3A_278 = tpu.memref_slice %dma_wait3A_277[%mul3A_235] : memref<102400xf32, #tpu.memory_space<vmem_shared>> -> memref<6400xf32, #tpu.memory_space<vmem_shared>>
      tpu.wait_dma2 semaphore(%run_scoped3A_270 : memref<!tpu.dma_semaphore, #tpu.memory_space<semaphore_mem>>) src(%dma_wait3A_278 : memref<6400xf32, #tpu.memory_space<vmem_shared>>) dst(%dma_wait3A : memref<6400xf32, #tpu.memory_space<hbm>>)
      tpu.yield
    }) : () -> ()
    %mul3A_246 = arith.constant 6400 : i32
    %mul3A_247 = arith.muli %arg1, %mul3A_246 : i32
    %mul3A_248 = arith.constant 7 : i32
    %mul3A_249 = arith.muli %arg0, %mul3A_248 : i32
    %add3A_250 = arith.constant 5 : i32
    %add3A_251 = arith.addi %mul3A_249, %add3A_250 : i32
    %mul3A_252 = arith.constant 102400 : i32
    %mul3A_253 = arith.muli %add3A_251, %mul3A_252 : i32
    %mul3A_254 = arith.constant 6400 : i32
    %mul3A_255 = arith.muli %arg1, %mul3A_254 : i32
    %add3A_256 = arith.addi %mul3A_253, %mul3A_255 : i32
    %run_scoped3A_257 = arith.constant 5 : i32
    "tpu.region"() ({
      %run_scoped3A_270 = tpu.sem_alloc : memref<!tpu.dma_semaphore, #tpu.memory_space<semaphore_mem>>
      %dma_start3A = tpu.memref_slice %arg3[%add3A_256] : memref<1433600xf32, #tpu.memory_space<hbm>> -> memref<6400xf32, #tpu.memory_space<hbm>>
      %dma_start3A_271 = arith.constant 0 : i32
      %dma_start3A_272 = tpu.memref_slice %arg7[%run_scoped3A_257, %dma_start3A_271] : memref<7x102400xf32, #tpu.memory_space<vmem_shared>> -> memref<1x102400xf32, #tpu.memory_space<vmem_shared>>
      %dma_start3A_273 = tpu.memref_squeeze %dma_start3A_272 : memref<1x102400xf32, #tpu.memory_space<vmem_shared>> -> memref<102400xf32, #tpu.memory_space<vmem_shared>>
      %dma_start3A_274 = tpu.memref_slice %dma_start3A_273[%mul3A_247] : memref<102400xf32, #tpu.memory_space<vmem_shared>> -> memref<6400xf32, #tpu.memory_space<vmem_shared>>
      tpu.enqueue_dma source(%dma_start3A_274 : memref<6400xf32, #tpu.memory_space<vmem_shared>>) target(%dma_start3A : memref<6400xf32, #tpu.memory_space<hbm>>) target_semaphore(%run_scoped3A_270 : memref<!tpu.dma_semaphore, #tpu.memory_space<semaphore_mem>>)
      %dma_wait3A = tpu.memref_slice %arg3[%add3A_256] : memref<1433600xf32, #tpu.memory_space<hbm>> -> memref<6400xf32, #tpu.memory_space<hbm>>
      %dma_wait3A_275 = arith.constant 0 : i32
      %dma_wait3A_276 = tpu.memref_slice %arg7[%run_scoped3A_257, %dma_wait3A_275] : memref<7x102400xf32, #tpu.memory_space<vmem_shared>> -> memref<1x102400xf32, #tpu.memory_space<vmem_shared>>
      %dma_wait3A_277 = tpu.memref_squeeze %dma_wait3A_276 : memref<1x102400xf32, #tpu.memory_space<vmem_shared>> -> memref<102400xf32, #tpu.memory_space<vmem_shared>>
      %dma_wait3A_278 = tpu.memref_slice %dma_wait3A_277[%mul3A_247] : memref<102400xf32, #tpu.memory_space<vmem_shared>> -> memref<6400xf32, #tpu.memory_space<vmem_shared>>
      tpu.wait_dma2 semaphore(%run_scoped3A_270 : memref<!tpu.dma_semaphore, #tpu.memory_space<semaphore_mem>>) src(%dma_wait3A_278 : memref<6400xf32, #tpu.memory_space<vmem_shared>>) dst(%dma_wait3A : memref<6400xf32, #tpu.memory_space<hbm>>)
      tpu.yield
    }) : () -> ()
    %mul3A_258 = arith.constant 6400 : i32
    %mul3A_259 = arith.muli %arg1, %mul3A_258 : i32
    %mul3A_260 = arith.constant 7 : i32
    %mul3A_261 = arith.muli %arg0, %mul3A_260 : i32
    %add3A_262 = arith.constant 6 : i32
    %add3A_263 = arith.addi %mul3A_261, %add3A_262 : i32
    %mul3A_264 = arith.constant 102400 : i32
    %mul3A_265 = arith.muli %add3A_263, %mul3A_264 : i32
    %mul3A_266 = arith.constant 6400 : i32
    %mul3A_267 = arith.muli %arg1, %mul3A_266 : i32
    %add3A_268 = arith.addi %mul3A_265, %mul3A_267 : i32
    %run_scoped3A_269 = arith.constant 6 : i32
    "tpu.region"() ({
      %run_scoped3A_270 = tpu.sem_alloc : memref<!tpu.dma_semaphore, #tpu.memory_space<semaphore_mem>>
      %dma_start3A = tpu.memref_slice %arg3[%add3A_268] : memref<1433600xf32, #tpu.memory_space<hbm>> -> memref<6400xf32, #tpu.memory_space<hbm>>
      %dma_start3A_271 = arith.constant 0 : i32
      %dma_start3A_272 = tpu.memref_slice %arg7[%run_scoped3A_269, %dma_start3A_271] : memref<7x102400xf32, #tpu.memory_space<vmem_shared>> -> memref<1x102400xf32, #tpu.memory_space<vmem_shared>>
      %dma_start3A_273 = tpu.memref_squeeze %dma_start3A_272 : memref<1x102400xf32, #tpu.memory_space<vmem_shared>> -> memref<102400xf32, #tpu.memory_space<vmem_shared>>
      %dma_start3A_274 = tpu.memref_slice %dma_start3A_273[%mul3A_259] : memref<102400xf32, #tpu.memory_space<vmem_shared>> -> memref<6400xf32, #tpu.memory_space<vmem_shared>>
      tpu.enqueue_dma source(%dma_start3A_274 : memref<6400xf32, #tpu.memory_space<vmem_shared>>) target(%dma_start3A : memref<6400xf32, #tpu.memory_space<hbm>>) target_semaphore(%run_scoped3A_270 : memref<!tpu.dma_semaphore, #tpu.memory_space<semaphore_mem>>)
      %dma_wait3A = tpu.memref_slice %arg3[%add3A_268] : memref<1433600xf32, #tpu.memory_space<hbm>> -> memref<6400xf32, #tpu.memory_space<hbm>>
      %dma_wait3A_275 = arith.constant 0 : i32
      %dma_wait3A_276 = tpu.memref_slice %arg7[%run_scoped3A_269, %dma_wait3A_275] : memref<7x102400xf32, #tpu.memory_space<vmem_shared>> -> memref<1x102400xf32, #tpu.memory_space<vmem_shared>>
      %dma_wait3A_277 = tpu.memref_squeeze %dma_wait3A_276 : memref<1x102400xf32, #tpu.memory_space<vmem_shared>> -> memref<102400xf32, #tpu.memory_space<vmem_shared>>
      %dma_wait3A_278 = tpu.memref_slice %dma_wait3A_277[%mul3A_259] : memref<102400xf32, #tpu.memory_space<vmem_shared>> -> memref<6400xf32, #tpu.memory_space<vmem_shared>>
      tpu.wait_dma2 semaphore(%run_scoped3A_270 : memref<!tpu.dma_semaphore, #tpu.memory_space<semaphore_mem>>) src(%dma_wait3A_278 : memref<6400xf32, #tpu.memory_space<vmem_shared>>) dst(%dma_wait3A : memref<6400xf32, #tpu.memory_space<hbm>>)
      tpu.yield
    }) : () -> ()
    return
  }
}

module attributes {stable_mosaic.version = 14 : i64} {
  func.func @_bot_body(%arg0: memref<4096x13xf32, #tpu.memory_space<vmem>>, %arg1: memref<13x512xf32, #tpu.memory_space<vmem>>, %arg2: memref<1x512xf32, #tpu.memory_space<vmem>>, %arg3: memref<512x256xf32, #tpu.memory_space<vmem>>, %arg4: memref<1x256xf32, #tpu.memory_space<vmem>>, %arg5: memref<256x64xf32, #tpu.memory_space<vmem>>, %arg6: memref<1x64xf32, #tpu.memory_space<vmem>>, %arg7: memref<4096x64xf32, #tpu.memory_space<vmem>>) attributes {dimension_semantics = [], scalar_prefetch = 0 : i64, scratch_operands = 0 : i64, tpu.core_type = #tpu.core_type<tc>} {
    %get3A = arith.constant 0 : index
    %get3A_0 = arith.constant 0 : index
    %get3A_1 = vector.load %arg0[%get3A, %get3A_0] : memref<4096x13xf32, #tpu.memory_space<vmem>>, vector<4096x13xf32>
    %get3A_2 = arith.constant 0 : index
    %get3A_3 = arith.constant 0 : index
    %get3A_4 = vector.load %arg1[%get3A_2, %get3A_3] : memref<13x512xf32, #tpu.memory_space<vmem>>, vector<13x512xf32>
    %dot_general3A = arith.constant dense<0.000000e+00> : vector<4096x512xf32>
    %dot_general3A_5 = tpu.matmul %get3A_1, %get3A_4, %dot_general3A {dimension_numbers = #tpu.dot_dimension_numbers<[1], [0], [0], [1], [0, 0, 1, 1], [], []>, transpose_lhs_hint = false} : vector<4096x13xf32>, vector<13x512xf32>, vector<4096x512xf32> -> vector<4096x512xf32>
    %get3A_6 = arith.constant 0 : index
    %get3A_7 = arith.constant 0 : index
    %get3A_8 = vector.load %arg2[%get3A_6, %get3A_7] : memref<1x512xf32, #tpu.memory_space<vmem>>, vector<1x512xf32>
    %add3A = vector.broadcast %get3A_8 : vector<1x512xf32> to vector<4096x512xf32>
    %add3A_9 = arith.addf %dot_general3A_5, %add3A : vector<4096x512xf32>
    %max3A = arith.constant 0.000000e+00 : f32
    %max3A_10 = vector.broadcast %max3A : f32 to vector<4096x512xf32>
    %max3A_11 = arith.maximumf %add3A_9, %max3A_10 : vector<4096x512xf32>
    %get3A_12 = arith.constant 0 : index
    %get3A_13 = arith.constant 0 : index
    %get3A_14 = vector.load %arg3[%get3A_12, %get3A_13] : memref<512x256xf32, #tpu.memory_space<vmem>>, vector<512x256xf32>
    %dot_general3A_15 = arith.constant dense<0.000000e+00> : vector<4096x256xf32>
    %dot_general3A_16 = tpu.matmul %max3A_11, %get3A_14, %dot_general3A_15 {dimension_numbers = #tpu.dot_dimension_numbers<[1], [0], [0], [1], [0, 0, 1, 1], [], []>, transpose_lhs_hint = false} : vector<4096x512xf32>, vector<512x256xf32>, vector<4096x256xf32> -> vector<4096x256xf32>
    %get3A_17 = arith.constant 0 : index
    %get3A_18 = arith.constant 0 : index
    %get3A_19 = vector.load %arg4[%get3A_17, %get3A_18] : memref<1x256xf32, #tpu.memory_space<vmem>>, vector<1x256xf32>
    %add3A_20 = vector.broadcast %get3A_19 : vector<1x256xf32> to vector<4096x256xf32>
    %add3A_21 = arith.addf %dot_general3A_16, %add3A_20 : vector<4096x256xf32>
    %max3A_22 = arith.constant 0.000000e+00 : f32
    %max3A_23 = vector.broadcast %max3A_22 : f32 to vector<4096x256xf32>
    %max3A_24 = arith.maximumf %add3A_21, %max3A_23 : vector<4096x256xf32>
    %get3A_25 = arith.constant 0 : index
    %get3A_26 = arith.constant 0 : index
    %get3A_27 = vector.load %arg5[%get3A_25, %get3A_26] : memref<256x64xf32, #tpu.memory_space<vmem>>, vector<256x64xf32>
    %dot_general3A_28 = arith.constant dense<0.000000e+00> : vector<4096x64xf32>
    %dot_general3A_29 = tpu.matmul %max3A_24, %get3A_27, %dot_general3A_28 {dimension_numbers = #tpu.dot_dimension_numbers<[1], [0], [0], [1], [0, 0, 1, 1], [], []>, transpose_lhs_hint = false} : vector<4096x256xf32>, vector<256x64xf32>, vector<4096x64xf32> -> vector<4096x64xf32>
    %get3A_30 = arith.constant 0 : index
    %get3A_31 = arith.constant 0 : index
    %get3A_32 = vector.load %arg6[%get3A_30, %get3A_31] : memref<1x64xf32, #tpu.memory_space<vmem>>, vector<1x64xf32>
    %add3A_33 = vector.broadcast %get3A_32 : vector<1x64xf32> to vector<4096x64xf32>
    %add3A_34 = arith.addf %dot_general3A_29, %add3A_33 : vector<4096x64xf32>
    %max3A_35 = arith.constant 0.000000e+00 : f32
    %max3A_36 = vector.broadcast %max3A_35 : f32 to vector<4096x64xf32>
    %max3A_37 = arith.maximumf %add3A_34, %max3A_36 : vector<4096x64xf32>
    %swap3A = arith.constant 0 : index
    %swap3A_38 = arith.constant 0 : index
    %swap3A_39 = vector.load %arg7[%swap3A, %swap3A_38] : memref<4096x64xf32, #tpu.memory_space<vmem>>, vector<4096x64xf32>
    tpu.vector_store %arg7[%swap3A, %swap3A_38], %max3A_37 {strides = array<i32>} : memref<4096x64xf32, #tpu.memory_space<vmem>>, vector<4096x64xf32>,
    return
  }
}

module attributes {stable_mosaic.version = 14 : i64} {
  func.func @_sums_body(%arg0: i32, %arg1: i32, %arg2: memref<51200xf32, #tpu.memory_space<vmem>>, %arg3: memref<1x64x51200xf32, #tpu.memory_space<vmem>>, %arg4: memref<1x1x64xf32, #tpu.memory_space<vmem>>) attributes {dimension_semantics = [#tpu.dimension_semantics<arbitrary>, #tpu.dimension_semantics<arbitrary>], iteration_bounds = array<i64: 14, 2>, scalar_prefetch = 0 : i64, scratch_operands = 0 : i64, tpu.core_type = #tpu.core_type<tc>, window_params = [{transform_indices = @transform_0, window_bounds = array<i64: 51200>}, {transform_indices = @transform_1, window_bounds = array<i64: 1, 64, 51200>}, {transform_indices = @transform_2, window_bounds = array<i64: 1, 1, 64>}]} {
    %lt3A = arith.constant 1 : i32
    %lt3A_0 = arith.cmpi slt, %arg1, %lt3A : i32
    %convert_element_type3A = arith.extui %lt3A_0 : i1 to i32
    %cond3A = arith.constant 0 : i32
    %cond3A_1 = arith.cmpi ne, %convert_element_type3A, %cond3A : i32
    scf.if %cond3A_1 {
      %get3A = arith.constant 0 : index
      %get3A_6 = arith.constant 0 : index
      %get3A_7 = arith.constant 0 : index
      %get3A_8 = vector.load %arg3[%get3A, %get3A_6, %get3A_7] : memref<1x64x51200xf32, #tpu.memory_space<vmem>>, vector<1x64x51200xf32>
      %get3A_9 = vector.shape_cast %get3A_8 : vector<1x64x51200xf32> to vector<64x51200xf32>
      %get3A_10 = arith.constant 0 : index
      %get3A_11 = vector.load %arg2[%get3A_10] : memref<51200xf32, #tpu.memory_space<vmem>>, vector<51200xf32>
      %reshape3A = vector.shape_cast %get3A_11 : vector<51200xf32> to vector<1x51200xf32>
      %dot_general3A = arith.constant dense<0.000000e+00> : vector<1x64xf32>
      %dot_general3A_12 = tpu.matmul %reshape3A, %get3A_9, %dot_general3A {dimension_numbers = #tpu.dot_dimension_numbers<[1], [1], [0], [0], [0, 0, 1, 0], [], []>, transpose_lhs_hint = false} : vector<1x51200xf32>, vector<64x51200xf32>, vector<1x64xf32> -> vector<1x64xf32>
      %reshape3A_13 = vector.shape_cast %dot_general3A_12 : vector<1x64xf32> to vector<1x1x64xf32>
      %eq3A_14 = arith.constant 0 : i32
      %eq3A_15 = arith.cmpi eq, %arg1, %eq3A_14 : i32
      %convert_element_type3A_16 = arith.extui %eq3A_15 : i1 to i32
      %cond3A_17 = arith.constant 0 : i32
      %cond3A_18 = arith.cmpi ne, %convert_element_type3A_16, %cond3A_17 : i32
      scf.if %cond3A_18 {
        %swap3A = arith.constant 0 : index
        %swap3A_23 = arith.constant 0 : index
        %swap3A_24 = arith.constant 0 : index
        %swap3A_25 = vector.load %arg4[%swap3A, %swap3A_23, %swap3A_24] : memref<1x1x64xf32, #tpu.memory_space<vmem>>, vector<1x1x64xf32>
        tpu.vector_store %arg4[%swap3A, %swap3A_23, %swap3A_24], %reshape3A_13 {strides = array<i32>} : memref<1x1x64xf32, #tpu.memory_space<vmem>>, vector<1x1x64xf32>,
      } else {
      }
      %gt3A = arith.constant 0 : i32
      %gt3A_19 = arith.cmpi sgt, %arg1, %gt3A : i32
      %convert_element_type3A_20 = arith.extui %gt3A_19 : i1 to i32
      %cond3A_21 = arith.constant 0 : i32
      %cond3A_22 = arith.cmpi ne, %convert_element_type3A_20, %cond3A_21 : i32
      scf.if %cond3A_22 {
        %get3A_23 = arith.constant 0 : index
        %get3A_24 = arith.constant 0 : index
        %get3A_25 = arith.constant 0 : index
        %get3A_26 = vector.load %arg4[%get3A_23, %get3A_24, %get3A_25] : memref<1x1x64xf32, #tpu.memory_space<vmem>>, vector<1x1x64xf32>
        %add3A = arith.addf %get3A_26, %reshape3A_13 : vector<1x1x64xf32>
        %swap3A = arith.constant 0 : index
        %swap3A_27 = arith.constant 0 : index
        %swap3A_28 = arith.constant 0 : index
        %swap3A_29 = vector.load %arg4[%swap3A, %swap3A_27, %swap3A_28] : memref<1x1x64xf32, #tpu.memory_space<vmem>>, vector<1x1x64xf32>
        tpu.vector_store %arg4[%swap3A, %swap3A_27, %swap3A_28], %add3A {strides = array<i32>} : memref<1x1x64xf32, #tpu.memory_space<vmem>>, vector<1x1x64xf32>,
      } else {
      }
    } else {
    }
    %eq3A = arith.constant 1 : i32
    %eq3A_2 = arith.cmpi eq, %arg1, %eq3A : i32
    %convert_element_type3A_3 = arith.extui %eq3A_2 : i1 to i32
    %cond3A_4 = arith.constant 0 : i32
    %cond3A_5 = arith.cmpi ne, %convert_element_type3A_3, %cond3A_4 : i32
    scf.if %cond3A_5 {
      %iota3A = tpu.iota {dimensions = array<i32: 1>} : vector<64x51200xi32>
      %lt3A_6 = arith.constant 48801 : i32
      %lt3A_7 = vector.broadcast %lt3A_6 : i32 to vector<64x51200xi32>
      %lt3A_8 = arith.cmpi slt, %iota3A, %lt3A_7 : vector<64x51200xi32>
      %get3A = arith.constant 0 : index
      %get3A_9 = arith.constant 0 : index
      %get3A_10 = arith.constant 0 : index
      %get3A_11 = vector.load %arg3[%get3A, %get3A_9, %get3A_10] : memref<1x64x51200xf32, #tpu.memory_space<vmem>>, vector<1x64x51200xf32>
      %get3A_12 = vector.shape_cast %get3A_11 : vector<1x64x51200xf32> to vector<64x51200xf32>
      %jit3A = arith.constant 0.000000e+00 : f32
      %broadcast_in_dim3A = vector.broadcast %jit3A : f32 to vector<64x51200xf32>
      %select_n3A = arith.select %lt3A_8, %get3A_12, %broadcast_in_dim3A : vector<64x51200xi1>, vector<64x51200xf32>
      %get3A_13 = arith.constant 0 : index
      %get3A_14 = vector.load %arg2[%get3A_13] : memref<51200xf32, #tpu.memory_space<vmem>>, vector<51200xf32>
      %reshape3A = vector.shape_cast %get3A_14 : vector<51200xf32> to vector<1x51200xf32>
      %dot_general3A = arith.constant dense<0.000000e+00> : vector<1x64xf32>
      %dot_general3A_15 = tpu.matmul %reshape3A, %select_n3A, %dot_general3A {dimension_numbers = #tpu.dot_dimension_numbers<[1], [1], [0], [0], [0, 0, 1, 0], [], []>, transpose_lhs_hint = false} : vector<1x51200xf32>, vector<64x51200xf32>, vector<1x64xf32> -> vector<1x64xf32>
      %reshape3A_16 = vector.shape_cast %dot_general3A_15 : vector<1x64xf32> to vector<1x1x64xf32>
      %eq3A_17 = arith.constant 0 : i32
      %eq3A_18 = arith.cmpi eq, %arg1, %eq3A_17 : i32
      %convert_element_type3A_19 = arith.extui %eq3A_18 : i1 to i32
      %cond3A_20 = arith.constant 0 : i32
      %cond3A_21 = arith.cmpi ne, %convert_element_type3A_19, %cond3A_20 : i32
      scf.if %cond3A_21 {
        %swap3A = arith.constant 0 : index
        %swap3A_26 = arith.constant 0 : index
        %swap3A_27 = arith.constant 0 : index
        %swap3A_28 = vector.load %arg4[%swap3A, %swap3A_26, %swap3A_27] : memref<1x1x64xf32, #tpu.memory_space<vmem>>, vector<1x1x64xf32>
        tpu.vector_store %arg4[%swap3A, %swap3A_26, %swap3A_27], %reshape3A_16 {strides = array<i32>} : memref<1x1x64xf32, #tpu.memory_space<vmem>>, vector<1x1x64xf32>,
      } else {
      }
      %gt3A = arith.constant 0 : i32
      %gt3A_22 = arith.cmpi sgt, %arg1, %gt3A : i32
      %convert_element_type3A_23 = arith.extui %gt3A_22 : i1 to i32
      %cond3A_24 = arith.constant 0 : i32
      %cond3A_25 = arith.cmpi ne, %convert_element_type3A_23, %cond3A_24 : i32
      scf.if %cond3A_25 {
        %get3A_26 = arith.constant 0 : index
        %get3A_27 = arith.constant 0 : index
        %get3A_28 = arith.constant 0 : index
        %get3A_29 = vector.load %arg4[%get3A_26, %get3A_27, %get3A_28] : memref<1x1x64xf32, #tpu.memory_space<vmem>>, vector<1x1x64xf32>
        %add3A = arith.addf %get3A_29, %reshape3A_16 : vector<1x1x64xf32>
        %swap3A = arith.constant 0 : index
        %swap3A_30 = arith.constant 0 : index
        %swap3A_31 = arith.constant 0 : index
        %swap3A_32 = vector.load %arg4[%swap3A, %swap3A_30, %swap3A_31] : memref<1x1x64xf32, #tpu.memory_space<vmem>>, vector<1x1x64xf32>
        tpu.vector_store %arg4[%swap3A, %swap3A_30, %swap3A_31], %add3A {strides = array<i32>} : memref<1x1x64xf32, #tpu.memory_space<vmem>>, vector<1x1x64xf32>,
      } else {
      }
    } else {
    }
    return
  }
  func.func @transform_0(%arg0: i32, %arg1: i32) -> i32 {
    %mul3A = arith.constant 2 : i32
    %mul3A_0 = arith.muli %arg0, %mul3A : i32
    %add3A = arith.addi %mul3A_0, %arg1 : i32
    %c0_i32 = arith.constant 0 : i32
    return %add3A : i32
  }
  func.func @transform_1(%arg0: i32, %arg1: i32) -> (i32, i32, i32) {
    %add3A = arith.constant 0 : i32
    %add3A_0 = arith.addi %add3A, %arg0 : i32
    %c0_i32 = arith.constant 0 : i32
    %c0_i32_1 = arith.constant 0 : i32
    return %add3A_0, %c0_i32, %arg1 : i32, i32, i32
  }
  func.func @transform_2(%arg0: i32, %arg1: i32) -> (i32, i32, i32) {
    %c0_i32 = arith.constant 0 : i32
    %c0_i32_0 = arith.constant 0 : i32
    %c0_i32_1 = arith.constant 0 : i32
    return %arg0, %c0_i32, %c0_i32_0 : i32, i32, i32
  }
}

module attributes {stable_mosaic.version = 14 : i64} {
  func.func @_sums_body(%arg0: i32, %arg1: i32, %arg2: memref<51200xf32, #tpu.memory_space<vmem>>, %arg3: memref<1x64x51200xf32, #tpu.memory_space<vmem>>, %arg4: memref<1x1x64xf32, #tpu.memory_space<vmem>>) attributes {dimension_semantics = [#tpu.dimension_semantics<arbitrary>, #tpu.dimension_semantics<arbitrary>], iteration_bounds = array<i64: 12, 2>, scalar_prefetch = 0 : i64, scratch_operands = 0 : i64, tpu.core_type = #tpu.core_type<tc>, window_params = [{transform_indices = @transform_0, window_bounds = array<i64: 51200>}, {transform_indices = @transform_1, window_bounds = array<i64: 1, 64, 51200>}, {transform_indices = @transform_2, window_bounds = array<i64: 1, 1, 64>}]} {
    %lt3A = arith.constant 1 : i32
    %lt3A_0 = arith.cmpi slt, %arg1, %lt3A : i32
    %convert_element_type3A = arith.extui %lt3A_0 : i1 to i32
    %cond3A = arith.constant 0 : i32
    %cond3A_1 = arith.cmpi ne, %convert_element_type3A, %cond3A : i32
    scf.if %cond3A_1 {
      %get3A = arith.constant 0 : index
      %get3A_6 = arith.constant 0 : index
      %get3A_7 = arith.constant 0 : index
      %get3A_8 = vector.load %arg3[%get3A, %get3A_6, %get3A_7] : memref<1x64x51200xf32, #tpu.memory_space<vmem>>, vector<1x64x51200xf32>
      %get3A_9 = vector.shape_cast %get3A_8 : vector<1x64x51200xf32> to vector<64x51200xf32>
      %get3A_10 = arith.constant 0 : index
      %get3A_11 = vector.load %arg2[%get3A_10] : memref<51200xf32, #tpu.memory_space<vmem>>, vector<51200xf32>
      %reshape3A = vector.shape_cast %get3A_11 : vector<51200xf32> to vector<1x51200xf32>
      %dot_general3A = arith.constant dense<0.000000e+00> : vector<1x64xf32>
      %dot_general3A_12 = tpu.matmul %reshape3A, %get3A_9, %dot_general3A {dimension_numbers = #tpu.dot_dimension_numbers<[1], [1], [0], [0], [0, 0, 1, 0], [], []>, transpose_lhs_hint = false} : vector<1x51200xf32>, vector<64x51200xf32>, vector<1x64xf32> -> vector<1x64xf32>
      %reshape3A_13 = vector.shape_cast %dot_general3A_12 : vector<1x64xf32> to vector<1x1x64xf32>
      %eq3A_14 = arith.constant 0 : i32
      %eq3A_15 = arith.cmpi eq, %arg1, %eq3A_14 : i32
      %convert_element_type3A_16 = arith.extui %eq3A_15 : i1 to i32
      %cond3A_17 = arith.constant 0 : i32
      %cond3A_18 = arith.cmpi ne, %convert_element_type3A_16, %cond3A_17 : i32
      scf.if %cond3A_18 {
        %swap3A = arith.constant 0 : index
        %swap3A_23 = arith.constant 0 : index
        %swap3A_24 = arith.constant 0 : index
        %swap3A_25 = vector.load %arg4[%swap3A, %swap3A_23, %swap3A_24] : memref<1x1x64xf32, #tpu.memory_space<vmem>>, vector<1x1x64xf32>
        tpu.vector_store %arg4[%swap3A, %swap3A_23, %swap3A_24], %reshape3A_13 {strides = array<i32>} : memref<1x1x64xf32, #tpu.memory_space<vmem>>, vector<1x1x64xf32>,
      } else {
      }
      %gt3A = arith.constant 0 : i32
      %gt3A_19 = arith.cmpi sgt, %arg1, %gt3A : i32
      %convert_element_type3A_20 = arith.extui %gt3A_19 : i1 to i32
      %cond3A_21 = arith.constant 0 : i32
      %cond3A_22 = arith.cmpi ne, %convert_element_type3A_20, %cond3A_21 : i32
      scf.if %cond3A_22 {
        %get3A_23 = arith.constant 0 : index
        %get3A_24 = arith.constant 0 : index
        %get3A_25 = arith.constant 0 : index
        %get3A_26 = vector.load %arg4[%get3A_23, %get3A_24, %get3A_25] : memref<1x1x64xf32, #tpu.memory_space<vmem>>, vector<1x1x64xf32>
        %add3A = arith.addf %get3A_26, %reshape3A_13 : vector<1x1x64xf32>
        %swap3A = arith.constant 0 : index
        %swap3A_27 = arith.constant 0 : index
        %swap3A_28 = arith.constant 0 : index
        %swap3A_29 = vector.load %arg4[%swap3A, %swap3A_27, %swap3A_28] : memref<1x1x64xf32, #tpu.memory_space<vmem>>, vector<1x1x64xf32>
        tpu.vector_store %arg4[%swap3A, %swap3A_27, %swap3A_28], %add3A {strides = array<i32>} : memref<1x1x64xf32, #tpu.memory_space<vmem>>, vector<1x1x64xf32>,
      } else {
      }
    } else {
    }
    %eq3A = arith.constant 1 : i32
    %eq3A_2 = arith.cmpi eq, %arg1, %eq3A : i32
    %convert_element_type3A_3 = arith.extui %eq3A_2 : i1 to i32
    %cond3A_4 = arith.constant 0 : i32
    %cond3A_5 = arith.cmpi ne, %convert_element_type3A_3, %cond3A_4 : i32
    scf.if %cond3A_5 {
      %iota3A = tpu.iota {dimensions = array<i32: 1>} : vector<64x51200xi32>
      %lt3A_6 = arith.constant 48801 : i32
      %lt3A_7 = vector.broadcast %lt3A_6 : i32 to vector<64x51200xi32>
      %lt3A_8 = arith.cmpi slt, %iota3A, %lt3A_7 : vector<64x51200xi32>
      %get3A = arith.constant 0 : index
      %get3A_9 = arith.constant 0 : index
      %get3A_10 = arith.constant 0 : index
      %get3A_11 = vector.load %arg3[%get3A, %get3A_9, %get3A_10] : memref<1x64x51200xf32, #tpu.memory_space<vmem>>, vector<1x64x51200xf32>
      %get3A_12 = vector.shape_cast %get3A_11 : vector<1x64x51200xf32> to vector<64x51200xf32>
      %jit3A = arith.constant 0.000000e+00 : f32
      %broadcast_in_dim3A = vector.broadcast %jit3A : f32 to vector<64x51200xf32>
      %select_n3A = arith.select %lt3A_8, %get3A_12, %broadcast_in_dim3A : vector<64x51200xi1>, vector<64x51200xf32>
      %get3A_13 = arith.constant 0 : index
      %get3A_14 = vector.load %arg2[%get3A_13] : memref<51200xf32, #tpu.memory_space<vmem>>, vector<51200xf32>
      %reshape3A = vector.shape_cast %get3A_14 : vector<51200xf32> to vector<1x51200xf32>
      %dot_general3A = arith.constant dense<0.000000e+00> : vector<1x64xf32>
      %dot_general3A_15 = tpu.matmul %reshape3A, %select_n3A, %dot_general3A {dimension_numbers = #tpu.dot_dimension_numbers<[1], [1], [0], [0], [0, 0, 1, 0], [], []>, transpose_lhs_hint = false} : vector<1x51200xf32>, vector<64x51200xf32>, vector<1x64xf32> -> vector<1x64xf32>
      %reshape3A_16 = vector.shape_cast %dot_general3A_15 : vector<1x64xf32> to vector<1x1x64xf32>
      %eq3A_17 = arith.constant 0 : i32
      %eq3A_18 = arith.cmpi eq, %arg1, %eq3A_17 : i32
      %convert_element_type3A_19 = arith.extui %eq3A_18 : i1 to i32
      %cond3A_20 = arith.constant 0 : i32
      %cond3A_21 = arith.cmpi ne, %convert_element_type3A_19, %cond3A_20 : i32
      scf.if %cond3A_21 {
        %swap3A = arith.constant 0 : index
        %swap3A_26 = arith.constant 0 : index
        %swap3A_27 = arith.constant 0 : index
        %swap3A_28 = vector.load %arg4[%swap3A, %swap3A_26, %swap3A_27] : memref<1x1x64xf32, #tpu.memory_space<vmem>>, vector<1x1x64xf32>
        tpu.vector_store %arg4[%swap3A, %swap3A_26, %swap3A_27], %reshape3A_16 {strides = array<i32>} : memref<1x1x64xf32, #tpu.memory_space<vmem>>, vector<1x1x64xf32>,
      } else {
      }
      %gt3A = arith.constant 0 : i32
      %gt3A_22 = arith.cmpi sgt, %arg1, %gt3A : i32
      %convert_element_type3A_23 = arith.extui %gt3A_22 : i1 to i32
      %cond3A_24 = arith.constant 0 : i32
      %cond3A_25 = arith.cmpi ne, %convert_element_type3A_23, %cond3A_24 : i32
      scf.if %cond3A_25 {
        %get3A_26 = arith.constant 0 : index
        %get3A_27 = arith.constant 0 : index
        %get3A_28 = arith.constant 0 : index
        %get3A_29 = vector.load %arg4[%get3A_26, %get3A_27, %get3A_28] : memref<1x1x64xf32, #tpu.memory_space<vmem>>, vector<1x1x64xf32>
        %add3A = arith.addf %get3A_29, %reshape3A_16 : vector<1x1x64xf32>
        %swap3A = arith.constant 0 : index
        %swap3A_30 = arith.constant 0 : index
        %swap3A_31 = arith.constant 0 : index
        %swap3A_32 = vector.load %arg4[%swap3A, %swap3A_30, %swap3A_31] : memref<1x1x64xf32, #tpu.memory_space<vmem>>, vector<1x1x64xf32>
        tpu.vector_store %arg4[%swap3A, %swap3A_30, %swap3A_31], %add3A {strides = array<i32>} : memref<1x1x64xf32, #tpu.memory_space<vmem>>, vector<1x1x64xf32>,
      } else {
      }
    } else {
    }
    return
  }
  func.func @transform_0(%arg0: i32, %arg1: i32) -> i32 {
    %mul3A = arith.constant 2 : i32
    %mul3A_0 = arith.muli %arg0, %mul3A : i32
    %add3A = arith.addi %mul3A_0, %arg1 : i32
    %c0_i32 = arith.constant 0 : i32
    return %add3A : i32
  }
  func.func @transform_1(%arg0: i32, %arg1: i32) -> (i32, i32, i32) {
    %add3A = arith.constant 14 : i32
    %add3A_0 = arith.addi %add3A, %arg0 : i32
    %c0_i32 = arith.constant 0 : i32
    %c0_i32_1 = arith.constant 0 : i32
    return %add3A_0, %c0_i32, %arg1 : i32, i32, i32
  }
  func.func @transform_2(%arg0: i32, %arg1: i32) -> (i32, i32, i32) {
    %c0_i32 = arith.constant 0 : i32
    %c0_i32_0 = arith.constant 0 : i32
    %c0_i32_1 = arith.constant 0 : i32
    return %arg0, %c0_i32, %c0_i32_0 : i32, i32, i32
  }
}

module attributes {stable_mosaic.version = 14 : i64} {
  func.func @_tc_body(%arg0: memref<4096x64xf32, #tpu.memory_space<vmem>>, %arg1: memref<64x512xf32, #tpu.memory_space<vmem>>, %arg2: memref<352x512xf32, #tpu.memory_space<vmem>>, %arg3: memref<1x512xf32, #tpu.memory_space<vmem>>, %arg4: memref<512x256xf32, #tpu.memory_space<vmem>>, %arg5: memref<1x256xf32, #tpu.memory_space<vmem>>, %arg6: memref<256x1xf32, #tpu.memory_space<vmem>>, %arg7: memref<1x1xf32, #tpu.memory_space<vmem>>, %arg8: memref<352x27xf32, #tpu.memory_space<vmem>>, %arg9: memref<352x27xf32, #tpu.memory_space<vmem>>, %arg10: memref<14x64xf32, #tpu.memory_space<vmem>>, %arg11: memref<12x64xf32, #tpu.memory_space<vmem>>, %arg12: memref<4096x1xf32, #tpu.memory_space<vmem>>) attributes {dimension_semantics = [], scalar_prefetch = 0 : i64, scratch_operands = 0 : i64, tpu.core_type = #tpu.core_type<tc>} {
    %get3A = arith.constant 0 : index
    %get3A_0 = arith.constant 0 : index
    %get3A_1 = vector.load %arg0[%get3A, %get3A_0] : memref<4096x64xf32, #tpu.memory_space<vmem>>, vector<4096x64xf32>
    %get3A_2 = arith.constant 0 : index
    %get3A_3 = arith.constant 0 : index
    %get3A_4 = vector.load %arg10[%get3A_2, %get3A_3] : memref<14x64xf32, #tpu.memory_space<vmem>>, vector<14x64xf32>
    %get3A_5 = arith.constant 0 : index
    %get3A_6 = arith.constant 0 : index
    %get3A_7 = vector.load %arg11[%get3A_5, %get3A_6] : memref<12x64xf32, #tpu.memory_space<vmem>>, vector<12x64xf32>
    %concatenate3A = tpu.concatenate %get3A_4, %get3A_7 in 0 : vector<14x64xf32>, vector<12x64xf32> -> vector<26x64xf32>
    %mul3A = arith.constant 2.44140625E-4 : f32
    %mul3A_8 = vector.broadcast %mul3A : f32 to vector<26x64xf32>
    %mul3A_9 = arith.mulf %concatenate3A, %mul3A_8 : vector<26x64xf32>
    %slice3A = vector.extract_strided_slice %get3A_1 {offsets = [4095, 0], sizes = [1, 64], strides = [1, 1]} : vector<4096x64xf32> to vector<1x64xf32>
    %concatenate3A_10 = tpu.concatenate %slice3A, %mul3A_9 in 0 : vector<1x64xf32>, vector<26x64xf32> -> vector<27x64xf32>
    %dot_general3A = arith.constant dense<0.000000e+00> : vector<27x27xf32>
    %dot_general3A_11 = tpu.matmul %concatenate3A_10, %concatenate3A_10, %dot_general3A {dimension_numbers = #tpu.dot_dimension_numbers<[1], [1], [0], [0], [0, 0, 1, 0], [], []>, transpose_lhs_hint = false} : vector<27x64xf32>, vector<27x64xf32>, vector<27x27xf32> -> vector<27x27xf32>
    %get3A_12 = arith.constant 0 : index
    %get3A_13 = arith.constant 0 : index
    %get3A_14 = vector.load %arg8[%get3A_12, %get3A_13] : memref<352x27xf32, #tpu.memory_space<vmem>>, vector<352x27xf32>
    %dot_general3A_15 = arith.constant dense<0.000000e+00> : vector<352x27xf32>
    %dot_general3A_16 = tpu.matmul %get3A_14, %dot_general3A_11, %dot_general3A_15 {dimension_numbers = #tpu.dot_dimension_numbers<[1], [0], [0], [1], [0, 0, 1, 1], [], []>, transpose_lhs_hint = false} : vector<352x27xf32>, vector<27x27xf32>, vector<352x27xf32> -> vector<352x27xf32>
    %get3A_17 = arith.constant 0 : index
    %get3A_18 = arith.constant 0 : index
    %get3A_19 = vector.load %arg9[%get3A_17, %get3A_18] : memref<352x27xf32, #tpu.memory_space<vmem>>, vector<352x27xf32>
    %mul3A_20 = arith.mulf %dot_general3A_16, %get3A_19 : vector<352x27xf32>
    %reduce_sum3A = arith.constant dense<0.000000e+00> : vector<352xf32>
    %reduce_sum3A_21 = vector.multi_reduction <add>, %mul3A_20, %reduce_sum3A [1] : vector<352x27xf32> to vector<352xf32>
    %broadcast_in_dim3A = vector.shape_cast %reduce_sum3A_21 : vector<352xf32> to vector<352x1xf32>
    %get3A_22 = arith.constant 0 : index
    %get3A_23 = arith.constant 0 : index
    %get3A_24 = vector.load %arg2[%get3A_22, %get3A_23] : memref<352x512xf32, #tpu.memory_space<vmem>>, vector<352x512xf32>
    %mul3A_25 = vector.broadcast %broadcast_in_dim3A : vector<352x1xf32> to vector<352x512xf32>
    %mul3A_26 = arith.mulf %mul3A_25, %get3A_24 : vector<352x512xf32>
    %reduce_sum3A_27 = arith.constant dense<0.000000e+00> : vector<512xf32>
    %reduce_sum3A_28 = vector.multi_reduction <add>, %mul3A_26, %reduce_sum3A_27 [0] : vector<352x512xf32> to vector<512xf32>
    %broadcast_in_dim3A_29 = vector.shape_cast %reduce_sum3A_28 : vector<512xf32> to vector<1x512xf32>
    %iota3A = tpu.iota {dimensions = array<i32: 0>} : vector<4096x1xi32>
    %eq3A = arith.constant 4095 : i32
    %eq3A_30 = vector.broadcast %eq3A : i32 to vector<4096x1xi32>
    %eq3A_31 = arith.cmpi eq, %iota3A, %eq3A_30 : vector<4096x1xi32>
    %jit3A = arith.constant 1.000000e+00 : f32
    %jit3A_32 = arith.constant 0.000000e+00 : f32
    %broadcast_in_dim3A_33 = vector.broadcast %jit3A : f32 to vector<4096x1xf32>
    %broadcast_in_dim3A_34 = vector.broadcast %jit3A_32 : f32 to vector<4096x1xf32>
    %select_n3A = arith.select %eq3A_31, %broadcast_in_dim3A_33, %broadcast_in_dim3A_34 : vector<4096x1xi1>, vector<4096x1xf32>
    %get3A_35 = arith.constant 0 : index
    %get3A_36 = arith.constant 0 : index
    %get3A_37 = vector.load %arg1[%get3A_35, %get3A_36] : memref<64x512xf32, #tpu.memory_space<vmem>>, vector<64x512xf32>
    %dot_general3A_38 = arith.constant dense<0.000000e+00> : vector<4096x512xf32>
    %dot_general3A_39 = tpu.matmul %get3A_1, %get3A_37, %dot_general3A_38 {dimension_numbers = #tpu.dot_dimension_numbers<[1], [0], [0], [1], [0, 0, 1, 1], [], []>, transpose_lhs_hint = false} : vector<4096x64xf32>, vector<64x512xf32>, vector<4096x512xf32> -> vector<4096x512xf32>
    %mul3A_40 = vector.broadcast %select_n3A : vector<4096x1xf32> to vector<4096x512xf32>
    %mul3A_41 = vector.broadcast %broadcast_in_dim3A_29 : vector<1x512xf32> to vector<4096x512xf32>
    %mul3A_42 = arith.mulf %mul3A_40, %mul3A_41 : vector<4096x512xf32>
    %add3A = arith.addf %dot_general3A_39, %mul3A_42 : vector<4096x512xf32>
    %get3A_43 = arith.constant 0 : index
    %get3A_44 = arith.constant 0 : index
    %get3A_45 = vector.load %arg3[%get3A_43, %get3A_44] : memref<1x512xf32, #tpu.memory_space<vmem>>, vector<1x512xf32>
    %add3A_46 = vector.broadcast %get3A_45 : vector<1x512xf32> to vector<4096x512xf32>
    %add3A_47 = arith.addf %add3A, %add3A_46 : vector<4096x512xf32>
    %max3A = arith.constant 0.000000e+00 : f32
    %max3A_48 = vector.broadcast %max3A : f32 to vector<4096x512xf32>
    %max3A_49 = arith.maximumf %add3A_47, %max3A_48 : vector<4096x512xf32>
    %get3A_50 = arith.constant 0 : index
    %get3A_51 = arith.constant 0 : index
    %get3A_52 = vector.load %arg4[%get3A_50, %get3A_51] : memref<512x256xf32, #tpu.memory_space<vmem>>, vector<512x256xf32>
    %dot_general3A_53 = arith.constant dense<0.000000e+00> : vector<4096x256xf32>
    %dot_general3A_54 = tpu.matmul %max3A_49, %get3A_52, %dot_general3A_53 {dimension_numbers = #tpu.dot_dimension_numbers<[1], [0], [0], [1], [0, 0, 1, 1], [], []>, transpose_lhs_hint = false} : vector<4096x512xf32>, vector<512x256xf32>, vector<4096x256xf32> -> vector<4096x256xf32>
    %get3A_55 = arith.constant 0 : index
    %get3A_56 = arith.constant 0 : index
    %get3A_57 = vector.load %arg5[%get3A_55, %get3A_56] : memref<1x256xf32, #tpu.memory_space<vmem>>, vector<1x256xf32>
    %add3A_58 = vector.broadcast %get3A_57 : vector<1x256xf32> to vector<4096x256xf32>
    %add3A_59 = arith.addf %dot_general3A_54, %add3A_58 : vector<4096x256xf32>
    %max3A_60 = arith.constant 0.000000e+00 : f32
    %max3A_61 = vector.broadcast %max3A_60 : f32 to vector<4096x256xf32>
    %max3A_62 = arith.maximumf %add3A_59, %max3A_61 : vector<4096x256xf32>
    %get3A_63 = arith.constant 0 : index
    %get3A_64 = arith.constant 0 : index
    %get3A_65 = vector.load %arg6[%get3A_63, %get3A_64] : memref<256x1xf32, #tpu.memory_space<vmem>>, vector<256x1xf32>
    %dot_general3A_66 = arith.constant dense<0.000000e+00> : vector<4096x1xf32>
    %dot_general3A_67 = tpu.matmul %max3A_62, %get3A_65, %dot_general3A_66 {dimension_numbers = #tpu.dot_dimension_numbers<[1], [0], [0], [1], [0, 0, 1, 1], [], []>, transpose_lhs_hint = false} : vector<4096x256xf32>, vector<256x1xf32>, vector<4096x1xf32> -> vector<4096x1xf32>
    %get3A_68 = arith.constant 0 : index
    %get3A_69 = arith.constant 0 : index
    %get3A_70 = vector.load %arg7[%get3A_68, %get3A_69] : memref<1x1xf32, #tpu.memory_space<vmem>>, vector<1x1xf32>
    %add3A_71 = vector.broadcast %get3A_70 : vector<1x1xf32> to vector<4096x1xf32>
    %add3A_72 = arith.addf %dot_general3A_67, %add3A_71 : vector<4096x1xf32>
    %max3A_73 = arith.constant 0.000000e+00 : f32
    %max3A_74 = vector.broadcast %max3A_73 : f32 to vector<4096x1xf32>
    %max3A_75 = arith.maximumf %add3A_72, %max3A_74 : vector<4096x1xf32>
    %swap3A = arith.constant 0 : index
    %swap3A_76 = arith.constant 0 : index
    %swap3A_77 = vector.load %arg12[%swap3A, %swap3A_76] : memref<4096x1xf32, #tpu.memory_space<vmem>>, vector<4096x1xf32>
    tpu.vector_store %arg12[%swap3A, %swap3A_76], %max3A_75 {strides = array<i32>} : memref<4096x1xf32, #tpu.memory_space<vmem>>, vector<4096x1xf32>,
    return
  }
}

</mosaic_0001>

<sc_bundles>
// kernel: kernel.11.cloned.1.call-start
scs
__scs_entry_jumppad:
0x0: {  	(pc) =	sbr.rel $0x88, $3  }
0x1: {  	(tag) =	ssettag $0x0;
	lr =	simm.s32 $0x1  }
0x2: {  	[smem:$0x3F92] =	sst lr;
	_ =	strace $0xD0000000  }
0x3: {  	_ = 	snop  }
0x4: {  	_ = 	snop  }
0x5: {  	_ = 	snop  }
0x6: {  	_ = 	snop  }
0x7: {  	_ = 	snop  }
__scs_overlays_trampoline_lowered:
0x8: {  	[smem:$0x3FA1] =	sst s0  }
0x9: {  	[smem:$0x3FA2] =	sst s1  }
0xa: {  	[smem:$0x3FA3] =	sst s2  }
0xb: {  	[smem:$0x3FA4] =	sst s3  }
0xc: {  	[smem:$0x3FA5] =	sst s4  }
0xd: {  	[smem:$0x3FA6] =	sst s5  }
0xe: {  	[smem:$0x3FA7] =	sst s6  }
0xf: {  	[smem:$0x3FA8] =	sst s7  }
0x10: {  	[smem:$0x3FA9] =	sst s8  }
0x11: {  	[smem:$0x3FAA] =	sst s9;
	s0 =	simm.s32 @!p0 $0x0  }
0x12: {  	s1 =	sld [smem:$0x3F90];
	s0 =	simm.s32 @p0 $0x1  }
0x13: {  	[smem:$0x3FAB] =	sst s0;
	s0 =	simm.s32 @!p1 $0x0  }
0x14: {  	s2 =	sld [smem:$0x3F8F];
	s0 =	simm.s32 @p1 $0x1  }
0x15: {  	[smem:$0x3FAC] =	sst s0;
	s0 =	simm.s32 @!p2 $0x0  }
0x16: {  	s3 =	sld [smem:$0x3FDB];
	s0 =	simm.s32 @p2 $0x1  }
0x17: {  	s4 =	simm.s32 $0x1BF5;
	[smem:$0x3FAE] =	sst s0  }
0x18: {  	s0 =	sld [smem:$0x3F91];
	_ =	swait.ge [sflag:s4], $0x0  }
0x19: {  	s7 =	sld [smem:$0x3F92]  }
0x1a: {  	s8 =	sadd.s32 $0xFFFFE003, lr  }
0x1b: {  	s9 =	sadd.s32 $0xFFFFFEF7, lr;
	s5 =	simm.s32 $0xFFFFFFFF;
	p2 =	slt.u32 s8, $0xFFFFF086  }
0x1c: {  	p1 =	slt.u32 s9, $0xF7A;
	s5 =	simm.s32 @!p2 $0x0  }
0x1d: {  	s5 =	simm.s32 @p1 $0x1;
	p0 =	seq.s32 s7, s2  }
0x1e: {  	s7 =	smul.u32 @!p0 $0xF7A, s2;
	p2 =	seq.s32 @!p0 s5, $0x0  }
0x1f: {  	s9 =	smul.u32 $0xF7A, s1;
	s8 =	simm.s32 @!p0 $0x1BF5;
	p2 =	por !p2, p0  }
0x20: {  	[sflag:s8] =	ssyncset.s32 @!p0 $0xFFFFF086;
	s6 =	sadd.s32 @!p0 s3, s7;
	s7 =	simm.s32 @!p0 $0x108  }
0x21: {  	s3 =	sadd.s32 s3, s9;
	s6 =	sadd.s32 @!p0 $0x88, s6;
	s7 =	simm.s32 @p2 $0x1082  }
0x22: {  	[simem:s7], [sflag:s8] =	dma.local @!p0 [hbm:s6], $0xF7A  }
0x23: {  	s9 =	sor.u32 $0xD0000000, s2;
	s6 =	simm.s32 $0x108;
	_ =	swait.ge @!p0 [sflag:s8], $0x0  }
0x24: {  	s3 =	sadd.s32 $0x88, s3;
	s6 =	simm.s32 @!p1 $0x1082;
	[sflag:s4] =	ssyncset.s32 $0xFFFFF086  }
0x25: {  	[simem:s6], [sflag:s4] =	dma.local [hbm:s3], $0xF7A  }
0x26: {  	[smem:$0x3F92] =	sst s1;
	(tag) =	ssettag s2;
	_ =	strace s9  }
0x27: {  	s1 =	sld [smem:$0x3FA2]  }
0x28: {  	s2 =	sld [smem:$0x3FA3]  }
0x29: {  	s4 =	sld [smem:$0x3FA5]  }
0x2a: {  	p0 =	seq.s32 s5, $0x0;
	s5 =	sld [smem:$0x3FA6]  }
0x2b: {  	s6 =	sld [smem:$0x3FA7]  }
0x2c: {  	s7 =	sld [smem:$0x3FA8]  }
0x2d: {  	s3 =	simm.s32 $0x108;
	s8 =	sld [smem:$0x3FA9]  }
0x2e: {  	s3 =	simm.s32 @!p0 $0x1082;
	s9 =	sld [smem:$0x3FAA]  }
0x2f: {  	lr =	sadd.s32 s0, s3;
	s0 =	sld [smem:$0x3FA1]  }
0x30: {  	s3 =	sld [smem:$0x3FA4]  }
0x31: {  	[smem:$0x3FAD] =	sst s10  }
0x32: {  	s10 =	sld [smem:$0x3FAB];
	_ =	sdelay $0x3  }
0x33: {  	p0 =	seq.s32 s10, $0x1;
	s10 =	sld [smem:$0x3FAD];
	_ =	sdelay $0x3  }
0x34: {  	[smem:$0x3FAD] =	sst s10  }
0x35: {  	s10 =	sld [smem:$0x3FAC];
	_ =	sdelay $0x3  }
0x36: {  	p1 =	seq.s32 s10, $0x1;
	s10 =	sld [smem:$0x3FAD];
	_ =	sdelay $0x3  }
0x37: {  	[smem:$0x3FAD] =	sst s10  }
0x38: {  	s10 =	sld [smem:$0x3FAE]  }
0x39: {  	_ = 	snop;
	(pc) =	sbr.ind lr, $3  }
0x3a: {  	_ = 	snop  }
0x3b: {  	_ = 	snop  }
0x3c: {  	p2 =	seq.s32 s10, $0x1;
	s10 =	sld [smem:$0x3FAD]  }
0x3d: {  	_ =	shalt  }
0x3e: {  	_ =	shalt  }
0x3f: {  	_ =	shalt  }
0x40: {  	_ =	shalt  }
0x41: {  	_ =	shalt  }
0x42: {  	_ =	shalt  }
0x43: {  	_ =	shalt  }
0x44: {  	_ =	shalt  }
0x45: {  	_ =	shalt  }
0x46: {  	_ =	shalt  }
0x47: {  	_ =	shalt  }
0x48: {  	_ =	shalt  }
0x49: {  	_ =	shalt  }
0x4a: {  	_ =	shalt  }
0x4b: {  	_ =	shalt  }
0x4c: {  	_ =	shalt  }
0x4d: {  	_ =	shalt  }
0x4e: {  	_ =	shalt  }
0x4f: {  	_ =	shalt  }
0x50: {  	_ =	shalt  }
0x51: {  	_ =	shalt  }
0x52: {  	_ =	shalt  }
0x53: {  	_ =	shalt  }
0x54: {  	_ =	shalt  }
0x55: {  	_ =	shalt  }
0x56: {  	_ =	shalt  }
0x57: {  	_ =	shalt  }
0x58: {  	_ =	shalt  }
0x59: {  	_ =	shalt  }
0x5a: {  	_ =	shalt  }
0x5b: {  	_ =	shalt  }
0x5c: {  	_ =	shalt  }
0x5d: {  	_ =	shalt  }
0x5e: {  	_ =	shalt  }
0x5f: {  	_ =	shalt  }
0x60: {  	_ =	shalt  }
0x61: {  	_ =	shalt  }
0x62: {  	_ =	shalt  }
0x63: {  	_ =	shalt  }
0x64: {  	_ =	shalt  }
0x65: {  	_ =	shalt  }
0x66: {  	_ =	shalt  }
0x67: {  	_ =	shalt  }
0x68: {  	_ =	shalt  }
0x69: {  	_ =	shalt  }
0x6a: {  	_ =	shalt  }
0x6b: {  	_ =	shalt  }
0x6c: {  	_ =	shalt  }
0x6d: {  	_ =	shalt  }
0x6e: {  	_ =	shalt  }
0x6f: {  	_ =	shalt  }
0x70: {  	_ =	shalt  }
0x71: {  	_ =	shalt  }
0x72: {  	_ =	shalt  }
0x73: {  	_ =	shalt  }
0x74: {  	_ =	shalt  }
0x75: {  	_ =	shalt  }
0x76: {  	_ =	shalt  }
0x77: {  	_ =	shalt  }
0x78: {  	_ =	shalt  }
0x79: {  	_ =	shalt  }
0x7a: {  	_ =	shalt  }
0x7b: {  	_ =	shalt  }
0x7c: {  	_ =	shalt  }
0x7d: {  	_ =	shalt  }
0x7e: {  	_ =	shalt  }
0x7f: {  	_ =	shalt  }
0x80: {  	_ =	shalt  }
0x81: {  	_ =	shalt  }
0x82: {  	_ =	shalt  }
0x83: {  	_ =	shalt  }
0x84: {  	_ =	shalt  }
0x85: {  	_ =	shalt  }
0x86: {  	_ =	shalt  }
0x87: {  	_ =	shalt  }
.Lfunc_end0:
.L_simem_size_0:
called_computation.1_lowered:
.L_overlay_start_0:
0x88: {  	s2 =	sld [smem:$0x3FD9]  }
0x89: {  	s3 =	sld [smem:$0x3FFE];
	_ =	sdelay $0x1  }
0x8a: {  	s1 =	srdreg.scid  }
0x8b: {  	s0 =	sand.u32 $0x1, s1  }
0x8c: {  	s17 =	sshll.u32 s0, $0xA;
	s2 =	sadd.s32 s3, s2  }
0x8d: {  	s2 =	sadd.s32 s2, s17  }
0x8e: {  	[smem:$0x3FB9] =	sst s2  }
0x8f: {  	_ = 	snop  }
0x90: {  	(tm) =	ssettm $0x1  }
0x91: {  	s18 =	sld [smem:$0x3FFB];
	_ =	sdelay $0x3  }
0x92: {  	_ =	strace s18  }
0x93: {  	s2 =	sld [smem:$0x3FFC];
	_ =	sdelay $0x3  }
0x94: {  	_ =	strace s2  }
0x95: {  	s2 =	sld [smem:$0x3FFD];
	_ =	sdelay $0x3  }
0x96: {  	_ =	strace s2  }
0x97: {  	_ =	strace $0x8FFFFFFF  }
0x98: {  	s19 =	sld [smem:$0x3FDB];
	_ =	sdelay $0x1  }
0x99: {  	s20 =	simm.s32 $_scs_section_size  }
0x9a: {  	s4 =	simm.s32 $_size__tile_overlayer_lowered;
	s5 =	simm.s32 $_tile_overlayer_lowered  }
0x9b: {  	s6 =	simm.s32 $0x1BFF;
	s21 =	sshll.u32 s5, $0x1;
	s3 =	sadd.s32 s20, s19  }
0x9c: {  	s22 =	simm.s32 $0x0;
	s4 =	sshll.u32 s4, $0x1;
	s5 =	sadd.s32 s21, s3  }
0x9d: {  	[timem:s22], [sflag:s6] =	dma.local [hbm:s5], s4  }
0x9e: {  	_ =	swait.ge [sflag:s6], s4  }
0x9f: {  	s4 =	ssub.s32 $0x0, s4;
	[sflag:s6] =	ssyncset.done $0x0  }
0xa0: {  	[sflag:s6] =	ssyncadd.s32 s4;
	_ =	sdelay $0x1  }
0xa1: {  	s23 =	simm.s32 $0x1B8B  }
0xa2: {  	_ =	swait.ge [sflag:s23], $0x1  }
0xa3: {  	[sflag:s23] =	ssyncset.done $0x0  }
0xa4: {  	[sflag:s23] =	ssyncadd.s32 $0xFFFFFFFF  }
0xa5: {  	s4 =	sld [smem:$0x0]  }
0xa6: {  	s5 =	sand.u32 $0xFFFFFFFE, s1  }
0xa7: {  	p0 =	sne.s32 s1, s5  }
0xa8: {  	s5 =	sshll.u32 @p0 s5, $0xE  }
0xa9: {  	s5 =	sadd.s32 @p0 $0x11B8D, s5;
	s6 =	sshll.u32 @p0 s4, $0x11  }
0xaa: {  	s5 =	sor.u32 @p0 s6, s5  }
0xab: {  	[sflag:s5] =	ssyncadd.remote.s32 @p0 $0x1;
	_ =	sdelay $0x1  }
0xac: {  	s5 =	simm.s32 @p0 $0x1B8D  }
0xad: {  	_ =	swait.eq @p0 [sflag:s5], $0x1  }
0xae: {  	[sflag:s5] =	ssyncadd.s32 @p0 $0xFFFFFFFF  }
0xaf: {  	s6 =	sshll.u32 @!p0 s1, $0xE  }
0xb0: {  	s6 =	sor.u32 @!p0 $0x4000, s6;
	s5 =	simm.s32 @!p0 $0x1B8D  }
0xb1: {  	s4 =	sshll.u32 @!p0 s4, $0x11;
	s6 =	sadd.s32 @!p0 $0x11B8D, s6;
	_ =	swait.eq @!p0 [sflag:s5], $0x1  }
0xb2: {  	s4 =	sor.u32 @!p0 s4, s6;
	[sflag:s5] =	ssyncadd.s32 @!p0 $0xFFFFFFFF  }
0xb3: {  	s25 =	simm.s32 $0x1B8E;
	s24 =	sld [smem:$0x3FFE];
	[sflag:s4] =	ssyncadd.remote.s32 @!p0 $0x1  }
0xb4: {  	s26 =	simm.s32 $execute0_lowered;
	[smem:$0x3FD2] =	sst s25  }
0xb5: {  	s5 =	sshll.u32 s26, $0x1;
	_ =	strace $0x80000049;
	[dreg:$0x1] =	wrdreg $0xFFFFFFFF  }
0xb6: {  	s28 =	simm.s32 $_size_execute0_lowered;
	s3 =	sadd.s32 s3, s5;
	[dreg:$0x0] =	wrdreg $0x0  }
0xb7: {  	s5 =	sshll.u32 s28, $0x1;
	[dreg:$0x2] =	wrdreg s3  }
0xb8: {  	[dreg:$0x3] =	wrdreg s5  }
0xb9: {  	[dreg:$0x4] =	wrdreg $0xC0  }
0xba: {  	_ =	task [dreg:s22], $0x5FFFF  }
0xbb: {  	[dreg:$0x1] =	wrdreg $0xFFFFFFFF  }
0xbc: {  	[dreg:$0x0] =	wrdreg $0x60  }
0xbd: {  	[dreg:$0x2] =	wrdreg s24  }
0xbe: {  	[dreg:$0x3] =	wrdreg $0x1F800  }
0xbf: {  	[dreg:$0x4] =	wrdreg $0xA  }
0xc0: {  	_ =	task.clear_ibuf [dreg:s22], $0x5FFFF;
	_ =	strace $0x90000049  }
0xc1: {  	s29 =	simm.s32 $0xA;
	_ =	strace $0x8000004B  }
0xc2: {  	_ =	swait.ge [sflag:s29], $0x1  }
0xc3: {  	[sflag:s29] =	ssyncadd.s32 $0xFFFFFFFF  }
0xc4: {  	_ =	strace $0x9000004B  }
0xc5: {  	_ =	sfence  }
0xc6: {  	s30 =	sld [smem:$0x0];
	_ =	sdelay $0x2  }
0xc7: {  	s31 =	sshll.u32 s1, $0xD;
	s1 =	sshrl.u32 s1, $0x2  }
0xc8: {  	s4 =	sand.u32 $0x4000, s31;
	s1 =	sadd.s32 s1, s30  }
0xc9: {  	s0 =	sor.u32 s4, s0;
	s1 =	sshll.u32 s1, $0x11  }
0xca: {  	s0 =	sor.u32 s1, s0  }
0xcb: {  	s0 =	sadd.s32 $0x8F2B, s0  }
0xcc: {  	[sflag:s0] =	ssyncadd.remote.s32 $0x1  }
0xcd: {  	_ =	sfence.sel $0xFFFF  }
0xce: {  	[dreg:$0x0] =	wrdreg $0xFFFFFFFF;
	(pc) =	sbr.abs _section_cstart, $3  }
0xcf: {  	[dreg:$0x1] =	wrdreg $0xFFFFFFFF  }
0xd0: {  	_ =	task.clear_ibuf [dreg:s22], $0x2FFFF;
	_ =	strace $0x9FFFFFFF  }
0xd1: {  	(tm) =	ssettm $0x7FFFFFFF  }
tec
execute0_lowered:
.L_overlay_start_1:
0x0: {  	(tag) =	ssettag $0x1  }
0x1: {  	s0 =	rddreg [dreg:$0x0]  }
0x2: {  	s15 =	rddreg [dreg:$0x1]  }
0x3: {  	s3 =	simm.s32 $0x0;
	s1 =	srdreg.scid;
	s8 =	stileid.u32  }
0x4: {  	[smem:$0x7FF] =	sst s3;
	s2 =	sand.u32 $0x1, s1;
	s6 =	sadd.s32 $0x30C00, s0  }
0x5: {  	s1 =	smul.u32 $0x1900, s8;
	s0 =	sadd.s32 $0x32400, s0;
	s8 =	sshll.u32 s8, $0x7  }
0x6: {  	s28 =	sadd.s32 $0x4B000, s15;
	s30 =	sadd.s32 $0x64000, s15;
	s31 =	sadd.s32 $0x7D000, s15  }
0x7: {  	_ =	strace $0x8000004A;
	s4 =	ssub.s32 $0x2, s2;
	s7 =	smul.u32 $0x6000, s2  }
0x8: {  	s9 =	smul.u32 $0x6, s2;
	s11 =	sor.u32 $0x800, s8;
	s5 =	sshrl.u32 s4, $0x1  }
0x9: {  	s2 =	smul.u32 $0x96000, s2;
	s29 =	sadd.s32 s1, s28;
	s5 =	ssub.s32 s4, s5  }
0xa: {  	s4 =	sadd.s32 s1, s15;
	s10 =	sor.u32 s8, s7;
	s7 =	sor.u32 s7, s11  }
0xb: {  	s12 =	sor.u32 $0x1, s9;
	s13 =	sadd.s32 $0x2, s9;
	s9 =	sshll.u32 s9, $0xC  }
0xc: {  	s2 =	sadd.s32 s1, s2;
	s10 =	sshrl.u32 s10, $0x3;
	s7 =	sshrl.u32 s7, $0x3  }
0xd: {  	s14 =	sshll.u32 s12, $0xC;
	s18 =	sshll.u32 s13, $0xC;
	s22 =	sadd.s32 $0x4000, s9  }
0xe: {  	s5 =	smax.u32 s5, $0x1;
	s10 =	sadd.s32 s6, s10;
	s7 =	sadd.s32 s6, s7  }
0xf: {  	s16 =	sor.u32 s8, s14;
	s19 =	sor.u32 s8, s18;
	s24 =	sor.u32 s8, s22  }
0x10: {  	s26 =	sor.u32 s11, s22;
	s22 =	sshrl.u32 s2, $0x3;
	[dreg:$0x3] =	wrdreg s10  }
0x11: {  	[dreg:$0x4] =	wrdreg s7;
	s10 =	sor.u32 s11, s14;
	s7 =	sshrl.u32 s16, $0x3  }
0x12: {  	s14 =	sadd.s32 $0x3000, s9;
	s25 =	sshrl.u32 s24, $0x3;
	s9 =	sadd.s32 $0x5000, s9  }
0x13: {  	s24 =	sadd.s32 $0x4B000, s2;
	s10 =	sshrl.u32 s10, $0x3;
	s7 =	sadd.s32 s6, s7  }
0x14: {  	s20 =	sor.u32 s8, s14;
	s21 =	sor.u32 s11, s14;
	s14 =	sshrl.u32 s26, $0x3  }
0x15: {  	s16 =	sor.u32 s8, s9;
	[dreg:$0x5] =	wrdreg s7;
	s17 =	sadd.s32 s6, s10  }
0x16: {  	s7 =	sor.u32 s11, s18;
	s10 =	sshrl.u32 s19, $0x3;
	s23 =	sshrl.u32 s21, $0x3  }
0x17: {  	s18 =	smul.u32 $0x19000, s12;
	s12 =	simm.s32 $0x300;
	[dreg:$0x6] =	wrdreg s17  }
0x18: {  	s7 =	sshrl.u32 s7, $0x3;
	s10 =	sadd.s32 s6, s10;
	s17 =	sor.u32 s11, s9  }
0x19: {  	s9 =	simm.s32 $0x180;
	s11 =	simm.s32 $0x280;
	[dreg:$0x7] =	wrdreg s10  }
0x1a: {  	s7 =	sadd.s32 s6, s7;
	s19 =	sshrl.u32 s17, $0x3;
	s21 =	sadd.s32 s1, s18  }
0x1b: {  	s10 =	simm.s32 $0x200;
	[dreg:$0x8] =	wrdreg s7;
	s7 =	sshrl.u32 s20, $0x3  }
0x1c: {  	s17 =	simm.s32 $0x580;
	s20 =	smul.u32 $0x19000, s13;
	s7 =	sadd.s32 s6, s7  }
0x1d: {  	s18 =	simm.s32 $0x600;
	[dreg:$0x9] =	wrdreg s7;
	s7 =	sadd.s32 s6, s23  }
0x1e: {  	s13 =	simm.s32 $0x380;
	s8 =	sadd.s32 s1, s20;
	[dreg:$0xa] =	wrdreg s7  }
0x1f: {  	s7 =	sadd.s32 s6, s25;
	s23 =	sshrl.u32 s8, $0x3;
	s25 =	sadd.s32 $0x64000, s2  }
0x20: {  	s2 =	sadd.s32 $0x7D000, s2;
	[dreg:$0xb] =	wrdreg s7;
	s7 =	sadd.s32 s6, s14  }
0x21: {  	s8 =	simm.s32 $0x100;
	[dreg:$0xc] =	wrdreg s7;
	s7 =	sshrl.u32 s16, $0x3  }
0x22: {  	s2 =	sshrl.u32 s2, $0x3;
	s14 =	simm.s32 $0x400;
	s7 =	sadd.s32 s6, s7  }
0x23: {  	s16 =	simm.s32 $0x500;
	s6 =	sadd.s32 s6, s19;
	[dreg:$0xd] =	wrdreg s7  }
0x24: {  	[dreg:$0xe] =	wrdreg s6;
	s6 =	sshrl.u32 s21, $0x3;
	s7 =	sadd.s32 s0, s22  }
0x25: {  	s19 =	simm.s32 $0x0;
	[dreg:$0xf] =	wrdreg s7;
	s6 =	sadd.s32 s0, s6  }
0x26: {  	s7 =	sshrl.u32 s25, $0x3;
	[dreg:$0x10] =	wrdreg s6;
	s6 =	sadd.s32 s0, s23  }
0x27: {  	s26 =	sadd.s32 s0, s7;
	s23 =	sadd.s32 $0x19000, s15;
	[dreg:$0x11] =	wrdreg s6  }
0x28: {  	s7 =	simm.s32 $0x80;
	s6 =	sshrl.u32 s24, $0x3;
	[dreg:$0x13] =	wrdreg s26  }
0x29: {  	s24 =	sadd.s32 $0x32000, s15;
	s25 =	sadd.s32 s1, s23;
	s6 =	sadd.s32 s0, s6  }
0x2a: {  	s15 =	simm.s32 $0x480;
	s0 =	sadd.s32 s0, s2;
	[dreg:$0x12] =	wrdreg s6  }
0x2b: {  	s26 =	sadd.s32 s1, s24;
	s2 =	sadd.s32 s1, s31;
	[dreg:$0x14] =	wrdreg s0  }
0x2c: {  	v0 =	vimm.f32 $0.0e+00;
	v1 =	vimm.f32 $1.000000000e+00;
	s0 =	sadd.s32 s1, s30;
	s1 =	simm.s32 $0x680;
	s6 =	simm.s32 $0x1  }
.LBB2_1:
0x2d: {  	s20 =	simm.s32 $0x0;
	s21 =	simm.s32 $0x200  }
.LBB2_2:
0x2e: {  	p0 =	sne.s32 s21, $0x6200;
	[tilespmem:s20+$0x6F0] =	vst v0  }
0x2f: {  	[tilespmem:s20+$0x680] =	vst v0  }
0x30: {  	[tilespmem:s20+$0x690] =	vst v0  }
.Ltmp0:
0x31: {  	[tilespmem:s20+$0x6A0] =	vst v0;
	(pc) =	sbr.rel @p0 .LBB2_2-.Ltmp0, $4  }
0x32: {  	[tilespmem:s20+$0x6B0] =	vst v0  }
0x33: {  	[tilespmem:s20+$0x6C0] =	vst v0  }
0x34: {  	[tilespmem:s20+$0x6D0] =	vst v0  }
0x35: {  	[tilespmem:s20+$0x6E0] =	vst v0;
	s20 =	sshra.s32 s21, $0x2;
	s21 =	sadd.s32 $0x200, s21  }
0x36: {  	[tilespmem:s20+$0x6F0] =	vst v0  }
0x37: {  	[tilespmem:s20+$0x680] =	vst v0  }
0x38: {  	[tilespmem:s20+$0x690] =	vst v0  }
0x39: {  	[tilespmem:s20+$0x6A0] =	vst v0  }
0x3a: {  	[tilespmem:s20+$0x6B0] =	vst v0  }
0x3b: {  	[tilespmem:s20+$0x6C0] =	vst v0  }
0x3c: {  	[tilespmem:s20+$0x6D0] =	vst v0  }
0x3d: {  	[tilespmem:s20+$0x6E0] =	vst v0  }
0x3e: {  	[tilespmem:$0x600] =	vst v1  }
0x3f: {  	[tilespmem:$0x610] =	vst v1  }
0x40: {  	[tilespmem:$0x620] =	vst v1  }
0x41: {  	[tilespmem:$0x630] =	vst v1  }
0x42: {  	[tilespmem:$0x640] =	vst v1  }
0x43: {  	[tilespmem:$0x650] =	vst v1  }
0x44: {  	[tilespmem:$0x660] =	vst v1  }
0x45: {  	[tilespmem:$0x670] =	vst v1  }
0x46: {  	[spmem:s4] =	stream.linear.scatter [tilespmem:s1], [sflag:$0x1], $0x1900, $0x38;
	[tilespmem:$0xB580] =	vst v63  }
0x47: {  	_ =	swait.ge [sflag:s6], $0x1900  }
0x48: {  	[sflag:s6] =	ssyncset.done $0x0  }
0x49: {  	[sflag:s6] =	ssyncadd.s32 $0xFFFFE700  }
0x4a: {  	[spmem:s25] =	stream.linear.scatter [tilespmem:s1], [sflag:$0x1], $0x1900, $0x38;
	[tilespmem:$0xB580] =	vst v63  }
0x4b: {  	_ =	swait.ge [sflag:s6], $0x1900  }
0x4c: {  	[sflag:s6] =	ssyncset.done $0x0  }
0x4d: {  	[sflag:s6] =	ssyncadd.s32 $0xFFFFE700  }
0x4e: {  	[spmem:s26] =	stream.linear.scatter [tilespmem:s1], [sflag:$0x1], $0x1900, $0x38;
	[tilespmem:$0xB580] =	vst v63  }
0x4f: {  	_ =	swait.ge [sflag:s6], $0x1900  }
0x50: {  	[sflag:s6] =	ssyncset.done $0x0  }
0x51: {  	[sflag:s6] =	ssyncadd.s32 $0xFFFFE700  }
0x52: {  	[spmem:s29] =	stream.linear.scatter [tilespmem:s1], [sflag:$0x1], $0x1900, $0x38;
	[tilespmem:$0xB580] =	vst v63  }
0x53: {  	_ =	swait.ge [sflag:s6], $0x1900  }
0x54: {  	[sflag:s6] =	ssyncset.done $0x0  }
0x55: {  	[sflag:s6] =	ssyncadd.s32 $0xFFFFE700  }
0x56: {  	[spmem:s0] =	stream.linear.scatter [tilespmem:s1], [sflag:$0x1], $0x1900, $0x38;
	[tilespmem:$0xB580] =	vst v63  }
0x57: {  	_ =	swait.ge [sflag:s6], $0x1900  }
0x58: {  	[sflag:s6] =	ssyncset.done $0x0  }
0x59: {  	[sflag:s6] =	ssyncadd.s32 $0xFFFFE700  }
0x5a: {  	[spmem:s2] =	stream.linear.scatter [tilespmem:s1], [sflag:$0x1], $0x1900, $0x38;
	[tilespmem:$0xB580] =	vst v63  }
0x5b: {  	_ =	swait.ge [sflag:s6], $0x1900  }
0x5c: {  	[sflag:s6] =	ssyncset.done $0x0  }
0x5d: {  	s21 =	rddreg [dreg:$0x3];
	[sflag:s6] =	ssyncadd.s32 $0xFFFFE700  }
0x5e: {  	[tilespmem:s3], [sflag:$0x1] =	stream.linear.gather [hbm4b:s21+s3], $0x80, $0x38;
	[tilespmem:$0xB580] =	vst v63  }
0x5f: {  	_ =	swait.ge [sflag:s6], $0x80  }
0x60: {  	[sflag:s6] =	ssyncset.done $0x0  }
0x61: {  	s22 =	rddreg [dreg:$0x4];
	[sflag:s6] =	ssyncadd.s32 $0xFFFFFF80  }
0x62: {  	[tilespmem:s7], [sflag:$0x1] =	stream.linear.gather [hbm4b:s22+s3], $0x80, $0x38;
	[tilespmem:$0xB580] =	vst v63  }
0x63: {  	_ =	swait.ge [sflag:s6], $0x80  }
0x64: {  	[sflag:s6] =	ssyncset.done $0x0  }
0x65: {  	s21 =	rddreg [dreg:$0x5];
	[sflag:s6] =	ssyncadd.s32 $0xFFFFFF80  }
0x66: {  	[tilespmem:s8], [sflag:$0x1] =	stream.linear.gather [hbm4b:s21+s3], $0x80, $0x38;
	[tilespmem:$0xB580] =	vst v63  }
0x67: {  	_ =	swait.ge [sflag:s6], $0x80  }
0x68: {  	[sflag:s6] =	ssyncset.done $0x0  }
0x69: {  	s22 =	rddreg [dreg:$0x6];
	[sflag:s6] =	ssyncadd.s32 $0xFFFFFF80  }
0x6a: {  	[tilespmem:s9], [sflag:$0x1] =	stream.linear.gather [hbm4b:s22+s3], $0x80, $0x38;
	[tilespmem:$0xB580] =	vst v63  }
0x6b: {  	_ =	swait.ge [sflag:s6], $0x80  }
0x6c: {  	[sflag:s6] =	ssyncset.done $0x0  }
0x6d: {  	s21 =	rddreg [dreg:$0x7];
	[sflag:s6] =	ssyncadd.s32 $0xFFFFFF80  }
0x6e: {  	[tilespmem:s10], [sflag:$0x1] =	stream.linear.gather [hbm4b:s21+s3], $0x80, $0x38;
	[tilespmem:$0xB580] =	vst v63  }
0x6f: {  	_ =	swait.ge [sflag:s6], $0x80  }
0x70: {  	[sflag:s6] =	ssyncset.done $0x0  }
0x71: {  	s22 =	rddreg [dreg:$0x8];
	[sflag:s6] =	ssyncadd.s32 $0xFFFFFF80  }
0x72: {  	[tilespmem:s11], [sflag:$0x1] =	stream.linear.gather [hbm4b:s22+s3], $0x80, $0x38;
	[tilespmem:$0xB580] =	vst v63  }
0x73: {  	_ =	swait.ge [sflag:s6], $0x80  }
0x74: {  	[sflag:s6] =	ssyncset.done $0x0  }
0x75: {  	s21 =	rddreg [dreg:$0x9];
	[sflag:s6] =	ssyncadd.s32 $0xFFFFFF80  }
0x76: {  	[tilespmem:s12], [sflag:$0x1] =	stream.linear.gather [hbm4b:s21+s3], $0x80, $0x38;
	[tilespmem:$0xB580] =	vst v63  }
0x77: {  	_ =	swait.ge [sflag:s6], $0x80  }
0x78: {  	[sflag:s6] =	ssyncset.done $0x0  }
0x79: {  	s22 =	rddreg [dreg:$0xa];
	[sflag:s6] =	ssyncadd.s32 $0xFFFFFF80  }
0x7a: {  	[tilespmem:s13], [sflag:$0x1] =	stream.linear.gather [hbm4b:s22+s3], $0x80, $0x38;
	[tilespmem:$0xB580] =	vst v63  }
0x7b: {  	_ =	swait.ge [sflag:s6], $0x80  }
0x7c: {  	[sflag:s6] =	ssyncset.done $0x0  }
0x7d: {  	s21 =	rddreg [dreg:$0xb];
	[sflag:s6] =	ssyncadd.s32 $0xFFFFFF80  }
0x7e: {  	[tilespmem:s14], [sflag:$0x1] =	stream.linear.gather [hbm4b:s21+s3], $0x80, $0x38;
	[tilespmem:$0xB580] =	vst v63  }
0x7f: {  	_ =	swait.ge [sflag:s6], $0x80  }
0x80: {  	[sflag:s6] =	ssyncset.done $0x0  }
0x81: {  	s22 =	rddreg [dreg:$0xc];
	[sflag:s6] =	ssyncadd.s32 $0xFFFFFF80  }
0x82: {  	[tilespmem:s15], [sflag:$0x1] =	stream.linear.gather [hbm4b:s22+s3], $0x80, $0x38;
	[tilespmem:$0xB580] =	vst v63  }
0x83: {  	_ =	swait.ge [sflag:s6], $0x80  }
0x84: {  	[sflag:s6] =	ssyncset.done $0x0  }
0x85: {  	s21 =	rddreg [dreg:$0xd];
	[sflag:s6] =	ssyncadd.s32 $0xFFFFFF80  }
0x86: {  	[tilespmem:s16], [sflag:$0x1] =	stream.linear.gather [hbm4b:s21+s3], $0x80, $0x38;
	[tilespmem:$0xB580] =	vst v63  }
0x87: {  	_ =	swait.ge [sflag:s6], $0x80  }
0x88: {  	[sflag:s6] =	ssyncset.done $0x0  }
0x89: {  	s22 =	rddreg [dreg:$0xe];
	[sflag:s6] =	ssyncadd.s32 $0xFFFFFF80  }
0x8a: {  	[tilespmem:s17], [sflag:$0x1] =	stream.linear.gather [hbm4b:s22+s3], $0x80, $0x38;
	[tilespmem:$0xB580] =	vst v63  }
0x8b: {  	_ =	swait.ge [sflag:s6], $0x80  }
0x8c: {  	[sflag:s6] =	ssyncset.done $0x0  }
0x8d: {  	[sflag:s6] =	ssyncadd.s32 $0xFFFFFF80  }
0x8e: {  	[bflag:$0x0] =	sbarrier.arrive $0xFFFF  }
0x8f: {  	s21 =	rddreg [dreg:$0x1]  }
0x90: {  	[spmem:s21] =	stream.indirect.scatter.add.f32 [tilespmem:s18], [sflag:$0x1], $0x1, s3, s7, $0xb8;
	[tilespmem:$0xB580] =	vst v63  }
0x91: {  	_ =	swait.ge [sflag:s6], $0x80  }
0x92: {  	[sflag:s6] =	ssyncset.done $0x0  }
0x93: {  	[sflag:s6] =	ssyncadd.s32 $0xFFFFFF80  }
0x94: {  	[spmem:s21] =	stream.indirect.scatter.add.f32 [tilespmem:s18], [sflag:$0x1], $0x1, s7, s7, $0xb8;
	[tilespmem:$0xB580] =	vst v63  }
0x95: {  	_ =	swait.ge [sflag:s6], $0x80  }
0x96: {  	[sflag:s6] =	ssyncset.done $0x0  }
0x97: {  	[sflag:s6] =	ssyncadd.s32 $0xFFFFFF80  }
0x98: {  	[spmem:s23] =	stream.indirect.scatter.add.f32 [tilespmem:s18], [sflag:$0x1], $0x1, s8, s7, $0xb8;
	[tilespmem:$0xB580] =	vst v63  }
0x99: {  	_ =	swait.ge [sflag:s6], $0x80  }
0x9a: {  	[sflag:s6] =	ssyncset.done $0x0  }
0x9b: {  	[sflag:s6] =	ssyncadd.s32 $0xFFFFFF80  }
0x9c: {  	[spmem:s23] =	stream.indirect.scatter.add.f32 [tilespmem:s18], [sflag:$0x1], $0x1, s9, s7, $0xb8;
	[tilespmem:$0xB580] =	vst v63  }
0x9d: {  	_ =	swait.ge [sflag:s6], $0x80  }
0x9e: {  	[sflag:s6] =	ssyncset.done $0x0  }
0x9f: {  	[sflag:s6] =	ssyncadd.s32 $0xFFFFFF80  }
0xa0: {  	[spmem:s24] =	stream.indirect.scatter.add.f32 [tilespmem:s18], [sflag:$0x1], $0x1, s10, s7, $0xb8;
	[tilespmem:$0xB580] =	vst v63  }
0xa1: {  	_ =	swait.ge [sflag:s6], $0x80  }
0xa2: {  	[sflag:s6] =	ssyncset.done $0x0  }
0xa3: {  	[sflag:s6] =	ssyncadd.s32 $0xFFFFFF80  }
0xa4: {  	[spmem:s24] =	stream.indirect.scatter.add.f32 [tilespmem:s18], [sflag:$0x1], $0x1, s11, s7, $0xb8;
	[tilespmem:$0xB580] =	vst v63  }
0xa5: {  	_ =	swait.ge [sflag:s6], $0x80  }
0xa6: {  	[sflag:s6] =	ssyncset.done $0x0  }
0xa7: {  	[sflag:s6] =	ssyncadd.s32 $0xFFFFFF80  }
0xa8: {  	[spmem:s28] =	stream.indirect.scatter.add.f32 [tilespmem:s18], [sflag:$0x1], $0x1, s12, s7, $0xb8;
	[tilespmem:$0xB580] =	vst v63  }
0xa9: {  	_ =	swait.ge [sflag:s6], $0x80  }
0xaa: {  	[sflag:s6] =	ssyncset.done $0x0  }
0xab: {  	[sflag:s6] =	ssyncadd.s32 $0xFFFFFF80  }
0xac: {  	[spmem:s28] =	stream.indirect.scatter.add.f32 [tilespmem:s18], [sflag:$0x1], $0x1, s13, s7, $0xb8;
	[tilespmem:$0xB580] =	vst v63  }
0xad: {  	_ =	swait.ge [sflag:s6], $0x80  }
0xae: {  	[sflag:s6] =	ssyncset.done $0x0  }
0xaf: {  	[sflag:s6] =	ssyncadd.s32 $0xFFFFFF80  }
0xb0: {  	[spmem:s30] =	stream.indirect.scatter.add.f32 [tilespmem:s18], [sflag:$0x1], $0x1, s14, s7, $0xb8;
	[tilespmem:$0xB580] =	vst v63  }
0xb1: {  	_ =	swait.ge [sflag:s6], $0x80  }
0xb2: {  	[sflag:s6] =	ssyncset.done $0x0  }
0xb3: {  	[sflag:s6] =	ssyncadd.s32 $0xFFFFFF80  }
0xb4: {  	[spmem:s30] =	stream.indirect.scatter.add.f32 [tilespmem:s18], [sflag:$0x1], $0x1, s15, s7, $0xb8;
	[tilespmem:$0xB580] =	vst v63  }
0xb5: {  	_ =	swait.ge [sflag:s6], $0x80  }
0xb6: {  	[sflag:s6] =	ssyncset.done $0x0  }
0xb7: {  	[sflag:s6] =	ssyncadd.s32 $0xFFFFFF80  }
0xb8: {  	[spmem:s31] =	stream.indirect.scatter.add.f32 [tilespmem:s18], [sflag:$0x1], $0x1, s16, s7, $0xb8;
	[tilespmem:$0xB580] =	vst v63  }
0xb9: {  	_ =	swait.ge [sflag:s6], $0x80  }
0xba: {  	[sflag:s6] =	ssyncset.done $0x0  }
0xbb: {  	[sflag:s6] =	ssyncadd.s32 $0xFFFFFF80  }
0xbc: {  	[spmem:s31] =	stream.indirect.scatter.add.f32 [tilespmem:s18], [sflag:$0x1], $0x1, s17, s7, $0xb8;
	[tilespmem:$0xB580] =	vst v63  }
0xbd: {  	_ =	swait.ge [sflag:s6], $0x80  }
0xbe: {  	[sflag:s6] =	ssyncset.done $0x0  }
0xbf: {  	s22 =	stileid.u32;
	[sflag:s6] =	ssyncadd.s32 $0xFFFFFF80  }
0xc0: {  	s20 =	sshll.u32 s22, $0x6;
	[bflag:$0x0] =	sbarrier.arrive $0xFFFF  }
0xc1: {  	s20 =	sor.u32 $0x1C01, s20;
	s21 =	sshrl.u32 s4, $0x3;
	s22 =	rddreg [dreg:$0xf]  }
0xc2: {  	[hbm:s22], [sflag:s20] =	dma.local [spmem:s21], $0x320  }
0xc3: {  	_ =	swait.ge [sflag:s6], $0x320  }
0xc4: {  	[sflag:s6] =	ssyncset.done $0x0  }
0xc5: {  	s21 =	sshrl.u32 s25, $0x3;
	s22 =	rddreg [dreg:$0x10];
	[sflag:s6] =	ssyncadd.s32 $0xFFFFFCE0  }
0xc6: {  	[hbm:s22], [sflag:s20] =	dma.local [spmem:s21], $0x320  }
0xc7: {  	_ =	swait.ge [sflag:s6], $0x320  }
0xc8: {  	[sflag:s6] =	ssyncset.done $0x0  }
0xc9: {  	s21 =	sshrl.u32 s26, $0x3;
	s22 =	rddreg [dreg:$0x11];
	[sflag:s6] =	ssyncadd.s32 $0xFFFFFCE0  }
0xca: {  	[hbm:s22], [sflag:s20] =	dma.local [spmem:s21], $0x320  }
0xcb: {  	_ =	swait.ge [sflag:s6], $0x320  }
0xcc: {  	[sflag:s6] =	ssyncset.done $0x0  }
0xcd: {  	s21 =	sshrl.u32 s29, $0x3;
	s22 =	rddreg [dreg:$0x12];
	[sflag:s6] =	ssyncadd.s32 $0xFFFFFCE0  }
0xce: {  	[hbm:s22], [sflag:s20] =	dma.local [spmem:s21], $0x320  }
0xcf: {  	_ =	swait.ge [sflag:s6], $0x320  }
0xd0: {  	[sflag:s6] =	ssyncset.done $0x0  }
0xd1: {  	s21 =	sshrl.u32 s0, $0x3;
	s22 =	rddreg [dreg:$0x13];
	[sflag:s6] =	ssyncadd.s32 $0xFFFFFCE0  }
0xd2: {  	[hbm:s22], [sflag:s20] =	dma.local [spmem:s21], $0x320  }
0xd3: {  	s19 =	sadd.s32 $0x1, s19;
	_ =	swait.ge [sflag:s6], $0x320  }
0xd4: {  	p0 =	sne.s32 s19, s5;
	s21 =	sshrl.u32 s2, $0x3;
	[sflag:s6] =	ssyncset.done $0x0  }
.Ltmp1:
0xd5: {  	s22 =	rddreg [dreg:$0x14];
	[sflag:s6] =	ssyncadd.s32 $0xFFFFFCE0;
	(pc) =	sbr.rel @p0 .LBB2_1-.Ltmp1, $4  }
0xd6: {  	[hbm:s22], [sflag:s20] =	dma.local [spmem:s21], $0x320  }
0xd7: {  	_ =	swait.ge [sflag:s6], $0x320  }
0xd8: {  	[sflag:s6] =	ssyncset.done $0x0  }
0xd9: {  	[sflag:s6] =	ssyncadd.s32 $0xFFFFFCE0  }
0xda: {  	_ =	sfence.sel $0x180000  }
0xdb: {  	[bflag:$0x0] =	sbarrier.arrive $0xFFFF  }
0xdc: {  	_ =	strace $0x9000004A  }
0xdd: {  	s0 =	stileid.u32;
	[bflag:$0x2] =	sbarrier.arrive $0xFFFF  }
0xde: {  	p0 =	sne.s32 s0, $0x0;
	s0 =	rddreg [dreg:$0x2]  }
0xdf: {  	s0 =	sadd.s32 @!p0 $0x100000, s0  }
0xe0: {  	[sflag:s0] =	ssyncadd.tile.s32 @!p0 $0x1;
	_ =	shalt  }
.Lfunc_end2:
_tile_overlayer_lowered:
.L_overlay_start_2:
0xe1: {  	(tag) =	ssettag $0x2  }
0xe2: {  	s0 =	rddreg [dreg:$0x0];
	s2 =	stileid.u32  }
0xe3: {  	s1 =	rddreg [dreg:$0x1];
	p0 =	sne.s32 s2, $0x0  }
0xe4: {  	s3 =	rddreg [dreg:$0x2];
	[bflag:$0x3] =	sbarrier.arrive $0xFFFF;
	s2 =	simm.s32 @!p0 $0x1C01  }
0xe5: {  	[timem:s3], [sflag:s2] =	dma.local @!p0 [hbm:s0], s1  }
0xe6: {  	s0 =	simm.s32 @!p0 $0x1  }
0xe7: {  	_ =	swait.ge @!p0 [sflag:s0], s1  }
0xe8: {  	s1 =	ssub.s32 @!p0 $0x0, s1;
	[sflag:s0] =	ssyncset.done @!p0 $0x0  }
0xe9: {  	[sflag:s0] =	ssyncadd.s32 @!p0 s1  }
0xea: {  	[bflag:$0x3] =	sbarrier.arrive $0xFFFF  }
0xeb: {  	_ =	shalt  }

// kernel: kernel.8.cloned.1.call-start
scs
__scs_entry_jumppad:
0x0: {  	(pc) =	sbr.rel $0x88, $3  }
0x1: {  	(tag) =	ssettag $0x0;
	lr =	simm.s32 $0x1  }
0x2: {  	[smem:$0x3F92] =	sst lr;
	_ =	strace $0xD0000000  }
0x3: {  	_ = 	snop  }
0x4: {  	_ = 	snop  }
0x5: {  	_ = 	snop  }
0x6: {  	_ = 	snop  }
0x7: {  	_ = 	snop  }
__scs_overlays_trampoline_lowered:
0x8: {  	[smem:$0x3FA1] =	sst s0  }
0x9: {  	[smem:$0x3FA2] =	sst s1  }
0xa: {  	[smem:$0x3FA3] =	sst s2  }
0xb: {  	[smem:$0x3FA4] =	sst s3  }
0xc: {  	[smem:$0x3FA5] =	sst s4  }
0xd: {  	[smem:$0x3FA6] =	sst s5  }
0xe: {  	[smem:$0x3FA7] =	sst s6  }
0xf: {  	[smem:$0x3FA8] =	sst s7  }
0x10: {  	[smem:$0x3FA9] =	sst s8  }
0x11: {  	[smem:$0x3FAA] =	sst s9;
	s0 =	simm.s32 @!p0 $0x0  }
0x12: {  	s1 =	sld [smem:$0x3F90];
	s0 =	simm.s32 @p0 $0x1  }
0x13: {  	[smem:$0x3FAB] =	sst s0;
	s0 =	simm.s32 @!p1 $0x0  }
0x14: {  	s2 =	sld [smem:$0x3F8F];
	s0 =	simm.s32 @p1 $0x1  }
0x15: {  	[smem:$0x3FAC] =	sst s0;
	s0 =	simm.s32 @!p2 $0x0  }
0x16: {  	s3 =	sld [smem:$0x3FDB];
	s0 =	simm.s32 @p2 $0x1  }
0x17: {  	s4 =	simm.s32 $0x1BF5;
	[smem:$0x3FAE] =	sst s0  }
0x18: {  	s0 =	sld [smem:$0x3F91];
	_ =	swait.ge [sflag:s4], $0x0  }
0x19: {  	s7 =	sld [smem:$0x3F92]  }
0x1a: {  	s8 =	sadd.s32 $0xFFFFE003, lr  }
0x1b: {  	s9 =	sadd.s32 $0xFFFFFEF7, lr;
	s5 =	simm.s32 $0xFFFFFFFF;
	p2 =	slt.u32 s8, $0xFFFFF086  }
0x1c: {  	p1 =	slt.u32 s9, $0xF7A;
	s5 =	simm.s32 @!p2 $0x0  }
0x1d: {  	s5 =	simm.s32 @p1 $0x1;
	p0 =	seq.s32 s7, s2  }
0x1e: {  	s7 =	smul.u32 @!p0 $0xF7A, s2;
	p2 =	seq.s32 @!p0 s5, $0x0  }
0x1f: {  	s9 =	smul.u32 $0xF7A, s1;
	s8 =	simm.s32 @!p0 $0x1BF5;
	p2 =	por !p2, p0  }
0x20: {  	[sflag:s8] =	ssyncset.s32 @!p0 $0xFFFFF086;
	s6 =	sadd.s32 @!p0 s3, s7;
	s7 =	simm.s32 @!p0 $0x108  }
0x21: {  	s3 =	sadd.s32 s3, s9;
	s6 =	sadd.s32 @!p0 $0x88, s6;
	s7 =	simm.s32 @p2 $0x1082  }
0x22: {  	[simem:s7], [sflag:s8] =	dma.local @!p0 [hbm:s6], $0xF7A  }
0x23: {  	s9 =	sor.u32 $0xD0000000, s2;
	s6 =	simm.s32 $0x108;
	_ =	swait.ge @!p0 [sflag:s8], $0x0  }
0x24: {  	s3 =	sadd.s32 $0x88, s3;
	s6 =	simm.s32 @!p1 $0x1082;
	[sflag:s4] =	ssyncset.s32 $0xFFFFF086  }
0x25: {  	[simem:s6], [sflag:s4] =	dma.local [hbm:s3], $0xF7A  }
0x26: {  	[smem:$0x3F92] =	sst s1;
	(tag) =	ssettag s2;
	_ =	strace s9  }
0x27: {  	s1 =	sld [smem:$0x3FA2]  }
0x28: {  	s2 =	sld [smem:$0x3FA3]  }
0x29: {  	s4 =	sld [smem:$0x3FA5]  }
0x2a: {  	p0 =	seq.s32 s5, $0x0;
	s5 =	sld [smem:$0x3FA6]  }
0x2b: {  	s6 =	sld [smem:$0x3FA7]  }
0x2c: {  	s7 =	sld [smem:$0x3FA8]  }
0x2d: {  	s3 =	simm.s32 $0x108;
	s8 =	sld [smem:$0x3FA9]  }
0x2e: {  	s3 =	simm.s32 @!p0 $0x1082;
	s9 =	sld [smem:$0x3FAA]  }
0x2f: {  	lr =	sadd.s32 s0, s3;
	s0 =	sld [smem:$0x3FA1]  }
0x30: {  	s3 =	sld [smem:$0x3FA4]  }
0x31: {  	[smem:$0x3FAD] =	sst s10  }
0x32: {  	s10 =	sld [smem:$0x3FAB];
	_ =	sdelay $0x3  }
0x33: {  	p0 =	seq.s32 s10, $0x1;
	s10 =	sld [smem:$0x3FAD];
	_ =	sdelay $0x3  }
0x34: {  	[smem:$0x3FAD] =	sst s10  }
0x35: {  	s10 =	sld [smem:$0x3FAC];
	_ =	sdelay $0x3  }
0x36: {  	p1 =	seq.s32 s10, $0x1;
	s10 =	sld [smem:$0x3FAD];
	_ =	sdelay $0x3  }
0x37: {  	[smem:$0x3FAD] =	sst s10  }
0x38: {  	s10 =	sld [smem:$0x3FAE]  }
0x39: {  	_ = 	snop;
	(pc) =	sbr.ind lr, $3  }
0x3a: {  	_ = 	snop  }
0x3b: {  	_ = 	snop  }
0x3c: {  	p2 =	seq.s32 s10, $0x1;
	s10 =	sld [smem:$0x3FAD]  }
0x3d: {  	_ =	shalt  }
0x3e: {  	_ =	shalt  }
0x3f: {  	_ =	shalt  }
0x40: {  	_ =	shalt  }
0x41: {  	_ =	shalt  }
0x42: {  	_ =	shalt  }
0x43: {  	_ =	shalt  }
0x44: {  	_ =	shalt  }
0x45: {  	_ =	shalt  }
0x46: {  	_ =	shalt  }
0x47: {  	_ =	shalt  }
0x48: {  	_ =	shalt  }
0x49: {  	_ =	shalt  }
0x4a: {  	_ =	shalt  }
0x4b: {  	_ =	shalt  }
0x4c: {  	_ =	shalt  }
0x4d: {  	_ =	shalt  }
0x4e: {  	_ =	shalt  }
0x4f: {  	_ =	shalt  }
0x50: {  	_ =	shalt  }
0x51: {  	_ =	shalt  }
0x52: {  	_ =	shalt  }
0x53: {  	_ =	shalt  }
0x54: {  	_ =	shalt  }
0x55: {  	_ =	shalt  }
0x56: {  	_ =	shalt  }
0x57: {  	_ =	shalt  }
0x58: {  	_ =	shalt  }
0x59: {  	_ =	shalt  }
0x5a: {  	_ =	shalt  }
0x5b: {  	_ =	shalt  }
0x5c: {  	_ =	shalt  }
0x5d: {  	_ =	shalt  }
0x5e: {  	_ =	shalt  }
0x5f: {  	_ =	shalt  }
0x60: {  	_ =	shalt  }
0x61: {  	_ =	shalt  }
0x62: {  	_ =	shalt  }
0x63: {  	_ =	shalt  }
0x64: {  	_ =	shalt  }
0x65: {  	_ =	shalt  }
0x66: {  	_ =	shalt  }
0x67: {  	_ =	shalt  }
0x68: {  	_ =	shalt  }
0x69: {  	_ =	shalt  }
0x6a: {  	_ =	shalt  }
0x6b: {  	_ =	shalt  }
0x6c: {  	_ =	shalt  }
0x6d: {  	_ =	shalt  }
0x6e: {  	_ =	shalt  }
0x6f: {  	_ =	shalt  }
0x70: {  	_ =	shalt  }
0x71: {  	_ =	shalt  }
0x72: {  	_ =	shalt  }
0x73: {  	_ =	shalt  }
0x74: {  	_ =	shalt  }
0x75: {  	_ =	shalt  }
0x76: {  	_ =	shalt  }
0x77: {  	_ =	shalt  }
0x78: {  	_ =	shalt  }
0x79: {  	_ =	shalt  }
0x7a: {  	_ =	shalt  }
0x7b: {  	_ =	shalt  }
0x7c: {  	_ =	shalt  }
0x7d: {  	_ =	shalt  }
0x7e: {  	_ =	shalt  }
0x7f: {  	_ =	shalt  }
0x80: {  	_ =	shalt  }
0x81: {  	_ =	shalt  }
0x82: {  	_ =	shalt  }
0x83: {  	_ =	shalt  }
0x84: {  	_ =	shalt  }
0x85: {  	_ =	shalt  }
0x86: {  	_ =	shalt  }
0x87: {  	_ =	shalt  }
.Lfunc_end0:
.L_simem_size_0:
called_computation_lowered:
.L_overlay_start_0:
0x88: {  	s2 =	sld [smem:$0x3FD9]  }
0x89: {  	s3 =	sld [smem:$0x3FFE];
	_ =	sdelay $0x1  }
0x8a: {  	s1 =	srdreg.scid  }
0x8b: {  	s0 =	sand.u32 $0x1, s1  }
0x8c: {  	s16 =	sshll.u32 s0, $0xA;
	s2 =	sadd.s32 s3, s2  }
0x8d: {  	s2 =	sadd.s32 s2, s16  }
0x8e: {  	[smem:$0x3FB9] =	sst s2  }
0x8f: {  	_ = 	snop  }
0x90: {  	(tm) =	ssettm $0x1  }
0x91: {  	s17 =	sld [smem:$0x3FFB];
	_ =	sdelay $0x3  }
0x92: {  	_ =	strace s17  }
0x93: {  	s2 =	sld [smem:$0x3FFC];
	_ =	sdelay $0x3  }
0x94: {  	_ =	strace s2  }
0x95: {  	s2 =	sld [smem:$0x3FFD];
	_ =	sdelay $0x3  }
0x96: {  	_ =	strace s2  }
0x97: {  	_ =	strace $0x8FFFFFFF  }
0x98: {  	s18 =	sld [smem:$0x3FDB];
	_ =	sdelay $0x1  }
0x99: {  	s19 =	simm.s32 $_scs_section_size  }
0x9a: {  	s4 =	simm.s32 $_size__tile_overlayer_lowered;
	s5 =	simm.s32 $_tile_overlayer_lowered  }
0x9b: {  	s22 =	simm.s32 $0x1BFF;
	s21 =	sshll.u32 s5, $0x1;
	s2 =	sadd.s32 s19, s18  }
0x9c: {  	s6 =	simm.s32 $0x0;
	s20 =	sshll.u32 s4, $0x1;
	s4 =	sadd.s32 s21, s2  }
0x9d: {  	[timem:s6], [sflag:s22] =	dma.local [hbm:s4], s20  }
0x9e: {  	_ =	swait.ge [sflag:s22], s20  }
0x9f: {  	s3 =	ssub.s32 $0x0, s20;
	[sflag:s22] =	ssyncset.done $0x0  }
0xa0: {  	[sflag:s22] =	ssyncadd.s32 s3;
	_ =	sdelay $0x1  }
0xa1: {  	s23 =	simm.s32 $0x1B8B  }
0xa2: {  	_ =	swait.ge [sflag:s23], $0x1  }
0xa3: {  	[sflag:s23] =	ssyncset.done $0x0  }
0xa4: {  	s25 =	simm.s32 $0x1B8E;
	s24 =	sld [smem:$0x3FFE];
	[sflag:s23] =	ssyncadd.s32 $0xFFFFFFFF  }
0xa5: {  	s26 =	simm.s32 $execute0_lowered;
	[smem:$0x3FD2] =	sst s25  }
0xa6: {  	s4 =	sshll.u32 s26, $0x1;
	_ =	strace $0x80000046;
	[dreg:$0x1] =	wrdreg $0xFFFFFFFF  }
0xa7: {  	s28 =	simm.s32 $_size_execute0_lowered;
	s2 =	sadd.s32 s2, s4;
	[dreg:$0x0] =	wrdreg $0x0  }
0xa8: {  	s4 =	sshll.u32 s28, $0x1;
	[dreg:$0x2] =	wrdreg s2  }
0xa9: {  	[dreg:$0x3] =	wrdreg s4  }
0xaa: {  	[dreg:$0x4] =	wrdreg $0xC0  }
0xab: {  	_ =	task [dreg:s6], $0x5FFFF  }
0xac: {  	[dreg:$0x1] =	wrdreg $0xFFFFFFFF  }
0xad: {  	[dreg:$0x0] =	wrdreg $0x60  }
0xae: {  	[dreg:$0x2] =	wrdreg s24  }
0xaf: {  	[dreg:$0x3] =	wrdreg $0x20800  }
0xb0: {  	[dreg:$0x4] =	wrdreg $0x9  }
0xb1: {  	_ =	task.clear_ibuf [dreg:s6], $0x5FFFF;
	_ =	strace $0x90000046  }
0xb2: {  	s29 =	simm.s32 $0x9;
	_ =	strace $0x80000048  }
0xb3: {  	_ =	swait.ge [sflag:s29], $0x1  }
0xb4: {  	[sflag:s29] =	ssyncadd.s32 $0xFFFFFFFF  }
0xb5: {  	_ =	strace $0x90000048  }
0xb6: {  	_ =	sfence  }
0xb7: {  	s30 =	sld [smem:$0x0];
	_ =	sdelay $0x2  }
0xb8: {  	s31 =	sshll.u32 s1, $0xD;
	s1 =	sshrl.u32 s1, $0x2  }
0xb9: {  	s3 =	sand.u32 $0x4000, s31;
	s1 =	sadd.s32 s1, s30  }
0xba: {  	s0 =	sor.u32 s3, s0;
	s1 =	sshll.u32 s1, $0x11  }
0xbb: {  	s0 =	sor.u32 s1, s0  }
0xbc: {  	s0 =	sadd.s32 $0x8F2B, s0  }
0xbd: {  	[sflag:s0] =	ssyncadd.remote.s32 $0x1  }
0xbe: {  	_ =	sfence.sel $0xFFFF  }
0xbf: {  	[dreg:$0x0] =	wrdreg $0xFFFFFFFF;
	(pc) =	sbr.abs _section_cstart, $3  }
0xc0: {  	[dreg:$0x1] =	wrdreg $0xFFFFFFFF  }
0xc1: {  	_ =	task.clear_ibuf [dreg:s6], $0x2FFFF;
	_ =	strace $0x9FFFFFFF  }
0xc2: {  	(tm) =	ssettm $0x7FFFFFFF  }
0xc3: {  	_ =	shalt  }
tec
execute0_lowered:
.L_overlay_start_1:
0x0: {  	(tag) =	ssettag $0x1  }
0x1: {  	s1 =	rddreg [dreg:$0x0];
	s0 =	simm.s32 $0x0;
	s3 =	srdreg.scid  }
0x2: {  	s6 =	stileid.u32;
	[smem:$0x7FF] =	sst s0  }
0x3: {  	s3 =	sand.u32 $0x1, s3;
	s8 =	sshll.u32 s6, $0x7;
	s6 =	smul.u32 $0x1900, s6  }
0x4: {  	s2 =	sadd.s32 $0x3400, s1;
	s4 =	ssub.s32 $0x2, s3;
	s9 =	smul.u32 $0x7000, s3  }
0x5: {  	s1 =	sadd.s32 $0x5000, s1;
	s12 =	smul.u32 $0x7, s3;
	s5 =	sshrl.u32 s4, $0x1  }
0x6: {  	s3 =	smul.u32 $0xAF000, s3;
	s7 =	ssub.s32 s4, s5;
	s4 =	sor.u32 $0x800, s8  }
0x7: {  	s10 =	sor.u32 s8, s9;
	s11 =	sadd.s32 $0x1, s12;
	s5 =	sshll.u32 s12, $0xC  }
0x8: {  	s3 =	sadd.s32 s6, s3;
	s9 =	sor.u32 s9, s4;
	s10 =	sshrl.u32 s10, $0x3  }
0x9: {  	s13 =	sshll.u32 s11, $0xC;
	s12 =	sadd.s32 $0x2000, s5;
	s17 =	sadd.s32 $0x3000, s5  }
0xa: {  	s23 =	sadd.s32 $0x4000, s5;
	s25 =	sadd.s32 $0x5000, s5;
	s5 =	sadd.s32 $0x6000, s5  }
0xb: {  	s7 =	smax.u32 s7, $0x1;
	s9 =	sshrl.u32 s9, $0x3;
	s10 =	sadd.s32 s2, s10  }
0xc: {  	s14 =	sor.u32 s8, s13;
	s15 =	sor.u32 s8, s12;
	s16 =	sor.u32 s4, s12  }
0xd: {  	s19 =	sor.u32 s8, s17;
	s21 =	sor.u32 s4, s17;
	s24 =	sor.u32 s8, s23  }
0xe: {  	s12 =	smul.u32 $0x19000, s11;
	s17 =	sadd.s32 $0x32000, s3;
	s11 =	simm.s32 $0x700  }
0xf: {  	[dreg:$0x3] =	wrdreg s10;
	s9 =	sadd.s32 s2, s9;
	s10 =	sshrl.u32 s14, $0x3  }
0x10: {  	s18 =	sshrl.u32 s16, $0x3;
	s20 =	sshrl.u32 s19, $0x3;
	s22 =	sshrl.u32 s21, $0x3  }
0x11: {  	s14 =	sshrl.u32 s3, $0x3;
	s19 =	sadd.s32 $0x64000, s3;
	[dreg:$0x4] =	wrdreg s9  }
0x12: {  	s9 =	sor.u32 s4, s13;
	s10 =	sadd.s32 s2, s10;
	s13 =	sor.u32 s8, s25  }
0x13: {  	s8 =	sor.u32 s8, s5;
	s21 =	sshrl.u32 s19, $0x3;
	s19 =	simm.s32 $0x480  }
0x14: {  	s9 =	sshrl.u32 s9, $0x3;
	[dreg:$0x5] =	wrdreg s10;
	s10 =	sor.u32 s4, s23  }
0x15: {  	s30 =	sshrl.u32 s13, $0x3;
	s8 =	sshrl.u32 s8, $0x3;
	s13 =	sadd.s32 s6, s12  }
0x16: {  	s23 =	sadd.s32 $0x7D000, s3;
	s9 =	sadd.s32 s2, s9;
	s26 =	sshrl.u32 s10, $0x3  }
0x17: {  	s31 =	sadd.s32 s2, s30;
	s10 =	sor.u32 s4, s25;
	[dreg:$0x6] =	wrdreg s9  }
0x18: {  	s8 =	sadd.s32 s2, s8;
	s4 =	sor.u32 s4, s5;
	[dreg:$0xd] =	wrdreg s31  }
0x19: {  	s9 =	sshrl.u32 s15, $0x3;
	[dreg:$0xf] =	wrdreg s8;
	s4 =	sshrl.u32 s4, $0x3  }
0x1a: {  	s15 =	sshrl.u32 s13, $0x3;
	s8 =	simm.s32 $0x780;
	s9 =	sadd.s32 s2, s9  }
0x1b: {  	s16 =	sadd.s32 s1, s15;
	s15 =	simm.s32 $0x200;
	[dreg:$0x7] =	wrdreg s9  }
0x1c: {  	s9 =	sadd.s32 s2, s18;
	[dreg:$0x12] =	wrdreg s16;
	s18 =	sadd.s32 $0x4B000, s3  }
0x1d: {  	s3 =	sadd.s32 $0x96000, s3;
	[dreg:$0x8] =	wrdreg s9;
	s9 =	sadd.s32 s2, s20  }
0x1e: {  	s16 =	simm.s32 $0x280;
	[dreg:$0x9] =	wrdreg s9;
	s9 =	sadd.s32 s2, s22  }
0x1f: {  	s22 =	sadd.s32 s1, s21;
	[dreg:$0xa] =	wrdreg s9;
	s9 =	sshrl.u32 s24, $0x3  }
0x20: {  	s20 =	sshrl.u32 s18, $0x3;
	[dreg:$0x15] =	wrdreg s22;
	s9 =	sadd.s32 s2, s9  }
0x21: {  	s25 =	sshrl.u32 s3, $0x3;
	[dreg:$0xb] =	wrdreg s9;
	s9 =	sadd.s32 s2, s26  }
0x22: {  	s18 =	simm.s32 $0x400;
	[dreg:$0xc] =	wrdreg s9;
	s9 =	sshrl.u32 s10, $0x3  }
0x23: {  	s24 =	rddreg [dreg:$0x1];
	s9 =	sadd.s32 s2, s9;
	s2 =	sadd.s32 s2, s4  }
0x24: {  	s22 =	simm.s32 $0x300;
	[dreg:$0x10] =	wrdreg s2;
	s2 =	sadd.s32 s1, s14  }
0x25: {  	s30 =	sadd.s32 $0x19000, s24;
	[dreg:$0x11] =	wrdreg s2;
	s2 =	sshrl.u32 s17, $0x3  }
0x26: {  	s28 =	sadd.s32 $0x32000, s24;
	s29 =	sadd.s32 $0x4B000, s24;
	s2 =	sadd.s32 s1, s2  }
0x27: {  	s3 =	sadd.s32 $0x96000, s24;
	[dreg:$0x13] =	wrdreg s2;
	s2 =	sadd.s32 s1, s20  }
0x28: {  	s26 =	sadd.s32 s6, s24;
	[dreg:$0x14] =	wrdreg s2;
	s2 =	sshrl.u32 s23, $0x3  }
0x29: {  	s31 =	sadd.s32 s6, s28;
	[dreg:$0xe] =	wrdreg s9;
	s2 =	sadd.s32 s1, s2  }
0x2a: {  	s21 =	sadd.s32 s6, s29;
	s1 =	sadd.s32 s1, s25;
	[dreg:$0x16] =	wrdreg s2  }
0x2b: {  	s10 =	simm.s32 $0x80;
	s9 =	simm.s32 $0x1;
	[dreg:$0x17] =	wrdreg s1  }
0x2c: {  	s17 =	simm.s32 $0x380;
	_ =	strace $0x80000047;
	[dreg:$0x19] =	wrdreg s26  }
0x2d: {  	s20 =	simm.s32 $0x500;
	s1 =	sadd.s32 s6, s30;
	[dreg:$0x1c] =	wrdreg s30  }
0x2e: {  	s23 =	simm.s32 $0x580;
	s25 =	simm.s32 $0x680;
	[dreg:$0x1a] =	wrdreg s1  }
0x2f: {  	s2 =	sadd.s32 $0x7D000, s24;
	[dreg:$0x1b] =	wrdreg s31;
	s1 =	sadd.s32 $0x64000, s24  }
0x30: {  	s5 =	sadd.s32 s6, s2;
	[dreg:$0x18] =	wrdreg s7;
	s7 =	simm.s32 $0x0  }
0x31: {  	v0 =	vimm.f32 $0.0e+00;
	v1 =	vimm.f32 $1.000000000e+00;
	s24 =	simm.s32 $0x600;
	s4 =	sadd.s32 s6, s1;
	s6 =	sadd.s32 s6, s3  }
.LBB2_1:
0x32: {  	s12 =	simm.s32 $0x0;
	s13 =	simm.s32 $0x200  }
.LBB2_2:
0x33: {  	p0 =	sne.s32 s13, $0x6200;
	[tilespmem:s12+$0x7F0] =	vst v0  }
0x34: {  	[tilespmem:s12+$0x780] =	vst v0  }
0x35: {  	[tilespmem:s12+$0x790] =	vst v0  }
.Ltmp0:
0x36: {  	[tilespmem:s12+$0x7A0] =	vst v0;
	(pc) =	sbr.rel @p0 .LBB2_2-.Ltmp0, $4  }
0x37: {  	[tilespmem:s12+$0x7B0] =	vst v0  }
0x38: {  	[tilespmem:s12+$0x7C0] =	vst v0  }
0x39: {  	[tilespmem:s12+$0x7D0] =	vst v0  }
0x3a: {  	[tilespmem:s12+$0x7E0] =	vst v0;
	s12 =	sshra.s32 s13, $0x2;
	s13 =	sadd.s32 $0x200, s13  }
0x3b: {  	[tilespmem:s12+$0x7F0] =	vst v0  }
0x3c: {  	[tilespmem:s12+$0x780] =	vst v0  }
0x3d: {  	[tilespmem:s12+$0x790] =	vst v0  }
0x3e: {  	[tilespmem:s12+$0x7A0] =	vst v0  }
0x3f: {  	[tilespmem:s12+$0x7B0] =	vst v0  }
0x40: {  	[tilespmem:s12+$0x7C0] =	vst v0  }
0x41: {  	[tilespmem:s12+$0x7D0] =	vst v0  }
0x42: {  	[tilespmem:s12+$0x7E0] =	vst v0  }
0x43: {  	[tilespmem:$0x700] =	vst v1  }
0x44: {  	[tilespmem:$0x710] =	vst v1  }
0x45: {  	[tilespmem:$0x720] =	vst v1  }
0x46: {  	[tilespmem:$0x730] =	vst v1  }
0x47: {  	[tilespmem:$0x740] =	vst v1  }
0x48: {  	[tilespmem:$0x750] =	vst v1  }
0x49: {  	[tilespmem:$0x760] =	vst v1  }
0x4a: {  	s30 =	rddreg [dreg:$0x19];
	[tilespmem:$0x770] =	vst v1  }
0x4b: {  	[spmem:s30] =	stream.linear.scatter [tilespmem:s8], [sflag:$0x1], $0x1900, $0x38;
	[tilespmem:$0xCF80] =	vst v63  }
0x4c: {  	_ =	swait.ge [sflag:s9], $0x1900  }
0x4d: {  	[sflag:s9] =	ssyncset.done $0x0  }
0x4e: {  	s31 =	rddreg [dreg:$0x1a];
	[sflag:s9] =	ssyncadd.s32 $0xFFFFE700  }
0x4f: {  	[spmem:s31] =	stream.linear.scatter [tilespmem:s8], [sflag:$0x1], $0x1900, $0x38;
	[tilespmem:$0xCF80] =	vst v63  }
0x50: {  	_ =	swait.ge [sflag:s9], $0x1900  }
0x51: {  	[sflag:s9] =	ssyncset.done $0x0  }
0x52: {  	s26 =	rddreg [dreg:$0x1b];
	[sflag:s9] =	ssyncadd.s32 $0xFFFFE700  }
0x53: {  	[spmem:s26] =	stream.linear.scatter [tilespmem:s8], [sflag:$0x1], $0x1900, $0x38;
	[tilespmem:$0xCF80] =	vst v63  }
0x54: {  	_ =	swait.ge [sflag:s9], $0x1900  }
0x55: {  	[sflag:s9] =	ssyncset.done $0x0  }
0x56: {  	[sflag:s9] =	ssyncadd.s32 $0xFFFFE700  }
0x57: {  	[spmem:s21] =	stream.linear.scatter [tilespmem:s8], [sflag:$0x1], $0x1900, $0x38;
	[tilespmem:$0xCF80] =	vst v63  }
0x58: {  	_ =	swait.ge [sflag:s9], $0x1900  }
0x59: {  	[sflag:s9] =	ssyncset.done $0x0  }
0x5a: {  	[sflag:s9] =	ssyncadd.s32 $0xFFFFE700  }
0x5b: {  	[spmem:s4] =	stream.linear.scatter [tilespmem:s8], [sflag:$0x1], $0x1900, $0x38;
	[tilespmem:$0xCF80] =	vst v63  }
0x5c: {  	_ =	swait.ge [sflag:s9], $0x1900  }
0x5d: {  	[sflag:s9] =	ssyncset.done $0x0  }
0x5e: {  	[sflag:s9] =	ssyncadd.s32 $0xFFFFE700  }
0x5f: {  	[spmem:s5] =	stream.linear.scatter [tilespmem:s8], [sflag:$0x1], $0x1900, $0x38;
	[tilespmem:$0xCF80] =	vst v63  }
0x60: {  	_ =	swait.ge [sflag:s9], $0x1900  }
0x61: {  	[sflag:s9] =	ssyncset.done $0x0  }
0x62: {  	[sflag:s9] =	ssyncadd.s32 $0xFFFFE700  }
0x63: {  	[spmem:s6] =	stream.linear.scatter [tilespmem:s8], [sflag:$0x1], $0x1900, $0x38;
	[tilespmem:$0xCF80] =	vst v63  }
0x64: {  	_ =	swait.ge [sflag:s9], $0x1900  }
0x65: {  	[sflag:s9] =	ssyncset.done $0x0  }
0x66: {  	s14 =	rddreg [dreg:$0x3];
	[sflag:s9] =	ssyncadd.s32 $0xFFFFE700  }
0x67: {  	[tilespmem:s0], [sflag:$0x1] =	stream.linear.gather [hbm4b:s14+s0], $0x80, $0x38;
	[tilespmem:$0xCF80] =	vst v63  }
0x68: {  	_ =	swait.ge [sflag:s9], $0x80  }
0x69: {  	[sflag:s9] =	ssyncset.done $0x0  }
0x6a: {  	s13 =	rddreg [dreg:$0x4];
	[sflag:s9] =	ssyncadd.s32 $0xFFFFFF80  }
0x6b: {  	[tilespmem:s10], [sflag:$0x1] =	stream.linear.gather [hbm4b:s13+s0], $0x80, $0x38;
	[tilespmem:$0xCF80] =	vst v63  }
0x6c: {  	_ =	swait.ge [sflag:s9], $0x80  }
0x6d: {  	[sflag:s9] =	ssyncset.done $0x0  }
0x6e: {  	s13 =	simm.s32 $0x100;
	s14 =	rddreg [dreg:$0x5];
	[sflag:s9] =	ssyncadd.s32 $0xFFFFFF80  }
0x6f: {  	[tilespmem:s13], [sflag:$0x1] =	stream.linear.gather [hbm4b:s14+s0], $0x80, $0x38;
	[tilespmem:$0xCF80] =	vst v63  }
0x70: {  	_ =	swait.ge [sflag:s9], $0x80  }
0x71: {  	[sflag:s9] =	ssyncset.done $0x0  }
0x72: {  	s14 =	simm.s32 $0x180;
	s12 =	rddreg [dreg:$0x6];
	[sflag:s9] =	ssyncadd.s32 $0xFFFFFF80  }
0x73: {  	[tilespmem:s14], [sflag:$0x1] =	stream.linear.gather [hbm4b:s12+s0], $0x80, $0x38;
	[tilespmem:$0xCF80] =	vst v63  }
0x74: {  	_ =	swait.ge [sflag:s9], $0x80  }
0x75: {  	[sflag:s9] =	ssyncset.done $0x0  }
0x76: {  	s12 =	rddreg [dreg:$0x7];
	[sflag:s9] =	ssyncadd.s32 $0xFFFFFF80  }
0x77: {  	[tilespmem:s15], [sflag:$0x1] =	stream.linear.gather [hbm4b:s12+s0], $0x80, $0x38;
	[tilespmem:$0xCF80] =	vst v63  }
0x78: {  	_ =	swait.ge [sflag:s9], $0x80  }
0x79: {  	[sflag:s9] =	ssyncset.done $0x0  }
0x7a: {  	s12 =	rddreg [dreg:$0x8];
	[sflag:s9] =	ssyncadd.s32 $0xFFFFFF80  }
0x7b: {  	[tilespmem:s16], [sflag:$0x1] =	stream.linear.gather [hbm4b:s12+s0], $0x80, $0x38;
	[tilespmem:$0xCF80] =	vst v63  }
0x7c: {  	_ =	swait.ge [sflag:s9], $0x80  }
0x7d: {  	[sflag:s9] =	ssyncset.done $0x0  }
0x7e: {  	s12 =	rddreg [dreg:$0x9];
	[sflag:s9] =	ssyncadd.s32 $0xFFFFFF80  }
0x7f: {  	[tilespmem:s22], [sflag:$0x1] =	stream.linear.gather [hbm4b:s12+s0], $0x80, $0x38;
	[tilespmem:$0xCF80] =	vst v63  }
0x80: {  	_ =	swait.ge [sflag:s9], $0x80  }
0x81: {  	[sflag:s9] =	ssyncset.done $0x0  }
0x82: {  	s12 =	rddreg [dreg:$0xa];
	[sflag:s9] =	ssyncadd.s32 $0xFFFFFF80  }
0x83: {  	[tilespmem:s17], [sflag:$0x1] =	stream.linear.gather [hbm4b:s12+s0], $0x80, $0x38;
	[tilespmem:$0xCF80] =	vst v63  }
0x84: {  	_ =	swait.ge [sflag:s9], $0x80  }
0x85: {  	[sflag:s9] =	ssyncset.done $0x0  }
0x86: {  	s12 =	rddreg [dreg:$0xb];
	[sflag:s9] =	ssyncadd.s32 $0xFFFFFF80  }
0x87: {  	[tilespmem:s18], [sflag:$0x1] =	stream.linear.gather [hbm4b:s12+s0], $0x80, $0x38;
	[tilespmem:$0xCF80] =	vst v63  }
0x88: {  	_ =	swait.ge [sflag:s9], $0x80  }
0x89: {  	[sflag:s9] =	ssyncset.done $0x0  }
0x8a: {  	s12 =	rddreg [dreg:$0xc];
	[sflag:s9] =	ssyncadd.s32 $0xFFFFFF80  }
0x8b: {  	[tilespmem:s19], [sflag:$0x1] =	stream.linear.gather [hbm4b:s12+s0], $0x80, $0x38;
	[tilespmem:$0xCF80] =	vst v63  }
0x8c: {  	_ =	swait.ge [sflag:s9], $0x80  }
0x8d: {  	[sflag:s9] =	ssyncset.done $0x0  }
0x8e: {  	s12 =	rddreg [dreg:$0xd];
	[sflag:s9] =	ssyncadd.s32 $0xFFFFFF80  }
0x8f: {  	[tilespmem:s20], [sflag:$0x1] =	stream.linear.gather [hbm4b:s12+s0], $0x80, $0x38;
	[tilespmem:$0xCF80] =	vst v63  }
0x90: {  	_ =	swait.ge [sflag:s9], $0x80  }
0x91: {  	[sflag:s9] =	ssyncset.done $0x0  }
0x92: {  	s12 =	rddreg [dreg:$0xe];
	[sflag:s9] =	ssyncadd.s32 $0xFFFFFF80  }
0x93: {  	[tilespmem:s23], [sflag:$0x1] =	stream.linear.gather [hbm4b:s12+s0], $0x80, $0x38;
	[tilespmem:$0xCF80] =	vst v63  }
0x94: {  	_ =	swait.ge [sflag:s9], $0x80  }
0x95: {  	[sflag:s9] =	ssyncset.done $0x0  }
0x96: {  	s12 =	rddreg [dreg:$0xf];
	[sflag:s9] =	ssyncadd.s32 $0xFFFFFF80  }
0x97: {  	[tilespmem:s24], [sflag:$0x1] =	stream.linear.gather [hbm4b:s12+s0], $0x80, $0x38;
	[tilespmem:$0xCF80] =	vst v63  }
0x98: {  	_ =	swait.ge [sflag:s9], $0x80  }
0x99: {  	[sflag:s9] =	ssyncset.done $0x0  }
0x9a: {  	s12 =	rddreg [dreg:$0x10];
	[sflag:s9] =	ssyncadd.s32 $0xFFFFFF80  }
0x9b: {  	[tilespmem:s25], [sflag:$0x1] =	stream.linear.gather [hbm4b:s12+s0], $0x80, $0x38;
	[tilespmem:$0xCF80] =	vst v63  }
0x9c: {  	_ =	swait.ge [sflag:s9], $0x80  }
0x9d: {  	[sflag:s9] =	ssyncset.done $0x0  }
0x9e: {  	[sflag:s9] =	ssyncadd.s32 $0xFFFFFF80  }
0x9f: {  	[bflag:$0x0] =	sbarrier.arrive $0xFFFF  }
0xa0: {  	s12 =	rddreg [dreg:$0x1]  }
0xa1: {  	[spmem:s12] =	stream.indirect.scatter.add.f32 [tilespmem:s11], [sflag:$0x1], $0x1, s0, s10, $0xb8;
	[tilespmem:$0xCF80] =	vst v63  }
0xa2: {  	_ =	swait.ge [sflag:s9], $0x80  }
0xa3: {  	[sflag:s9] =	ssyncset.done $0x0  }
0xa4: {  	[sflag:s9] =	ssyncadd.s32 $0xFFFFFF80  }
0xa5: {  	[spmem:s12] =	stream.indirect.scatter.add.f32 [tilespmem:s11], [sflag:$0x1], $0x1, s10, s10, $0xb8;
	[tilespmem:$0xCF80] =	vst v63  }
0xa6: {  	_ =	swait.ge [sflag:s9], $0x80  }
0xa7: {  	[sflag:s9] =	ssyncset.done $0x0  }
0xa8: {  	s12 =	rddreg [dreg:$0x1c];
	[sflag:s9] =	ssyncadd.s32 $0xFFFFFF80  }
0xa9: {  	[spmem:s12] =	stream.indirect.scatter.add.f32 [tilespmem:s11], [sflag:$0x1], $0x1, s13, s10, $0xb8;
	[tilespmem:$0xCF80] =	vst v63  }
0xaa: {  	_ =	swait.ge [sflag:s9], $0x80  }
0xab: {  	[sflag:s9] =	ssyncset.done $0x0  }
0xac: {  	[sflag:s9] =	ssyncadd.s32 $0xFFFFFF80  }
0xad: {  	[spmem:s12] =	stream.indirect.scatter.add.f32 [tilespmem:s11], [sflag:$0x1], $0x1, s14, s10, $0xb8;
	[tilespmem:$0xCF80] =	vst v63  }
0xae: {  	_ =	swait.ge [sflag:s9], $0x80  }
0xaf: {  	[sflag:s9] =	ssyncset.done $0x0  }
0xb0: {  	[sflag:s9] =	ssyncadd.s32 $0xFFFFFF80  }
0xb1: {  	[spmem:s28] =	stream.indirect.scatter.add.f32 [tilespmem:s11], [sflag:$0x1], $0x1, s15, s10, $0xb8;
	[tilespmem:$0xCF80] =	vst v63  }
0xb2: {  	_ =	swait.ge [sflag:s9], $0x80  }
0xb3: {  	[sflag:s9] =	ssyncset.done $0x0  }
0xb4: {  	[sflag:s9] =	ssyncadd.s32 $0xFFFFFF80  }
0xb5: {  	[spmem:s28] =	stream.indirect.scatter.add.f32 [tilespmem:s11], [sflag:$0x1], $0x1, s16, s10, $0xb8;
	[tilespmem:$0xCF80] =	vst v63  }
0xb6: {  	_ =	swait.ge [sflag:s9], $0x80  }
0xb7: {  	[sflag:s9] =	ssyncset.done $0x0  }
0xb8: {  	[sflag:s9] =	ssyncadd.s32 $0xFFFFFF80  }
0xb9: {  	[spmem:s29] =	stream.indirect.scatter.add.f32 [tilespmem:s11], [sflag:$0x1], $0x1, s22, s10, $0xb8;
	[tilespmem:$0xCF80] =	vst v63  }
0xba: {  	_ =	swait.ge [sflag:s9], $0x80  }
0xbb: {  	[sflag:s9] =	ssyncset.done $0x0  }
0xbc: {  	[sflag:s9] =	ssyncadd.s32 $0xFFFFFF80  }
0xbd: {  	[spmem:s29] =	stream.indirect.scatter.add.f32 [tilespmem:s11], [sflag:$0x1], $0x1, s17, s10, $0xb8;
	[tilespmem:$0xCF80] =	vst v63  }
0xbe: {  	_ =	swait.ge [sflag:s9], $0x80  }
0xbf: {  	[sflag:s9] =	ssyncset.done $0x0  }
0xc0: {  	[sflag:s9] =	ssyncadd.s32 $0xFFFFFF80  }
0xc1: {  	[spmem:s1] =	stream.indirect.scatter.add.f32 [tilespmem:s11], [sflag:$0x1], $0x1, s18, s10, $0xb8;
	[tilespmem:$0xCF80] =	vst v63  }
0xc2: {  	_ =	swait.ge [sflag:s9], $0x80  }
0xc3: {  	[sflag:s9] =	ssyncset.done $0x0  }
0xc4: {  	[sflag:s9] =	ssyncadd.s32 $0xFFFFFF80  }
0xc5: {  	[spmem:s1] =	stream.indirect.scatter.add.f32 [tilespmem:s11], [sflag:$0x1], $0x1, s19, s10, $0xb8;
	[tilespmem:$0xCF80] =	vst v63  }
0xc6: {  	_ =	swait.ge [sflag:s9], $0x80  }
0xc7: {  	[sflag:s9] =	ssyncset.done $0x0  }
0xc8: {  	[sflag:s9] =	ssyncadd.s32 $0xFFFFFF80  }
0xc9: {  	[spmem:s2] =	stream.indirect.scatter.add.f32 [tilespmem:s11], [sflag:$0x1], $0x1, s20, s10, $0xb8;
	[tilespmem:$0xCF80] =	vst v63  }
0xca: {  	_ =	swait.ge [sflag:s9], $0x80  }
0xcb: {  	[sflag:s9] =	ssyncset.done $0x0  }
0xcc: {  	[sflag:s9] =	ssyncadd.s32 $0xFFFFFF80  }
0xcd: {  	[spmem:s2] =	stream.indirect.scatter.add.f32 [tilespmem:s11], [sflag:$0x1], $0x1, s23, s10, $0xb8;
	[tilespmem:$0xCF80] =	vst v63  }
0xce: {  	_ =	swait.ge [sflag:s9], $0x80  }
0xcf: {  	[sflag:s9] =	ssyncset.done $0x0  }
0xd0: {  	[sflag:s9] =	ssyncadd.s32 $0xFFFFFF80  }
0xd1: {  	[spmem:s3] =	stream.indirect.scatter.add.f32 [tilespmem:s11], [sflag:$0x1], $0x1, s24, s10, $0xb8;
	[tilespmem:$0xCF80] =	vst v63  }
0xd2: {  	_ =	swait.ge [sflag:s9], $0x80  }
0xd3: {  	[sflag:s9] =	ssyncset.done $0x0  }
0xd4: {  	[sflag:s9] =	ssyncadd.s32 $0xFFFFFF80  }
0xd5: {  	[spmem:s3] =	stream.indirect.scatter.add.f32 [tilespmem:s11], [sflag:$0x1], $0x1, s25, s10, $0xb8;
	[tilespmem:$0xCF80] =	vst v63  }
0xd6: {  	_ =	swait.ge [sflag:s9], $0x80  }
0xd7: {  	[sflag:s9] =	ssyncset.done $0x0  }
0xd8: {  	s13 =	stileid.u32;
	[sflag:s9] =	ssyncadd.s32 $0xFFFFFF80  }
0xd9: {  	s12 =	sshll.u32 s13, $0x6;
	[bflag:$0x0] =	sbarrier.arrive $0xFFFF  }
0xda: {  	s14 =	sshrl.u32 s30, $0x3;
	s12 =	sor.u32 $0x1C01, s12;
	s30 =	rddreg [dreg:$0x11]  }
0xdb: {  	[hbm:s30], [sflag:s12] =	dma.local [spmem:s14], $0x320  }
0xdc: {  	_ =	swait.ge [sflag:s9], $0x320  }
0xdd: {  	[sflag:s9] =	ssyncset.done $0x0  }
0xde: {  	s30 =	sshrl.u32 s31, $0x3;
	s31 =	rddreg [dreg:$0x12];
	[sflag:s9] =	ssyncadd.s32 $0xFFFFFCE0  }
0xdf: {  	[hbm:s31], [sflag:s12] =	dma.local [spmem:s30], $0x320  }
0xe0: {  	_ =	swait.ge [sflag:s9], $0x320  }
0xe1: {  	[sflag:s9] =	ssyncset.done $0x0  }
0xe2: {  	s14 =	sshrl.u32 s26, $0x3;
	s26 =	rddreg [dreg:$0x13];
	[sflag:s9] =	ssyncadd.s32 $0xFFFFFCE0  }
0xe3: {  	[hbm:s26], [sflag:s12] =	dma.local [spmem:s14], $0x320  }
0xe4: {  	_ =	swait.ge [sflag:s9], $0x320  }
0xe5: {  	[sflag:s9] =	ssyncset.done $0x0  }
0xe6: {  	s30 =	sshrl.u32 s21, $0x3;
	s31 =	rddreg [dreg:$0x14];
	[sflag:s9] =	ssyncadd.s32 $0xFFFFFCE0  }
0xe7: {  	[hbm:s31], [sflag:s12] =	dma.local [spmem:s30], $0x320  }
0xe8: {  	_ =	swait.ge [sflag:s9], $0x320  }
0xe9: {  	[sflag:s9] =	ssyncset.done $0x0  }
0xea: {  	s14 =	sshrl.u32 s4, $0x3;
	s26 =	rddreg [dreg:$0x15];
	[sflag:s9] =	ssyncadd.s32 $0xFFFFFCE0  }
0xeb: {  	[hbm:s26], [sflag:s12] =	dma.local [spmem:s14], $0x320  }
0xec: {  	_ =	swait.ge [sflag:s9], $0x320  }
0xed: {  	[sflag:s9] =	ssyncset.done $0x0  }
0xee: {  	s30 =	sshrl.u32 s5, $0x3;
	s31 =	rddreg [dreg:$0x16];
	[sflag:s9] =	ssyncadd.s32 $0xFFFFFCE0  }
0xef: {  	[hbm:s31], [sflag:s12] =	dma.local [spmem:s30], $0x320  }
0xf0: {  	_ =	swait.ge [sflag:s9], $0x320  }
0xf1: {  	[sflag:s9] =	ssyncset.done $0x0  }
0xf2: {  	s26 =	sshrl.u32 s6, $0x3;
	s30 =	rddreg [dreg:$0x17];
	[sflag:s9] =	ssyncadd.s32 $0xFFFFFCE0  }
0xf3: {  	[hbm:s30], [sflag:s12] =	dma.local [spmem:s26], $0x320  }
0xf4: {  	_ =	swait.ge [sflag:s9], $0x320  }
0xf5: {  	s7 =	sadd.s32 $0x1, s7;
	s31 =	rddreg [dreg:$0x18]  }
0xf6: {  	p0 =	sne.s32 s7, s31  }
.Ltmp1:
0xf7: {  	_ = 	snop;
	(pc) =	sbr.rel @p0 .LBB2_1-.Ltmp1, $3  }
0xf8: {  	_ =	sdelay $0x1  }
0xf9: {  	[sflag:s9] =	ssyncset.done $0x0  }
0xfa: {  	[sflag:s9] =	ssyncadd.s32 $0xFFFFFCE0  }
0xfb: {  	_ =	sfence.sel $0x180000  }
0xfc: {  	[bflag:$0x0] =	sbarrier.arrive $0xFFFF  }
0xfd: {  	_ =	strace $0x90000047  }
0xfe: {  	s0 =	stileid.u32;
	[bflag:$0x2] =	sbarrier.arrive $0xFFFF  }
0xff: {  	p0 =	sne.s32 s0, $0x0;
	s0 =	rddreg [dreg:$0x2]  }
0x100: {  	s0 =	sadd.s32 @!p0 $0x100000, s0  }
0x101: {  	[sflag:s0] =	ssyncadd.tile.s32 @!p0 $0x1;
	_ =	shalt  }
.Lfunc_end2:
_tile_overlayer_lowered:
.L_overlay_start_2:
0x102: {  	(tag) =	ssettag $0x2  }
0x103: {  	s0 =	rddreg [dreg:$0x0];
	s2 =	stileid.u32  }
0x104: {  	s1 =	rddreg [dreg:$0x1];
	p0 =	sne.s32 s2, $0x0  }
0x105: {  	s3 =	rddreg [dreg:$0x2];
	[bflag:$0x3] =	sbarrier.arrive $0xFFFF;
	s2 =	simm.s32 @!p0 $0x1C01  }
0x106: {  	[timem:s3], [sflag:s2] =	dma.local @!p0 [hbm:s0], s1  }
0x107: {  	s0 =	simm.s32 @!p0 $0x1  }
0x108: {  	_ =	swait.ge @!p0 [sflag:s0], s1  }
0x109: {  	s1 =	ssub.s32 @!p0 $0x0, s1;
	[sflag:s0] =	ssyncset.done @!p0 $0x0  }
0x10a: {  	[sflag:s0] =	ssyncadd.s32 @!p0 s1  }
0x10b: {  	[bflag:$0x3] =	sbarrier.arrive $0xFFFF  }
0x10c: {  	_ =	shalt  }

</sc_bundles>
